<compile_context>
chip_gen: v7x
topology: tpu7x:2x2x1
jax: 0.10.2.dev20260603
libtpu: 0.0.44.dev20260713+nightly
codegen_flags: <defaults>
</compile_context>

<pallas_src>
import functools

import jax
import jax.numpy as jnp
from jax import lax
from jax.experimental import pallas as pl
from jax.experimental.pallas import tpu as pltpu
from jax.experimental.pallas import tpu_sc as plsc

D = 128
NW_WALKS = 65536
CTX = 10

NC = 2
NS = 16
NWORK = NC * NS

CHUNK = 16
IDS_HALF = CHUNK * CTX
IDS_PER_CHUNK = 2 * IDS_HALF
PAIRS_PER_WORKER = NW_WALKS // NWORK
CHUNKS_PER_WORKER = PAIRS_PER_WORKER // CHUNK
GSLICE = 80
NSLICE = IDS_PER_CHUNK // GSLICE


def _make_sc_kernel():
  mesh = plsc.VectorSubcoreMesh(core_axis_name="c", subcore_axis_name="s")

  @functools.partial(
      pl.kernel,
      mesh=mesh,
      out_type=jax.ShapeDtypeStruct((NWORK, 16), jnp.float32),
      scratch_types=[
          pltpu.VMEM((IDS_PER_CHUNK,), jnp.int32),
          pltpu.VMEM((IDS_PER_CHUNK,), jnp.int32),
          pltpu.VMEM((IDS_PER_CHUNK,), jnp.int32),
          pltpu.VMEM((IDS_PER_CHUNK,), jnp.int32),
          pltpu.VMEM((IDS_PER_CHUNK, D), jnp.float32),
          pltpu.VMEM((IDS_PER_CHUNK, D), jnp.float32),
          pltpu.VMEM((16,), jnp.float32),
          pltpu.VMEM_SHARED((100000,), jnp.int32),
          pltpu.SemaphoreType.DMA,
          pltpu.SemaphoreType.DMA,
          pltpu.SemaphoreType.DMA,
          pltpu.SemaphoreType.DMA,
          pltpu.SemaphoreType.DMA,
          pltpu.SemaphoreType.DMA,
      ],
      compiler_params=pltpu.CompilerParams(needs_layout_passes=False),
  )
  def sc_kernel(pos_hbm, neg_hbm, map_hbm, emb_hbm, out_hbm,
                ids0_v, ids1_v, mid0_v, mid1_v, rows0_v, rows1_v, outv,
                map_sh, si0, si1, sm0, sm1, sr0, sr1):
    wid = lax.axis_index("s") * NC + lax.axis_index("c")
    lane = lax.iota(jnp.int32, 16)
    ids_b = (ids0_v, ids1_v)
    mid_b = (mid0_v, mid1_v)
    rows = (rows0_v, rows1_v)
    sem_i = (si0, si1)
    sem_m = (sm0, sm1)
    sem_r = (sr0, sr1)
    base = wid * (PAIRS_PER_WORKER * CTX)

    def ids_copies(c, p, make):
      off = pl.multiple_of(
          base + lax.rem(c, CHUNKS_PER_WORKER) * IDS_HALF, 8)
      return [
          make(pos_hbm.at[pl.ds(off, IDS_HALF)],
               ids_b[p].at[pl.ds(0, IDS_HALF)], sem_i[p]),
          make(neg_hbm.at[pl.ds(off, IDS_HALF)],
               ids_b[p].at[pl.ds(IDS_HALF, IDS_HALF)], sem_i[p]),
      ]

    def map_copies(p, make):
      return [
          make(map_sh.at[ids_b[p].at[pl.ds(k * GSLICE, GSLICE)]],
               mid_b[p].at[pl.ds(k * GSLICE, GSLICE)], sem_m[p])
          for k in range(NSLICE)
      ]

    def row_copies(p, make):
      return [
          make(emb_hbm.at[mid_b[p].at[pl.ds(k * GSLICE, GSLICE)]],
               rows[p].at[pl.ds(k * GSLICE, GSLICE)], sem_r[p])
          for k in range(NSLICE)
      ]

    issue = pltpu.async_copy

    def drain(cps):
      for cp in cps:
        cp.wait()

    def wait(make_list_fn, *args):
      for cp in make_list_fn(*args, pltpu.make_async_copy):
        cp.wait()

    K1 = D // 16

    def compute(rows_v, tot):
      for half in range(CHUNK // 16):
        wbase = half * 16

        def walk_body(w, accs):
          rp = (wbase + w) * CTX
          rn = IDS_HALF + (wbase + w) * CTX
          hp = [rows_v[rp, pl.ds(k * 16, 16)] for k in range(K1)]
          hn = [rows_v[rn, pl.ds(k * 16, 16)] for k in range(K1)]
          out = []
          for j in range(1, CTX):
            t = hp[0] * rows_v[rp + j, pl.ds(0, 16)]
            for k in range(1, K1):
              t = t + hp[k] * rows_v[rp + j, pl.ds(k * 16, 16)]
            out.append(jnp.where(lane == w, jnp.sum(t), accs[j - 1]))
          for j in range(1, CTX):
            t = hn[0] * rows_v[rn + j, pl.ds(0, 16)]
            for k in range(1, K1):
              t = t + hn[k] * rows_v[rn + j, pl.ds(k * 16, 16)]
            out.append(jnp.where(lane == w, jnp.sum(t), accs[8 + j]))
          return tuple(out)

        zero = jnp.zeros((16,), jnp.float32)
        accs = lax.fori_loop(0, 16, walk_body,
                             tuple(zero for _ in range(18)))

        m = accs[0]
        for a in accs[1:]:
          m = jnp.maximum(m, a)
        sp = jnp.zeros((16,), jnp.float32)
        sn = jnp.zeros((16,), jnp.float32)
        for j in range(9):
          sp = sp + jnp.exp(accs[j] - m)
          sn = sn + jnp.exp(accs[9 + j] - m)
        tot = tot + sp / (sp + sn)
      return tot

    sid = lax.axis_index("s")
    @pl.when(sid == 0)
    def _():
      pltpu.sync_copy(map_hbm, map_sh)
    plsc.subcore_barrier()

    drain(ids_copies(0, 0, issue))
    drain(map_copies(0, issue))
    drain(ids_copies(1, 1, issue))
    row_copies(0, issue)
    map_copies(1, issue)
    ids_copies(2, 0, issue)

    def step(c, p, tot):
      q = 1 - p
      wait(map_copies, q)
      row_copies(q, issue)
      wait(row_copies, p)
      ids_copies(c + 3, q, issue)
      wait(ids_copies, c + 2, p)
      map_copies(p, issue)
      return compute(rows[p], tot)

    def pair_body(i, tot):
      tot = step(2 * i, 0, tot)
      tot = step(2 * i + 1, 1, tot)
      return tot

    tot = lax.fori_loop(0, CHUNKS_PER_WORKER // 2, pair_body,
                        jnp.zeros((16,), jnp.float32))

    wait(row_copies, 0)
    wait(map_copies, 1)
    wait(ids_copies, 2, 0)

    outv[...] = tot
    pltpu.sync_copy(outv, out_hbm.at[wid])

  return sc_kernel


_SC_KERNEL = _make_sc_kernel()


def kernel(pos_rw, neg_rw, mapping, embedding):
  partials = _SC_KERNEL(
      pos_rw.reshape(-1).astype(jnp.int32),
      neg_rw.reshape(-1).astype(jnp.int32),
      mapping.astype(jnp.int32),
      embedding.astype(jnp.float32))
  return -(jnp.sum(partials) / jnp.float32(NW_WALKS))

# --- scband reference (transcript-rebuilt; emitter-appended) ---
"""Pipeline reference for scband-node2-vec-29394756174087 (READ-ONLY COPY).

The authoritative reference and input builder live on the scoring server;
editing this copy changes nothing except your own understanding.
"""

import jax, jax.numpy as jnp
import numpy as np

N_NODES = 100000
EMBED_DIM = 128
N_WALKS = 65536
CONTEXT = 10


def setup_inputs(seed: int = 0) -> dict:
    key = jax.random.key(seed)
    k1, k2, k3, k4 = jax.random.split(key, 4)
    pos_rw = jax.random.randint(k1, (N_WALKS, CONTEXT), 0, N_NODES, dtype=jnp.int64 if jax.config.jax_enable_x64 else jnp.int32)
    neg_rw = jax.random.randint(k2, (N_WALKS, CONTEXT), 0, N_NODES, dtype=pos_rw.dtype)
    mapping = jax.random.randint(k3, (N_NODES,), 0, N_NODES, dtype=pos_rw.dtype)
    embedding = jax.random.normal(k4, (N_NODES, EMBED_DIM), dtype=jnp.float32)
    return {"pos_rw": pos_rw, "neg_rw": neg_rw, "mapping": mapping, "embedding": embedding}


def reference(pos_rw, neg_rw, mapping, embedding):
    # pos_rw = F.embedding(pos_rw.view(-1), mapping.view(-1,1)).view(pos_rw.size())
    # i.e. remap node ids through `mapping` (an integer lookup table)
    pos_rw = jnp.take(mapping, pos_rw.reshape(-1), axis=0).reshape(pos_rw.shape)
    neg_rw = jnp.take(mapping, neg_rw.reshape(-1), axis=0).reshape(neg_rw.shape)

    d = embedding.shape[1]

    # positive walks
    start, rest = pos_rw[:, 0], pos_rw[:, 1:]
    h_start = jnp.take(embedding, start, axis=0).reshape(pos_rw.shape[0], 1, d)
    h_rest = jnp.take(embedding, rest.reshape(-1), axis=0).reshape(pos_rw.shape[0], -1, d)
    out = (h_start * h_rest).sum(axis=-1)
    pos_loss = jax.scipy.special.logsumexp(out, axis=-1)

    # negative walks
    start, rest = neg_rw[:, 0], neg_rw[:, 1:]
    h_start = jnp.take(embedding, start, axis=0).reshape(neg_rw.shape[0], 1, d)
    h_rest = jnp.take(embedding, rest.reshape(-1), axis=0).reshape(neg_rw.shape[0], -1, d)
    out = (h_start * h_rest).sum(axis=-1)
    neg_loss = jax.scipy.special.logsumexp(out, axis=-1)

    neg_loss = jax.scipy.special.logsumexp(
        jnp.concatenate((neg_loss.reshape(-1, 1), pos_loss.reshape(-1, 1)), axis=-1), axis=-1
    )
    return -1.0 * jnp.mean(jnp.exp(pos_loss - neg_loss))


if False:  # reference __main__ guard neutralized (emitter)
    inp = setup_inputs()
    print(reference(**inp))

if __name__ == "__main__":
    import jax
    _d = setup_inputs()
    print(jax.jit(kernel)(*tuple(_d.values())))

</pallas_src>

<mosaic_0001>
#map = affine_map<(d0, d1) -> (0)>
#map1 = affine_map<(d0, d1) -> (0, 0)>
module attributes {stable_mosaic.version = 14 : i64} {
  func.func @sc_kernel(%arg0: i32, %arg1: i32, %arg2: memref<655360xi32, #tpu.memory_space<hbm>>, %arg3: memref<655360xi32, #tpu.memory_space<hbm>>, %arg4: memref<100000xi32, #tpu.memory_space<hbm>>, %arg5: memref<100000x128xf32, #tpu.memory_space<hbm>>, %arg6: memref<32x16xf32, #tpu.memory_space<hbm>>, %arg7: memref<320xi32, #tpu.memory_space<vmem>>, %arg8: memref<320xi32, #tpu.memory_space<vmem>>, %arg9: memref<320xi32, #tpu.memory_space<vmem>>, %arg10: memref<320xi32, #tpu.memory_space<vmem>>, %arg11: memref<320x128xf32, #tpu.memory_space<vmem>>, %arg12: memref<320x128xf32, #tpu.memory_space<vmem>>, %arg13: memref<16xf32, #tpu.memory_space<vmem>>, %arg14: memref<100000xi32, #tpu.memory_space<vmem_shared>>, %arg15: memref<!tpu.dma_semaphore, #tpu.memory_space<semaphore_mem>>, %arg16: memref<!tpu.dma_semaphore, #tpu.memory_space<semaphore_mem>>, %arg17: memref<!tpu.dma_semaphore, #tpu.memory_space<semaphore_mem>>, %arg18: memref<!tpu.dma_semaphore, #tpu.memory_space<semaphore_mem>>, %arg19: memref<!tpu.dma_semaphore, #tpu.memory_space<semaphore_mem>>, %arg20: memref<!tpu.dma_semaphore, #tpu.memory_space<semaphore_mem>>) attributes {dimension_semantics = [#tpu.dimension_semantics<core_parallel>, #tpu.dimension_semantics<subcore_parallel>], iteration_bounds = array<i64: 2, 16>, scalar_prefetch = 0 : i64, scratch_operands = 14 : i64, tpu.core_type = #tpu.core_type<sc_vector_subcore>, window_params = [{transform_indices = #map}, {transform_indices = #map}, {transform_indices = #map}, {transform_indices = #map1}, {transform_indices = #map1}]} {
    %mul3A = arith.constant 2 : i32
    %mul3A_0 = arith.muli %arg1, %mul3A : i32
    %add3A = arith.addi %mul3A_0, %arg0 : i32
    %iota3A = tpu.iota {dimensions = array<i32: 0>} : vector<16xi32>
    %mul3A_1 = arith.constant 20480 : i32
    %mul3A_2 = arith.muli %add3A, %mul3A_1 : i32
    %eq3A = arith.constant 0 : i32
    %eq3A_3 = arith.cmpi eq, %arg1, %eq3A : i32
    %convert_element_type3A = arith.extui %eq3A_3 : i1 to i32
    %cond3A = arith.constant 0 : i32
    %cond3A_4 = arith.cmpi ne, %convert_element_type3A, %cond3A : i32
    scf.if %cond3A_4 {
      "tpu.region"() ({
        %run_scoped3A = tpu.sem_alloc : memref<!tpu.dma_semaphore, #tpu.memory_space<semaphore_mem>>
        tpu.enqueue_dma source(%arg4 : memref<100000xi32, #tpu.memory_space<hbm>>) target(%arg14 : memref<100000xi32, #tpu.memory_space<vmem_shared>>) target_semaphore(%run_scoped3A : memref<!tpu.dma_semaphore, #tpu.memory_space<semaphore_mem>>)
        tpu.wait_dma2 semaphore(%run_scoped3A : memref<!tpu.dma_semaphore, #tpu.memory_space<semaphore_mem>>) src(%arg4 : memref<100000xi32, #tpu.memory_space<hbm>>) dst(%arg14 : memref<100000xi32, #tpu.memory_space<vmem_shared>>)
        tpu.yield
      }) : () -> ()
    } else {
    }
    %barrier3A = arith.constant 0 : index
    tpu.barrier barrier_id(%barrier3A)
    %rem3A = arith.constant 0 : i32
    %rem3A_5 = arith.constant 128 : i32
    %rem3A_6 = arith.remsi %rem3A, %rem3A_5 : i32
    %mul3A_7 = arith.constant 160 : i32
    %mul3A_8 = arith.muli %rem3A_6, %mul3A_7 : i32
    %add3A_9 = arith.addi %mul3A_2, %mul3A_8 : i32
    %multiple_of3A = tpu.assume_multiple %add3A_9, 8 : i32
    %dma_start3A = arith.constant 0 : i32
    %dma_start3A_10 = tpu.memref_slice %arg7[%dma_start3A] : memref<320xi32, #tpu.memory_space<vmem>> -> memref<160xi32, #tpu.memory_space<vmem>>
    %dma_start3A_11 = tpu.memref_slice %arg2[%multiple_of3A] : memref<655360xi32, #tpu.memory_space<hbm>> -> memref<160xi32, #tpu.memory_space<hbm>>
    %dma_start3A_12 = arith.constant 0 : i32
    %dma_start3A_13 = tpu.memref_slice %arg7[%dma_start3A_12] : memref<320xi32, #tpu.memory_space<vmem>> -> memref<160xi32, #tpu.memory_space<vmem>>
    %dma_start3A_14 = tpu.memref_slice %arg2[%multiple_of3A] : memref<655360xi32, #tpu.memory_space<hbm>> -> memref<160xi32, #tpu.memory_space<hbm>>
    tpu.enqueue_dma source(%dma_start3A_14 : memref<160xi32, #tpu.memory_space<hbm>>) target(%dma_start3A_13 : memref<160xi32, #tpu.memory_space<vmem>>) target_semaphore(%arg15 : memref<!tpu.dma_semaphore, #tpu.memory_space<semaphore_mem>>)
    %dma_start3A_15 = arith.constant 160 : i32
    %dma_start3A_16 = tpu.memref_slice %arg7[%dma_start3A_15] : memref<320xi32, #tpu.memory_space<vmem>> -> memref<160xi32, #tpu.memory_space<vmem>>
    %dma_start3A_17 = tpu.memref_slice %arg3[%multiple_of3A] : memref<655360xi32, #tpu.memory_space<hbm>> -> memref<160xi32, #tpu.memory_space<hbm>>
    %dma_start3A_18 = arith.constant 160 : i32
    %dma_start3A_19 = tpu.memref_slice %arg7[%dma_start3A_18] : memref<320xi32, #tpu.memory_space<vmem>> -> memref<160xi32, #tpu.memory_space<vmem>>
    %dma_start3A_20 = tpu.memref_slice %arg3[%multiple_of3A] : memref<655360xi32, #tpu.memory_space<hbm>> -> memref<160xi32, #tpu.memory_space<hbm>>
    tpu.enqueue_dma source(%dma_start3A_20 : memref<160xi32, #tpu.memory_space<hbm>>) target(%dma_start3A_19 : memref<160xi32, #tpu.memory_space<vmem>>) target_semaphore(%arg15 : memref<!tpu.dma_semaphore, #tpu.memory_space<semaphore_mem>>)
    %dma_wait3A = arith.constant 0 : i32
    %dma_wait3A_21 = tpu.memref_slice %arg7[%dma_wait3A] : memref<320xi32, #tpu.memory_space<vmem>> -> memref<160xi32, #tpu.memory_space<vmem>>
    %dma_wait3A_22 = tpu.memref_slice %arg2[%multiple_of3A] : memref<655360xi32, #tpu.memory_space<hbm>> -> memref<160xi32, #tpu.memory_space<hbm>>
    %dma_wait3A_23 = arith.constant 0 : i32
    %dma_wait3A_24 = tpu.memref_slice %arg7[%dma_wait3A_23] : memref<320xi32, #tpu.memory_space<vmem>> -> memref<160xi32, #tpu.memory_space<vmem>>
    %dma_wait3A_25 = tpu.memref_slice %arg2[%multiple_of3A] : memref<655360xi32, #tpu.memory_space<hbm>> -> memref<160xi32, #tpu.memory_space<hbm>>
    tpu.wait_dma2 semaphore(%arg15 : memref<!tpu.dma_semaphore, #tpu.memory_space<semaphore_mem>>) src(%dma_wait3A_25 : memref<160xi32, #tpu.memory_space<hbm>>) dst(%dma_wait3A_24 : memref<160xi32, #tpu.memory_space<vmem>>)
    %dma_wait3A_26 = arith.constant 160 : i32
    %dma_wait3A_27 = tpu.memref_slice %arg7[%dma_wait3A_26] : memref<320xi32, #tpu.memory_space<vmem>> -> memref<160xi32, #tpu.memory_space<vmem>>
    %dma_wait3A_28 = tpu.memref_slice %arg3[%multiple_of3A] : memref<655360xi32, #tpu.memory_space<hbm>> -> memref<160xi32, #tpu.memory_space<hbm>>
    %dma_wait3A_29 = arith.constant 160 : i32
    %dma_wait3A_30 = tpu.memref_slice %arg7[%dma_wait3A_29] : memref<320xi32, #tpu.memory_space<vmem>> -> memref<160xi32, #tpu.memory_space<vmem>>
    %dma_wait3A_31 = tpu.memref_slice %arg3[%multiple_of3A] : memref<655360xi32, #tpu.memory_space<hbm>> -> memref<160xi32, #tpu.memory_space<hbm>>
    tpu.wait_dma2 semaphore(%arg15 : memref<!tpu.dma_semaphore, #tpu.memory_space<semaphore_mem>>) src(%dma_wait3A_31 : memref<160xi32, #tpu.memory_space<hbm>>) dst(%dma_wait3A_30 : memref<160xi32, #tpu.memory_space<vmem>>)
    %dma_start3A_32 = arith.constant 0 : i32
    %dma_start3A_33 = tpu.memref_slice %arg9[%dma_start3A_32] : memref<320xi32, #tpu.memory_space<vmem>> -> memref<80xi32, #tpu.memory_space<vmem>>
    %dma_start3A_34 = arith.constant 0 : i32
    %dma_start3A_35 = tpu.memref_slice %arg7[%dma_start3A_34] : memref<320xi32, #tpu.memory_space<vmem>> -> memref<80xi32, #tpu.memory_space<vmem>>
    %dma_start3A_36 = arith.constant 0 : i32
    %dma_start3A_37 = tpu.memref_slice %arg14[%dma_start3A_36] : memref<100000xi32, #tpu.memory_space<vmem_shared>> -> memref<100000xi32, #tpu.memory_space<vmem_shared>>
    tpu.enqueue_indirect_dma source(%dma_start3A_37 : memref<100000xi32, #tpu.memory_space<vmem_shared>>) target(%dma_start3A_33 : memref<80xi32, #tpu.memory_space<vmem>>) offsets(%dma_start3A_35 : memref<80xi32, #tpu.memory_space<vmem>>) semaphore(%arg17 : memref<!tpu.dma_semaphore, #tpu.memory_space<semaphore_mem>>)
    %dma_start3A_38 = arith.constant 80 : i32
    %dma_start3A_39 = tpu.memref_slice %arg9[%dma_start3A_38] : memref<320xi32, #tpu.memory_space<vmem>> -> memref<80xi32, #tpu.memory_space<vmem>>
    %dma_start3A_40 = arith.constant 80 : i32
    %dma_start3A_41 = tpu.memref_slice %arg7[%dma_start3A_40] : memref<320xi32, #tpu.memory_space<vmem>> -> memref<80xi32, #tpu.memory_space<vmem>>
    %dma_start3A_42 = arith.constant 0 : i32
    %dma_start3A_43 = tpu.memref_slice %arg14[%dma_start3A_42] : memref<100000xi32, #tpu.memory_space<vmem_shared>> -> memref<100000xi32, #tpu.memory_space<vmem_shared>>
    tpu.enqueue_indirect_dma source(%dma_start3A_43 : memref<100000xi32, #tpu.memory_space<vmem_shared>>) target(%dma_start3A_39 : memref<80xi32, #tpu.memory_space<vmem>>) offsets(%dma_start3A_41 : memref<80xi32, #tpu.memory_space<vmem>>) semaphore(%arg17 : memref<!tpu.dma_semaphore, #tpu.memory_space<semaphore_mem>>)
    %dma_start3A_44 = arith.constant 160 : i32
    %dma_start3A_45 = tpu.memref_slice %arg9[%dma_start3A_44] : memref<320xi32, #tpu.memory_space<vmem>> -> memref<80xi32, #tpu.memory_space<vmem>>
    %dma_start3A_46 = arith.constant 160 : i32
    %dma_start3A_47 = tpu.memref_slice %arg7[%dma_start3A_46] : memref<320xi32, #tpu.memory_space<vmem>> -> memref<80xi32, #tpu.memory_space<vmem>>
    %dma_start3A_48 = arith.constant 0 : i32
    %dma_start3A_49 = tpu.memref_slice %arg14[%dma_start3A_48] : memref<100000xi32, #tpu.memory_space<vmem_shared>> -> memref<100000xi32, #tpu.memory_space<vmem_shared>>
    tpu.enqueue_indirect_dma source(%dma_start3A_49 : memref<100000xi32, #tpu.memory_space<vmem_shared>>) target(%dma_start3A_45 : memref<80xi32, #tpu.memory_space<vmem>>) offsets(%dma_start3A_47 : memref<80xi32, #tpu.memory_space<vmem>>) semaphore(%arg17 : memref<!tpu.dma_semaphore, #tpu.memory_space<semaphore_mem>>)
    %dma_start3A_50 = arith.constant 240 : i32
    %dma_start3A_51 = tpu.memref_slice %arg9[%dma_start3A_50] : memref<320xi32, #tpu.memory_space<vmem>> -> memref<80xi32, #tpu.memory_space<vmem>>
    %dma_start3A_52 = arith.constant 240 : i32
    %dma_start3A_53 = tpu.memref_slice %arg7[%dma_start3A_52] : memref<320xi32, #tpu.memory_space<vmem>> -> memref<80xi32, #tpu.memory_space<vmem>>
    %dma_start3A_54 = arith.constant 0 : i32
    %dma_start3A_55 = tpu.memref_slice %arg14[%dma_start3A_54] : memref<100000xi32, #tpu.memory_space<vmem_shared>> -> memref<100000xi32, #tpu.memory_space<vmem_shared>>
    tpu.enqueue_indirect_dma source(%dma_start3A_55 : memref<100000xi32, #tpu.memory_space<vmem_shared>>) target(%dma_start3A_51 : memref<80xi32, #tpu.memory_space<vmem>>) offsets(%dma_start3A_53 : memref<80xi32, #tpu.memory_space<vmem>>) semaphore(%arg17 : memref<!tpu.dma_semaphore, #tpu.memory_space<semaphore_mem>>)
    %dma_wait3A_56 = arith.constant 0 : i32
    %dma_wait3A_57 = tpu.memref_slice %arg9[%dma_wait3A_56] : memref<320xi32, #tpu.memory_space<vmem>> -> memref<80xi32, #tpu.memory_space<vmem>>
    %dma_wait3A_58 = arith.constant 0 : i32
    %dma_wait3A_59 = tpu.memref_slice %arg7[%dma_wait3A_58] : memref<320xi32, #tpu.memory_space<vmem>> -> memref<80xi32, #tpu.memory_space<vmem>>
    %dma_wait3A_60 = arith.constant 0 : i32
    %dma_wait3A_61 = tpu.memref_slice %arg14[%dma_wait3A_60] : memref<100000xi32, #tpu.memory_space<vmem_shared>> -> memref<100000xi32, #tpu.memory_space<vmem_shared>>
    tpu.wait_indirect_dma semaphore(%arg17 : memref<!tpu.dma_semaphore, #tpu.memory_space<semaphore_mem>>) src(%dma_wait3A_61 : memref<100000xi32, #tpu.memory_space<vmem_shared>>) dst(%dma_wait3A_57 : memref<80xi32, #tpu.memory_space<vmem>>)
    %dma_wait3A_62 = arith.constant 80 : i32
    %dma_wait3A_63 = tpu.memref_slice %arg9[%dma_wait3A_62] : memref<320xi32, #tpu.memory_space<vmem>> -> memref<80xi32, #tpu.memory_space<vmem>>
    %dma_wait3A_64 = arith.constant 80 : i32
    %dma_wait3A_65 = tpu.memref_slice %arg7[%dma_wait3A_64] : memref<320xi32, #tpu.memory_space<vmem>> -> memref<80xi32, #tpu.memory_space<vmem>>
    %dma_wait3A_66 = arith.constant 0 : i32
    %dma_wait3A_67 = tpu.memref_slice %arg14[%dma_wait3A_66] : memref<100000xi32, #tpu.memory_space<vmem_shared>> -> memref<100000xi32, #tpu.memory_space<vmem_shared>>
    tpu.wait_indirect_dma semaphore(%arg17 : memref<!tpu.dma_semaphore, #tpu.memory_space<semaphore_mem>>) src(%dma_wait3A_67 : memref<100000xi32, #tpu.memory_space<vmem_shared>>) dst(%dma_wait3A_63 : memref<80xi32, #tpu.memory_space<vmem>>)
    %dma_wait3A_68 = arith.constant 160 : i32
    %dma_wait3A_69 = tpu.memref_slice %arg9[%dma_wait3A_68] : memref<320xi32, #tpu.memory_space<vmem>> -> memref<80xi32, #tpu.memory_space<vmem>>
    %dma_wait3A_70 = arith.constant 160 : i32
    %dma_wait3A_71 = tpu.memref_slice %arg7[%dma_wait3A_70] : memref<320xi32, #tpu.memory_space<vmem>> -> memref<80xi32, #tpu.memory_space<vmem>>
    %dma_wait3A_72 = arith.constant 0 : i32
    %dma_wait3A_73 = tpu.memref_slice %arg14[%dma_wait3A_72] : memref<100000xi32, #tpu.memory_space<vmem_shared>> -> memref<100000xi32, #tpu.memory_space<vmem_shared>>
    tpu.wait_indirect_dma semaphore(%arg17 : memref<!tpu.dma_semaphore, #tpu.memory_space<semaphore_mem>>) src(%dma_wait3A_73 : memref<100000xi32, #tpu.memory_space<vmem_shared>>) dst(%dma_wait3A_69 : memref<80xi32, #tpu.memory_space<vmem>>)
    %dma_wait3A_74 = arith.constant 240 : i32
    %dma_wait3A_75 = tpu.memref_slice %arg9[%dma_wait3A_74] : memref<320xi32, #tpu.memory_space<vmem>> -> memref<80xi32, #tpu.memory_space<vmem>>
    %dma_wait3A_76 = arith.constant 240 : i32
    %dma_wait3A_77 = tpu.memref_slice %arg7[%dma_wait3A_76] : memref<320xi32, #tpu.memory_space<vmem>> -> memref<80xi32, #tpu.memory_space<vmem>>
    %dma_wait3A_78 = arith.constant 0 : i32
    %dma_wait3A_79 = tpu.memref_slice %arg14[%dma_wait3A_78] : memref<100000xi32, #tpu.memory_space<vmem_shared>> -> memref<100000xi32, #tpu.memory_space<vmem_shared>>
    tpu.wait_indirect_dma semaphore(%arg17 : memref<!tpu.dma_semaphore, #tpu.memory_space<semaphore_mem>>) src(%dma_wait3A_79 : memref<100000xi32, #tpu.memory_space<vmem_shared>>) dst(%dma_wait3A_75 : memref<80xi32, #tpu.memory_space<vmem>>)
    %rem3A_80 = arith.constant 1 : i32
    %rem3A_81 = arith.constant 128 : i32
    %rem3A_82 = arith.remsi %rem3A_80, %rem3A_81 : i32
    %mul3A_83 = arith.constant 160 : i32
    %mul3A_84 = arith.muli %rem3A_82, %mul3A_83 : i32
    %add3A_85 = arith.addi %mul3A_2, %mul3A_84 : i32
    %multiple_of3A_86 = tpu.assume_multiple %add3A_85, 8 : i32
    %dma_start3A_87 = arith.constant 0 : i32
    %dma_start3A_88 = tpu.memref_slice %arg8[%dma_start3A_87] : memref<320xi32, #tpu.memory_space<vmem>> -> memref<160xi32, #tpu.memory_space<vmem>>
    %dma_start3A_89 = tpu.memref_slice %arg2[%multiple_of3A_86] : memref<655360xi32, #tpu.memory_space<hbm>> -> memref<160xi32, #tpu.memory_space<hbm>>
    %dma_start3A_90 = arith.constant 0 : i32
    %dma_start3A_91 = tpu.memref_slice %arg8[%dma_start3A_90] : memref<320xi32, #tpu.memory_space<vmem>> -> memref<160xi32, #tpu.memory_space<vmem>>
    %dma_start3A_92 = tpu.memref_slice %arg2[%multiple_of3A_86] : memref<655360xi32, #tpu.memory_space<hbm>> -> memref<160xi32, #tpu.memory_space<hbm>>
    tpu.enqueue_dma source(%dma_start3A_92 : memref<160xi32, #tpu.memory_space<hbm>>) target(%dma_start3A_91 : memref<160xi32, #tpu.memory_space<vmem>>) target_semaphore(%arg16 : memref<!tpu.dma_semaphore, #tpu.memory_space<semaphore_mem>>)
    %dma_start3A_93 = arith.constant 160 : i32
    %dma_start3A_94 = tpu.memref_slice %arg8[%dma_start3A_93] : memref<320xi32, #tpu.memory_space<vmem>> -> memref<160xi32, #tpu.memory_space<vmem>>
    %dma_start3A_95 = tpu.memref_slice %arg3[%multiple_of3A_86] : memref<655360xi32, #tpu.memory_space<hbm>> -> memref<160xi32, #tpu.memory_space<hbm>>
    %dma_start3A_96 = arith.constant 160 : i32
    %dma_start3A_97 = tpu.memref_slice %arg8[%dma_start3A_96] : memref<320xi32, #tpu.memory_space<vmem>> -> memref<160xi32, #tpu.memory_space<vmem>>
    %dma_start3A_98 = tpu.memref_slice %arg3[%multiple_of3A_86] : memref<655360xi32, #tpu.memory_space<hbm>> -> memref<160xi32, #tpu.memory_space<hbm>>
    tpu.enqueue_dma source(%dma_start3A_98 : memref<160xi32, #tpu.memory_space<hbm>>) target(%dma_start3A_97 : memref<160xi32, #tpu.memory_space<vmem>>) target_semaphore(%arg16 : memref<!tpu.dma_semaphore, #tpu.memory_space<semaphore_mem>>)
    %dma_wait3A_99 = arith.constant 0 : i32
    %dma_wait3A_100 = tpu.memref_slice %arg8[%dma_wait3A_99] : memref<320xi32, #tpu.memory_space<vmem>> -> memref<160xi32, #tpu.memory_space<vmem>>
    %dma_wait3A_101 = tpu.memref_slice %arg2[%multiple_of3A_86] : memref<655360xi32, #tpu.memory_space<hbm>> -> memref<160xi32, #tpu.memory_space<hbm>>
    %dma_wait3A_102 = arith.constant 0 : i32
    %dma_wait3A_103 = tpu.memref_slice %arg8[%dma_wait3A_102] : memref<320xi32, #tpu.memory_space<vmem>> -> memref<160xi32, #tpu.memory_space<vmem>>
    %dma_wait3A_104 = tpu.memref_slice %arg2[%multiple_of3A_86] : memref<655360xi32, #tpu.memory_space<hbm>> -> memref<160xi32, #tpu.memory_space<hbm>>
    tpu.wait_dma2 semaphore(%arg16 : memref<!tpu.dma_semaphore, #tpu.memory_space<semaphore_mem>>) src(%dma_wait3A_104 : memref<160xi32, #tpu.memory_space<hbm>>) dst(%dma_wait3A_103 : memref<160xi32, #tpu.memory_space<vmem>>)
    %dma_wait3A_105 = arith.constant 160 : i32
    %dma_wait3A_106 = tpu.memref_slice %arg8[%dma_wait3A_105] : memref<320xi32, #tpu.memory_space<vmem>> -> memref<160xi32, #tpu.memory_space<vmem>>
    %dma_wait3A_107 = tpu.memref_slice %arg3[%multiple_of3A_86] : memref<655360xi32, #tpu.memory_space<hbm>> -> memref<160xi32, #tpu.memory_space<hbm>>
    %dma_wait3A_108 = arith.constant 160 : i32
    %dma_wait3A_109 = tpu.memref_slice %arg8[%dma_wait3A_108] : memref<320xi32, #tpu.memory_space<vmem>> -> memref<160xi32, #tpu.memory_space<vmem>>
    %dma_wait3A_110 = tpu.memref_slice %arg3[%multiple_of3A_86] : memref<655360xi32, #tpu.memory_space<hbm>> -> memref<160xi32, #tpu.memory_space<hbm>>
    tpu.wait_dma2 semaphore(%arg16 : memref<!tpu.dma_semaphore, #tpu.memory_space<semaphore_mem>>) src(%dma_wait3A_110 : memref<160xi32, #tpu.memory_space<hbm>>) dst(%dma_wait3A_109 : memref<160xi32, #tpu.memory_space<vmem>>)
    %dma_start3A_111 = arith.constant 0 : i32
    %dma_start3A_112 = arith.constant 0 : i32
    %dma_start3A_113 = tpu.memref_slice %arg11[%dma_start3A_111, %dma_start3A_112] : memref<320x128xf32, #tpu.memory_space<vmem>> -> memref<80x128xf32, #tpu.memory_space<vmem>>
    %dma_start3A_114 = arith.constant 0 : i32
    %dma_start3A_115 = tpu.memref_slice %arg9[%dma_start3A_114] : memref<320xi32, #tpu.memory_space<vmem>> -> memref<80xi32, #tpu.memory_space<vmem>>
    %dma_start3A_116 = arith.constant 0 : i32
    %dma_start3A_117 = arith.constant 0 : i32
    %dma_start3A_118 = tpu.memref_slice %arg5[%dma_start3A_116, %dma_start3A_117] : memref<100000x128xf32, #tpu.memory_space<hbm>> -> memref<100000x128xf32, #tpu.memory_space<hbm>>
    tpu.enqueue_indirect_dma source(%dma_start3A_118 : memref<100000x128xf32, #tpu.memory_space<hbm>>) target(%dma_start3A_113 : memref<80x128xf32, #tpu.memory_space<vmem>>) offsets(%dma_start3A_115 : memref<80xi32, #tpu.memory_space<vmem>>) semaphore(%arg19 : memref<!tpu.dma_semaphore, #tpu.memory_space<semaphore_mem>>)
    %dma_start3A_119 = arith.constant 80 : i32
    %dma_start3A_120 = arith.constant 0 : i32
    %dma_start3A_121 = tpu.memref_slice %arg11[%dma_start3A_119, %dma_start3A_120] : memref<320x128xf32, #tpu.memory_space<vmem>> -> memref<80x128xf32, #tpu.memory_space<vmem>>
    %dma_start3A_122 = arith.constant 80 : i32
    %dma_start3A_123 = tpu.memref_slice %arg9[%dma_start3A_122] : memref<320xi32, #tpu.memory_space<vmem>> -> memref<80xi32, #tpu.memory_space<vmem>>
    %dma_start3A_124 = arith.constant 0 : i32
    %dma_start3A_125 = arith.constant 0 : i32
    %dma_start3A_126 = tpu.memref_slice %arg5[%dma_start3A_124, %dma_start3A_125] : memref<100000x128xf32, #tpu.memory_space<hbm>> -> memref<100000x128xf32, #tpu.memory_space<hbm>>
    tpu.enqueue_indirect_dma source(%dma_start3A_126 : memref<100000x128xf32, #tpu.memory_space<hbm>>) target(%dma_start3A_121 : memref<80x128xf32, #tpu.memory_space<vmem>>) offsets(%dma_start3A_123 : memref<80xi32, #tpu.memory_space<vmem>>) semaphore(%arg19 : memref<!tpu.dma_semaphore, #tpu.memory_space<semaphore_mem>>)
    %dma_start3A_127 = arith.constant 160 : i32
    %dma_start3A_128 = arith.constant 0 : i32
    %dma_start3A_129 = tpu.memref_slice %arg11[%dma_start3A_127, %dma_start3A_128] : memref<320x128xf32, #tpu.memory_space<vmem>> -> memref<80x128xf32, #tpu.memory_space<vmem>>
    %dma_start3A_130 = arith.constant 160 : i32
    %dma_start3A_131 = tpu.memref_slice %arg9[%dma_start3A_130] : memref<320xi32, #tpu.memory_space<vmem>> -> memref<80xi32, #tpu.memory_space<vmem>>
    %dma_start3A_132 = arith.constant 0 : i32
    %dma_start3A_133 = arith.constant 0 : i32
    %dma_start3A_134 = tpu.memref_slice %arg5[%dma_start3A_132, %dma_start3A_133] : memref<100000x128xf32, #tpu.memory_space<hbm>> -> memref<100000x128xf32, #tpu.memory_space<hbm>>
    tpu.enqueue_indirect_dma source(%dma_start3A_134 : memref<100000x128xf32, #tpu.memory_space<hbm>>) target(%dma_start3A_129 : memref<80x128xf32, #tpu.memory_space<vmem>>) offsets(%dma_start3A_131 : memref<80xi32, #tpu.memory_space<vmem>>) semaphore(%arg19 : memref<!tpu.dma_semaphore, #tpu.memory_space<semaphore_mem>>)
    %dma_start3A_135 = arith.constant 240 : i32
    %dma_start3A_136 = arith.constant 0 : i32
    %dma_start3A_137 = tpu.memref_slice %arg11[%dma_start3A_135, %dma_start3A_136] : memref<320x128xf32, #tpu.memory_space<vmem>> -> memref<80x128xf32, #tpu.memory_space<vmem>>
    %dma_start3A_138 = arith.constant 240 : i32
    %dma_start3A_139 = tpu.memref_slice %arg9[%dma_start3A_138] : memref<320xi32, #tpu.memory_space<vmem>> -> memref<80xi32, #tpu.memory_space<vmem>>
    %dma_start3A_140 = arith.constant 0 : i32
    %dma_start3A_141 = arith.constant 0 : i32
    %dma_start3A_142 = tpu.memref_slice %arg5[%dma_start3A_140, %dma_start3A_141] : memref<100000x128xf32, #tpu.memory_space<hbm>> -> memref<100000x128xf32, #tpu.memory_space<hbm>>
    tpu.enqueue_indirect_dma source(%dma_start3A_142 : memref<100000x128xf32, #tpu.memory_space<hbm>>) target(%dma_start3A_137 : memref<80x128xf32, #tpu.memory_space<vmem>>) offsets(%dma_start3A_139 : memref<80xi32, #tpu.memory_space<vmem>>) semaphore(%arg19 : memref<!tpu.dma_semaphore, #tpu.memory_space<semaphore_mem>>)
    %dma_start3A_143 = arith.constant 0 : i32
    %dma_start3A_144 = tpu.memref_slice %arg10[%dma_start3A_143] : memref<320xi32, #tpu.memory_space<vmem>> -> memref<80xi32, #tpu.memory_space<vmem>>
    %dma_start3A_145 = arith.constant 0 : i32
    %dma_start3A_146 = tpu.memref_slice %arg8[%dma_start3A_145] : memref<320xi32, #tpu.memory_space<vmem>> -> memref<80xi32, #tpu.memory_space<vmem>>
    %dma_start3A_147 = arith.constant 0 : i32
    %dma_start3A_148 = tpu.memref_slice %arg14[%dma_start3A_147] : memref<100000xi32, #tpu.memory_space<vmem_shared>> -> memref<100000xi32, #tpu.memory_space<vmem_shared>>
    tpu.enqueue_indirect_dma source(%dma_start3A_148 : memref<100000xi32, #tpu.memory_space<vmem_shared>>) target(%dma_start3A_144 : memref<80xi32, #tpu.memory_space<vmem>>) offsets(%dma_start3A_146 : memref<80xi32, #tpu.memory_space<vmem>>) semaphore(%arg18 : memref<!tpu.dma_semaphore, #tpu.memory_space<semaphore_mem>>)
    %dma_start3A_149 = arith.constant 80 : i32
    %dma_start3A_150 = tpu.memref_slice %arg10[%dma_start3A_149] : memref<320xi32, #tpu.memory_space<vmem>> -> memref<80xi32, #tpu.memory_space<vmem>>
    %dma_start3A_151 = arith.constant 80 : i32
    %dma_start3A_152 = tpu.memref_slice %arg8[%dma_start3A_151] : memref<320xi32, #tpu.memory_space<vmem>> -> memref<80xi32, #tpu.memory_space<vmem>>
    %dma_start3A_153 = arith.constant 0 : i32
    %dma_start3A_154 = tpu.memref_slice %arg14[%dma_start3A_153] : memref<100000xi32, #tpu.memory_space<vmem_shared>> -> memref<100000xi32, #tpu.memory_space<vmem_shared>>
    tpu.enqueue_indirect_dma source(%dma_start3A_154 : memref<100000xi32, #tpu.memory_space<vmem_shared>>) target(%dma_start3A_150 : memref<80xi32, #tpu.memory_space<vmem>>) offsets(%dma_start3A_152 : memref<80xi32, #tpu.memory_space<vmem>>) semaphore(%arg18 : memref<!tpu.dma_semaphore, #tpu.memory_space<semaphore_mem>>)
    %dma_start3A_155 = arith.constant 160 : i32
    %dma_start3A_156 = tpu.memref_slice %arg10[%dma_start3A_155] : memref<320xi32, #tpu.memory_space<vmem>> -> memref<80xi32, #tpu.memory_space<vmem>>
    %dma_start3A_157 = arith.constant 160 : i32
    %dma_start3A_158 = tpu.memref_slice %arg8[%dma_start3A_157] : memref<320xi32, #tpu.memory_space<vmem>> -> memref<80xi32, #tpu.memory_space<vmem>>
    %dma_start3A_159 = arith.constant 0 : i32
    %dma_start3A_160 = tpu.memref_slice %arg14[%dma_start3A_159] : memref<100000xi32, #tpu.memory_space<vmem_shared>> -> memref<100000xi32, #tpu.memory_space<vmem_shared>>
    tpu.enqueue_indirect_dma source(%dma_start3A_160 : memref<100000xi32, #tpu.memory_space<vmem_shared>>) target(%dma_start3A_156 : memref<80xi32, #tpu.memory_space<vmem>>) offsets(%dma_start3A_158 : memref<80xi32, #tpu.memory_space<vmem>>) semaphore(%arg18 : memref<!tpu.dma_semaphore, #tpu.memory_space<semaphore_mem>>)
    %dma_start3A_161 = arith.constant 240 : i32
    %dma_start3A_162 = tpu.memref_slice %arg10[%dma_start3A_161] : memref<320xi32, #tpu.memory_space<vmem>> -> memref<80xi32, #tpu.memory_space<vmem>>
    %dma_start3A_163 = arith.constant 240 : i32
    %dma_start3A_164 = tpu.memref_slice %arg8[%dma_start3A_163] : memref<320xi32, #tpu.memory_space<vmem>> -> memref<80xi32, #tpu.memory_space<vmem>>
    %dma_start3A_165 = arith.constant 0 : i32
    %dma_start3A_166 = tpu.memref_slice %arg14[%dma_start3A_165] : memref<100000xi32, #tpu.memory_space<vmem_shared>> -> memref<100000xi32, #tpu.memory_space<vmem_shared>>
    tpu.enqueue_indirect_dma source(%dma_start3A_166 : memref<100000xi32, #tpu.memory_space<vmem_shared>>) target(%dma_start3A_162 : memref<80xi32, #tpu.memory_space<vmem>>) offsets(%dma_start3A_164 : memref<80xi32, #tpu.memory_space<vmem>>) semaphore(%arg18 : memref<!tpu.dma_semaphore, #tpu.memory_space<semaphore_mem>>)
    %rem3A_167 = arith.constant 2 : i32
    %rem3A_168 = arith.constant 128 : i32
    %rem3A_169 = arith.remsi %rem3A_167, %rem3A_168 : i32
    %mul3A_170 = arith.constant 160 : i32
    %mul3A_171 = arith.muli %rem3A_169, %mul3A_170 : i32
    %add3A_172 = arith.addi %mul3A_2, %mul3A_171 : i32
    %multiple_of3A_173 = tpu.assume_multiple %add3A_172, 8 : i32
    %dma_start3A_174 = arith.constant 0 : i32
    %dma_start3A_175 = tpu.memref_slice %arg7[%dma_start3A_174] : memref<320xi32, #tpu.memory_space<vmem>> -> memref<160xi32, #tpu.memory_space<vmem>>
    %dma_start3A_176 = tpu.memref_slice %arg2[%multiple_of3A_173] : memref<655360xi32, #tpu.memory_space<hbm>> -> memref<160xi32, #tpu.memory_space<hbm>>
    %dma_start3A_177 = arith.constant 0 : i32
    %dma_start3A_178 = tpu.memref_slice %arg7[%dma_start3A_177] : memref<320xi32, #tpu.memory_space<vmem>> -> memref<160xi32, #tpu.memory_space<vmem>>
    %dma_start3A_179 = tpu.memref_slice %arg2[%multiple_of3A_173] : memref<655360xi32, #tpu.memory_space<hbm>> -> memref<160xi32, #tpu.memory_space<hbm>>
    tpu.enqueue_dma source(%dma_start3A_179 : memref<160xi32, #tpu.memory_space<hbm>>) target(%dma_start3A_178 : memref<160xi32, #tpu.memory_space<vmem>>) target_semaphore(%arg15 : memref<!tpu.dma_semaphore, #tpu.memory_space<semaphore_mem>>)
    %dma_start3A_180 = arith.constant 160 : i32
    %dma_start3A_181 = tpu.memref_slice %arg7[%dma_start3A_180] : memref<320xi32, #tpu.memory_space<vmem>> -> memref<160xi32, #tpu.memory_space<vmem>>
    %dma_start3A_182 = tpu.memref_slice %arg3[%multiple_of3A_173] : memref<655360xi32, #tpu.memory_space<hbm>> -> memref<160xi32, #tpu.memory_space<hbm>>
    %dma_start3A_183 = arith.constant 160 : i32
    %dma_start3A_184 = tpu.memref_slice %arg7[%dma_start3A_183] : memref<320xi32, #tpu.memory_space<vmem>> -> memref<160xi32, #tpu.memory_space<vmem>>
    %dma_start3A_185 = tpu.memref_slice %arg3[%multiple_of3A_173] : memref<655360xi32, #tpu.memory_space<hbm>> -> memref<160xi32, #tpu.memory_space<hbm>>
    tpu.enqueue_dma source(%dma_start3A_185 : memref<160xi32, #tpu.memory_space<hbm>>) target(%dma_start3A_184 : memref<160xi32, #tpu.memory_space<vmem>>) target_semaphore(%arg15 : memref<!tpu.dma_semaphore, #tpu.memory_space<semaphore_mem>>)
    %broadcast_in_dim3A = arith.constant 0.000000e+00 : f32
    %broadcast_in_dim3A_186 = vector.broadcast %broadcast_in_dim3A : f32 to vector<16xf32>
    %scan3A = arith.constant 0 : i32
    %scan3A_187 = arith.constant 64 : i32
    %scan3A_188 = arith.addi %scan3A, %scan3A_187 : i32
    %scan3A_189 = arith.constant 1 : i32
    %scan3A_190 = scf.for %scan3A_268 = %scan3A to %scan3A_188 step %scan3A_189 iter_args(%scan3A_269 = %broadcast_in_dim3A_186) -> (vector<16xf32>)  : i32 {
      %mul3A_270 = arith.constant 2 : i32
      %mul3A_271 = arith.muli %mul3A_270, %scan3A_268 : i32
      %dma_wait3A_272 = arith.constant 0 : i32
      %dma_wait3A_273 = tpu.memref_slice %arg10[%dma_wait3A_272] : memref<320xi32, #tpu.memory_space<vmem>> -> memref<80xi32, #tpu.memory_space<vmem>>
      %dma_wait3A_274 = arith.constant 0 : i32
      %dma_wait3A_275 = tpu.memref_slice %arg8[%dma_wait3A_274] : memref<320xi32, #tpu.memory_space<vmem>> -> memref<80xi32, #tpu.memory_space<vmem>>
      %dma_wait3A_276 = arith.constant 0 : i32
      %dma_wait3A_277 = tpu.memref_slice %arg14[%dma_wait3A_276] : memref<100000xi32, #tpu.memory_space<vmem_shared>> -> memref<100000xi32, #tpu.memory_space<vmem_shared>>
      tpu.wait_indirect_dma semaphore(%arg18 : memref<!tpu.dma_semaphore, #tpu.memory_space<semaphore_mem>>) src(%dma_wait3A_277 : memref<100000xi32, #tpu.memory_space<vmem_shared>>) dst(%dma_wait3A_273 : memref<80xi32, #tpu.memory_space<vmem>>)
      %dma_wait3A_278 = arith.constant 80 : i32
      %dma_wait3A_279 = tpu.memref_slice %arg10[%dma_wait3A_278] : memref<320xi32, #tpu.memory_space<vmem>> -> memref<80xi32, #tpu.memory_space<vmem>>
      %dma_wait3A_280 = arith.constant 80 : i32
      %dma_wait3A_281 = tpu.memref_slice %arg8[%dma_wait3A_280] : memref<320xi32, #tpu.memory_space<vmem>> -> memref<80xi32, #tpu.memory_space<vmem>>
      %dma_wait3A_282 = arith.constant 0 : i32
      %dma_wait3A_283 = tpu.memref_slice %arg14[%dma_wait3A_282] : memref<100000xi32, #tpu.memory_space<vmem_shared>> -> memref<100000xi32, #tpu.memory_space<vmem_shared>>
      tpu.wait_indirect_dma semaphore(%arg18 : memref<!tpu.dma_semaphore, #tpu.memory_space<semaphore_mem>>) src(%dma_wait3A_283 : memref<100000xi32, #tpu.memory_space<vmem_shared>>) dst(%dma_wait3A_279 : memref<80xi32, #tpu.memory_space<vmem>>)
      %dma_wait3A_284 = arith.constant 160 : i32
      %dma_wait3A_285 = tpu.memref_slice %arg10[%dma_wait3A_284] : memref<320xi32, #tpu.memory_space<vmem>> -> memref<80xi32, #tpu.memory_space<vmem>>
      %dma_wait3A_286 = arith.constant 160 : i32
      %dma_wait3A_287 = tpu.memref_slice %arg8[%dma_wait3A_286] : memref<320xi32, #tpu.memory_space<vmem>> -> memref<80xi32, #tpu.memory_space<vmem>>
      %dma_wait3A_288 = arith.constant 0 : i32
      %dma_wait3A_289 = tpu.memref_slice %arg14[%dma_wait3A_288] : memref<100000xi32, #tpu.memory_space<vmem_shared>> -> memref<100000xi32, #tpu.memory_space<vmem_shared>>
      tpu.wait_indirect_dma semaphore(%arg18 : memref<!tpu.dma_semaphore, #tpu.memory_space<semaphore_mem>>) src(%dma_wait3A_289 : memref<100000xi32, #tpu.memory_space<vmem_shared>>) dst(%dma_wait3A_285 : memref<80xi32, #tpu.memory_space<vmem>>)
      %dma_wait3A_290 = arith.constant 240 : i32
      %dma_wait3A_291 = tpu.memref_slice %arg10[%dma_wait3A_290] : memref<320xi32, #tpu.memory_space<vmem>> -> memref<80xi32, #tpu.memory_space<vmem>>
      %dma_wait3A_292 = arith.constant 240 : i32
      %dma_wait3A_293 = tpu.memref_slice %arg8[%dma_wait3A_292] : memref<320xi32, #tpu.memory_space<vmem>> -> memref<80xi32, #tpu.memory_space<vmem>>
      %dma_wait3A_294 = arith.constant 0 : i32
      %dma_wait3A_295 = tpu.memref_slice %arg14[%dma_wait3A_294] : memref<100000xi32, #tpu.memory_space<vmem_shared>> -> memref<100000xi32, #tpu.memory_space<vmem_shared>>
      tpu.wait_indirect_dma semaphore(%arg18 : memref<!tpu.dma_semaphore, #tpu.memory_space<semaphore_mem>>) src(%dma_wait3A_295 : memref<100000xi32, #tpu.memory_space<vmem_shared>>) dst(%dma_wait3A_291 : memref<80xi32, #tpu.memory_space<vmem>>)
      %dma_start3A_296 = arith.constant 0 : i32
      %dma_start3A_297 = arith.constant 0 : i32
      %dma_start3A_298 = tpu.memref_slice %arg12[%dma_start3A_296, %dma_start3A_297] : memref<320x128xf32, #tpu.memory_space<vmem>> -> memref<80x128xf32, #tpu.memory_space<vmem>>
      %dma_start3A_299 = arith.constant 0 : i32
      %dma_start3A_300 = tpu.memref_slice %arg10[%dma_start3A_299] : memref<320xi32, #tpu.memory_space<vmem>> -> memref<80xi32, #tpu.memory_space<vmem>>
      %dma_start3A_301 = arith.constant 0 : i32
      %dma_start3A_302 = arith.constant 0 : i32
      %dma_start3A_303 = tpu.memref_slice %arg5[%dma_start3A_301, %dma_start3A_302] : memref<100000x128xf32, #tpu.memory_space<hbm>> -> memref<100000x128xf32, #tpu.memory_space<hbm>>
      tpu.enqueue_indirect_dma source(%dma_start3A_303 : memref<100000x128xf32, #tpu.memory_space<hbm>>) target(%dma_start3A_298 : memref<80x128xf32, #tpu.memory_space<vmem>>) offsets(%dma_start3A_300 : memref<80xi32, #tpu.memory_space<vmem>>) semaphore(%arg20 : memref<!tpu.dma_semaphore, #tpu.memory_space<semaphore_mem>>)
      %dma_start3A_304 = arith.constant 80 : i32
      %dma_start3A_305 = arith.constant 0 : i32
      %dma_start3A_306 = tpu.memref_slice %arg12[%dma_start3A_304, %dma_start3A_305] : memref<320x128xf32, #tpu.memory_space<vmem>> -> memref<80x128xf32, #tpu.memory_space<vmem>>
      %dma_start3A_307 = arith.constant 80 : i32
      %dma_start3A_308 = tpu.memref_slice %arg10[%dma_start3A_307] : memref<320xi32, #tpu.memory_space<vmem>> -> memref<80xi32, #tpu.memory_space<vmem>>
      %dma_start3A_309 = arith.constant 0 : i32
      %dma_start3A_310 = arith.constant 0 : i32
      %dma_start3A_311 = tpu.memref_slice %arg5[%dma_start3A_309, %dma_start3A_310] : memref<100000x128xf32, #tpu.memory_space<hbm>> -> memref<100000x128xf32, #tpu.memory_space<hbm>>
      tpu.enqueue_indirect_dma source(%dma_start3A_311 : memref<100000x128xf32, #tpu.memory_space<hbm>>) target(%dma_start3A_306 : memref<80x128xf32, #tpu.memory_space<vmem>>) offsets(%dma_start3A_308 : memref<80xi32, #tpu.memory_space<vmem>>) semaphore(%arg20 : memref<!tpu.dma_semaphore, #tpu.memory_space<semaphore_mem>>)
      %dma_start3A_312 = arith.constant 160 : i32
      %dma_start3A_313 = arith.constant 0 : i32
      %dma_start3A_314 = tpu.memref_slice %arg12[%dma_start3A_312, %dma_start3A_313] : memref<320x128xf32, #tpu.memory_space<vmem>> -> memref<80x128xf32, #tpu.memory_space<vmem>>
      %dma_start3A_315 = arith.constant 160 : i32
      %dma_start3A_316 = tpu.memref_slice %arg10[%dma_start3A_315] : memref<320xi32, #tpu.memory_space<vmem>> -> memref<80xi32, #tpu.memory_space<vmem>>
      %dma_start3A_317 = arith.constant 0 : i32
      %dma_start3A_318 = arith.constant 0 : i32
      %dma_start3A_319 = tpu.memref_slice %arg5[%dma_start3A_317, %dma_start3A_318] : memref<100000x128xf32, #tpu.memory_space<hbm>> -> memref<100000x128xf32, #tpu.memory_space<hbm>>
      tpu.enqueue_indirect_dma source(%dma_start3A_319 : memref<100000x128xf32, #tpu.memory_space<hbm>>) target(%dma_start3A_314 : memref<80x128xf32, #tpu.memory_space<vmem>>) offsets(%dma_start3A_316 : memref<80xi32, #tpu.memory_space<vmem>>) semaphore(%arg20 : memref<!tpu.dma_semaphore, #tpu.memory_space<semaphore_mem>>)
      %dma_start3A_320 = arith.constant 240 : i32
      %dma_start3A_321 = arith.constant 0 : i32
      %dma_start3A_322 = tpu.memref_slice %arg12[%dma_start3A_320, %dma_start3A_321] : memref<320x128xf32, #tpu.memory_space<vmem>> -> memref<80x128xf32, #tpu.memory_space<vmem>>
      %dma_start3A_323 = arith.constant 240 : i32
      %dma_start3A_324 = tpu.memref_slice %arg10[%dma_start3A_323] : memref<320xi32, #tpu.memory_space<vmem>> -> memref<80xi32, #tpu.memory_space<vmem>>
      %dma_start3A_325 = arith.constant 0 : i32
      %dma_start3A_326 = arith.constant 0 : i32
      %dma_start3A_327 = tpu.memref_slice %arg5[%dma_start3A_325, %dma_start3A_326] : memref<100000x128xf32, #tpu.memory_space<hbm>> -> memref<100000x128xf32, #tpu.memory_space<hbm>>
      tpu.enqueue_indirect_dma source(%dma_start3A_327 : memref<100000x128xf32, #tpu.memory_space<hbm>>) target(%dma_start3A_322 : memref<80x128xf32, #tpu.memory_space<vmem>>) offsets(%dma_start3A_324 : memref<80xi32, #tpu.memory_space<vmem>>) semaphore(%arg20 : memref<!tpu.dma_semaphore, #tpu.memory_space<semaphore_mem>>)
      %dma_wait3A_328 = arith.constant 0 : i32
      %dma_wait3A_329 = arith.constant 0 : i32
      %dma_wait3A_330 = tpu.memref_slice %arg11[%dma_wait3A_328, %dma_wait3A_329] : memref<320x128xf32, #tpu.memory_space<vmem>> -> memref<80x128xf32, #tpu.memory_space<vmem>>
      %dma_wait3A_331 = arith.constant 0 : i32
      %dma_wait3A_332 = tpu.memref_slice %arg9[%dma_wait3A_331] : memref<320xi32, #tpu.memory_space<vmem>> -> memref<80xi32, #tpu.memory_space<vmem>>
      %dma_wait3A_333 = arith.constant 0 : i32
      %dma_wait3A_334 = arith.constant 0 : i32
      %dma_wait3A_335 = tpu.memref_slice %arg5[%dma_wait3A_333, %dma_wait3A_334] : memref<100000x128xf32, #tpu.memory_space<hbm>> -> memref<100000x128xf32, #tpu.memory_space<hbm>>
      tpu.wait_indirect_dma semaphore(%arg19 : memref<!tpu.dma_semaphore, #tpu.memory_space<semaphore_mem>>) src(%dma_wait3A_335 : memref<100000x128xf32, #tpu.memory_space<hbm>>) dst(%dma_wait3A_330 : memref<80x128xf32, #tpu.memory_space<vmem>>)
      %dma_wait3A_336 = arith.constant 80 : i32
      %dma_wait3A_337 = arith.constant 0 : i32
      %dma_wait3A_338 = tpu.memref_slice %arg11[%dma_wait3A_336, %dma_wait3A_337] : memref<320x128xf32, #tpu.memory_space<vmem>> -> memref<80x128xf32, #tpu.memory_space<vmem>>
      %dma_wait3A_339 = arith.constant 80 : i32
      %dma_wait3A_340 = tpu.memref_slice %arg9[%dma_wait3A_339] : memref<320xi32, #tpu.memory_space<vmem>> -> memref<80xi32, #tpu.memory_space<vmem>>
      %dma_wait3A_341 = arith.constant 0 : i32
      %dma_wait3A_342 = arith.constant 0 : i32
      %dma_wait3A_343 = tpu.memref_slice %arg5[%dma_wait3A_341, %dma_wait3A_342] : memref<100000x128xf32, #tpu.memory_space<hbm>> -> memref<100000x128xf32, #tpu.memory_space<hbm>>
      tpu.wait_indirect_dma semaphore(%arg19 : memref<!tpu.dma_semaphore, #tpu.memory_space<semaphore_mem>>) src(%dma_wait3A_343 : memref<100000x128xf32, #tpu.memory_space<hbm>>) dst(%dma_wait3A_338 : memref<80x128xf32, #tpu.memory_space<vmem>>)
      %dma_wait3A_344 = arith.constant 160 : i32
      %dma_wait3A_345 = arith.constant 0 : i32
      %dma_wait3A_346 = tpu.memref_slice %arg11[%dma_wait3A_344, %dma_wait3A_345] : memref<320x128xf32, #tpu.memory_space<vmem>> -> memref<80x128xf32, #tpu.memory_space<vmem>>
      %dma_wait3A_347 = arith.constant 160 : i32
      %dma_wait3A_348 = tpu.memref_slice %arg9[%dma_wait3A_347] : memref<320xi32, #tpu.memory_space<vmem>> -> memref<80xi32, #tpu.memory_space<vmem>>
      %dma_wait3A_349 = arith.constant 0 : i32
      %dma_wait3A_350 = arith.constant 0 : i32
      %dma_wait3A_351 = tpu.memref_slice %arg5[%dma_wait3A_349, %dma_wait3A_350] : memref<100000x128xf32, #tpu.memory_space<hbm>> -> memref<100000x128xf32, #tpu.memory_space<hbm>>
      tpu.wait_indirect_dma semaphore(%arg19 : memref<!tpu.dma_semaphore, #tpu.memory_space<semaphore_mem>>) src(%dma_wait3A_351 : memref<100000x128xf32, #tpu.memory_space<hbm>>) dst(%dma_wait3A_346 : memref<80x128xf32, #tpu.memory_space<vmem>>)
      %dma_wait3A_352 = arith.constant 240 : i32
      %dma_wait3A_353 = arith.constant 0 : i32
      %dma_wait3A_354 = tpu.memref_slice %arg11[%dma_wait3A_352, %dma_wait3A_353] : memref<320x128xf32, #tpu.memory_space<vmem>> -> memref<80x128xf32, #tpu.memory_space<vmem>>
      %dma_wait3A_355 = arith.constant 240 : i32
      %dma_wait3A_356 = tpu.memref_slice %arg9[%dma_wait3A_355] : memref<320xi32, #tpu.memory_space<vmem>> -> memref<80xi32, #tpu.memory_space<vmem>>
      %dma_wait3A_357 = arith.constant 0 : i32
      %dma_wait3A_358 = arith.constant 0 : i32
      %dma_wait3A_359 = tpu.memref_slice %arg5[%dma_wait3A_357, %dma_wait3A_358] : memref<100000x128xf32, #tpu.memory_space<hbm>> -> memref<100000x128xf32, #tpu.memory_space<hbm>>
      tpu.wait_indirect_dma semaphore(%arg19 : memref<!tpu.dma_semaphore, #tpu.memory_space<semaphore_mem>>) src(%dma_wait3A_359 : memref<100000x128xf32, #tpu.memory_space<hbm>>) dst(%dma_wait3A_354 : memref<80x128xf32, #tpu.memory_space<vmem>>)
      %add3A_360 = arith.constant 3 : i32
      %add3A_361 = arith.addi %mul3A_271, %add3A_360 : i32
      %rem3A_362 = arith.constant 128 : i32
      %rem3A_363 = arith.remsi %add3A_361, %rem3A_362 : i32
      %mul3A_364 = arith.constant 160 : i32
      %mul3A_365 = arith.muli %rem3A_363, %mul3A_364 : i32
      %add3A_366 = arith.addi %mul3A_2, %mul3A_365 : i32
      %multiple_of3A_367 = tpu.assume_multiple %add3A_366, 8 : i32
      %dma_start3A_368 = arith.constant 0 : i32
      %dma_start3A_369 = tpu.memref_slice %arg8[%dma_start3A_368] : memref<320xi32, #tpu.memory_space<vmem>> -> memref<160xi32, #tpu.memory_space<vmem>>
      %dma_start3A_370 = tpu.memref_slice %arg2[%multiple_of3A_367] : memref<655360xi32, #tpu.memory_space<hbm>> -> memref<160xi32, #tpu.memory_space<hbm>>
      %dma_start3A_371 = arith.constant 0 : i32
      %dma_start3A_372 = tpu.memref_slice %arg8[%dma_start3A_371] : memref<320xi32, #tpu.memory_space<vmem>> -> memref<160xi32, #tpu.memory_space<vmem>>
      %dma_start3A_373 = tpu.memref_slice %arg2[%multiple_of3A_367] : memref<655360xi32, #tpu.memory_space<hbm>> -> memref<160xi32, #tpu.memory_space<hbm>>
      tpu.enqueue_dma source(%dma_start3A_373 : memref<160xi32, #tpu.memory_space<hbm>>) target(%dma_start3A_372 : memref<160xi32, #tpu.memory_space<vmem>>) target_semaphore(%arg16 : memref<!tpu.dma_semaphore, #tpu.memory_space<semaphore_mem>>)
      %dma_start3A_374 = arith.constant 160 : i32
      %dma_start3A_375 = tpu.memref_slice %arg8[%dma_start3A_374] : memref<320xi32, #tpu.memory_space<vmem>> -> memref<160xi32, #tpu.memory_space<vmem>>
      %dma_start3A_376 = tpu.memref_slice %arg3[%multiple_of3A_367] : memref<655360xi32, #tpu.memory_space<hbm>> -> memref<160xi32, #tpu.memory_space<hbm>>
      %dma_start3A_377 = arith.constant 160 : i32
      %dma_start3A_378 = tpu.memref_slice %arg8[%dma_start3A_377] : memref<320xi32, #tpu.memory_space<vmem>> -> memref<160xi32, #tpu.memory_space<vmem>>
      %dma_start3A_379 = tpu.memref_slice %arg3[%multiple_of3A_367] : memref<655360xi32, #tpu.memory_space<hbm>> -> memref<160xi32, #tpu.memory_space<hbm>>
      tpu.enqueue_dma source(%dma_start3A_379 : memref<160xi32, #tpu.memory_space<hbm>>) target(%dma_start3A_378 : memref<160xi32, #tpu.memory_space<vmem>>) target_semaphore(%arg16 : memref<!tpu.dma_semaphore, #tpu.memory_space<semaphore_mem>>)
      %add3A_380 = arith.constant 2 : i32
      %add3A_381 = arith.addi %mul3A_271, %add3A_380 : i32
      %rem3A_382 = arith.constant 128 : i32
      %rem3A_383 = arith.remsi %add3A_381, %rem3A_382 : i32
      %mul3A_384 = arith.constant 160 : i32
      %mul3A_385 = arith.muli %rem3A_383, %mul3A_384 : i32
      %add3A_386 = arith.addi %mul3A_2, %mul3A_385 : i32
      %multiple_of3A_387 = tpu.assume_multiple %add3A_386, 8 : i32
      %dma_wait3A_388 = arith.constant 0 : i32
      %dma_wait3A_389 = tpu.memref_slice %arg7[%dma_wait3A_388] : memref<320xi32, #tpu.memory_space<vmem>> -> memref<160xi32, #tpu.memory_space<vmem>>
      %dma_wait3A_390 = tpu.memref_slice %arg2[%multiple_of3A_387] : memref<655360xi32, #tpu.memory_space<hbm>> -> memref<160xi32, #tpu.memory_space<hbm>>
      %dma_wait3A_391 = arith.constant 0 : i32
      %dma_wait3A_392 = tpu.memref_slice %arg7[%dma_wait3A_391] : memref<320xi32, #tpu.memory_space<vmem>> -> memref<160xi32, #tpu.memory_space<vmem>>
      %dma_wait3A_393 = tpu.memref_slice %arg2[%multiple_of3A_387] : memref<655360xi32, #tpu.memory_space<hbm>> -> memref<160xi32, #tpu.memory_space<hbm>>
      tpu.wait_dma2 semaphore(%arg15 : memref<!tpu.dma_semaphore, #tpu.memory_space<semaphore_mem>>) src(%dma_wait3A_393 : memref<160xi32, #tpu.memory_space<hbm>>) dst(%dma_wait3A_392 : memref<160xi32, #tpu.memory_space<vmem>>)
      %dma_wait3A_394 = arith.constant 160 : i32
      %dma_wait3A_395 = tpu.memref_slice %arg7[%dma_wait3A_394] : memref<320xi32, #tpu.memory_space<vmem>> -> memref<160xi32, #tpu.memory_space<vmem>>
      %dma_wait3A_396 = tpu.memref_slice %arg3[%multiple_of3A_387] : memref<655360xi32, #tpu.memory_space<hbm>> -> memref<160xi32, #tpu.memory_space<hbm>>
      %dma_wait3A_397 = arith.constant 160 : i32
      %dma_wait3A_398 = tpu.memref_slice %arg7[%dma_wait3A_397] : memref<320xi32, #tpu.memory_space<vmem>> -> memref<160xi32, #tpu.memory_space<vmem>>
      %dma_wait3A_399 = tpu.memref_slice %arg3[%multiple_of3A_387] : memref<655360xi32, #tpu.memory_space<hbm>> -> memref<160xi32, #tpu.memory_space<hbm>>
      tpu.wait_dma2 semaphore(%arg15 : memref<!tpu.dma_semaphore, #tpu.memory_space<semaphore_mem>>) src(%dma_wait3A_399 : memref<160xi32, #tpu.memory_space<hbm>>) dst(%dma_wait3A_398 : memref<160xi32, #tpu.memory_space<vmem>>)
      %dma_start3A_400 = arith.constant 0 : i32
      %dma_start3A_401 = tpu.memref_slice %arg9[%dma_start3A_400] : memref<320xi32, #tpu.memory_space<vmem>> -> memref<80xi32, #tpu.memory_space<vmem>>
      %dma_start3A_402 = arith.constant 0 : i32
      %dma_start3A_403 = tpu.memref_slice %arg7[%dma_start3A_402] : memref<320xi32, #tpu.memory_space<vmem>> -> memref<80xi32, #tpu.memory_space<vmem>>
      %dma_start3A_404 = arith.constant 0 : i32
      %dma_start3A_405 = tpu.memref_slice %arg14[%dma_start3A_404] : memref<100000xi32, #tpu.memory_space<vmem_shared>> -> memref<100000xi32, #tpu.memory_space<vmem_shared>>
      tpu.enqueue_indirect_dma source(%dma_start3A_405 : memref<100000xi32, #tpu.memory_space<vmem_shared>>) target(%dma_start3A_401 : memref<80xi32, #tpu.memory_space<vmem>>) offsets(%dma_start3A_403 : memref<80xi32, #tpu.memory_space<vmem>>) semaphore(%arg17 : memref<!tpu.dma_semaphore, #tpu.memory_space<semaphore_mem>>)
      %dma_start3A_406 = arith.constant 80 : i32
      %dma_start3A_407 = tpu.memref_slice %arg9[%dma_start3A_406] : memref<320xi32, #tpu.memory_space<vmem>> -> memref<80xi32, #tpu.memory_space<vmem>>
      %dma_start3A_408 = arith.constant 80 : i32
      %dma_start3A_409 = tpu.memref_slice %arg7[%dma_start3A_408] : memref<320xi32, #tpu.memory_space<vmem>> -> memref<80xi32, #tpu.memory_space<vmem>>
      %dma_start3A_410 = arith.constant 0 : i32
      %dma_start3A_411 = tpu.memref_slice %arg14[%dma_start3A_410] : memref<100000xi32, #tpu.memory_space<vmem_shared>> -> memref<100000xi32, #tpu.memory_space<vmem_shared>>
      tpu.enqueue_indirect_dma source(%dma_start3A_411 : memref<100000xi32, #tpu.memory_space<vmem_shared>>) target(%dma_start3A_407 : memref<80xi32, #tpu.memory_space<vmem>>) offsets(%dma_start3A_409 : memref<80xi32, #tpu.memory_space<vmem>>) semaphore(%arg17 : memref<!tpu.dma_semaphore, #tpu.memory_space<semaphore_mem>>)
      %dma_start3A_412 = arith.constant 160 : i32
      %dma_start3A_413 = tpu.memref_slice %arg9[%dma_start3A_412] : memref<320xi32, #tpu.memory_space<vmem>> -> memref<80xi32, #tpu.memory_space<vmem>>
      %dma_start3A_414 = arith.constant 160 : i32
      %dma_start3A_415 = tpu.memref_slice %arg7[%dma_start3A_414] : memref<320xi32, #tpu.memory_space<vmem>> -> memref<80xi32, #tpu.memory_space<vmem>>
      %dma_start3A_416 = arith.constant 0 : i32
      %dma_start3A_417 = tpu.memref_slice %arg14[%dma_start3A_416] : memref<100000xi32, #tpu.memory_space<vmem_shared>> -> memref<100000xi32, #tpu.memory_space<vmem_shared>>
      tpu.enqueue_indirect_dma source(%dma_start3A_417 : memref<100000xi32, #tpu.memory_space<vmem_shared>>) target(%dma_start3A_413 : memref<80xi32, #tpu.memory_space<vmem>>) offsets(%dma_start3A_415 : memref<80xi32, #tpu.memory_space<vmem>>) semaphore(%arg17 : memref<!tpu.dma_semaphore, #tpu.memory_space<semaphore_mem>>)
      %dma_start3A_418 = arith.constant 240 : i32
      %dma_start3A_419 = tpu.memref_slice %arg9[%dma_start3A_418] : memref<320xi32, #tpu.memory_space<vmem>> -> memref<80xi32, #tpu.memory_space<vmem>>
      %dma_start3A_420 = arith.constant 240 : i32
      %dma_start3A_421 = tpu.memref_slice %arg7[%dma_start3A_420] : memref<320xi32, #tpu.memory_space<vmem>> -> memref<80xi32, #tpu.memory_space<vmem>>
      %dma_start3A_422 = arith.constant 0 : i32
      %dma_start3A_423 = tpu.memref_slice %arg14[%dma_start3A_422] : memref<100000xi32, #tpu.memory_space<vmem_shared>> -> memref<100000xi32, #tpu.memory_space<vmem_shared>>
      tpu.enqueue_indirect_dma source(%dma_start3A_423 : memref<100000xi32, #tpu.memory_space<vmem_shared>>) target(%dma_start3A_419 : memref<80xi32, #tpu.memory_space<vmem>>) offsets(%dma_start3A_421 : memref<80xi32, #tpu.memory_space<vmem>>) semaphore(%arg17 : memref<!tpu.dma_semaphore, #tpu.memory_space<semaphore_mem>>)
      %broadcast_in_dim3A_424 = arith.constant 0.000000e+00 : f32
      %broadcast_in_dim3A_425 = vector.broadcast %broadcast_in_dim3A_424 : f32 to vector<16xf32>
      %scan3A_426 = arith.constant 0 : i32
      %scan3A_427 = arith.constant 16 : i32
      %scan3A_428 = arith.addi %scan3A_426, %scan3A_427 : i32
      %scan3A_429 = arith.constant 1 : i32
      %scan3A_430:18 = scf.for %scan3A_748 = %scan3A_426 to %scan3A_428 step %scan3A_429 iter_args(%scan3A_749 = %broadcast_in_dim3A_425, %scan3A_750 = %broadcast_in_dim3A_425, %scan3A_751 = %broadcast_in_dim3A_425, %scan3A_752 = %broadcast_in_dim3A_425, %scan3A_753 = %broadcast_in_dim3A_425, %scan3A_754 = %broadcast_in_dim3A_425, %scan3A_755 = %broadcast_in_dim3A_425, %scan3A_756 = %broadcast_in_dim3A_425, %scan3A_757 = %broadcast_in_dim3A_425, %scan3A_758 = %broadcast_in_dim3A_425, %scan3A_759 = %broadcast_in_dim3A_425, %scan3A_760 = %broadcast_in_dim3A_425, %scan3A_761 = %broadcast_in_dim3A_425, %scan3A_762 = %broadcast_in_dim3A_425, %scan3A_763 = %broadcast_in_dim3A_425, %scan3A_764 = %broadcast_in_dim3A_425, %scan3A_765 = %broadcast_in_dim3A_425, %scan3A_766 = %broadcast_in_dim3A_425) -> (vector<16xf32>, vector<16xf32>, vector<16xf32>, vector<16xf32>, vector<16xf32>, vector<16xf32>, vector<16xf32>, vector<16xf32>, vector<16xf32>, vector<16xf32>, vector<16xf32>, vector<16xf32>, vector<16xf32>, vector<16xf32>, vector<16xf32>, vector<16xf32>, vector<16xf32>, vector<16xf32>)  : i32 {
        %add3A_767 = arith.constant 0 : i32
        %add3A_768 = arith.addi %add3A_767, %scan3A_748 : i32
        %mul3A_769 = arith.constant 10 : i32
        %mul3A_770 = arith.muli %add3A_768, %mul3A_769 : i32
        %add3A_771 = arith.constant 0 : i32
        %add3A_772 = arith.addi %add3A_771, %scan3A_748 : i32
        %mul3A_773 = arith.constant 10 : i32
        %mul3A_774 = arith.muli %add3A_772, %mul3A_773 : i32
        %add3A_775 = arith.constant 160 : i32
        %add3A_776 = arith.addi %add3A_775, %mul3A_774 : i32
        %get3A = arith.index_cast %mul3A_770 : i32 to index
        %get3A_777 = arith.constant 0 : index
        %get3A_778 = tpu.vector_load %arg11[%get3A, %get3A_777] {strides = array<i32>} : memref<320x128xf32, #tpu.memory_space<vmem>>, vector<16xf32>,
        %get3A_779 = arith.index_cast %mul3A_770 : i32 to index
        %get3A_780 = arith.constant 16 : index
        %get3A_781 = tpu.vector_load %arg11[%get3A_779, %get3A_780] {strides = array<i32>} : memref<320x128xf32, #tpu.memory_space<vmem>>, vector<16xf32>,
        %get3A_782 = arith.index_cast %mul3A_770 : i32 to index
        %get3A_783 = arith.constant 32 : index
        %get3A_784 = tpu.vector_load %arg11[%get3A_782, %get3A_783] {strides = array<i32>} : memref<320x128xf32, #tpu.memory_space<vmem>>, vector<16xf32>,
        %get3A_785 = arith.index_cast %mul3A_770 : i32 to index
        %get3A_786 = arith.constant 48 : index
        %get3A_787 = tpu.vector_load %arg11[%get3A_785, %get3A_786] {strides = array<i32>} : memref<320x128xf32, #tpu.memory_space<vmem>>, vector<16xf32>,
        %get3A_788 = arith.index_cast %mul3A_770 : i32 to index
        %get3A_789 = arith.constant 64 : index
        %get3A_790 = tpu.vector_load %arg11[%get3A_788, %get3A_789] {strides = array<i32>} : memref<320x128xf32, #tpu.memory_space<vmem>>, vector<16xf32>,
        %get3A_791 = arith.index_cast %mul3A_770 : i32 to index
        %get3A_792 = arith.constant 80 : index
        %get3A_793 = tpu.vector_load %arg11[%get3A_791, %get3A_792] {strides = array<i32>} : memref<320x128xf32, #tpu.memory_space<vmem>>, vector<16xf32>,
        %get3A_794 = arith.index_cast %mul3A_770 : i32 to index
        %get3A_795 = arith.constant 96 : index
        %get3A_796 = tpu.vector_load %arg11[%get3A_794, %get3A_795] {strides = array<i32>} : memref<320x128xf32, #tpu.memory_space<vmem>>, vector<16xf32>,
        %get3A_797 = arith.index_cast %mul3A_770 : i32 to index
        %get3A_798 = arith.constant 112 : index
        %get3A_799 = tpu.vector_load %arg11[%get3A_797, %get3A_798] {strides = array<i32>} : memref<320x128xf32, #tpu.memory_space<vmem>>, vector<16xf32>,
        %get3A_800 = arith.index_cast %add3A_776 : i32 to index
        %get3A_801 = arith.constant 0 : index
        %get3A_802 = tpu.vector_load %arg11[%get3A_800, %get3A_801] {strides = array<i32>} : memref<320x128xf32, #tpu.memory_space<vmem>>, vector<16xf32>,
        %get3A_803 = arith.index_cast %add3A_776 : i32 to index
        %get3A_804 = arith.constant 16 : index
        %get3A_805 = tpu.vector_load %arg11[%get3A_803, %get3A_804] {strides = array<i32>} : memref<320x128xf32, #tpu.memory_space<vmem>>, vector<16xf32>,
        %get3A_806 = arith.index_cast %add3A_776 : i32 to index
        %get3A_807 = arith.constant 32 : index
        %get3A_808 = tpu.vector_load %arg11[%get3A_806, %get3A_807] {strides = array<i32>} : memref<320x128xf32, #tpu.memory_space<vmem>>, vector<16xf32>,
        %get3A_809 = arith.index_cast %add3A_776 : i32 to index
        %get3A_810 = arith.constant 48 : index
        %get3A_811 = tpu.vector_load %arg11[%get3A_809, %get3A_810] {strides = array<i32>} : memref<320x128xf32, #tpu.memory_space<vmem>>, vector<16xf32>,
        %get3A_812 = arith.index_cast %add3A_776 : i32 to index
        %get3A_813 = arith.constant 64 : index
        %get3A_814 = tpu.vector_load %arg11[%get3A_812, %get3A_813] {strides = array<i32>} : memref<320x128xf32, #tpu.memory_space<vmem>>, vector<16xf32>,
        %get3A_815 = arith.index_cast %add3A_776 : i32 to index
        %get3A_816 = arith.constant 80 : index
        %get3A_817 = tpu.vector_load %arg11[%get3A_815, %get3A_816] {strides = array<i32>} : memref<320x128xf32, #tpu.memory_space<vmem>>, vector<16xf32>,
        %get3A_818 = arith.index_cast %add3A_776 : i32 to index
        %get3A_819 = arith.constant 96 : index
        %get3A_820 = tpu.vector_load %arg11[%get3A_818, %get3A_819] {strides = array<i32>} : memref<320x128xf32, #tpu.memory_space<vmem>>, vector<16xf32>,
        %get3A_821 = arith.index_cast %add3A_776 : i32 to index
        %get3A_822 = arith.constant 112 : index
        %get3A_823 = tpu.vector_load %arg11[%get3A_821, %get3A_822] {strides = array<i32>} : memref<320x128xf32, #tpu.memory_space<vmem>>, vector<16xf32>,
        %add3A_824 = arith.constant 1 : i32
        %add3A_825 = arith.addi %mul3A_770, %add3A_824 : i32
        %get3A_826 = arith.index_cast %add3A_825 : i32 to index
        %get3A_827 = arith.constant 0 : index
        %get3A_828 = tpu.vector_load %arg11[%get3A_826, %get3A_827] {strides = array<i32>} : memref<320x128xf32, #tpu.memory_space<vmem>>, vector<16xf32>,
        %mul3A_829 = arith.mulf %get3A_778, %get3A_828 : vector<16xf32>
        %add3A_830 = arith.constant 1 : i32
        %add3A_831 = arith.addi %mul3A_770, %add3A_830 : i32
        %get3A_832 = arith.index_cast %add3A_831 : i32 to index
        %get3A_833 = arith.constant 16 : index
        %get3A_834 = tpu.vector_load %arg11[%get3A_832, %get3A_833] {strides = array<i32>} : memref<320x128xf32, #tpu.memory_space<vmem>>, vector<16xf32>,
        %mul3A_835 = arith.mulf %get3A_781, %get3A_834 : vector<16xf32>
        %add3A_836 = arith.addf %mul3A_829, %mul3A_835 : vector<16xf32>
        %add3A_837 = arith.constant 1 : i32
        %add3A_838 = arith.addi %mul3A_770, %add3A_837 : i32
        %get3A_839 = arith.index_cast %add3A_838 : i32 to index
        %get3A_840 = arith.constant 32 : index
        %get3A_841 = tpu.vector_load %arg11[%get3A_839, %get3A_840] {strides = array<i32>} : memref<320x128xf32, #tpu.memory_space<vmem>>, vector<16xf32>,
        %mul3A_842 = arith.mulf %get3A_784, %get3A_841 : vector<16xf32>
        %add3A_843 = arith.addf %add3A_836, %mul3A_842 : vector<16xf32>
        %add3A_844 = arith.constant 1 : i32
        %add3A_845 = arith.addi %mul3A_770, %add3A_844 : i32
        %get3A_846 = arith.index_cast %add3A_845 : i32 to index
        %get3A_847 = arith.constant 48 : index
        %get3A_848 = tpu.vector_load %arg11[%get3A_846, %get3A_847] {strides = array<i32>} : memref<320x128xf32, #tpu.memory_space<vmem>>, vector<16xf32>,
        %mul3A_849 = arith.mulf %get3A_787, %get3A_848 : vector<16xf32>
        %add3A_850 = arith.addf %add3A_843, %mul3A_849 : vector<16xf32>
        %add3A_851 = arith.constant 1 : i32
        %add3A_852 = arith.addi %mul3A_770, %add3A_851 : i32
        %get3A_853 = arith.index_cast %add3A_852 : i32 to index
        %get3A_854 = arith.constant 64 : index
        %get3A_855 = tpu.vector_load %arg11[%get3A_853, %get3A_854] {strides = array<i32>} : memref<320x128xf32, #tpu.memory_space<vmem>>, vector<16xf32>,
        %mul3A_856 = arith.mulf %get3A_790, %get3A_855 : vector<16xf32>
        %add3A_857 = arith.addf %add3A_850, %mul3A_856 : vector<16xf32>
        %add3A_858 = arith.constant 1 : i32
        %add3A_859 = arith.addi %mul3A_770, %add3A_858 : i32
        %get3A_860 = arith.index_cast %add3A_859 : i32 to index
        %get3A_861 = arith.constant 80 : index
        %get3A_862 = tpu.vector_load %arg11[%get3A_860, %get3A_861] {strides = array<i32>} : memref<320x128xf32, #tpu.memory_space<vmem>>, vector<16xf32>,
        %mul3A_863 = arith.mulf %get3A_793, %get3A_862 : vector<16xf32>
        %add3A_864 = arith.addf %add3A_857, %mul3A_863 : vector<16xf32>
        %add3A_865 = arith.constant 1 : i32
        %add3A_866 = arith.addi %mul3A_770, %add3A_865 : i32
        %get3A_867 = arith.index_cast %add3A_866 : i32 to index
        %get3A_868 = arith.constant 96 : index
        %get3A_869 = tpu.vector_load %arg11[%get3A_867, %get3A_868] {strides = array<i32>} : memref<320x128xf32, #tpu.memory_space<vmem>>, vector<16xf32>,
        %mul3A_870 = arith.mulf %get3A_796, %get3A_869 : vector<16xf32>
        %add3A_871 = arith.addf %add3A_864, %mul3A_870 : vector<16xf32>
        %add3A_872 = arith.constant 1 : i32
        %add3A_873 = arith.addi %mul3A_770, %add3A_872 : i32
        %get3A_874 = arith.index_cast %add3A_873 : i32 to index
        %get3A_875 = arith.constant 112 : index
        %get3A_876 = tpu.vector_load %arg11[%get3A_874, %get3A_875] {strides = array<i32>} : memref<320x128xf32, #tpu.memory_space<vmem>>, vector<16xf32>,
        %mul3A_877 = arith.mulf %get3A_799, %get3A_876 : vector<16xf32>
        %add3A_878 = arith.addf %add3A_871, %mul3A_877 : vector<16xf32>
        %eq3A_879 = vector.broadcast %scan3A_748 : i32 to vector<16xi32>
        %eq3A_880 = arith.cmpi eq, %iota3A, %eq3A_879 : vector<16xi32>
        %reduce_sum3A = arith.constant true
        %reduce_sum3A_881 = vector.broadcast %reduce_sum3A : i1 to vector<16xi1>
        %reduce_sum3A_882 = tpu.scan <sum>, %add3A_878 masked %reduce_sum3A_881 : vector<16xf32>, vector<16xi1> -> vector<16xf32>
        %reduce_sum3A_883 = vector.extract %reduce_sum3A_882[15] : f32 from vector<16xf32>
        %broadcast_in_dim3A_884 = vector.broadcast %reduce_sum3A_883 : f32 to vector<16xf32>
        %select_n3A = arith.select %eq3A_880, %broadcast_in_dim3A_884, %scan3A_749 : vector<16xi1>, vector<16xf32>
        %add3A_885 = arith.constant 2 : i32
        %add3A_886 = arith.addi %mul3A_770, %add3A_885 : i32
        %get3A_887 = arith.index_cast %add3A_886 : i32 to index
        %get3A_888 = arith.constant 0 : index
        %get3A_889 = tpu.vector_load %arg11[%get3A_887, %get3A_888] {strides = array<i32>} : memref<320x128xf32, #tpu.memory_space<vmem>>, vector<16xf32>,
        %mul3A_890 = arith.mulf %get3A_778, %get3A_889 : vector<16xf32>
        %add3A_891 = arith.constant 2 : i32
        %add3A_892 = arith.addi %mul3A_770, %add3A_891 : i32
        %get3A_893 = arith.index_cast %add3A_892 : i32 to index
        %get3A_894 = arith.constant 16 : index
        %get3A_895 = tpu.vector_load %arg11[%get3A_893, %get3A_894] {strides = array<i32>} : memref<320x128xf32, #tpu.memory_space<vmem>>, vector<16xf32>,
        %mul3A_896 = arith.mulf %get3A_781, %get3A_895 : vector<16xf32>
        %add3A_897 = arith.addf %mul3A_890, %mul3A_896 : vector<16xf32>
        %add3A_898 = arith.constant 2 : i32
        %add3A_899 = arith.addi %mul3A_770, %add3A_898 : i32
        %get3A_900 = arith.index_cast %add3A_899 : i32 to index
        %get3A_901 = arith.constant 32 : index
        %get3A_902 = tpu.vector_load %arg11[%get3A_900, %get3A_901] {strides = array<i32>} : memref<320x128xf32, #tpu.memory_space<vmem>>, vector<16xf32>,
        %mul3A_903 = arith.mulf %get3A_784, %get3A_902 : vector<16xf32>
        %add3A_904 = arith.addf %add3A_897, %mul3A_903 : vector<16xf32>
        %add3A_905 = arith.constant 2 : i32
        %add3A_906 = arith.addi %mul3A_770, %add3A_905 : i32
        %get3A_907 = arith.index_cast %add3A_906 : i32 to index
        %get3A_908 = arith.constant 48 : index
        %get3A_909 = tpu.vector_load %arg11[%get3A_907, %get3A_908] {strides = array<i32>} : memref<320x128xf32, #tpu.memory_space<vmem>>, vector<16xf32>,
        %mul3A_910 = arith.mulf %get3A_787, %get3A_909 : vector<16xf32>
        %add3A_911 = arith.addf %add3A_904, %mul3A_910 : vector<16xf32>
        %add3A_912 = arith.constant 2 : i32
        %add3A_913 = arith.addi %mul3A_770, %add3A_912 : i32
        %get3A_914 = arith.index_cast %add3A_913 : i32 to index
        %get3A_915 = arith.constant 64 : index
        %get3A_916 = tpu.vector_load %arg11[%get3A_914, %get3A_915] {strides = array<i32>} : memref<320x128xf32, #tpu.memory_space<vmem>>, vector<16xf32>,
        %mul3A_917 = arith.mulf %get3A_790, %get3A_916 : vector<16xf32>
        %add3A_918 = arith.addf %add3A_911, %mul3A_917 : vector<16xf32>
        %add3A_919 = arith.constant 2 : i32
        %add3A_920 = arith.addi %mul3A_770, %add3A_919 : i32
        %get3A_921 = arith.index_cast %add3A_920 : i32 to index
        %get3A_922 = arith.constant 80 : index
        %get3A_923 = tpu.vector_load %arg11[%get3A_921, %get3A_922] {strides = array<i32>} : memref<320x128xf32, #tpu.memory_space<vmem>>, vector<16xf32>,
        %mul3A_924 = arith.mulf %get3A_793, %get3A_923 : vector<16xf32>
        %add3A_925 = arith.addf %add3A_918, %mul3A_924 : vector<16xf32>
        %add3A_926 = arith.constant 2 : i32
        %add3A_927 = arith.addi %mul3A_770, %add3A_926 : i32
        %get3A_928 = arith.index_cast %add3A_927 : i32 to index
        %get3A_929 = arith.constant 96 : index
        %get3A_930 = tpu.vector_load %arg11[%get3A_928, %get3A_929] {strides = array<i32>} : memref<320x128xf32, #tpu.memory_space<vmem>>, vector<16xf32>,
        %mul3A_931 = arith.mulf %get3A_796, %get3A_930 : vector<16xf32>
        %add3A_932 = arith.addf %add3A_925, %mul3A_931 : vector<16xf32>
        %add3A_933 = arith.constant 2 : i32
        %add3A_934 = arith.addi %mul3A_770, %add3A_933 : i32
        %get3A_935 = arith.index_cast %add3A_934 : i32 to index
        %get3A_936 = arith.constant 112 : index
        %get3A_937 = tpu.vector_load %arg11[%get3A_935, %get3A_936] {strides = array<i32>} : memref<320x128xf32, #tpu.memory_space<vmem>>, vector<16xf32>,
        %mul3A_938 = arith.mulf %get3A_799, %get3A_937 : vector<16xf32>
        %add3A_939 = arith.addf %add3A_932, %mul3A_938 : vector<16xf32>
        %eq3A_940 = vector.broadcast %scan3A_748 : i32 to vector<16xi32>
        %eq3A_941 = arith.cmpi eq, %iota3A, %eq3A_940 : vector<16xi32>
        %reduce_sum3A_942 = arith.constant true
        %reduce_sum3A_943 = vector.broadcast %reduce_sum3A_942 : i1 to vector<16xi1>
        %reduce_sum3A_944 = tpu.scan <sum>, %add3A_939 masked %reduce_sum3A_943 : vector<16xf32>, vector<16xi1> -> vector<16xf32>
        %reduce_sum3A_945 = vector.extract %reduce_sum3A_944[15] : f32 from vector<16xf32>
        %broadcast_in_dim3A_946 = vector.broadcast %reduce_sum3A_945 : f32 to vector<16xf32>
        %select_n3A_947 = arith.select %eq3A_941, %broadcast_in_dim3A_946, %scan3A_750 : vector<16xi1>, vector<16xf32>
        %add3A_948 = arith.constant 3 : i32
        %add3A_949 = arith.addi %mul3A_770, %add3A_948 : i32
        %get3A_950 = arith.index_cast %add3A_949 : i32 to index
        %get3A_951 = arith.constant 0 : index
        %get3A_952 = tpu.vector_load %arg11[%get3A_950, %get3A_951] {strides = array<i32>} : memref<320x128xf32, #tpu.memory_space<vmem>>, vector<16xf32>,
        %mul3A_953 = arith.mulf %get3A_778, %get3A_952 : vector<16xf32>
        %add3A_954 = arith.constant 3 : i32
        %add3A_955 = arith.addi %mul3A_770, %add3A_954 : i32
        %get3A_956 = arith.index_cast %add3A_955 : i32 to index
        %get3A_957 = arith.constant 16 : index
        %get3A_958 = tpu.vector_load %arg11[%get3A_956, %get3A_957] {strides = array<i32>} : memref<320x128xf32, #tpu.memory_space<vmem>>, vector<16xf32>,
        %mul3A_959 = arith.mulf %get3A_781, %get3A_958 : vector<16xf32>
        %add3A_960 = arith.addf %mul3A_953, %mul3A_959 : vector<16xf32>
        %add3A_961 = arith.constant 3 : i32
        %add3A_962 = arith.addi %mul3A_770, %add3A_961 : i32
        %get3A_963 = arith.index_cast %add3A_962 : i32 to index
        %get3A_964 = arith.constant 32 : index
        %get3A_965 = tpu.vector_load %arg11[%get3A_963, %get3A_964] {strides = array<i32>} : memref<320x128xf32, #tpu.memory_space<vmem>>, vector<16xf32>,
        %mul3A_966 = arith.mulf %get3A_784, %get3A_965 : vector<16xf32>
        %add3A_967 = arith.addf %add3A_960, %mul3A_966 : vector<16xf32>
        %add3A_968 = arith.constant 3 : i32
        %add3A_969 = arith.addi %mul3A_770, %add3A_968 : i32
        %get3A_970 = arith.index_cast %add3A_969 : i32 to index
        %get3A_971 = arith.constant 48 : index
        %get3A_972 = tpu.vector_load %arg11[%get3A_970, %get3A_971] {strides = array<i32>} : memref<320x128xf32, #tpu.memory_space<vmem>>, vector<16xf32>,
        %mul3A_973 = arith.mulf %get3A_787, %get3A_972 : vector<16xf32>
        %add3A_974 = arith.addf %add3A_967, %mul3A_973 : vector<16xf32>
        %add3A_975 = arith.constant 3 : i32
        %add3A_976 = arith.addi %mul3A_770, %add3A_975 : i32
        %get3A_977 = arith.index_cast %add3A_976 : i32 to index
        %get3A_978 = arith.constant 64 : index
        %get3A_979 = tpu.vector_load %arg11[%get3A_977, %get3A_978] {strides = array<i32>} : memref<320x128xf32, #tpu.memory_space<vmem>>, vector<16xf32>,
        %mul3A_980 = arith.mulf %get3A_790, %get3A_979 : vector<16xf32>
        %add3A_981 = arith.addf %add3A_974, %mul3A_980 : vector<16xf32>
        %add3A_982 = arith.constant 3 : i32
        %add3A_983 = arith.addi %mul3A_770, %add3A_982 : i32
        %get3A_984 = arith.index_cast %add3A_983 : i32 to index
        %get3A_985 = arith.constant 80 : index
        %get3A_986 = tpu.vector_load %arg11[%get3A_984, %get3A_985] {strides = array<i32>} : memref<320x128xf32, #tpu.memory_space<vmem>>, vector<16xf32>,
        %mul3A_987 = arith.mulf %get3A_793, %get3A_986 : vector<16xf32>
        %add3A_988 = arith.addf %add3A_981, %mul3A_987 : vector<16xf32>
        %add3A_989 = arith.constant 3 : i32
        %add3A_990 = arith.addi %mul3A_770, %add3A_989 : i32
        %get3A_991 = arith.index_cast %add3A_990 : i32 to index
        %get3A_992 = arith.constant 96 : index
        %get3A_993 = tpu.vector_load %arg11[%get3A_991, %get3A_992] {strides = array<i32>} : memref<320x128xf32, #tpu.memory_space<vmem>>, vector<16xf32>,
        %mul3A_994 = arith.mulf %get3A_796, %get3A_993 : vector<16xf32>
        %add3A_995 = arith.addf %add3A_988, %mul3A_994 : vector<16xf32>
        %add3A_996 = arith.constant 3 : i32
        %add3A_997 = arith.addi %mul3A_770, %add3A_996 : i32
        %get3A_998 = arith.index_cast %add3A_997 : i32 to index
        %get3A_999 = arith.constant 112 : index
        %get3A_1000 = tpu.vector_load %arg11[%get3A_998, %get3A_999] {strides = array<i32>} : memref<320x128xf32, #tpu.memory_space<vmem>>, vector<16xf32>,
        %mul3A_1001 = arith.mulf %get3A_799, %get3A_1000 : vector<16xf32>
        %add3A_1002 = arith.addf %add3A_995, %mul3A_1001 : vector<16xf32>
        %eq3A_1003 = vector.broadcast %scan3A_748 : i32 to vector<16xi32>
        %eq3A_1004 = arith.cmpi eq, %iota3A, %eq3A_1003 : vector<16xi32>
        %reduce_sum3A_1005 = arith.constant true
        %reduce_sum3A_1006 = vector.broadcast %reduce_sum3A_1005 : i1 to vector<16xi1>
        %reduce_sum3A_1007 = tpu.scan <sum>, %add3A_1002 masked %reduce_sum3A_1006 : vector<16xf32>, vector<16xi1> -> vector<16xf32>
        %reduce_sum3A_1008 = vector.extract %reduce_sum3A_1007[15] : f32 from vector<16xf32>
        %broadcast_in_dim3A_1009 = vector.broadcast %reduce_sum3A_1008 : f32 to vector<16xf32>
        %select_n3A_1010 = arith.select %eq3A_1004, %broadcast_in_dim3A_1009, %scan3A_751 : vector<16xi1>, vector<16xf32>
        %add3A_1011 = arith.constant 4 : i32
        %add3A_1012 = arith.addi %mul3A_770, %add3A_1011 : i32
        %get3A_1013 = arith.index_cast %add3A_1012 : i32 to index
        %get3A_1014 = arith.constant 0 : index
        %get3A_1015 = tpu.vector_load %arg11[%get3A_1013, %get3A_1014] {strides = array<i32>} : memref<320x128xf32, #tpu.memory_space<vmem>>, vector<16xf32>,
        %mul3A_1016 = arith.mulf %get3A_778, %get3A_1015 : vector<16xf32>
        %add3A_1017 = arith.constant 4 : i32
        %add3A_1018 = arith.addi %mul3A_770, %add3A_1017 : i32
        %get3A_1019 = arith.index_cast %add3A_1018 : i32 to index
        %get3A_1020 = arith.constant 16 : index
        %get3A_1021 = tpu.vector_load %arg11[%get3A_1019, %get3A_1020] {strides = array<i32>} : memref<320x128xf32, #tpu.memory_space<vmem>>, vector<16xf32>,
        %mul3A_1022 = arith.mulf %get3A_781, %get3A_1021 : vector<16xf32>
        %add3A_1023 = arith.addf %mul3A_1016, %mul3A_1022 : vector<16xf32>
        %add3A_1024 = arith.constant 4 : i32
        %add3A_1025 = arith.addi %mul3A_770, %add3A_1024 : i32
        %get3A_1026 = arith.index_cast %add3A_1025 : i32 to index
        %get3A_1027 = arith.constant 32 : index
        %get3A_1028 = tpu.vector_load %arg11[%get3A_1026, %get3A_1027] {strides = array<i32>} : memref<320x128xf32, #tpu.memory_space<vmem>>, vector<16xf32>,
        %mul3A_1029 = arith.mulf %get3A_784, %get3A_1028 : vector<16xf32>
        %add3A_1030 = arith.addf %add3A_1023, %mul3A_1029 : vector<16xf32>
        %add3A_1031 = arith.constant 4 : i32
        %add3A_1032 = arith.addi %mul3A_770, %add3A_1031 : i32
        %get3A_1033 = arith.index_cast %add3A_1032 : i32 to index
        %get3A_1034 = arith.constant 48 : index
        %get3A_1035 = tpu.vector_load %arg11[%get3A_1033, %get3A_1034] {strides = array<i32>} : memref<320x128xf32, #tpu.memory_space<vmem>>, vector<16xf32>,
        %mul3A_1036 = arith.mulf %get3A_787, %get3A_1035 : vector<16xf32>
        %add3A_1037 = arith.addf %add3A_1030, %mul3A_1036 : vector<16xf32>
        %add3A_1038 = arith.constant 4 : i32
        %add3A_1039 = arith.addi %mul3A_770, %add3A_1038 : i32
        %get3A_1040 = arith.index_cast %add3A_1039 : i32 to index
        %get3A_1041 = arith.constant 64 : index
        %get3A_1042 = tpu.vector_load %arg11[%get3A_1040, %get3A_1041] {strides = array<i32>} : memref<320x128xf32, #tpu.memory_space<vmem>>, vector<16xf32>,
        %mul3A_1043 = arith.mulf %get3A_790, %get3A_1042 : vector<16xf32>
        %add3A_1044 = arith.addf %add3A_1037, %mul3A_1043 : vector<16xf32>
        %add3A_1045 = arith.constant 4 : i32
        %add3A_1046 = arith.addi %mul3A_770, %add3A_1045 : i32
        %get3A_1047 = arith.index_cast %add3A_1046 : i32 to index
        %get3A_1048 = arith.constant 80 : index
        %get3A_1049 = tpu.vector_load %arg11[%get3A_1047, %get3A_1048] {strides = array<i32>} : memref<320x128xf32, #tpu.memory_space<vmem>>, vector<16xf32>,
        %mul3A_1050 = arith.mulf %get3A_793, %get3A_1049 : vector<16xf32>
        %add3A_1051 = arith.addf %add3A_1044, %mul3A_1050 : vector<16xf32>
        %add3A_1052 = arith.constant 4 : i32
        %add3A_1053 = arith.addi %mul3A_770, %add3A_1052 : i32
        %get3A_1054 = arith.index_cast %add3A_1053 : i32 to index
        %get3A_1055 = arith.constant 96 : index
        %get3A_1056 = tpu.vector_load %arg11[%get3A_1054, %get3A_1055] {strides = array<i32>} : memref<320x128xf32, #tpu.memory_space<vmem>>, vector<16xf32>,
        %mul3A_1057 = arith.mulf %get3A_796, %get3A_1056 : vector<16xf32>
        %add3A_1058 = arith.addf %add3A_1051, %mul3A_1057 : vector<16xf32>
        %add3A_1059 = arith.constant 4 : i32
        %add3A_1060 = arith.addi %mul3A_770, %add3A_1059 : i32
        %get3A_1061 = arith.index_cast %add3A_1060 : i32 to index
        %get3A_1062 = arith.constant 112 : index
        %get3A_1063 = tpu.vector_load %arg11[%get3A_1061, %get3A_1062] {strides = array<i32>} : memref<320x128xf32, #tpu.memory_space<vmem>>, vector<16xf32>,
        %mul3A_1064 = arith.mulf %get3A_799, %get3A_1063 : vector<16xf32>
        %add3A_1065 = arith.addf %add3A_1058, %mul3A_1064 : vector<16xf32>
        %eq3A_1066 = vector.broadcast %scan3A_748 : i32 to vector<16xi32>
        %eq3A_1067 = arith.cmpi eq, %iota3A, %eq3A_1066 : vector<16xi32>
        %reduce_sum3A_1068 = arith.constant true
        %reduce_sum3A_1069 = vector.broadcast %reduce_sum3A_1068 : i1 to vector<16xi1>
        %reduce_sum3A_1070 = tpu.scan <sum>, %add3A_1065 masked %reduce_sum3A_1069 : vector<16xf32>, vector<16xi1> -> vector<16xf32>
        %reduce_sum3A_1071 = vector.extract %reduce_sum3A_1070[15] : f32 from vector<16xf32>
        %broadcast_in_dim3A_1072 = vector.broadcast %reduce_sum3A_1071 : f32 to vector<16xf32>
        %select_n3A_1073 = arith.select %eq3A_1067, %broadcast_in_dim3A_1072, %scan3A_752 : vector<16xi1>, vector<16xf32>
        %add3A_1074 = arith.constant 5 : i32
        %add3A_1075 = arith.addi %mul3A_770, %add3A_1074 : i32
        %get3A_1076 = arith.index_cast %add3A_1075 : i32 to index
        %get3A_1077 = arith.constant 0 : index
        %get3A_1078 = tpu.vector_load %arg11[%get3A_1076, %get3A_1077] {strides = array<i32>} : memref<320x128xf32, #tpu.memory_space<vmem>>, vector<16xf32>,
        %mul3A_1079 = arith.mulf %get3A_778, %get3A_1078 : vector<16xf32>
        %add3A_1080 = arith.constant 5 : i32
        %add3A_1081 = arith.addi %mul3A_770, %add3A_1080 : i32
        %get3A_1082 = arith.index_cast %add3A_1081 : i32 to index
        %get3A_1083 = arith.constant 16 : index
        %get3A_1084 = tpu.vector_load %arg11[%get3A_1082, %get3A_1083] {strides = array<i32>} : memref<320x128xf32, #tpu.memory_space<vmem>>, vector<16xf32>,
        %mul3A_1085 = arith.mulf %get3A_781, %get3A_1084 : vector<16xf32>
        %add3A_1086 = arith.addf %mul3A_1079, %mul3A_1085 : vector<16xf32>
        %add3A_1087 = arith.constant 5 : i32
        %add3A_1088 = arith.addi %mul3A_770, %add3A_1087 : i32
        %get3A_1089 = arith.index_cast %add3A_1088 : i32 to index
        %get3A_1090 = arith.constant 32 : index
        %get3A_1091 = tpu.vector_load %arg11[%get3A_1089, %get3A_1090] {strides = array<i32>} : memref<320x128xf32, #tpu.memory_space<vmem>>, vector<16xf32>,
        %mul3A_1092 = arith.mulf %get3A_784, %get3A_1091 : vector<16xf32>
        %add3A_1093 = arith.addf %add3A_1086, %mul3A_1092 : vector<16xf32>
        %add3A_1094 = arith.constant 5 : i32
        %add3A_1095 = arith.addi %mul3A_770, %add3A_1094 : i32
        %get3A_1096 = arith.index_cast %add3A_1095 : i32 to index
        %get3A_1097 = arith.constant 48 : index
        %get3A_1098 = tpu.vector_load %arg11[%get3A_1096, %get3A_1097] {strides = array<i32>} : memref<320x128xf32, #tpu.memory_space<vmem>>, vector<16xf32>,
        %mul3A_1099 = arith.mulf %get3A_787, %get3A_1098 : vector<16xf32>
        %add3A_1100 = arith.addf %add3A_1093, %mul3A_1099 : vector<16xf32>
        %add3A_1101 = arith.constant 5 : i32
        %add3A_1102 = arith.addi %mul3A_770, %add3A_1101 : i32
        %get3A_1103 = arith.index_cast %add3A_1102 : i32 to index
        %get3A_1104 = arith.constant 64 : index
        %get3A_1105 = tpu.vector_load %arg11[%get3A_1103, %get3A_1104] {strides = array<i32>} : memref<320x128xf32, #tpu.memory_space<vmem>>, vector<16xf32>,
        %mul3A_1106 = arith.mulf %get3A_790, %get3A_1105 : vector<16xf32>
        %add3A_1107 = arith.addf %add3A_1100, %mul3A_1106 : vector<16xf32>
        %add3A_1108 = arith.constant 5 : i32
        %add3A_1109 = arith.addi %mul3A_770, %add3A_1108 : i32
        %get3A_1110 = arith.index_cast %add3A_1109 : i32 to index
        %get3A_1111 = arith.constant 80 : index
        %get3A_1112 = tpu.vector_load %arg11[%get3A_1110, %get3A_1111] {strides = array<i32>} : memref<320x128xf32, #tpu.memory_space<vmem>>, vector<16xf32>,
        %mul3A_1113 = arith.mulf %get3A_793, %get3A_1112 : vector<16xf32>
        %add3A_1114 = arith.addf %add3A_1107, %mul3A_1113 : vector<16xf32>
        %add3A_1115 = arith.constant 5 : i32
        %add3A_1116 = arith.addi %mul3A_770, %add3A_1115 : i32
        %get3A_1117 = arith.index_cast %add3A_1116 : i32 to index
        %get3A_1118 = arith.constant 96 : index
        %get3A_1119 = tpu.vector_load %arg11[%get3A_1117, %get3A_1118] {strides = array<i32>} : memref<320x128xf32, #tpu.memory_space<vmem>>, vector<16xf32>,
        %mul3A_1120 = arith.mulf %get3A_796, %get3A_1119 : vector<16xf32>
        %add3A_1121 = arith.addf %add3A_1114, %mul3A_1120 : vector<16xf32>
        %add3A_1122 = arith.constant 5 : i32
        %add3A_1123 = arith.addi %mul3A_770, %add3A_1122 : i32
        %get3A_1124 = arith.index_cast %add3A_1123 : i32 to index
        %get3A_1125 = arith.constant 112 : index
        %get3A_1126 = tpu.vector_load %arg11[%get3A_1124, %get3A_1125] {strides = array<i32>} : memref<320x128xf32, #tpu.memory_space<vmem>>, vector<16xf32>,
        %mul3A_1127 = arith.mulf %get3A_799, %get3A_1126 : vector<16xf32>
        %add3A_1128 = arith.addf %add3A_1121, %mul3A_1127 : vector<16xf32>
        %eq3A_1129 = vector.broadcast %scan3A_748 : i32 to vector<16xi32>
        %eq3A_1130 = arith.cmpi eq, %iota3A, %eq3A_1129 : vector<16xi32>
        %reduce_sum3A_1131 = arith.constant true
        %reduce_sum3A_1132 = vector.broadcast %reduce_sum3A_1131 : i1 to vector<16xi1>
        %reduce_sum3A_1133 = tpu.scan <sum>, %add3A_1128 masked %reduce_sum3A_1132 : vector<16xf32>, vector<16xi1> -> vector<16xf32>
        %reduce_sum3A_1134 = vector.extract %reduce_sum3A_1133[15] : f32 from vector<16xf32>
        %broadcast_in_dim3A_1135 = vector.broadcast %reduce_sum3A_1134 : f32 to vector<16xf32>
        %select_n3A_1136 = arith.select %eq3A_1130, %broadcast_in_dim3A_1135, %scan3A_753 : vector<16xi1>, vector<16xf32>
        %add3A_1137 = arith.constant 6 : i32
        %add3A_1138 = arith.addi %mul3A_770, %add3A_1137 : i32
        %get3A_1139 = arith.index_cast %add3A_1138 : i32 to index
        %get3A_1140 = arith.constant 0 : index
        %get3A_1141 = tpu.vector_load %arg11[%get3A_1139, %get3A_1140] {strides = array<i32>} : memref<320x128xf32, #tpu.memory_space<vmem>>, vector<16xf32>,
        %mul3A_1142 = arith.mulf %get3A_778, %get3A_1141 : vector<16xf32>
        %add3A_1143 = arith.constant 6 : i32
        %add3A_1144 = arith.addi %mul3A_770, %add3A_1143 : i32
        %get3A_1145 = arith.index_cast %add3A_1144 : i32 to index
        %get3A_1146 = arith.constant 16 : index
        %get3A_1147 = tpu.vector_load %arg11[%get3A_1145, %get3A_1146] {strides = array<i32>} : memref<320x128xf32, #tpu.memory_space<vmem>>, vector<16xf32>,
        %mul3A_1148 = arith.mulf %get3A_781, %get3A_1147 : vector<16xf32>
        %add3A_1149 = arith.addf %mul3A_1142, %mul3A_1148 : vector<16xf32>
        %add3A_1150 = arith.constant 6 : i32
        %add3A_1151 = arith.addi %mul3A_770, %add3A_1150 : i32
        %get3A_1152 = arith.index_cast %add3A_1151 : i32 to index
        %get3A_1153 = arith.constant 32 : index
        %get3A_1154 = tpu.vector_load %arg11[%get3A_1152, %get3A_1153] {strides = array<i32>} : memref<320x128xf32, #tpu.memory_space<vmem>>, vector<16xf32>,
        %mul3A_1155 = arith.mulf %get3A_784, %get3A_1154 : vector<16xf32>
        %add3A_1156 = arith.addf %add3A_1149, %mul3A_1155 : vector<16xf32>
        %add3A_1157 = arith.constant 6 : i32
        %add3A_1158 = arith.addi %mul3A_770, %add3A_1157 : i32
        %get3A_1159 = arith.index_cast %add3A_1158 : i32 to index
        %get3A_1160 = arith.constant 48 : index
        %get3A_1161 = tpu.vector_load %arg11[%get3A_1159, %get3A_1160] {strides = array<i32>} : memref<320x128xf32, #tpu.memory_space<vmem>>, vector<16xf32>,
        %mul3A_1162 = arith.mulf %get3A_787, %get3A_1161 : vector<16xf32>
        %add3A_1163 = arith.addf %add3A_1156, %mul3A_1162 : vector<16xf32>
        %add3A_1164 = arith.constant 6 : i32
        %add3A_1165 = arith.addi %mul3A_770, %add3A_1164 : i32
        %get3A_1166 = arith.index_cast %add3A_1165 : i32 to index
        %get3A_1167 = arith.constant 64 : index
        %get3A_1168 = tpu.vector_load %arg11[%get3A_1166, %get3A_1167] {strides = array<i32>} : memref<320x128xf32, #tpu.memory_space<vmem>>, vector<16xf32>,
        %mul3A_1169 = arith.mulf %get3A_790, %get3A_1168 : vector<16xf32>
        %add3A_1170 = arith.addf %add3A_1163, %mul3A_1169 : vector<16xf32>
        %add3A_1171 = arith.constant 6 : i32
        %add3A_1172 = arith.addi %mul3A_770, %add3A_1171 : i32
        %get3A_1173 = arith.index_cast %add3A_1172 : i32 to index
        %get3A_1174 = arith.constant 80 : index
        %get3A_1175 = tpu.vector_load %arg11[%get3A_1173, %get3A_1174] {strides = array<i32>} : memref<320x128xf32, #tpu.memory_space<vmem>>, vector<16xf32>,
        %mul3A_1176 = arith.mulf %get3A_793, %get3A_1175 : vector<16xf32>
        %add3A_1177 = arith.addf %add3A_1170, %mul3A_1176 : vector<16xf32>
        %add3A_1178 = arith.constant 6 : i32
        %add3A_1179 = arith.addi %mul3A_770, %add3A_1178 : i32
        %get3A_1180 = arith.index_cast %add3A_1179 : i32 to index
        %get3A_1181 = arith.constant 96 : index
        %get3A_1182 = tpu.vector_load %arg11[%get3A_1180, %get3A_1181] {strides = array<i32>} : memref<320x128xf32, #tpu.memory_space<vmem>>, vector<16xf32>,
        %mul3A_1183 = arith.mulf %get3A_796, %get3A_1182 : vector<16xf32>
        %add3A_1184 = arith.addf %add3A_1177, %mul3A_1183 : vector<16xf32>
        %add3A_1185 = arith.constant 6 : i32
        %add3A_1186 = arith.addi %mul3A_770, %add3A_1185 : i32
        %get3A_1187 = arith.index_cast %add3A_1186 : i32 to index
        %get3A_1188 = arith.constant 112 : index
        %get3A_1189 = tpu.vector_load %arg11[%get3A_1187, %get3A_1188] {strides = array<i32>} : memref<320x128xf32, #tpu.memory_space<vmem>>, vector<16xf32>,
        %mul3A_1190 = arith.mulf %get3A_799, %get3A_1189 : vector<16xf32>
        %add3A_1191 = arith.addf %add3A_1184, %mul3A_1190 : vector<16xf32>
        %eq3A_1192 = vector.broadcast %scan3A_748 : i32 to vector<16xi32>
        %eq3A_1193 = arith.cmpi eq, %iota3A, %eq3A_1192 : vector<16xi32>
        %reduce_sum3A_1194 = arith.constant true
        %reduce_sum3A_1195 = vector.broadcast %reduce_sum3A_1194 : i1 to vector<16xi1>
        %reduce_sum3A_1196 = tpu.scan <sum>, %add3A_1191 masked %reduce_sum3A_1195 : vector<16xf32>, vector<16xi1> -> vector<16xf32>
        %reduce_sum3A_1197 = vector.extract %reduce_sum3A_1196[15] : f32 from vector<16xf32>
        %broadcast_in_dim3A_1198 = vector.broadcast %reduce_sum3A_1197 : f32 to vector<16xf32>
        %select_n3A_1199 = arith.select %eq3A_1193, %broadcast_in_dim3A_1198, %scan3A_754 : vector<16xi1>, vector<16xf32>
        %add3A_1200 = arith.constant 7 : i32
        %add3A_1201 = arith.addi %mul3A_770, %add3A_1200 : i32
        %get3A_1202 = arith.index_cast %add3A_1201 : i32 to index
        %get3A_1203 = arith.constant 0 : index
        %get3A_1204 = tpu.vector_load %arg11[%get3A_1202, %get3A_1203] {strides = array<i32>} : memref<320x128xf32, #tpu.memory_space<vmem>>, vector<16xf32>,
        %mul3A_1205 = arith.mulf %get3A_778, %get3A_1204 : vector<16xf32>
        %add3A_1206 = arith.constant 7 : i32
        %add3A_1207 = arith.addi %mul3A_770, %add3A_1206 : i32
        %get3A_1208 = arith.index_cast %add3A_1207 : i32 to index
        %get3A_1209 = arith.constant 16 : index
        %get3A_1210 = tpu.vector_load %arg11[%get3A_1208, %get3A_1209] {strides = array<i32>} : memref<320x128xf32, #tpu.memory_space<vmem>>, vector<16xf32>,
        %mul3A_1211 = arith.mulf %get3A_781, %get3A_1210 : vector<16xf32>
        %add3A_1212 = arith.addf %mul3A_1205, %mul3A_1211 : vector<16xf32>
        %add3A_1213 = arith.constant 7 : i32
        %add3A_1214 = arith.addi %mul3A_770, %add3A_1213 : i32
        %get3A_1215 = arith.index_cast %add3A_1214 : i32 to index
        %get3A_1216 = arith.constant 32 : index
        %get3A_1217 = tpu.vector_load %arg11[%get3A_1215, %get3A_1216] {strides = array<i32>} : memref<320x128xf32, #tpu.memory_space<vmem>>, vector<16xf32>,
        %mul3A_1218 = arith.mulf %get3A_784, %get3A_1217 : vector<16xf32>
        %add3A_1219 = arith.addf %add3A_1212, %mul3A_1218 : vector<16xf32>
        %add3A_1220 = arith.constant 7 : i32
        %add3A_1221 = arith.addi %mul3A_770, %add3A_1220 : i32
        %get3A_1222 = arith.index_cast %add3A_1221 : i32 to index
        %get3A_1223 = arith.constant 48 : index
        %get3A_1224 = tpu.vector_load %arg11[%get3A_1222, %get3A_1223] {strides = array<i32>} : memref<320x128xf32, #tpu.memory_space<vmem>>, vector<16xf32>,
        %mul3A_1225 = arith.mulf %get3A_787, %get3A_1224 : vector<16xf32>
        %add3A_1226 = arith.addf %add3A_1219, %mul3A_1225 : vector<16xf32>
        %add3A_1227 = arith.constant 7 : i32
        %add3A_1228 = arith.addi %mul3A_770, %add3A_1227 : i32
        %get3A_1229 = arith.index_cast %add3A_1228 : i32 to index
        %get3A_1230 = arith.constant 64 : index
        %get3A_1231 = tpu.vector_load %arg11[%get3A_1229, %get3A_1230] {strides = array<i32>} : memref<320x128xf32, #tpu.memory_space<vmem>>, vector<16xf32>,
        %mul3A_1232 = arith.mulf %get3A_790, %get3A_1231 : vector<16xf32>
        %add3A_1233 = arith.addf %add3A_1226, %mul3A_1232 : vector<16xf32>
        %add3A_1234 = arith.constant 7 : i32
        %add3A_1235 = arith.addi %mul3A_770, %add3A_1234 : i32
        %get3A_1236 = arith.index_cast %add3A_1235 : i32 to index
        %get3A_1237 = arith.constant 80 : index
        %get3A_1238 = tpu.vector_load %arg11[%get3A_1236, %get3A_1237] {strides = array<i32>} : memref<320x128xf32, #tpu.memory_space<vmem>>, vector<16xf32>,
        %mul3A_1239 = arith.mulf %get3A_793, %get3A_1238 : vector<16xf32>
        %add3A_1240 = arith.addf %add3A_1233, %mul3A_1239 : vector<16xf32>
        %add3A_1241 = arith.constant 7 : i32
        %add3A_1242 = arith.addi %mul3A_770, %add3A_1241 : i32
        %get3A_1243 = arith.index_cast %add3A_1242 : i32 to index
        %get3A_1244 = arith.constant 96 : index
        %get3A_1245 = tpu.vector_load %arg11[%get3A_1243, %get3A_1244] {strides = array<i32>} : memref<320x128xf32, #tpu.memory_space<vmem>>, vector<16xf32>,
        %mul3A_1246 = arith.mulf %get3A_796, %get3A_1245 : vector<16xf32>
        %add3A_1247 = arith.addf %add3A_1240, %mul3A_1246 : vector<16xf32>
        %add3A_1248 = arith.constant 7 : i32
        %add3A_1249 = arith.addi %mul3A_770, %add3A_1248 : i32
        %get3A_1250 = arith.index_cast %add3A_1249 : i32 to index
        %get3A_1251 = arith.constant 112 : index
        %get3A_1252 = tpu.vector_load %arg11[%get3A_1250, %get3A_1251] {strides = array<i32>} : memref<320x128xf32, #tpu.memory_space<vmem>>, vector<16xf32>,
        %mul3A_1253 = arith.mulf %get3A_799, %get3A_1252 : vector<16xf32>
        %add3A_1254 = arith.addf %add3A_1247, %mul3A_1253 : vector<16xf32>
        %eq3A_1255 = vector.broadcast %scan3A_748 : i32 to vector<16xi32>
        %eq3A_1256 = arith.cmpi eq, %iota3A, %eq3A_1255 : vector<16xi32>
        %reduce_sum3A_1257 = arith.constant true
        %reduce_sum3A_1258 = vector.broadcast %reduce_sum3A_1257 : i1 to vector<16xi1>
        %reduce_sum3A_1259 = tpu.scan <sum>, %add3A_1254 masked %reduce_sum3A_1258 : vector<16xf32>, vector<16xi1> -> vector<16xf32>
        %reduce_sum3A_1260 = vector.extract %reduce_sum3A_1259[15] : f32 from vector<16xf32>
        %broadcast_in_dim3A_1261 = vector.broadcast %reduce_sum3A_1260 : f32 to vector<16xf32>
        %select_n3A_1262 = arith.select %eq3A_1256, %broadcast_in_dim3A_1261, %scan3A_755 : vector<16xi1>, vector<16xf32>
        %add3A_1263 = arith.constant 8 : i32
        %add3A_1264 = arith.addi %mul3A_770, %add3A_1263 : i32
        %get3A_1265 = arith.index_cast %add3A_1264 : i32 to index
        %get3A_1266 = arith.constant 0 : index
        %get3A_1267 = tpu.vector_load %arg11[%get3A_1265, %get3A_1266] {strides = array<i32>} : memref<320x128xf32, #tpu.memory_space<vmem>>, vector<16xf32>,
        %mul3A_1268 = arith.mulf %get3A_778, %get3A_1267 : vector<16xf32>
        %add3A_1269 = arith.constant 8 : i32
        %add3A_1270 = arith.addi %mul3A_770, %add3A_1269 : i32
        %get3A_1271 = arith.index_cast %add3A_1270 : i32 to index
        %get3A_1272 = arith.constant 16 : index
        %get3A_1273 = tpu.vector_load %arg11[%get3A_1271, %get3A_1272] {strides = array<i32>} : memref<320x128xf32, #tpu.memory_space<vmem>>, vector<16xf32>,
        %mul3A_1274 = arith.mulf %get3A_781, %get3A_1273 : vector<16xf32>
        %add3A_1275 = arith.addf %mul3A_1268, %mul3A_1274 : vector<16xf32>
        %add3A_1276 = arith.constant 8 : i32
        %add3A_1277 = arith.addi %mul3A_770, %add3A_1276 : i32
        %get3A_1278 = arith.index_cast %add3A_1277 : i32 to index
        %get3A_1279 = arith.constant 32 : index
        %get3A_1280 = tpu.vector_load %arg11[%get3A_1278, %get3A_1279] {strides = array<i32>} : memref<320x128xf32, #tpu.memory_space<vmem>>, vector<16xf32>,
        %mul3A_1281 = arith.mulf %get3A_784, %get3A_1280 : vector<16xf32>
        %add3A_1282 = arith.addf %add3A_1275, %mul3A_1281 : vector<16xf32>
        %add3A_1283 = arith.constant 8 : i32
        %add3A_1284 = arith.addi %mul3A_770, %add3A_1283 : i32
        %get3A_1285 = arith.index_cast %add3A_1284 : i32 to index
        %get3A_1286 = arith.constant 48 : index
        %get3A_1287 = tpu.vector_load %arg11[%get3A_1285, %get3A_1286] {strides = array<i32>} : memref<320x128xf32, #tpu.memory_space<vmem>>, vector<16xf32>,
        %mul3A_1288 = arith.mulf %get3A_787, %get3A_1287 : vector<16xf32>
        %add3A_1289 = arith.addf %add3A_1282, %mul3A_1288 : vector<16xf32>
        %add3A_1290 = arith.constant 8 : i32
        %add3A_1291 = arith.addi %mul3A_770, %add3A_1290 : i32
        %get3A_1292 = arith.index_cast %add3A_1291 : i32 to index
        %get3A_1293 = arith.constant 64 : index
        %get3A_1294 = tpu.vector_load %arg11[%get3A_1292, %get3A_1293] {strides = array<i32>} : memref<320x128xf32, #tpu.memory_space<vmem>>, vector<16xf32>,
        %mul3A_1295 = arith.mulf %get3A_790, %get3A_1294 : vector<16xf32>
        %add3A_1296 = arith.addf %add3A_1289, %mul3A_1295 : vector<16xf32>
        %add3A_1297 = arith.constant 8 : i32
        %add3A_1298 = arith.addi %mul3A_770, %add3A_1297 : i32
        %get3A_1299 = arith.index_cast %add3A_1298 : i32 to index
        %get3A_1300 = arith.constant 80 : index
        %get3A_1301 = tpu.vector_load %arg11[%get3A_1299, %get3A_1300] {strides = array<i32>} : memref<320x128xf32, #tpu.memory_space<vmem>>, vector<16xf32>,
        %mul3A_1302 = arith.mulf %get3A_793, %get3A_1301 : vector<16xf32>
        %add3A_1303 = arith.addf %add3A_1296, %mul3A_1302 : vector<16xf32>
        %add3A_1304 = arith.constant 8 : i32
        %add3A_1305 = arith.addi %mul3A_770, %add3A_1304 : i32
        %get3A_1306 = arith.index_cast %add3A_1305 : i32 to index
        %get3A_1307 = arith.constant 96 : index
        %get3A_1308 = tpu.vector_load %arg11[%get3A_1306, %get3A_1307] {strides = array<i32>} : memref<320x128xf32, #tpu.memory_space<vmem>>, vector<16xf32>,
        %mul3A_1309 = arith.mulf %get3A_796, %get3A_1308 : vector<16xf32>
        %add3A_1310 = arith.addf %add3A_1303, %mul3A_1309 : vector<16xf32>
        %add3A_1311 = arith.constant 8 : i32
        %add3A_1312 = arith.addi %mul3A_770, %add3A_1311 : i32
        %get3A_1313 = arith.index_cast %add3A_1312 : i32 to index
        %get3A_1314 = arith.constant 112 : index
        %get3A_1315 = tpu.vector_load %arg11[%get3A_1313, %get3A_1314] {strides = array<i32>} : memref<320x128xf32, #tpu.memory_space<vmem>>, vector<16xf32>,
        %mul3A_1316 = arith.mulf %get3A_799, %get3A_1315 : vector<16xf32>
        %add3A_1317 = arith.addf %add3A_1310, %mul3A_1316 : vector<16xf32>
        %eq3A_1318 = vector.broadcast %scan3A_748 : i32 to vector<16xi32>
        %eq3A_1319 = arith.cmpi eq, %iota3A, %eq3A_1318 : vector<16xi32>
        %reduce_sum3A_1320 = arith.constant true
        %reduce_sum3A_1321 = vector.broadcast %reduce_sum3A_1320 : i1 to vector<16xi1>
        %reduce_sum3A_1322 = tpu.scan <sum>, %add3A_1317 masked %reduce_sum3A_1321 : vector<16xf32>, vector<16xi1> -> vector<16xf32>
        %reduce_sum3A_1323 = vector.extract %reduce_sum3A_1322[15] : f32 from vector<16xf32>
        %broadcast_in_dim3A_1324 = vector.broadcast %reduce_sum3A_1323 : f32 to vector<16xf32>
        %select_n3A_1325 = arith.select %eq3A_1319, %broadcast_in_dim3A_1324, %scan3A_756 : vector<16xi1>, vector<16xf32>
        %add3A_1326 = arith.constant 9 : i32
        %add3A_1327 = arith.addi %mul3A_770, %add3A_1326 : i32
        %get3A_1328 = arith.index_cast %add3A_1327 : i32 to index
        %get3A_1329 = arith.constant 0 : index
        %get3A_1330 = tpu.vector_load %arg11[%get3A_1328, %get3A_1329] {strides = array<i32>} : memref<320x128xf32, #tpu.memory_space<vmem>>, vector<16xf32>,
        %mul3A_1331 = arith.mulf %get3A_778, %get3A_1330 : vector<16xf32>
        %add3A_1332 = arith.constant 9 : i32
        %add3A_1333 = arith.addi %mul3A_770, %add3A_1332 : i32
        %get3A_1334 = arith.index_cast %add3A_1333 : i32 to index
        %get3A_1335 = arith.constant 16 : index
        %get3A_1336 = tpu.vector_load %arg11[%get3A_1334, %get3A_1335] {strides = array<i32>} : memref<320x128xf32, #tpu.memory_space<vmem>>, vector<16xf32>,
        %mul3A_1337 = arith.mulf %get3A_781, %get3A_1336 : vector<16xf32>
        %add3A_1338 = arith.addf %mul3A_1331, %mul3A_1337 : vector<16xf32>
        %add3A_1339 = arith.constant 9 : i32
        %add3A_1340 = arith.addi %mul3A_770, %add3A_1339 : i32
        %get3A_1341 = arith.index_cast %add3A_1340 : i32 to index
        %get3A_1342 = arith.constant 32 : index
        %get3A_1343 = tpu.vector_load %arg11[%get3A_1341, %get3A_1342] {strides = array<i32>} : memref<320x128xf32, #tpu.memory_space<vmem>>, vector<16xf32>,
        %mul3A_1344 = arith.mulf %get3A_784, %get3A_1343 : vector<16xf32>
        %add3A_1345 = arith.addf %add3A_1338, %mul3A_1344 : vector<16xf32>
        %add3A_1346 = arith.constant 9 : i32
        %add3A_1347 = arith.addi %mul3A_770, %add3A_1346 : i32
        %get3A_1348 = arith.index_cast %add3A_1347 : i32 to index
        %get3A_1349 = arith.constant 48 : index
        %get3A_1350 = tpu.vector_load %arg11[%get3A_1348, %get3A_1349] {strides = array<i32>} : memref<320x128xf32, #tpu.memory_space<vmem>>, vector<16xf32>,
        %mul3A_1351 = arith.mulf %get3A_787, %get3A_1350 : vector<16xf32>
        %add3A_1352 = arith.addf %add3A_1345, %mul3A_1351 : vector<16xf32>
        %add3A_1353 = arith.constant 9 : i32
        %add3A_1354 = arith.addi %mul3A_770, %add3A_1353 : i32
        %get3A_1355 = arith.index_cast %add3A_1354 : i32 to index
        %get3A_1356 = arith.constant 64 : index
        %get3A_1357 = tpu.vector_load %arg11[%get3A_1355, %get3A_1356] {strides = array<i32>} : memref<320x128xf32, #tpu.memory_space<vmem>>, vector<16xf32>,
        %mul3A_1358 = arith.mulf %get3A_790, %get3A_1357 : vector<16xf32>
        %add3A_1359 = arith.addf %add3A_1352, %mul3A_1358 : vector<16xf32>
        %add3A_1360 = arith.constant 9 : i32
        %add3A_1361 = arith.addi %mul3A_770, %add3A_1360 : i32
        %get3A_1362 = arith.index_cast %add3A_1361 : i32 to index
        %get3A_1363 = arith.constant 80 : index
        %get3A_1364 = tpu.vector_load %arg11[%get3A_1362, %get3A_1363] {strides = array<i32>} : memref<320x128xf32, #tpu.memory_space<vmem>>, vector<16xf32>,
        %mul3A_1365 = arith.mulf %get3A_793, %get3A_1364 : vector<16xf32>
        %add3A_1366 = arith.addf %add3A_1359, %mul3A_1365 : vector<16xf32>
        %add3A_1367 = arith.constant 9 : i32
        %add3A_1368 = arith.addi %mul3A_770, %add3A_1367 : i32
        %get3A_1369 = arith.index_cast %add3A_1368 : i32 to index
        %get3A_1370 = arith.constant 96 : index
        %get3A_1371 = tpu.vector_load %arg11[%get3A_1369, %get3A_1370] {strides = array<i32>} : memref<320x128xf32, #tpu.memory_space<vmem>>, vector<16xf32>,
        %mul3A_1372 = arith.mulf %get3A_796, %get3A_1371 : vector<16xf32>
        %add3A_1373 = arith.addf %add3A_1366, %mul3A_1372 : vector<16xf32>
        %add3A_1374 = arith.constant 9 : i32
        %add3A_1375 = arith.addi %mul3A_770, %add3A_1374 : i32
        %get3A_1376 = arith.index_cast %add3A_1375 : i32 to index
        %get3A_1377 = arith.constant 112 : index
        %get3A_1378 = tpu.vector_load %arg11[%get3A_1376, %get3A_1377] {strides = array<i32>} : memref<320x128xf32, #tpu.memory_space<vmem>>, vector<16xf32>,
        %mul3A_1379 = arith.mulf %get3A_799, %get3A_1378 : vector<16xf32>
        %add3A_1380 = arith.addf %add3A_1373, %mul3A_1379 : vector<16xf32>
        %eq3A_1381 = vector.broadcast %scan3A_748 : i32 to vector<16xi32>
        %eq3A_1382 = arith.cmpi eq, %iota3A, %eq3A_1381 : vector<16xi32>
        %reduce_sum3A_1383 = arith.constant true
        %reduce_sum3A_1384 = vector.broadcast %reduce_sum3A_1383 : i1 to vector<16xi1>
        %reduce_sum3A_1385 = tpu.scan <sum>, %add3A_1380 masked %reduce_sum3A_1384 : vector<16xf32>, vector<16xi1> -> vector<16xf32>
        %reduce_sum3A_1386 = vector.extract %reduce_sum3A_1385[15] : f32 from vector<16xf32>
        %broadcast_in_dim3A_1387 = vector.broadcast %reduce_sum3A_1386 : f32 to vector<16xf32>
        %select_n3A_1388 = arith.select %eq3A_1382, %broadcast_in_dim3A_1387, %scan3A_757 : vector<16xi1>, vector<16xf32>
        %add3A_1389 = arith.constant 1 : i32
        %add3A_1390 = arith.addi %add3A_776, %add3A_1389 : i32
        %get3A_1391 = arith.index_cast %add3A_1390 : i32 to index
        %get3A_1392 = arith.constant 0 : index
        %get3A_1393 = tpu.vector_load %arg11[%get3A_1391, %get3A_1392] {strides = array<i32>} : memref<320x128xf32, #tpu.memory_space<vmem>>, vector<16xf32>,
        %mul3A_1394 = arith.mulf %get3A_802, %get3A_1393 : vector<16xf32>
        %add3A_1395 = arith.constant 1 : i32
        %add3A_1396 = arith.addi %add3A_776, %add3A_1395 : i32
        %get3A_1397 = arith.index_cast %add3A_1396 : i32 to index
        %get3A_1398 = arith.constant 16 : index
        %get3A_1399 = tpu.vector_load %arg11[%get3A_1397, %get3A_1398] {strides = array<i32>} : memref<320x128xf32, #tpu.memory_space<vmem>>, vector<16xf32>,
        %mul3A_1400 = arith.mulf %get3A_805, %get3A_1399 : vector<16xf32>
        %add3A_1401 = arith.addf %mul3A_1394, %mul3A_1400 : vector<16xf32>
        %add3A_1402 = arith.constant 1 : i32
        %add3A_1403 = arith.addi %add3A_776, %add3A_1402 : i32
        %get3A_1404 = arith.index_cast %add3A_1403 : i32 to index
        %get3A_1405 = arith.constant 32 : index
        %get3A_1406 = tpu.vector_load %arg11[%get3A_1404, %get3A_1405] {strides = array<i32>} : memref<320x128xf32, #tpu.memory_space<vmem>>, vector<16xf32>,
        %mul3A_1407 = arith.mulf %get3A_808, %get3A_1406 : vector<16xf32>
        %add3A_1408 = arith.addf %add3A_1401, %mul3A_1407 : vector<16xf32>
        %add3A_1409 = arith.constant 1 : i32
        %add3A_1410 = arith.addi %add3A_776, %add3A_1409 : i32
        %get3A_1411 = arith.index_cast %add3A_1410 : i32 to index
        %get3A_1412 = arith.constant 48 : index
        %get3A_1413 = tpu.vector_load %arg11[%get3A_1411, %get3A_1412] {strides = array<i32>} : memref<320x128xf32, #tpu.memory_space<vmem>>, vector<16xf32>,
        %mul3A_1414 = arith.mulf %get3A_811, %get3A_1413 : vector<16xf32>
        %add3A_1415 = arith.addf %add3A_1408, %mul3A_1414 : vector<16xf32>
        %add3A_1416 = arith.constant 1 : i32
        %add3A_1417 = arith.addi %add3A_776, %add3A_1416 : i32
        %get3A_1418 = arith.index_cast %add3A_1417 : i32 to index
        %get3A_1419 = arith.constant 64 : index
        %get3A_1420 = tpu.vector_load %arg11[%get3A_1418, %get3A_1419] {strides = array<i32>} : memref<320x128xf32, #tpu.memory_space<vmem>>, vector<16xf32>,
        %mul3A_1421 = arith.mulf %get3A_814, %get3A_1420 : vector<16xf32>
        %add3A_1422 = arith.addf %add3A_1415, %mul3A_1421 : vector<16xf32>
        %add3A_1423 = arith.constant 1 : i32
        %add3A_1424 = arith.addi %add3A_776, %add3A_1423 : i32
        %get3A_1425 = arith.index_cast %add3A_1424 : i32 to index
        %get3A_1426 = arith.constant 80 : index
        %get3A_1427 = tpu.vector_load %arg11[%get3A_1425, %get3A_1426] {strides = array<i32>} : memref<320x128xf32, #tpu.memory_space<vmem>>, vector<16xf32>,
        %mul3A_1428 = arith.mulf %get3A_817, %get3A_1427 : vector<16xf32>
        %add3A_1429 = arith.addf %add3A_1422, %mul3A_1428 : vector<16xf32>
        %add3A_1430 = arith.constant 1 : i32
        %add3A_1431 = arith.addi %add3A_776, %add3A_1430 : i32
        %get3A_1432 = arith.index_cast %add3A_1431 : i32 to index
        %get3A_1433 = arith.constant 96 : index
        %get3A_1434 = tpu.vector_load %arg11[%get3A_1432, %get3A_1433] {strides = array<i32>} : memref<320x128xf32, #tpu.memory_space<vmem>>, vector<16xf32>,
        %mul3A_1435 = arith.mulf %get3A_820, %get3A_1434 : vector<16xf32>
        %add3A_1436 = arith.addf %add3A_1429, %mul3A_1435 : vector<16xf32>
        %add3A_1437 = arith.constant 1 : i32
        %add3A_1438 = arith.addi %add3A_776, %add3A_1437 : i32
        %get3A_1439 = arith.index_cast %add3A_1438 : i32 to index
        %get3A_1440 = arith.constant 112 : index
        %get3A_1441 = tpu.vector_load %arg11[%get3A_1439, %get3A_1440] {strides = array<i32>} : memref<320x128xf32, #tpu.memory_space<vmem>>, vector<16xf32>,
        %mul3A_1442 = arith.mulf %get3A_823, %get3A_1441 : vector<16xf32>
        %add3A_1443 = arith.addf %add3A_1436, %mul3A_1442 : vector<16xf32>
        %eq3A_1444 = vector.broadcast %scan3A_748 : i32 to vector<16xi32>
        %eq3A_1445 = arith.cmpi eq, %iota3A, %eq3A_1444 : vector<16xi32>
        %reduce_sum3A_1446 = arith.constant true
        %reduce_sum3A_1447 = vector.broadcast %reduce_sum3A_1446 : i1 to vector<16xi1>
        %reduce_sum3A_1448 = tpu.scan <sum>, %add3A_1443 masked %reduce_sum3A_1447 : vector<16xf32>, vector<16xi1> -> vector<16xf32>
        %reduce_sum3A_1449 = vector.extract %reduce_sum3A_1448[15] : f32 from vector<16xf32>
        %broadcast_in_dim3A_1450 = vector.broadcast %reduce_sum3A_1449 : f32 to vector<16xf32>
        %select_n3A_1451 = arith.select %eq3A_1445, %broadcast_in_dim3A_1450, %scan3A_758 : vector<16xi1>, vector<16xf32>
        %add3A_1452 = arith.constant 2 : i32
        %add3A_1453 = arith.addi %add3A_776, %add3A_1452 : i32
        %get3A_1454 = arith.index_cast %add3A_1453 : i32 to index
        %get3A_1455 = arith.constant 0 : index
        %get3A_1456 = tpu.vector_load %arg11[%get3A_1454, %get3A_1455] {strides = array<i32>} : memref<320x128xf32, #tpu.memory_space<vmem>>, vector<16xf32>,
        %mul3A_1457 = arith.mulf %get3A_802, %get3A_1456 : vector<16xf32>
        %add3A_1458 = arith.constant 2 : i32
        %add3A_1459 = arith.addi %add3A_776, %add3A_1458 : i32
        %get3A_1460 = arith.index_cast %add3A_1459 : i32 to index
        %get3A_1461 = arith.constant 16 : index
        %get3A_1462 = tpu.vector_load %arg11[%get3A_1460, %get3A_1461] {strides = array<i32>} : memref<320x128xf32, #tpu.memory_space<vmem>>, vector<16xf32>,
        %mul3A_1463 = arith.mulf %get3A_805, %get3A_1462 : vector<16xf32>
        %add3A_1464 = arith.addf %mul3A_1457, %mul3A_1463 : vector<16xf32>
        %add3A_1465 = arith.constant 2 : i32
        %add3A_1466 = arith.addi %add3A_776, %add3A_1465 : i32
        %get3A_1467 = arith.index_cast %add3A_1466 : i32 to index
        %get3A_1468 = arith.constant 32 : index
        %get3A_1469 = tpu.vector_load %arg11[%get3A_1467, %get3A_1468] {strides = array<i32>} : memref<320x128xf32, #tpu.memory_space<vmem>>, vector<16xf32>,
        %mul3A_1470 = arith.mulf %get3A_808, %get3A_1469 : vector<16xf32>
        %add3A_1471 = arith.addf %add3A_1464, %mul3A_1470 : vector<16xf32>
        %add3A_1472 = arith.constant 2 : i32
        %add3A_1473 = arith.addi %add3A_776, %add3A_1472 : i32
        %get3A_1474 = arith.index_cast %add3A_1473 : i32 to index
        %get3A_1475 = arith.constant 48 : index
        %get3A_1476 = tpu.vector_load %arg11[%get3A_1474, %get3A_1475] {strides = array<i32>} : memref<320x128xf32, #tpu.memory_space<vmem>>, vector<16xf32>,
        %mul3A_1477 = arith.mulf %get3A_811, %get3A_1476 : vector<16xf32>
        %add3A_1478 = arith.addf %add3A_1471, %mul3A_1477 : vector<16xf32>
        %add3A_1479 = arith.constant 2 : i32
        %add3A_1480 = arith.addi %add3A_776, %add3A_1479 : i32
        %get3A_1481 = arith.index_cast %add3A_1480 : i32 to index
        %get3A_1482 = arith.constant 64 : index
        %get3A_1483 = tpu.vector_load %arg11[%get3A_1481, %get3A_1482] {strides = array<i32>} : memref<320x128xf32, #tpu.memory_space<vmem>>, vector<16xf32>,
        %mul3A_1484 = arith.mulf %get3A_814, %get3A_1483 : vector<16xf32>
        %add3A_1485 = arith.addf %add3A_1478, %mul3A_1484 : vector<16xf32>
        %add3A_1486 = arith.constant 2 : i32
        %add3A_1487 = arith.addi %add3A_776, %add3A_1486 : i32
        %get3A_1488 = arith.index_cast %add3A_1487 : i32 to index
        %get3A_1489 = arith.constant 80 : index
        %get3A_1490 = tpu.vector_load %arg11[%get3A_1488, %get3A_1489] {strides = array<i32>} : memref<320x128xf32, #tpu.memory_space<vmem>>, vector<16xf32>,
        %mul3A_1491 = arith.mulf %get3A_817, %get3A_1490 : vector<16xf32>
        %add3A_1492 = arith.addf %add3A_1485, %mul3A_1491 : vector<16xf32>
        %add3A_1493 = arith.constant 2 : i32
        %add3A_1494 = arith.addi %add3A_776, %add3A_1493 : i32
        %get3A_1495 = arith.index_cast %add3A_1494 : i32 to index
        %get3A_1496 = arith.constant 96 : index
        %get3A_1497 = tpu.vector_load %arg11[%get3A_1495, %get3A_1496] {strides = array<i32>} : memref<320x128xf32, #tpu.memory_space<vmem>>, vector<16xf32>,
        %mul3A_1498 = arith.mulf %get3A_820, %get3A_1497 : vector<16xf32>
        %add3A_1499 = arith.addf %add3A_1492, %mul3A_1498 : vector<16xf32>
        %add3A_1500 = arith.constant 2 : i32
        %add3A_1501 = arith.addi %add3A_776, %add3A_1500 : i32
        %get3A_1502 = arith.index_cast %add3A_1501 : i32 to index
        %get3A_1503 = arith.constant 112 : index
        %get3A_1504 = tpu.vector_load %arg11[%get3A_1502, %get3A_1503] {strides = array<i32>} : memref<320x128xf32, #tpu.memory_space<vmem>>, vector<16xf32>,
        %mul3A_1505 = arith.mulf %get3A_823, %get3A_1504 : vector<16xf32>
        %add3A_1506 = arith.addf %add3A_1499, %mul3A_1505 : vector<16xf32>
        %eq3A_1507 = vector.broadcast %scan3A_748 : i32 to vector<16xi32>
        %eq3A_1508 = arith.cmpi eq, %iota3A, %eq3A_1507 : vector<16xi32>
        %reduce_sum3A_1509 = arith.constant true
        %reduce_sum3A_1510 = vector.broadcast %reduce_sum3A_1509 : i1 to vector<16xi1>
        %reduce_sum3A_1511 = tpu.scan <sum>, %add3A_1506 masked %reduce_sum3A_1510 : vector<16xf32>, vector<16xi1> -> vector<16xf32>
        %reduce_sum3A_1512 = vector.extract %reduce_sum3A_1511[15] : f32 from vector<16xf32>
        %broadcast_in_dim3A_1513 = vector.broadcast %reduce_sum3A_1512 : f32 to vector<16xf32>
        %select_n3A_1514 = arith.select %eq3A_1508, %broadcast_in_dim3A_1513, %scan3A_759 : vector<16xi1>, vector<16xf32>
        %add3A_1515 = arith.constant 3 : i32
        %add3A_1516 = arith.addi %add3A_776, %add3A_1515 : i32
        %get3A_1517 = arith.index_cast %add3A_1516 : i32 to index
        %get3A_1518 = arith.constant 0 : index
        %get3A_1519 = tpu.vector_load %arg11[%get3A_1517, %get3A_1518] {strides = array<i32>} : memref<320x128xf32, #tpu.memory_space<vmem>>, vector<16xf32>,
        %mul3A_1520 = arith.mulf %get3A_802, %get3A_1519 : vector<16xf32>
        %add3A_1521 = arith.constant 3 : i32
        %add3A_1522 = arith.addi %add3A_776, %add3A_1521 : i32
        %get3A_1523 = arith.index_cast %add3A_1522 : i32 to index
        %get3A_1524 = arith.constant 16 : index
        %get3A_1525 = tpu.vector_load %arg11[%get3A_1523, %get3A_1524] {strides = array<i32>} : memref<320x128xf32, #tpu.memory_space<vmem>>, vector<16xf32>,
        %mul3A_1526 = arith.mulf %get3A_805, %get3A_1525 : vector<16xf32>
        %add3A_1527 = arith.addf %mul3A_1520, %mul3A_1526 : vector<16xf32>
        %add3A_1528 = arith.constant 3 : i32
        %add3A_1529 = arith.addi %add3A_776, %add3A_1528 : i32
        %get3A_1530 = arith.index_cast %add3A_1529 : i32 to index
        %get3A_1531 = arith.constant 32 : index
        %get3A_1532 = tpu.vector_load %arg11[%get3A_1530, %get3A_1531] {strides = array<i32>} : memref<320x128xf32, #tpu.memory_space<vmem>>, vector<16xf32>,
        %mul3A_1533 = arith.mulf %get3A_808, %get3A_1532 : vector<16xf32>
        %add3A_1534 = arith.addf %add3A_1527, %mul3A_1533 : vector<16xf32>
        %add3A_1535 = arith.constant 3 : i32
        %add3A_1536 = arith.addi %add3A_776, %add3A_1535 : i32
        %get3A_1537 = arith.index_cast %add3A_1536 : i32 to index
        %get3A_1538 = arith.constant 48 : index
        %get3A_1539 = tpu.vector_load %arg11[%get3A_1537, %get3A_1538] {strides = array<i32>} : memref<320x128xf32, #tpu.memory_space<vmem>>, vector<16xf32>,
        %mul3A_1540 = arith.mulf %get3A_811, %get3A_1539 : vector<16xf32>
        %add3A_1541 = arith.addf %add3A_1534, %mul3A_1540 : vector<16xf32>
        %add3A_1542 = arith.constant 3 : i32
        %add3A_1543 = arith.addi %add3A_776, %add3A_1542 : i32
        %get3A_1544 = arith.index_cast %add3A_1543 : i32 to index
        %get3A_1545 = arith.constant 64 : index
        %get3A_1546 = tpu.vector_load %arg11[%get3A_1544, %get3A_1545] {strides = array<i32>} : memref<320x128xf32, #tpu.memory_space<vmem>>, vector<16xf32>,
        %mul3A_1547 = arith.mulf %get3A_814, %get3A_1546 : vector<16xf32>
        %add3A_1548 = arith.addf %add3A_1541, %mul3A_1547 : vector<16xf32>
        %add3A_1549 = arith.constant 3 : i32
        %add3A_1550 = arith.addi %add3A_776, %add3A_1549 : i32
        %get3A_1551 = arith.index_cast %add3A_1550 : i32 to index
        %get3A_1552 = arith.constant 80 : index
        %get3A_1553 = tpu.vector_load %arg11[%get3A_1551, %get3A_1552] {strides = array<i32>} : memref<320x128xf32, #tpu.memory_space<vmem>>, vector<16xf32>,
        %mul3A_1554 = arith.mulf %get3A_817, %get3A_1553 : vector<16xf32>
        %add3A_1555 = arith.addf %add3A_1548, %mul3A_1554 : vector<16xf32>
        %add3A_1556 = arith.constant 3 : i32
        %add3A_1557 = arith.addi %add3A_776, %add3A_1556 : i32
        %get3A_1558 = arith.index_cast %add3A_1557 : i32 to index
        %get3A_1559 = arith.constant 96 : index
        %get3A_1560 = tpu.vector_load %arg11[%get3A_1558, %get3A_1559] {strides = array<i32>} : memref<320x128xf32, #tpu.memory_space<vmem>>, vector<16xf32>,
        %mul3A_1561 = arith.mulf %get3A_820, %get3A_1560 : vector<16xf32>
        %add3A_1562 = arith.addf %add3A_1555, %mul3A_1561 : vector<16xf32>
        %add3A_1563 = arith.constant 3 : i32
        %add3A_1564 = arith.addi %add3A_776, %add3A_1563 : i32
        %get3A_1565 = arith.index_cast %add3A_1564 : i32 to index
        %get3A_1566 = arith.constant 112 : index
        %get3A_1567 = tpu.vector_load %arg11[%get3A_1565, %get3A_1566] {strides = array<i32>} : memref<320x128xf32, #tpu.memory_space<vmem>>, vector<16xf32>,
        %mul3A_1568 = arith.mulf %get3A_823, %get3A_1567 : vector<16xf32>
        %add3A_1569 = arith.addf %add3A_1562, %mul3A_1568 : vector<16xf32>
        %eq3A_1570 = vector.broadcast %scan3A_748 : i32 to vector<16xi32>
        %eq3A_1571 = arith.cmpi eq, %iota3A, %eq3A_1570 : vector<16xi32>
        %reduce_sum3A_1572 = arith.constant true
        %reduce_sum3A_1573 = vector.broadcast %reduce_sum3A_1572 : i1 to vector<16xi1>
        %reduce_sum3A_1574 = tpu.scan <sum>, %add3A_1569 masked %reduce_sum3A_1573 : vector<16xf32>, vector<16xi1> -> vector<16xf32>
        %reduce_sum3A_1575 = vector.extract %reduce_sum3A_1574[15] : f32 from vector<16xf32>
        %broadcast_in_dim3A_1576 = vector.broadcast %reduce_sum3A_1575 : f32 to vector<16xf32>
        %select_n3A_1577 = arith.select %eq3A_1571, %broadcast_in_dim3A_1576, %scan3A_760 : vector<16xi1>, vector<16xf32>
        %add3A_1578 = arith.constant 4 : i32
        %add3A_1579 = arith.addi %add3A_776, %add3A_1578 : i32
        %get3A_1580 = arith.index_cast %add3A_1579 : i32 to index
        %get3A_1581 = arith.constant 0 : index
        %get3A_1582 = tpu.vector_load %arg11[%get3A_1580, %get3A_1581] {strides = array<i32>} : memref<320x128xf32, #tpu.memory_space<vmem>>, vector<16xf32>,
        %mul3A_1583 = arith.mulf %get3A_802, %get3A_1582 : vector<16xf32>
        %add3A_1584 = arith.constant 4 : i32
        %add3A_1585 = arith.addi %add3A_776, %add3A_1584 : i32
        %get3A_1586 = arith.index_cast %add3A_1585 : i32 to index
        %get3A_1587 = arith.constant 16 : index
        %get3A_1588 = tpu.vector_load %arg11[%get3A_1586, %get3A_1587] {strides = array<i32>} : memref<320x128xf32, #tpu.memory_space<vmem>>, vector<16xf32>,
        %mul3A_1589 = arith.mulf %get3A_805, %get3A_1588 : vector<16xf32>
        %add3A_1590 = arith.addf %mul3A_1583, %mul3A_1589 : vector<16xf32>
        %add3A_1591 = arith.constant 4 : i32
        %add3A_1592 = arith.addi %add3A_776, %add3A_1591 : i32
        %get3A_1593 = arith.index_cast %add3A_1592 : i32 to index
        %get3A_1594 = arith.constant 32 : index
        %get3A_1595 = tpu.vector_load %arg11[%get3A_1593, %get3A_1594] {strides = array<i32>} : memref<320x128xf32, #tpu.memory_space<vmem>>, vector<16xf32>,
        %mul3A_1596 = arith.mulf %get3A_808, %get3A_1595 : vector<16xf32>
        %add3A_1597 = arith.addf %add3A_1590, %mul3A_1596 : vector<16xf32>
        %add3A_1598 = arith.constant 4 : i32
        %add3A_1599 = arith.addi %add3A_776, %add3A_1598 : i32
        %get3A_1600 = arith.index_cast %add3A_1599 : i32 to index
        %get3A_1601 = arith.constant 48 : index
        %get3A_1602 = tpu.vector_load %arg11[%get3A_1600, %get3A_1601] {strides = array<i32>} : memref<320x128xf32, #tpu.memory_space<vmem>>, vector<16xf32>,
        %mul3A_1603 = arith.mulf %get3A_811, %get3A_1602 : vector<16xf32>
        %add3A_1604 = arith.addf %add3A_1597, %mul3A_1603 : vector<16xf32>
        %add3A_1605 = arith.constant 4 : i32
        %add3A_1606 = arith.addi %add3A_776, %add3A_1605 : i32
        %get3A_1607 = arith.index_cast %add3A_1606 : i32 to index
        %get3A_1608 = arith.constant 64 : index
        %get3A_1609 = tpu.vector_load %arg11[%get3A_1607, %get3A_1608] {strides = array<i32>} : memref<320x128xf32, #tpu.memory_space<vmem>>, vector<16xf32>,
        %mul3A_1610 = arith.mulf %get3A_814, %get3A_1609 : vector<16xf32>
        %add3A_1611 = arith.addf %add3A_1604, %mul3A_1610 : vector<16xf32>
        %add3A_1612 = arith.constant 4 : i32
        %add3A_1613 = arith.addi %add3A_776, %add3A_1612 : i32
        %get3A_1614 = arith.index_cast %add3A_1613 : i32 to index
        %get3A_1615 = arith.constant 80 : index
        %get3A_1616 = tpu.vector_load %arg11[%get3A_1614, %get3A_1615] {strides = array<i32>} : memref<320x128xf32, #tpu.memory_space<vmem>>, vector<16xf32>,
        %mul3A_1617 = arith.mulf %get3A_817, %get3A_1616 : vector<16xf32>
        %add3A_1618 = arith.addf %add3A_1611, %mul3A_1617 : vector<16xf32>
        %add3A_1619 = arith.constant 4 : i32
        %add3A_1620 = arith.addi %add3A_776, %add3A_1619 : i32
        %get3A_1621 = arith.index_cast %add3A_1620 : i32 to index
        %get3A_1622 = arith.constant 96 : index
        %get3A_1623 = tpu.vector_load %arg11[%get3A_1621, %get3A_1622] {strides = array<i32>} : memref<320x128xf32, #tpu.memory_space<vmem>>, vector<16xf32>,
        %mul3A_1624 = arith.mulf %get3A_820, %get3A_1623 : vector<16xf32>
        %add3A_1625 = arith.addf %add3A_1618, %mul3A_1624 : vector<16xf32>
        %add3A_1626 = arith.constant 4 : i32
        %add3A_1627 = arith.addi %add3A_776, %add3A_1626 : i32
        %get3A_1628 = arith.index_cast %add3A_1627 : i32 to index
        %get3A_1629 = arith.constant 112 : index
        %get3A_1630 = tpu.vector_load %arg11[%get3A_1628, %get3A_1629] {strides = array<i32>} : memref<320x128xf32, #tpu.memory_space<vmem>>, vector<16xf32>,
        %mul3A_1631 = arith.mulf %get3A_823, %get3A_1630 : vector<16xf32>
        %add3A_1632 = arith.addf %add3A_1625, %mul3A_1631 : vector<16xf32>
        %eq3A_1633 = vector.broadcast %scan3A_748 : i32 to vector<16xi32>
        %eq3A_1634 = arith.cmpi eq, %iota3A, %eq3A_1633 : vector<16xi32>
        %reduce_sum3A_1635 = arith.constant true
        %reduce_sum3A_1636 = vector.broadcast %reduce_sum3A_1635 : i1 to vector<16xi1>
        %reduce_sum3A_1637 = tpu.scan <sum>, %add3A_1632 masked %reduce_sum3A_1636 : vector<16xf32>, vector<16xi1> -> vector<16xf32>
        %reduce_sum3A_1638 = vector.extract %reduce_sum3A_1637[15] : f32 from vector<16xf32>
        %broadcast_in_dim3A_1639 = vector.broadcast %reduce_sum3A_1638 : f32 to vector<16xf32>
        %select_n3A_1640 = arith.select %eq3A_1634, %broadcast_in_dim3A_1639, %scan3A_761 : vector<16xi1>, vector<16xf32>
        %add3A_1641 = arith.constant 5 : i32
        %add3A_1642 = arith.addi %add3A_776, %add3A_1641 : i32
        %get3A_1643 = arith.index_cast %add3A_1642 : i32 to index
        %get3A_1644 = arith.constant 0 : index
        %get3A_1645 = tpu.vector_load %arg11[%get3A_1643, %get3A_1644] {strides = array<i32>} : memref<320x128xf32, #tpu.memory_space<vmem>>, vector<16xf32>,
        %mul3A_1646 = arith.mulf %get3A_802, %get3A_1645 : vector<16xf32>
        %add3A_1647 = arith.constant 5 : i32
        %add3A_1648 = arith.addi %add3A_776, %add3A_1647 : i32
        %get3A_1649 = arith.index_cast %add3A_1648 : i32 to index
        %get3A_1650 = arith.constant 16 : index
        %get3A_1651 = tpu.vector_load %arg11[%get3A_1649, %get3A_1650] {strides = array<i32>} : memref<320x128xf32, #tpu.memory_space<vmem>>, vector<16xf32>,
        %mul3A_1652 = arith.mulf %get3A_805, %get3A_1651 : vector<16xf32>
        %add3A_1653 = arith.addf %mul3A_1646, %mul3A_1652 : vector<16xf32>
        %add3A_1654 = arith.constant 5 : i32
        %add3A_1655 = arith.addi %add3A_776, %add3A_1654 : i32
        %get3A_1656 = arith.index_cast %add3A_1655 : i32 to index
        %get3A_1657 = arith.constant 32 : index
        %get3A_1658 = tpu.vector_load %arg11[%get3A_1656, %get3A_1657] {strides = array<i32>} : memref<320x128xf32, #tpu.memory_space<vmem>>, vector<16xf32>,
        %mul3A_1659 = arith.mulf %get3A_808, %get3A_1658 : vector<16xf32>
        %add3A_1660 = arith.addf %add3A_1653, %mul3A_1659 : vector<16xf32>
        %add3A_1661 = arith.constant 5 : i32
        %add3A_1662 = arith.addi %add3A_776, %add3A_1661 : i32
        %get3A_1663 = arith.index_cast %add3A_1662 : i32 to index
        %get3A_1664 = arith.constant 48 : index
        %get3A_1665 = tpu.vector_load %arg11[%get3A_1663, %get3A_1664] {strides = array<i32>} : memref<320x128xf32, #tpu.memory_space<vmem>>, vector<16xf32>,
        %mul3A_1666 = arith.mulf %get3A_811, %get3A_1665 : vector<16xf32>
        %add3A_1667 = arith.addf %add3A_1660, %mul3A_1666 : vector<16xf32>
        %add3A_1668 = arith.constant 5 : i32
        %add3A_1669 = arith.addi %add3A_776, %add3A_1668 : i32
        %get3A_1670 = arith.index_cast %add3A_1669 : i32 to index
        %get3A_1671 = arith.constant 64 : index
        %get3A_1672 = tpu.vector_load %arg11[%get3A_1670, %get3A_1671] {strides = array<i32>} : memref<320x128xf32, #tpu.memory_space<vmem>>, vector<16xf32>,
        %mul3A_1673 = arith.mulf %get3A_814, %get3A_1672 : vector<16xf32>
        %add3A_1674 = arith.addf %add3A_1667, %mul3A_1673 : vector<16xf32>
        %add3A_1675 = arith.constant 5 : i32
        %add3A_1676 = arith.addi %add3A_776, %add3A_1675 : i32
        %get3A_1677 = arith.index_cast %add3A_1676 : i32 to index
        %get3A_1678 = arith.constant 80 : index
        %get3A_1679 = tpu.vector_load %arg11[%get3A_1677, %get3A_1678] {strides = array<i32>} : memref<320x128xf32, #tpu.memory_space<vmem>>, vector<16xf32>,
        %mul3A_1680 = arith.mulf %get3A_817, %get3A_1679 : vector<16xf32>
        %add3A_1681 = arith.addf %add3A_1674, %mul3A_1680 : vector<16xf32>
        %add3A_1682 = arith.constant 5 : i32
        %add3A_1683 = arith.addi %add3A_776, %add3A_1682 : i32
        %get3A_1684 = arith.index_cast %add3A_1683 : i32 to index
        %get3A_1685 = arith.constant 96 : index
        %get3A_1686 = tpu.vector_load %arg11[%get3A_1684, %get3A_1685] {strides = array<i32>} : memref<320x128xf32, #tpu.memory_space<vmem>>, vector<16xf32>,
        %mul3A_1687 = arith.mulf %get3A_820, %get3A_1686 : vector<16xf32>
        %add3A_1688 = arith.addf %add3A_1681, %mul3A_1687 : vector<16xf32>
        %add3A_1689 = arith.constant 5 : i32
        %add3A_1690 = arith.addi %add3A_776, %add3A_1689 : i32
        %get3A_1691 = arith.index_cast %add3A_1690 : i32 to index
        %get3A_1692 = arith.constant 112 : index
        %get3A_1693 = tpu.vector_load %arg11[%get3A_1691, %get3A_1692] {strides = array<i32>} : memref<320x128xf32, #tpu.memory_space<vmem>>, vector<16xf32>,
        %mul3A_1694 = arith.mulf %get3A_823, %get3A_1693 : vector<16xf32>
        %add3A_1695 = arith.addf %add3A_1688, %mul3A_1694 : vector<16xf32>
        %eq3A_1696 = vector.broadcast %scan3A_748 : i32 to vector<16xi32>
        %eq3A_1697 = arith.cmpi eq, %iota3A, %eq3A_1696 : vector<16xi32>
        %reduce_sum3A_1698 = arith.constant true
        %reduce_sum3A_1699 = vector.broadcast %reduce_sum3A_1698 : i1 to vector<16xi1>
        %reduce_sum3A_1700 = tpu.scan <sum>, %add3A_1695 masked %reduce_sum3A_1699 : vector<16xf32>, vector<16xi1> -> vector<16xf32>
        %reduce_sum3A_1701 = vector.extract %reduce_sum3A_1700[15] : f32 from vector<16xf32>
        %broadcast_in_dim3A_1702 = vector.broadcast %reduce_sum3A_1701 : f32 to vector<16xf32>
        %select_n3A_1703 = arith.select %eq3A_1697, %broadcast_in_dim3A_1702, %scan3A_762 : vector<16xi1>, vector<16xf32>
        %add3A_1704 = arith.constant 6 : i32
        %add3A_1705 = arith.addi %add3A_776, %add3A_1704 : i32
        %get3A_1706 = arith.index_cast %add3A_1705 : i32 to index
        %get3A_1707 = arith.constant 0 : index
        %get3A_1708 = tpu.vector_load %arg11[%get3A_1706, %get3A_1707] {strides = array<i32>} : memref<320x128xf32, #tpu.memory_space<vmem>>, vector<16xf32>,
        %mul3A_1709 = arith.mulf %get3A_802, %get3A_1708 : vector<16xf32>
        %add3A_1710 = arith.constant 6 : i32
        %add3A_1711 = arith.addi %add3A_776, %add3A_1710 : i32
        %get3A_1712 = arith.index_cast %add3A_1711 : i32 to index
        %get3A_1713 = arith.constant 16 : index
        %get3A_1714 = tpu.vector_load %arg11[%get3A_1712, %get3A_1713] {strides = array<i32>} : memref<320x128xf32, #tpu.memory_space<vmem>>, vector<16xf32>,
        %mul3A_1715 = arith.mulf %get3A_805, %get3A_1714 : vector<16xf32>
        %add3A_1716 = arith.addf %mul3A_1709, %mul3A_1715 : vector<16xf32>
        %add3A_1717 = arith.constant 6 : i32
        %add3A_1718 = arith.addi %add3A_776, %add3A_1717 : i32
        %get3A_1719 = arith.index_cast %add3A_1718 : i32 to index
        %get3A_1720 = arith.constant 32 : index
        %get3A_1721 = tpu.vector_load %arg11[%get3A_1719, %get3A_1720] {strides = array<i32>} : memref<320x128xf32, #tpu.memory_space<vmem>>, vector<16xf32>,
        %mul3A_1722 = arith.mulf %get3A_808, %get3A_1721 : vector<16xf32>
        %add3A_1723 = arith.addf %add3A_1716, %mul3A_1722 : vector<16xf32>
        %add3A_1724 = arith.constant 6 : i32
        %add3A_1725 = arith.addi %add3A_776, %add3A_1724 : i32
        %get3A_1726 = arith.index_cast %add3A_1725 : i32 to index
        %get3A_1727 = arith.constant 48 : index
        %get3A_1728 = tpu.vector_load %arg11[%get3A_1726, %get3A_1727] {strides = array<i32>} : memref<320x128xf32, #tpu.memory_space<vmem>>, vector<16xf32>,
        %mul3A_1729 = arith.mulf %get3A_811, %get3A_1728 : vector<16xf32>
        %add3A_1730 = arith.addf %add3A_1723, %mul3A_1729 : vector<16xf32>
        %add3A_1731 = arith.constant 6 : i32
        %add3A_1732 = arith.addi %add3A_776, %add3A_1731 : i32
        %get3A_1733 = arith.index_cast %add3A_1732 : i32 to index
        %get3A_1734 = arith.constant 64 : index
        %get3A_1735 = tpu.vector_load %arg11[%get3A_1733, %get3A_1734] {strides = array<i32>} : memref<320x128xf32, #tpu.memory_space<vmem>>, vector<16xf32>,
        %mul3A_1736 = arith.mulf %get3A_814, %get3A_1735 : vector<16xf32>
        %add3A_1737 = arith.addf %add3A_1730, %mul3A_1736 : vector<16xf32>
        %add3A_1738 = arith.constant 6 : i32
        %add3A_1739 = arith.addi %add3A_776, %add3A_1738 : i32
        %get3A_1740 = arith.index_cast %add3A_1739 : i32 to index
        %get3A_1741 = arith.constant 80 : index
        %get3A_1742 = tpu.vector_load %arg11[%get3A_1740, %get3A_1741] {strides = array<i32>} : memref<320x128xf32, #tpu.memory_space<vmem>>, vector<16xf32>,
        %mul3A_1743 = arith.mulf %get3A_817, %get3A_1742 : vector<16xf32>
        %add3A_1744 = arith.addf %add3A_1737, %mul3A_1743 : vector<16xf32>
        %add3A_1745 = arith.constant 6 : i32
        %add3A_1746 = arith.addi %add3A_776, %add3A_1745 : i32
        %get3A_1747 = arith.index_cast %add3A_1746 : i32 to index
        %get3A_1748 = arith.constant 96 : index
        %get3A_1749 = tpu.vector_load %arg11[%get3A_1747, %get3A_1748] {strides = array<i32>} : memref<320x128xf32, #tpu.memory_space<vmem>>, vector<16xf32>,
        %mul3A_1750 = arith.mulf %get3A_820, %get3A_1749 : vector<16xf32>
        %add3A_1751 = arith.addf %add3A_1744, %mul3A_1750 : vector<16xf32>
        %add3A_1752 = arith.constant 6 : i32
        %add3A_1753 = arith.addi %add3A_776, %add3A_1752 : i32
        %get3A_1754 = arith.index_cast %add3A_1753 : i32 to index
        %get3A_1755 = arith.constant 112 : index
        %get3A_1756 = tpu.vector_load %arg11[%get3A_1754, %get3A_1755] {strides = array<i32>} : memref<320x128xf32, #tpu.memory_space<vmem>>, vector<16xf32>,
        %mul3A_1757 = arith.mulf %get3A_823, %get3A_1756 : vector<16xf32>
        %add3A_1758 = arith.addf %add3A_1751, %mul3A_1757 : vector<16xf32>
        %eq3A_1759 = vector.broadcast %scan3A_748 : i32 to vector<16xi32>
        %eq3A_1760 = arith.cmpi eq, %iota3A, %eq3A_1759 : vector<16xi32>
        %reduce_sum3A_1761 = arith.constant true
        %reduce_sum3A_1762 = vector.broadcast %reduce_sum3A_1761 : i1 to vector<16xi1>
        %reduce_sum3A_1763 = tpu.scan <sum>, %add3A_1758 masked %reduce_sum3A_1762 : vector<16xf32>, vector<16xi1> -> vector<16xf32>
        %reduce_sum3A_1764 = vector.extract %reduce_sum3A_1763[15] : f32 from vector<16xf32>
        %broadcast_in_dim3A_1765 = vector.broadcast %reduce_sum3A_1764 : f32 to vector<16xf32>
        %select_n3A_1766 = arith.select %eq3A_1760, %broadcast_in_dim3A_1765, %scan3A_763 : vector<16xi1>, vector<16xf32>
        %add3A_1767 = arith.constant 7 : i32
        %add3A_1768 = arith.addi %add3A_776, %add3A_1767 : i32
        %get3A_1769 = arith.index_cast %add3A_1768 : i32 to index
        %get3A_1770 = arith.constant 0 : index
        %get3A_1771 = tpu.vector_load %arg11[%get3A_1769, %get3A_1770] {strides = array<i32>} : memref<320x128xf32, #tpu.memory_space<vmem>>, vector<16xf32>,
        %mul3A_1772 = arith.mulf %get3A_802, %get3A_1771 : vector<16xf32>
        %add3A_1773 = arith.constant 7 : i32
        %add3A_1774 = arith.addi %add3A_776, %add3A_1773 : i32
        %get3A_1775 = arith.index_cast %add3A_1774 : i32 to index
        %get3A_1776 = arith.constant 16 : index
        %get3A_1777 = tpu.vector_load %arg11[%get3A_1775, %get3A_1776] {strides = array<i32>} : memref<320x128xf32, #tpu.memory_space<vmem>>, vector<16xf32>,
        %mul3A_1778 = arith.mulf %get3A_805, %get3A_1777 : vector<16xf32>
        %add3A_1779 = arith.addf %mul3A_1772, %mul3A_1778 : vector<16xf32>
        %add3A_1780 = arith.constant 7 : i32
        %add3A_1781 = arith.addi %add3A_776, %add3A_1780 : i32
        %get3A_1782 = arith.index_cast %add3A_1781 : i32 to index
        %get3A_1783 = arith.constant 32 : index
        %get3A_1784 = tpu.vector_load %arg11[%get3A_1782, %get3A_1783] {strides = array<i32>} : memref<320x128xf32, #tpu.memory_space<vmem>>, vector<16xf32>,
        %mul3A_1785 = arith.mulf %get3A_808, %get3A_1784 : vector<16xf32>
        %add3A_1786 = arith.addf %add3A_1779, %mul3A_1785 : vector<16xf32>
        %add3A_1787 = arith.constant 7 : i32
        %add3A_1788 = arith.addi %add3A_776, %add3A_1787 : i32
        %get3A_1789 = arith.index_cast %add3A_1788 : i32 to index
        %get3A_1790 = arith.constant 48 : index
        %get3A_1791 = tpu.vector_load %arg11[%get3A_1789, %get3A_1790] {strides = array<i32>} : memref<320x128xf32, #tpu.memory_space<vmem>>, vector<16xf32>,
        %mul3A_1792 = arith.mulf %get3A_811, %get3A_1791 : vector<16xf32>
        %add3A_1793 = arith.addf %add3A_1786, %mul3A_1792 : vector<16xf32>
        %add3A_1794 = arith.constant 7 : i32
        %add3A_1795 = arith.addi %add3A_776, %add3A_1794 : i32
        %get3A_1796 = arith.index_cast %add3A_1795 : i32 to index
        %get3A_1797 = arith.constant 64 : index
        %get3A_1798 = tpu.vector_load %arg11[%get3A_1796, %get3A_1797] {strides = array<i32>} : memref<320x128xf32, #tpu.memory_space<vmem>>, vector<16xf32>,
        %mul3A_1799 = arith.mulf %get3A_814, %get3A_1798 : vector<16xf32>
        %add3A_1800 = arith.addf %add3A_1793, %mul3A_1799 : vector<16xf32>
        %add3A_1801 = arith.constant 7 : i32
        %add3A_1802 = arith.addi %add3A_776, %add3A_1801 : i32
        %get3A_1803 = arith.index_cast %add3A_1802 : i32 to index
        %get3A_1804 = arith.constant 80 : index
        %get3A_1805 = tpu.vector_load %arg11[%get3A_1803, %get3A_1804] {strides = array<i32>} : memref<320x128xf32, #tpu.memory_space<vmem>>, vector<16xf32>,
        %mul3A_1806 = arith.mulf %get3A_817, %get3A_1805 : vector<16xf32>
        %add3A_1807 = arith.addf %add3A_1800, %mul3A_1806 : vector<16xf32>
        %add3A_1808 = arith.constant 7 : i32
        %add3A_1809 = arith.addi %add3A_776, %add3A_1808 : i32
        %get3A_1810 = arith.index_cast %add3A_1809 : i32 to index
        %get3A_1811 = arith.constant 96 : index
        %get3A_1812 = tpu.vector_load %arg11[%get3A_1810, %get3A_1811] {strides = array<i32>} : memref<320x128xf32, #tpu.memory_space<vmem>>, vector<16xf32>,
        %mul3A_1813 = arith.mulf %get3A_820, %get3A_1812 : vector<16xf32>
        %add3A_1814 = arith.addf %add3A_1807, %mul3A_1813 : vector<16xf32>
        %add3A_1815 = arith.constant 7 : i32
        %add3A_1816 = arith.addi %add3A_776, %add3A_1815 : i32
        %get3A_1817 = arith.index_cast %add3A_1816 : i32 to index
        %get3A_1818 = arith.constant 112 : index
        %get3A_1819 = tpu.vector_load %arg11[%get3A_1817, %get3A_1818] {strides = array<i32>} : memref<320x128xf32, #tpu.memory_space<vmem>>, vector<16xf32>,
        %mul3A_1820 = arith.mulf %get3A_823, %get3A_1819 : vector<16xf32>
        %add3A_1821 = arith.addf %add3A_1814, %mul3A_1820 : vector<16xf32>
        %eq3A_1822 = vector.broadcast %scan3A_748 : i32 to vector<16xi32>
        %eq3A_1823 = arith.cmpi eq, %iota3A, %eq3A_1822 : vector<16xi32>
        %reduce_sum3A_1824 = arith.constant true
        %reduce_sum3A_1825 = vector.broadcast %reduce_sum3A_1824 : i1 to vector<16xi1>
        %reduce_sum3A_1826 = tpu.scan <sum>, %add3A_1821 masked %reduce_sum3A_1825 : vector<16xf32>, vector<16xi1> -> vector<16xf32>
        %reduce_sum3A_1827 = vector.extract %reduce_sum3A_1826[15] : f32 from vector<16xf32>
        %broadcast_in_dim3A_1828 = vector.broadcast %reduce_sum3A_1827 : f32 to vector<16xf32>
        %select_n3A_1829 = arith.select %eq3A_1823, %broadcast_in_dim3A_1828, %scan3A_764 : vector<16xi1>, vector<16xf32>
        %add3A_1830 = arith.constant 8 : i32
        %add3A_1831 = arith.addi %add3A_776, %add3A_1830 : i32
        %get3A_1832 = arith.index_cast %add3A_1831 : i32 to index
        %get3A_1833 = arith.constant 0 : index
        %get3A_1834 = tpu.vector_load %arg11[%get3A_1832, %get3A_1833] {strides = array<i32>} : memref<320x128xf32, #tpu.memory_space<vmem>>, vector<16xf32>,
        %mul3A_1835 = arith.mulf %get3A_802, %get3A_1834 : vector<16xf32>
        %add3A_1836 = arith.constant 8 : i32
        %add3A_1837 = arith.addi %add3A_776, %add3A_1836 : i32
        %get3A_1838 = arith.index_cast %add3A_1837 : i32 to index
        %get3A_1839 = arith.constant 16 : index
        %get3A_1840 = tpu.vector_load %arg11[%get3A_1838, %get3A_1839] {strides = array<i32>} : memref<320x128xf32, #tpu.memory_space<vmem>>, vector<16xf32>,
        %mul3A_1841 = arith.mulf %get3A_805, %get3A_1840 : vector<16xf32>
        %add3A_1842 = arith.addf %mul3A_1835, %mul3A_1841 : vector<16xf32>
        %add3A_1843 = arith.constant 8 : i32
        %add3A_1844 = arith.addi %add3A_776, %add3A_1843 : i32
        %get3A_1845 = arith.index_cast %add3A_1844 : i32 to index
        %get3A_1846 = arith.constant 32 : index
        %get3A_1847 = tpu.vector_load %arg11[%get3A_1845, %get3A_1846] {strides = array<i32>} : memref<320x128xf32, #tpu.memory_space<vmem>>, vector<16xf32>,
        %mul3A_1848 = arith.mulf %get3A_808, %get3A_1847 : vector<16xf32>
        %add3A_1849 = arith.addf %add3A_1842, %mul3A_1848 : vector<16xf32>
        %add3A_1850 = arith.constant 8 : i32
        %add3A_1851 = arith.addi %add3A_776, %add3A_1850 : i32
        %get3A_1852 = arith.index_cast %add3A_1851 : i32 to index
        %get3A_1853 = arith.constant 48 : index
        %get3A_1854 = tpu.vector_load %arg11[%get3A_1852, %get3A_1853] {strides = array<i32>} : memref<320x128xf32, #tpu.memory_space<vmem>>, vector<16xf32>,
        %mul3A_1855 = arith.mulf %get3A_811, %get3A_1854 : vector<16xf32>
        %add3A_1856 = arith.addf %add3A_1849, %mul3A_1855 : vector<16xf32>
        %add3A_1857 = arith.constant 8 : i32
        %add3A_1858 = arith.addi %add3A_776, %add3A_1857 : i32
        %get3A_1859 = arith.index_cast %add3A_1858 : i32 to index
        %get3A_1860 = arith.constant 64 : index
        %get3A_1861 = tpu.vector_load %arg11[%get3A_1859, %get3A_1860] {strides = array<i32>} : memref<320x128xf32, #tpu.memory_space<vmem>>, vector<16xf32>,
        %mul3A_1862 = arith.mulf %get3A_814, %get3A_1861 : vector<16xf32>
        %add3A_1863 = arith.addf %add3A_1856, %mul3A_1862 : vector<16xf32>
        %add3A_1864 = arith.constant 8 : i32
        %add3A_1865 = arith.addi %add3A_776, %add3A_1864 : i32
        %get3A_1866 = arith.index_cast %add3A_1865 : i32 to index
        %get3A_1867 = arith.constant 80 : index
        %get3A_1868 = tpu.vector_load %arg11[%get3A_1866, %get3A_1867] {strides = array<i32>} : memref<320x128xf32, #tpu.memory_space<vmem>>, vector<16xf32>,
        %mul3A_1869 = arith.mulf %get3A_817, %get3A_1868 : vector<16xf32>
        %add3A_1870 = arith.addf %add3A_1863, %mul3A_1869 : vector<16xf32>
        %add3A_1871 = arith.constant 8 : i32
        %add3A_1872 = arith.addi %add3A_776, %add3A_1871 : i32
        %get3A_1873 = arith.index_cast %add3A_1872 : i32 to index
        %get3A_1874 = arith.constant 96 : index
        %get3A_1875 = tpu.vector_load %arg11[%get3A_1873, %get3A_1874] {strides = array<i32>} : memref<320x128xf32, #tpu.memory_space<vmem>>, vector<16xf32>,
        %mul3A_1876 = arith.mulf %get3A_820, %get3A_1875 : vector<16xf32>
        %add3A_1877 = arith.addf %add3A_1870, %mul3A_1876 : vector<16xf32>
        %add3A_1878 = arith.constant 8 : i32
        %add3A_1879 = arith.addi %add3A_776, %add3A_1878 : i32
        %get3A_1880 = arith.index_cast %add3A_1879 : i32 to index
        %get3A_1881 = arith.constant 112 : index
        %get3A_1882 = tpu.vector_load %arg11[%get3A_1880, %get3A_1881] {strides = array<i32>} : memref<320x128xf32, #tpu.memory_space<vmem>>, vector<16xf32>,
        %mul3A_1883 = arith.mulf %get3A_823, %get3A_1882 : vector<16xf32>
        %add3A_1884 = arith.addf %add3A_1877, %mul3A_1883 : vector<16xf32>
        %eq3A_1885 = vector.broadcast %scan3A_748 : i32 to vector<16xi32>
        %eq3A_1886 = arith.cmpi eq, %iota3A, %eq3A_1885 : vector<16xi32>
        %reduce_sum3A_1887 = arith.constant true
        %reduce_sum3A_1888 = vector.broadcast %reduce_sum3A_1887 : i1 to vector<16xi1>
        %reduce_sum3A_1889 = tpu.scan <sum>, %add3A_1884 masked %reduce_sum3A_1888 : vector<16xf32>, vector<16xi1> -> vector<16xf32>
        %reduce_sum3A_1890 = vector.extract %reduce_sum3A_1889[15] : f32 from vector<16xf32>
        %broadcast_in_dim3A_1891 = vector.broadcast %reduce_sum3A_1890 : f32 to vector<16xf32>
        %select_n3A_1892 = arith.select %eq3A_1886, %broadcast_in_dim3A_1891, %scan3A_765 : vector<16xi1>, vector<16xf32>
        %add3A_1893 = arith.constant 9 : i32
        %add3A_1894 = arith.addi %add3A_776, %add3A_1893 : i32
        %get3A_1895 = arith.index_cast %add3A_1894 : i32 to index
        %get3A_1896 = arith.constant 0 : index
        %get3A_1897 = tpu.vector_load %arg11[%get3A_1895, %get3A_1896] {strides = array<i32>} : memref<320x128xf32, #tpu.memory_space<vmem>>, vector<16xf32>,
        %mul3A_1898 = arith.mulf %get3A_802, %get3A_1897 : vector<16xf32>
        %add3A_1899 = arith.constant 9 : i32
        %add3A_1900 = arith.addi %add3A_776, %add3A_1899 : i32
        %get3A_1901 = arith.index_cast %add3A_1900 : i32 to index
        %get3A_1902 = arith.constant 16 : index
        %get3A_1903 = tpu.vector_load %arg11[%get3A_1901, %get3A_1902] {strides = array<i32>} : memref<320x128xf32, #tpu.memory_space<vmem>>, vector<16xf32>,
        %mul3A_1904 = arith.mulf %get3A_805, %get3A_1903 : vector<16xf32>
        %add3A_1905 = arith.addf %mul3A_1898, %mul3A_1904 : vector<16xf32>
        %add3A_1906 = arith.constant 9 : i32
        %add3A_1907 = arith.addi %add3A_776, %add3A_1906 : i32
        %get3A_1908 = arith.index_cast %add3A_1907 : i32 to index
        %get3A_1909 = arith.constant 32 : index
        %get3A_1910 = tpu.vector_load %arg11[%get3A_1908, %get3A_1909] {strides = array<i32>} : memref<320x128xf32, #tpu.memory_space<vmem>>, vector<16xf32>,
        %mul3A_1911 = arith.mulf %get3A_808, %get3A_1910 : vector<16xf32>
        %add3A_1912 = arith.addf %add3A_1905, %mul3A_1911 : vector<16xf32>
        %add3A_1913 = arith.constant 9 : i32
        %add3A_1914 = arith.addi %add3A_776, %add3A_1913 : i32
        %get3A_1915 = arith.index_cast %add3A_1914 : i32 to index
        %get3A_1916 = arith.constant 48 : index
        %get3A_1917 = tpu.vector_load %arg11[%get3A_1915, %get3A_1916] {strides = array<i32>} : memref<320x128xf32, #tpu.memory_space<vmem>>, vector<16xf32>,
        %mul3A_1918 = arith.mulf %get3A_811, %get3A_1917 : vector<16xf32>
        %add3A_1919 = arith.addf %add3A_1912, %mul3A_1918 : vector<16xf32>
        %add3A_1920 = arith.constant 9 : i32
        %add3A_1921 = arith.addi %add3A_776, %add3A_1920 : i32
        %get3A_1922 = arith.index_cast %add3A_1921 : i32 to index
        %get3A_1923 = arith.constant 64 : index
        %get3A_1924 = tpu.vector_load %arg11[%get3A_1922, %get3A_1923] {strides = array<i32>} : memref<320x128xf32, #tpu.memory_space<vmem>>, vector<16xf32>,
        %mul3A_1925 = arith.mulf %get3A_814, %get3A_1924 : vector<16xf32>
        %add3A_1926 = arith.addf %add3A_1919, %mul3A_1925 : vector<16xf32>
        %add3A_1927 = arith.constant 9 : i32
        %add3A_1928 = arith.addi %add3A_776, %add3A_1927 : i32
        %get3A_1929 = arith.index_cast %add3A_1928 : i32 to index
        %get3A_1930 = arith.constant 80 : index
        %get3A_1931 = tpu.vector_load %arg11[%get3A_1929, %get3A_1930] {strides = array<i32>} : memref<320x128xf32, #tpu.memory_space<vmem>>, vector<16xf32>,
        %mul3A_1932 = arith.mulf %get3A_817, %get3A_1931 : vector<16xf32>
        %add3A_1933 = arith.addf %add3A_1926, %mul3A_1932 : vector<16xf32>
        %add3A_1934 = arith.constant 9 : i32
        %add3A_1935 = arith.addi %add3A_776, %add3A_1934 : i32
        %get3A_1936 = arith.index_cast %add3A_1935 : i32 to index
        %get3A_1937 = arith.constant 96 : index
        %get3A_1938 = tpu.vector_load %arg11[%get3A_1936, %get3A_1937] {strides = array<i32>} : memref<320x128xf32, #tpu.memory_space<vmem>>, vector<16xf32>,
        %mul3A_1939 = arith.mulf %get3A_820, %get3A_1938 : vector<16xf32>
        %add3A_1940 = arith.addf %add3A_1933, %mul3A_1939 : vector<16xf32>
        %add3A_1941 = arith.constant 9 : i32
        %add3A_1942 = arith.addi %add3A_776, %add3A_1941 : i32
        %get3A_1943 = arith.index_cast %add3A_1942 : i32 to index
        %get3A_1944 = arith.constant 112 : index
        %get3A_1945 = tpu.vector_load %arg11[%get3A_1943, %get3A_1944] {strides = array<i32>} : memref<320x128xf32, #tpu.memory_space<vmem>>, vector<16xf32>,
        %mul3A_1946 = arith.mulf %get3A_823, %get3A_1945 : vector<16xf32>
        %add3A_1947 = arith.addf %add3A_1940, %mul3A_1946 : vector<16xf32>
        %eq3A_1948 = vector.broadcast %scan3A_748 : i32 to vector<16xi32>
        %eq3A_1949 = arith.cmpi eq, %iota3A, %eq3A_1948 : vector<16xi32>
        %reduce_sum3A_1950 = arith.constant true
        %reduce_sum3A_1951 = vector.broadcast %reduce_sum3A_1950 : i1 to vector<16xi1>
        %reduce_sum3A_1952 = tpu.scan <sum>, %add3A_1947 masked %reduce_sum3A_1951 : vector<16xf32>, vector<16xi1> -> vector<16xf32>
        %reduce_sum3A_1953 = vector.extract %reduce_sum3A_1952[15] : f32 from vector<16xf32>
        %broadcast_in_dim3A_1954 = vector.broadcast %reduce_sum3A_1953 : f32 to vector<16xf32>
        %select_n3A_1955 = arith.select %eq3A_1949, %broadcast_in_dim3A_1954, %scan3A_766 : vector<16xi1>, vector<16xf32>
        scf.yield %select_n3A, %select_n3A_947, %select_n3A_1010, %select_n3A_1073, %select_n3A_1136, %select_n3A_1199, %select_n3A_1262, %select_n3A_1325, %select_n3A_1388, %select_n3A_1451, %select_n3A_1514, %select_n3A_1577, %select_n3A_1640, %select_n3A_1703, %select_n3A_1766, %select_n3A_1829, %select_n3A_1892, %select_n3A_1955 : vector<16xf32>, vector<16xf32>, vector<16xf32>, vector<16xf32>, vector<16xf32>, vector<16xf32>, vector<16xf32>, vector<16xf32>, vector<16xf32>, vector<16xf32>, vector<16xf32>, vector<16xf32>, vector<16xf32>, vector<16xf32>, vector<16xf32>, vector<16xf32>, vector<16xf32>, vector<16xf32>
      }
      %scan3A_431 = arith.constant 16 : i32
      %max3A = arith.maximumf %scan3A_430#0, %scan3A_430#1 : vector<16xf32>
      %max3A_432 = arith.maximumf %max3A, %scan3A_430#2 : vector<16xf32>
      %max3A_433 = arith.maximumf %max3A_432, %scan3A_430#3 : vector<16xf32>
      %max3A_434 = arith.maximumf %max3A_433, %scan3A_430#4 : vector<16xf32>
      %max3A_435 = arith.maximumf %max3A_434, %scan3A_430#5 : vector<16xf32>
      %max3A_436 = arith.maximumf %max3A_435, %scan3A_430#6 : vector<16xf32>
      %max3A_437 = arith.maximumf %max3A_436, %scan3A_430#7 : vector<16xf32>
      %max3A_438 = arith.maximumf %max3A_437, %scan3A_430#8 : vector<16xf32>
      %max3A_439 = arith.maximumf %max3A_438, %scan3A_430#9 : vector<16xf32>
      %max3A_440 = arith.maximumf %max3A_439, %scan3A_430#10 : vector<16xf32>
      %max3A_441 = arith.maximumf %max3A_440, %scan3A_430#11 : vector<16xf32>
      %max3A_442 = arith.maximumf %max3A_441, %scan3A_430#12 : vector<16xf32>
      %max3A_443 = arith.maximumf %max3A_442, %scan3A_430#13 : vector<16xf32>
      %max3A_444 = arith.maximumf %max3A_443, %scan3A_430#14 : vector<16xf32>
      %max3A_445 = arith.maximumf %max3A_444, %scan3A_430#15 : vector<16xf32>
      %max3A_446 = arith.maximumf %max3A_445, %scan3A_430#16 : vector<16xf32>
      %max3A_447 = arith.maximumf %max3A_446, %scan3A_430#17 : vector<16xf32>
      %broadcast_in_dim3A_448 = arith.constant 0.000000e+00 : f32
      %broadcast_in_dim3A_449 = vector.broadcast %broadcast_in_dim3A_448 : f32 to vector<16xf32>
      %broadcast_in_dim3A_450 = arith.constant 0.000000e+00 : f32
      %broadcast_in_dim3A_451 = vector.broadcast %broadcast_in_dim3A_450 : f32 to vector<16xf32>
      %sub3A = arith.subf %scan3A_430#0, %max3A_447 : vector<16xf32>
      %exp3A = math.exp %sub3A : vector<16xf32>
      %add3A_452 = arith.addf %broadcast_in_dim3A_449, %exp3A : vector<16xf32>
      %sub3A_453 = arith.subf %scan3A_430#9, %max3A_447 : vector<16xf32>
      %exp3A_454 = math.exp %sub3A_453 : vector<16xf32>
      %add3A_455 = arith.addf %broadcast_in_dim3A_451, %exp3A_454 : vector<16xf32>
      %sub3A_456 = arith.subf %scan3A_430#1, %max3A_447 : vector<16xf32>
      %exp3A_457 = math.exp %sub3A_456 : vector<16xf32>
      %add3A_458 = arith.addf %add3A_452, %exp3A_457 : vector<16xf32>
      %sub3A_459 = arith.subf %scan3A_430#10, %max3A_447 : vector<16xf32>
      %exp3A_460 = math.exp %sub3A_459 : vector<16xf32>
      %add3A_461 = arith.addf %add3A_455, %exp3A_460 : vector<16xf32>
      %sub3A_462 = arith.subf %scan3A_430#2, %max3A_447 : vector<16xf32>
      %exp3A_463 = math.exp %sub3A_462 : vector<16xf32>
      %add3A_464 = arith.addf %add3A_458, %exp3A_463 : vector<16xf32>
      %sub3A_465 = arith.subf %scan3A_430#11, %max3A_447 : vector<16xf32>
      %exp3A_466 = math.exp %sub3A_465 : vector<16xf32>
      %add3A_467 = arith.addf %add3A_461, %exp3A_466 : vector<16xf32>
      %sub3A_468 = arith.subf %scan3A_430#3, %max3A_447 : vector<16xf32>
      %exp3A_469 = math.exp %sub3A_468 : vector<16xf32>
      %add3A_470 = arith.addf %add3A_464, %exp3A_469 : vector<16xf32>
      %sub3A_471 = arith.subf %scan3A_430#12, %max3A_447 : vector<16xf32>
      %exp3A_472 = math.exp %sub3A_471 : vector<16xf32>
      %add3A_473 = arith.addf %add3A_467, %exp3A_472 : vector<16xf32>
      %sub3A_474 = arith.subf %scan3A_430#4, %max3A_447 : vector<16xf32>
      %exp3A_475 = math.exp %sub3A_474 : vector<16xf32>
      %add3A_476 = arith.addf %add3A_470, %exp3A_475 : vector<16xf32>
      %sub3A_477 = arith.subf %scan3A_430#13, %max3A_447 : vector<16xf32>
      %exp3A_478 = math.exp %sub3A_477 : vector<16xf32>
      %add3A_479 = arith.addf %add3A_473, %exp3A_478 : vector<16xf32>
      %sub3A_480 = arith.subf %scan3A_430#5, %max3A_447 : vector<16xf32>
      %exp3A_481 = math.exp %sub3A_480 : vector<16xf32>
      %add3A_482 = arith.addf %add3A_476, %exp3A_481 : vector<16xf32>
      %sub3A_483 = arith.subf %scan3A_430#14, %max3A_447 : vector<16xf32>
      %exp3A_484 = math.exp %sub3A_483 : vector<16xf32>
      %add3A_485 = arith.addf %add3A_479, %exp3A_484 : vector<16xf32>
      %sub3A_486 = arith.subf %scan3A_430#6, %max3A_447 : vector<16xf32>
      %exp3A_487 = math.exp %sub3A_486 : vector<16xf32>
      %add3A_488 = arith.addf %add3A_482, %exp3A_487 : vector<16xf32>
      %sub3A_489 = arith.subf %scan3A_430#15, %max3A_447 : vector<16xf32>
      %exp3A_490 = math.exp %sub3A_489 : vector<16xf32>
      %add3A_491 = arith.addf %add3A_485, %exp3A_490 : vector<16xf32>
      %sub3A_492 = arith.subf %scan3A_430#7, %max3A_447 : vector<16xf32>
      %exp3A_493 = math.exp %sub3A_492 : vector<16xf32>
      %add3A_494 = arith.addf %add3A_488, %exp3A_493 : vector<16xf32>
      %sub3A_495 = arith.subf %scan3A_430#16, %max3A_447 : vector<16xf32>
      %exp3A_496 = math.exp %sub3A_495 : vector<16xf32>
      %add3A_497 = arith.addf %add3A_491, %exp3A_496 : vector<16xf32>
      %sub3A_498 = arith.subf %scan3A_430#8, %max3A_447 : vector<16xf32>
      %exp3A_499 = math.exp %sub3A_498 : vector<16xf32>
      %add3A_500 = arith.addf %add3A_494, %exp3A_499 : vector<16xf32>
      %sub3A_501 = arith.subf %scan3A_430#17, %max3A_447 : vector<16xf32>
      %exp3A_502 = math.exp %sub3A_501 : vector<16xf32>
      %add3A_503 = arith.addf %add3A_497, %exp3A_502 : vector<16xf32>
      %add3A_504 = arith.addf %add3A_500, %add3A_503 : vector<16xf32>
      %div3A = arith.divf %add3A_500, %add3A_504 : vector<16xf32>
      %add3A_505 = arith.addf %scan3A_269, %div3A : vector<16xf32>
      %mul3A_506 = arith.constant 2 : i32
      %mul3A_507 = arith.muli %mul3A_506, %scan3A_268 : i32
      %add3A_508 = arith.constant 1 : i32
      %add3A_509 = arith.addi %mul3A_507, %add3A_508 : i32
      %dma_wait3A_510 = arith.constant 0 : i32
      %dma_wait3A_511 = tpu.memref_slice %arg9[%dma_wait3A_510] : memref<320xi32, #tpu.memory_space<vmem>> -> memref<80xi32, #tpu.memory_space<vmem>>
      %dma_wait3A_512 = arith.constant 0 : i32
      %dma_wait3A_513 = tpu.memref_slice %arg7[%dma_wait3A_512] : memref<320xi32, #tpu.memory_space<vmem>> -> memref<80xi32, #tpu.memory_space<vmem>>
      %dma_wait3A_514 = arith.constant 0 : i32
      %dma_wait3A_515 = tpu.memref_slice %arg14[%dma_wait3A_514] : memref<100000xi32, #tpu.memory_space<vmem_shared>> -> memref<100000xi32, #tpu.memory_space<vmem_shared>>
      tpu.wait_indirect_dma semaphore(%arg17 : memref<!tpu.dma_semaphore, #tpu.memory_space<semaphore_mem>>) src(%dma_wait3A_515 : memref<100000xi32, #tpu.memory_space<vmem_shared>>) dst(%dma_wait3A_511 : memref<80xi32, #tpu.memory_space<vmem>>)
      %dma_wait3A_516 = arith.constant 80 : i32
      %dma_wait3A_517 = tpu.memref_slice %arg9[%dma_wait3A_516] : memref<320xi32, #tpu.memory_space<vmem>> -> memref<80xi32, #tpu.memory_space<vmem>>
      %dma_wait3A_518 = arith.constant 80 : i32
      %dma_wait3A_519 = tpu.memref_slice %arg7[%dma_wait3A_518] : memref<320xi32, #tpu.memory_space<vmem>> -> memref<80xi32, #tpu.memory_space<vmem>>
      %dma_wait3A_520 = arith.constant 0 : i32
      %dma_wait3A_521 = tpu.memref_slice %arg14[%dma_wait3A_520] : memref<100000xi32, #tpu.memory_space<vmem_shared>> -> memref<100000xi32, #tpu.memory_space<vmem_shared>>
      tpu.wait_indirect_dma semaphore(%arg17 : memref<!tpu.dma_semaphore, #tpu.memory_space<semaphore_mem>>) src(%dma_wait3A_521 : memref<100000xi32, #tpu.memory_space<vmem_shared>>) dst(%dma_wait3A_517 : memref<80xi32, #tpu.memory_space<vmem>>)
      %dma_wait3A_522 = arith.constant 160 : i32
      %dma_wait3A_523 = tpu.memref_slice %arg9[%dma_wait3A_522] : memref<320xi32, #tpu.memory_space<vmem>> -> memref<80xi32, #tpu.memory_space<vmem>>
      %dma_wait3A_524 = arith.constant 160 : i32
      %dma_wait3A_525 = tpu.memref_slice %arg7[%dma_wait3A_524] : memref<320xi32, #tpu.memory_space<vmem>> -> memref<80xi32, #tpu.memory_space<vmem>>
      %dma_wait3A_526 = arith.constant 0 : i32
      %dma_wait3A_527 = tpu.memref_slice %arg14[%dma_wait3A_526] : memref<100000xi32, #tpu.memory_space<vmem_shared>> -> memref<100000xi32, #tpu.memory_space<vmem_shared>>
      tpu.wait_indirect_dma semaphore(%arg17 : memref<!tpu.dma_semaphore, #tpu.memory_space<semaphore_mem>>) src(%dma_wait3A_527 : memref<100000xi32, #tpu.memory_space<vmem_shared>>) dst(%dma_wait3A_523 : memref<80xi32, #tpu.memory_space<vmem>>)
      %dma_wait3A_528 = arith.constant 240 : i32
      %dma_wait3A_529 = tpu.memref_slice %arg9[%dma_wait3A_528] : memref<320xi32, #tpu.memory_space<vmem>> -> memref<80xi32, #tpu.memory_space<vmem>>
      %dma_wait3A_530 = arith.constant 240 : i32
      %dma_wait3A_531 = tpu.memref_slice %arg7[%dma_wait3A_530] : memref<320xi32, #tpu.memory_space<vmem>> -> memref<80xi32, #tpu.memory_space<vmem>>
      %dma_wait3A_532 = arith.constant 0 : i32
      %dma_wait3A_533 = tpu.memref_slice %arg14[%dma_wait3A_532] : memref<100000xi32, #tpu.memory_space<vmem_shared>> -> memref<100000xi32, #tpu.memory_space<vmem_shared>>
      tpu.wait_indirect_dma semaphore(%arg17 : memref<!tpu.dma_semaphore, #tpu.memory_space<semaphore_mem>>) src(%dma_wait3A_533 : memref<100000xi32, #tpu.memory_space<vmem_shared>>) dst(%dma_wait3A_529 : memref<80xi32, #tpu.memory_space<vmem>>)
      %dma_start3A_534 = arith.constant 0 : i32
      %dma_start3A_535 = arith.constant 0 : i32
      %dma_start3A_536 = tpu.memref_slice %arg11[%dma_start3A_534, %dma_start3A_535] : memref<320x128xf32, #tpu.memory_space<vmem>> -> memref<80x128xf32, #tpu.memory_space<vmem>>
      %dma_start3A_537 = arith.constant 0 : i32
      %dma_start3A_538 = tpu.memref_slice %arg9[%dma_start3A_537] : memref<320xi32, #tpu.memory_space<vmem>> -> memref<80xi32, #tpu.memory_space<vmem>>
      %dma_start3A_539 = arith.constant 0 : i32
      %dma_start3A_540 = arith.constant 0 : i32
      %dma_start3A_541 = tpu.memref_slice %arg5[%dma_start3A_539, %dma_start3A_540] : memref<100000x128xf32, #tpu.memory_space<hbm>> -> memref<100000x128xf32, #tpu.memory_space<hbm>>
      tpu.enqueue_indirect_dma source(%dma_start3A_541 : memref<100000x128xf32, #tpu.memory_space<hbm>>) target(%dma_start3A_536 : memref<80x128xf32, #tpu.memory_space<vmem>>) offsets(%dma_start3A_538 : memref<80xi32, #tpu.memory_space<vmem>>) semaphore(%arg19 : memref<!tpu.dma_semaphore, #tpu.memory_space<semaphore_mem>>)
      %dma_start3A_542 = arith.constant 80 : i32
      %dma_start3A_543 = arith.constant 0 : i32
      %dma_start3A_544 = tpu.memref_slice %arg11[%dma_start3A_542, %dma_start3A_543] : memref<320x128xf32, #tpu.memory_space<vmem>> -> memref<80x128xf32, #tpu.memory_space<vmem>>
      %dma_start3A_545 = arith.constant 80 : i32
      %dma_start3A_546 = tpu.memref_slice %arg9[%dma_start3A_545] : memref<320xi32, #tpu.memory_space<vmem>> -> memref<80xi32, #tpu.memory_space<vmem>>
      %dma_start3A_547 = arith.constant 0 : i32
      %dma_start3A_548 = arith.constant 0 : i32
      %dma_start3A_549 = tpu.memref_slice %arg5[%dma_start3A_547, %dma_start3A_548] : memref<100000x128xf32, #tpu.memory_space<hbm>> -> memref<100000x128xf32, #tpu.memory_space<hbm>>
      tpu.enqueue_indirect_dma source(%dma_start3A_549 : memref<100000x128xf32, #tpu.memory_space<hbm>>) target(%dma_start3A_544 : memref<80x128xf32, #tpu.memory_space<vmem>>) offsets(%dma_start3A_546 : memref<80xi32, #tpu.memory_space<vmem>>) semaphore(%arg19 : memref<!tpu.dma_semaphore, #tpu.memory_space<semaphore_mem>>)
      %dma_start3A_550 = arith.constant 160 : i32
      %dma_start3A_551 = arith.constant 0 : i32
      %dma_start3A_552 = tpu.memref_slice %arg11[%dma_start3A_550, %dma_start3A_551] : memref<320x128xf32, #tpu.memory_space<vmem>> -> memref<80x128xf32, #tpu.memory_space<vmem>>
      %dma_start3A_553 = arith.constant 160 : i32
      %dma_start3A_554 = tpu.memref_slice %arg9[%dma_start3A_553] : memref<320xi32, #tpu.memory_space<vmem>> -> memref<80xi32, #tpu.memory_space<vmem>>
      %dma_start3A_555 = arith.constant 0 : i32
      %dma_start3A_556 = arith.constant 0 : i32
      %dma_start3A_557 = tpu.memref_slice %arg5[%dma_start3A_555, %dma_start3A_556] : memref<100000x128xf32, #tpu.memory_space<hbm>> -> memref<100000x128xf32, #tpu.memory_space<hbm>>
      tpu.enqueue_indirect_dma source(%dma_start3A_557 : memref<100000x128xf32, #tpu.memory_space<hbm>>) target(%dma_start3A_552 : memref<80x128xf32, #tpu.memory_space<vmem>>) offsets(%dma_start3A_554 : memref<80xi32, #tpu.memory_space<vmem>>) semaphore(%arg19 : memref<!tpu.dma_semaphore, #tpu.memory_space<semaphore_mem>>)
      %dma_start3A_558 = arith.constant 240 : i32
      %dma_start3A_559 = arith.constant 0 : i32
      %dma_start3A_560 = tpu.memref_slice %arg11[%dma_start3A_558, %dma_start3A_559] : memref<320x128xf32, #tpu.memory_space<vmem>> -> memref<80x128xf32, #tpu.memory_space<vmem>>
      %dma_start3A_561 = arith.constant 240 : i32
      %dma_start3A_562 = tpu.memref_slice %arg9[%dma_start3A_561] : memref<320xi32, #tpu.memory_space<vmem>> -> memref<80xi32, #tpu.memory_space<vmem>>
      %dma_start3A_563 = arith.constant 0 : i32
      %dma_start3A_564 = arith.constant 0 : i32
      %dma_start3A_565 = tpu.memref_slice %arg5[%dma_start3A_563, %dma_start3A_564] : memref<100000x128xf32, #tpu.memory_space<hbm>> -> memref<100000x128xf32, #tpu.memory_space<hbm>>
      tpu.enqueue_indirect_dma source(%dma_start3A_565 : memref<100000x128xf32, #tpu.memory_space<hbm>>) target(%dma_start3A_560 : memref<80x128xf32, #tpu.memory_space<vmem>>) offsets(%dma_start3A_562 : memref<80xi32, #tpu.memory_space<vmem>>) semaphore(%arg19 : memref<!tpu.dma_semaphore, #tpu.memory_space<semaphore_mem>>)
      %dma_wait3A_566 = arith.constant 0 : i32
      %dma_wait3A_567 = arith.constant 0 : i32
      %dma_wait3A_568 = tpu.memref_slice %arg12[%dma_wait3A_566, %dma_wait3A_567] : memref<320x128xf32, #tpu.memory_space<vmem>> -> memref<80x128xf32, #tpu.memory_space<vmem>>
      %dma_wait3A_569 = arith.constant 0 : i32
      %dma_wait3A_570 = tpu.memref_slice %arg10[%dma_wait3A_569] : memref<320xi32, #tpu.memory_space<vmem>> -> memref<80xi32, #tpu.memory_space<vmem>>
      %dma_wait3A_571 = arith.constant 0 : i32
      %dma_wait3A_572 = arith.constant 0 : i32
      %dma_wait3A_573 = tpu.memref_slice %arg5[%dma_wait3A_571, %dma_wait3A_572] : memref<100000x128xf32, #tpu.memory_space<hbm>> -> memref<100000x128xf32, #tpu.memory_space<hbm>>
      tpu.wait_indirect_dma semaphore(%arg20 : memref<!tpu.dma_semaphore, #tpu.memory_space<semaphore_mem>>) src(%dma_wait3A_573 : memref<100000x128xf32, #tpu.memory_space<hbm>>) dst(%dma_wait3A_568 : memref<80x128xf32, #tpu.memory_space<vmem>>)
      %dma_wait3A_574 = arith.constant 80 : i32
      %dma_wait3A_575 = arith.constant 0 : i32
      %dma_wait3A_576 = tpu.memref_slice %arg12[%dma_wait3A_574, %dma_wait3A_575] : memref<320x128xf32, #tpu.memory_space<vmem>> -> memref<80x128xf32, #tpu.memory_space<vmem>>
      %dma_wait3A_577 = arith.constant 80 : i32
      %dma_wait3A_578 = tpu.memref_slice %arg10[%dma_wait3A_577] : memref<320xi32, #tpu.memory_space<vmem>> -> memref<80xi32, #tpu.memory_space<vmem>>
      %dma_wait3A_579 = arith.constant 0 : i32
      %dma_wait3A_580 = arith.constant 0 : i32
      %dma_wait3A_581 = tpu.memref_slice %arg5[%dma_wait3A_579, %dma_wait3A_580] : memref<100000x128xf32, #tpu.memory_space<hbm>> -> memref<100000x128xf32, #tpu.memory_space<hbm>>
      tpu.wait_indirect_dma semaphore(%arg20 : memref<!tpu.dma_semaphore, #tpu.memory_space<semaphore_mem>>) src(%dma_wait3A_581 : memref<100000x128xf32, #tpu.memory_space<hbm>>) dst(%dma_wait3A_576 : memref<80x128xf32, #tpu.memory_space<vmem>>)
      %dma_wait3A_582 = arith.constant 160 : i32
      %dma_wait3A_583 = arith.constant 0 : i32
      %dma_wait3A_584 = tpu.memref_slice %arg12[%dma_wait3A_582, %dma_wait3A_583] : memref<320x128xf32, #tpu.memory_space<vmem>> -> memref<80x128xf32, #tpu.memory_space<vmem>>
      %dma_wait3A_585 = arith.constant 160 : i32
      %dma_wait3A_586 = tpu.memref_slice %arg10[%dma_wait3A_585] : memref<320xi32, #tpu.memory_space<vmem>> -> memref<80xi32, #tpu.memory_space<vmem>>
      %dma_wait3A_587 = arith.constant 0 : i32
      %dma_wait3A_588 = arith.constant 0 : i32
      %dma_wait3A_589 = tpu.memref_slice %arg5[%dma_wait3A_587, %dma_wait3A_588] : memref<100000x128xf32, #tpu.memory_space<hbm>> -> memref<100000x128xf32, #tpu.memory_space<hbm>>
      tpu.wait_indirect_dma semaphore(%arg20 : memref<!tpu.dma_semaphore, #tpu.memory_space<semaphore_mem>>) src(%dma_wait3A_589 : memref<100000x128xf32, #tpu.memory_space<hbm>>) dst(%dma_wait3A_584 : memref<80x128xf32, #tpu.memory_space<vmem>>)
      %dma_wait3A_590 = arith.constant 240 : i32
      %dma_wait3A_591 = arith.constant 0 : i32
      %dma_wait3A_592 = tpu.memref_slice %arg12[%dma_wait3A_590, %dma_wait3A_591] : memref<320x128xf32, #tpu.memory_space<vmem>> -> memref<80x128xf32, #tpu.memory_space<vmem>>
      %dma_wait3A_593 = arith.constant 240 : i32
      %dma_wait3A_594 = tpu.memref_slice %arg10[%dma_wait3A_593] : memref<320xi32, #tpu.memory_space<vmem>> -> memref<80xi32, #tpu.memory_space<vmem>>
      %dma_wait3A_595 = arith.constant 0 : i32
      %dma_wait3A_596 = arith.constant 0 : i32
      %dma_wait3A_597 = tpu.memref_slice %arg5[%dma_wait3A_595, %dma_wait3A_596] : memref<100000x128xf32, #tpu.memory_space<hbm>> -> memref<100000x128xf32, #tpu.memory_space<hbm>>
      tpu.wait_indirect_dma semaphore(%arg20 : memref<!tpu.dma_semaphore, #tpu.memory_space<semaphore_mem>>) src(%dma_wait3A_597 : memref<100000x128xf32, #tpu.memory_space<hbm>>) dst(%dma_wait3A_592 : memref<80x128xf32, #tpu.memory_space<vmem>>)
      %add3A_598 = arith.constant 3 : i32
      %add3A_599 = arith.addi %add3A_509, %add3A_598 : i32
      %rem3A_600 = arith.constant 128 : i32
      %rem3A_601 = arith.remsi %add3A_599, %rem3A_600 : i32
      %mul3A_602 = arith.constant 160 : i32
      %mul3A_603 = arith.muli %rem3A_601, %mul3A_602 : i32
      %add3A_604 = arith.addi %mul3A_2, %mul3A_603 : i32
      %multiple_of3A_605 = tpu.assume_multiple %add3A_604, 8 : i32
      %dma_start3A_606 = arith.constant 0 : i32
      %dma_start3A_607 = tpu.memref_slice %arg7[%dma_start3A_606] : memref<320xi32, #tpu.memory_space<vmem>> -> memref<160xi32, #tpu.memory_space<vmem>>
      %dma_start3A_608 = tpu.memref_slice %arg2[%multiple_of3A_605] : memref<655360xi32, #tpu.memory_space<hbm>> -> memref<160xi32, #tpu.memory_space<hbm>>
      %dma_start3A_609 = arith.constant 0 : i32
      %dma_start3A_610 = tpu.memref_slice %arg7[%dma_start3A_609] : memref<320xi32, #tpu.memory_space<vmem>> -> memref<160xi32, #tpu.memory_space<vmem>>
      %dma_start3A_611 = tpu.memref_slice %arg2[%multiple_of3A_605] : memref<655360xi32, #tpu.memory_space<hbm>> -> memref<160xi32, #tpu.memory_space<hbm>>
      tpu.enqueue_dma source(%dma_start3A_611 : memref<160xi32, #tpu.memory_space<hbm>>) target(%dma_start3A_610 : memref<160xi32, #tpu.memory_space<vmem>>) target_semaphore(%arg15 : memref<!tpu.dma_semaphore, #tpu.memory_space<semaphore_mem>>)
      %dma_start3A_612 = arith.constant 160 : i32
      %dma_start3A_613 = tpu.memref_slice %arg7[%dma_start3A_612] : memref<320xi32, #tpu.memory_space<vmem>> -> memref<160xi32, #tpu.memory_space<vmem>>
      %dma_start3A_614 = tpu.memref_slice %arg3[%multiple_of3A_605] : memref<655360xi32, #tpu.memory_space<hbm>> -> memref<160xi32, #tpu.memory_space<hbm>>
      %dma_start3A_615 = arith.constant 160 : i32
      %dma_start3A_616 = tpu.memref_slice %arg7[%dma_start3A_615] : memref<320xi32, #tpu.memory_space<vmem>> -> memref<160xi32, #tpu.memory_space<vmem>>
      %dma_start3A_617 = tpu.memref_slice %arg3[%multiple_of3A_605] : memref<655360xi32, #tpu.memory_space<hbm>> -> memref<160xi32, #tpu.memory_space<hbm>>
      tpu.enqueue_dma source(%dma_start3A_617 : memref<160xi32, #tpu.memory_space<hbm>>) target(%dma_start3A_616 : memref<160xi32, #tpu.memory_space<vmem>>) target_semaphore(%arg15 : memref<!tpu.dma_semaphore, #tpu.memory_space<semaphore_mem>>)
      %add3A_618 = arith.constant 2 : i32
      %add3A_619 = arith.addi %add3A_509, %add3A_618 : i32
      %rem3A_620 = arith.constant 128 : i32
      %rem3A_621 = arith.remsi %add3A_619, %rem3A_620 : i32
      %mul3A_622 = arith.constant 160 : i32
      %mul3A_623 = arith.muli %rem3A_621, %mul3A_622 : i32
      %add3A_624 = arith.addi %mul3A_2, %mul3A_623 : i32
      %multiple_of3A_625 = tpu.assume_multiple %add3A_624, 8 : i32
      %dma_wait3A_626 = arith.constant 0 : i32
      %dma_wait3A_627 = tpu.memref_slice %arg8[%dma_wait3A_626] : memref<320xi32, #tpu.memory_space<vmem>> -> memref<160xi32, #tpu.memory_space<vmem>>
      %dma_wait3A_628 = tpu.memref_slice %arg2[%multiple_of3A_625] : memref<655360xi32, #tpu.memory_space<hbm>> -> memref<160xi32, #tpu.memory_space<hbm>>
      %dma_wait3A_629 = arith.constant 0 : i32
      %dma_wait3A_630 = tpu.memref_slice %arg8[%dma_wait3A_629] : memref<320xi32, #tpu.memory_space<vmem>> -> memref<160xi32, #tpu.memory_space<vmem>>
      %dma_wait3A_631 = tpu.memref_slice %arg2[%multiple_of3A_625] : memref<655360xi32, #tpu.memory_space<hbm>> -> memref<160xi32, #tpu.memory_space<hbm>>
      tpu.wait_dma2 semaphore(%arg16 : memref<!tpu.dma_semaphore, #tpu.memory_space<semaphore_mem>>) src(%dma_wait3A_631 : memref<160xi32, #tpu.memory_space<hbm>>) dst(%dma_wait3A_630 : memref<160xi32, #tpu.memory_space<vmem>>)
      %dma_wait3A_632 = arith.constant 160 : i32
      %dma_wait3A_633 = tpu.memref_slice %arg8[%dma_wait3A_632] : memref<320xi32, #tpu.memory_space<vmem>> -> memref<160xi32, #tpu.memory_space<vmem>>
      %dma_wait3A_634 = tpu.memref_slice %arg3[%multiple_of3A_625] : memref<655360xi32, #tpu.memory_space<hbm>> -> memref<160xi32, #tpu.memory_space<hbm>>
      %dma_wait3A_635 = arith.constant 160 : i32
      %dma_wait3A_636 = tpu.memref_slice %arg8[%dma_wait3A_635] : memref<320xi32, #tpu.memory_space<vmem>> -> memref<160xi32, #tpu.memory_space<vmem>>
      %dma_wait3A_637 = tpu.memref_slice %arg3[%multiple_of3A_625] : memref<655360xi32, #tpu.memory_space<hbm>> -> memref<160xi32, #tpu.memory_space<hbm>>
      tpu.wait_dma2 semaphore(%arg16 : memref<!tpu.dma_semaphore, #tpu.memory_space<semaphore_mem>>) src(%dma_wait3A_637 : memref<160xi32, #tpu.memory_space<hbm>>) dst(%dma_wait3A_636 : memref<160xi32, #tpu.memory_space<vmem>>)
      %dma_start3A_638 = arith.constant 0 : i32
      %dma_start3A_639 = tpu.memref_slice %arg10[%dma_start3A_638] : memref<320xi32, #tpu.memory_space<vmem>> -> memref<80xi32, #tpu.memory_space<vmem>>
      %dma_start3A_640 = arith.constant 0 : i32
      %dma_start3A_641 = tpu.memref_slice %arg8[%dma_start3A_640] : memref<320xi32, #tpu.memory_space<vmem>> -> memref<80xi32, #tpu.memory_space<vmem>>
      %dma_start3A_642 = arith.constant 0 : i32
      %dma_start3A_643 = tpu.memref_slice %arg14[%dma_start3A_642] : memref<100000xi32, #tpu.memory_space<vmem_shared>> -> memref<100000xi32, #tpu.memory_space<vmem_shared>>
      tpu.enqueue_indirect_dma source(%dma_start3A_643 : memref<100000xi32, #tpu.memory_space<vmem_shared>>) target(%dma_start3A_639 : memref<80xi32, #tpu.memory_space<vmem>>) offsets(%dma_start3A_641 : memref<80xi32, #tpu.memory_space<vmem>>) semaphore(%arg18 : memref<!tpu.dma_semaphore, #tpu.memory_space<semaphore_mem>>)
      %dma_start3A_644 = arith.constant 80 : i32
      %dma_start3A_645 = tpu.memref_slice %arg10[%dma_start3A_644] : memref<320xi32, #tpu.memory_space<vmem>> -> memref<80xi32, #tpu.memory_space<vmem>>
      %dma_start3A_646 = arith.constant 80 : i32
      %dma_start3A_647 = tpu.memref_slice %arg8[%dma_start3A_646] : memref<320xi32, #tpu.memory_space<vmem>> -> memref<80xi32, #tpu.memory_space<vmem>>
      %dma_start3A_648 = arith.constant 0 : i32
      %dma_start3A_649 = tpu.memref_slice %arg14[%dma_start3A_648] : memref<100000xi32, #tpu.memory_space<vmem_shared>> -> memref<100000xi32, #tpu.memory_space<vmem_shared>>
      tpu.enqueue_indirect_dma source(%dma_start3A_649 : memref<100000xi32, #tpu.memory_space<vmem_shared>>) target(%dma_start3A_645 : memref<80xi32, #tpu.memory_space<vmem>>) offsets(%dma_start3A_647 : memref<80xi32, #tpu.memory_space<vmem>>) semaphore(%arg18 : memref<!tpu.dma_semaphore, #tpu.memory_space<semaphore_mem>>)
      %dma_start3A_650 = arith.constant 160 : i32
      %dma_start3A_651 = tpu.memref_slice %arg10[%dma_start3A_650] : memref<320xi32, #tpu.memory_space<vmem>> -> memref<80xi32, #tpu.memory_space<vmem>>
      %dma_start3A_652 = arith.constant 160 : i32
      %dma_start3A_653 = tpu.memref_slice %arg8[%dma_start3A_652] : memref<320xi32, #tpu.memory_space<vmem>> -> memref<80xi32, #tpu.memory_space<vmem>>
      %dma_start3A_654 = arith.constant 0 : i32
      %dma_start3A_655 = tpu.memref_slice %arg14[%dma_start3A_654] : memref<100000xi32, #tpu.memory_space<vmem_shared>> -> memref<100000xi32, #tpu.memory_space<vmem_shared>>
      tpu.enqueue_indirect_dma source(%dma_start3A_655 : memref<100000xi32, #tpu.memory_space<vmem_shared>>) target(%dma_start3A_651 : memref<80xi32, #tpu.memory_space<vmem>>) offsets(%dma_start3A_653 : memref<80xi32, #tpu.memory_space<vmem>>) semaphore(%arg18 : memref<!tpu.dma_semaphore, #tpu.memory_space<semaphore_mem>>)
      %dma_start3A_656 = arith.constant 240 : i32
      %dma_start3A_657 = tpu.memref_slice %arg10[%dma_start3A_656] : memref<320xi32, #tpu.memory_space<vmem>> -> memref<80xi32, #tpu.memory_space<vmem>>
      %dma_start3A_658 = arith.constant 240 : i32
      %dma_start3A_659 = tpu.memref_slice %arg8[%dma_start3A_658] : memref<320xi32, #tpu.memory_space<vmem>> -> memref<80xi32, #tpu.memory_space<vmem>>
      %dma_start3A_660 = arith.constant 0 : i32
      %dma_start3A_661 = tpu.memref_slice %arg14[%dma_start3A_660] : memref<100000xi32, #tpu.memory_space<vmem_shared>> -> memref<100000xi32, #tpu.memory_space<vmem_shared>>
      tpu.enqueue_indirect_dma source(%dma_start3A_661 : memref<100000xi32, #tpu.memory_space<vmem_shared>>) target(%dma_start3A_657 : memref<80xi32, #tpu.memory_space<vmem>>) offsets(%dma_start3A_659 : memref<80xi32, #tpu.memory_space<vmem>>) semaphore(%arg18 : memref<!tpu.dma_semaphore, #tpu.memory_space<semaphore_mem>>)
      %broadcast_in_dim3A_662 = arith.constant 0.000000e+00 : f32
      %broadcast_in_dim3A_663 = vector.broadcast %broadcast_in_dim3A_662 : f32 to vector<16xf32>
      %scan3A_664 = arith.constant 0 : i32
      %scan3A_665 = arith.constant 16 : i32
      %scan3A_666 = arith.addi %scan3A_664, %scan3A_665 : i32
      %scan3A_667 = arith.constant 1 : i32
      %scan3A_668:18 = scf.for %scan3A_748 = %scan3A_664 to %scan3A_666 step %scan3A_667 iter_args(%scan3A_749 = %broadcast_in_dim3A_663, %scan3A_750 = %broadcast_in_dim3A_663, %scan3A_751 = %broadcast_in_dim3A_663, %scan3A_752 = %broadcast_in_dim3A_663, %scan3A_753 = %broadcast_in_dim3A_663, %scan3A_754 = %broadcast_in_dim3A_663, %scan3A_755 = %broadcast_in_dim3A_663, %scan3A_756 = %broadcast_in_dim3A_663, %scan3A_757 = %broadcast_in_dim3A_663, %scan3A_758 = %broadcast_in_dim3A_663, %scan3A_759 = %broadcast_in_dim3A_663, %scan3A_760 = %broadcast_in_dim3A_663, %scan3A_761 = %broadcast_in_dim3A_663, %scan3A_762 = %broadcast_in_dim3A_663, %scan3A_763 = %broadcast_in_dim3A_663, %scan3A_764 = %broadcast_in_dim3A_663, %scan3A_765 = %broadcast_in_dim3A_663, %scan3A_766 = %broadcast_in_dim3A_663) -> (vector<16xf32>, vector<16xf32>, vector<16xf32>, vector<16xf32>, vector<16xf32>, vector<16xf32>, vector<16xf32>, vector<16xf32>, vector<16xf32>, vector<16xf32>, vector<16xf32>, vector<16xf32>, vector<16xf32>, vector<16xf32>, vector<16xf32>, vector<16xf32>, vector<16xf32>, vector<16xf32>)  : i32 {
        %add3A_767 = arith.constant 0 : i32
        %add3A_768 = arith.addi %add3A_767, %scan3A_748 : i32
        %mul3A_769 = arith.constant 10 : i32
        %mul3A_770 = arith.muli %add3A_768, %mul3A_769 : i32
        %add3A_771 = arith.constant 0 : i32
        %add3A_772 = arith.addi %add3A_771, %scan3A_748 : i32
        %mul3A_773 = arith.constant 10 : i32
        %mul3A_774 = arith.muli %add3A_772, %mul3A_773 : i32
        %add3A_775 = arith.constant 160 : i32
        %add3A_776 = arith.addi %add3A_775, %mul3A_774 : i32
        %get3A = arith.index_cast %mul3A_770 : i32 to index
        %get3A_777 = arith.constant 0 : index
        %get3A_778 = tpu.vector_load %arg12[%get3A, %get3A_777] {strides = array<i32>} : memref<320x128xf32, #tpu.memory_space<vmem>>, vector<16xf32>,
        %get3A_779 = arith.index_cast %mul3A_770 : i32 to index
        %get3A_780 = arith.constant 16 : index
        %get3A_781 = tpu.vector_load %arg12[%get3A_779, %get3A_780] {strides = array<i32>} : memref<320x128xf32, #tpu.memory_space<vmem>>, vector<16xf32>,
        %get3A_782 = arith.index_cast %mul3A_770 : i32 to index
        %get3A_783 = arith.constant 32 : index
        %get3A_784 = tpu.vector_load %arg12[%get3A_782, %get3A_783] {strides = array<i32>} : memref<320x128xf32, #tpu.memory_space<vmem>>, vector<16xf32>,
        %get3A_785 = arith.index_cast %mul3A_770 : i32 to index
        %get3A_786 = arith.constant 48 : index
        %get3A_787 = tpu.vector_load %arg12[%get3A_785, %get3A_786] {strides = array<i32>} : memref<320x128xf32, #tpu.memory_space<vmem>>, vector<16xf32>,
        %get3A_788 = arith.index_cast %mul3A_770 : i32 to index
        %get3A_789 = arith.constant 64 : index
        %get3A_790 = tpu.vector_load %arg12[%get3A_788, %get3A_789] {strides = array<i32>} : memref<320x128xf32, #tpu.memory_space<vmem>>, vector<16xf32>,
        %get3A_791 = arith.index_cast %mul3A_770 : i32 to index
        %get3A_792 = arith.constant 80 : index
        %get3A_793 = tpu.vector_load %arg12[%get3A_791, %get3A_792] {strides = array<i32>} : memref<320x128xf32, #tpu.memory_space<vmem>>, vector<16xf32>,
        %get3A_794 = arith.index_cast %mul3A_770 : i32 to index
        %get3A_795 = arith.constant 96 : index
        %get3A_796 = tpu.vector_load %arg12[%get3A_794, %get3A_795] {strides = array<i32>} : memref<320x128xf32, #tpu.memory_space<vmem>>, vector<16xf32>,
        %get3A_797 = arith.index_cast %mul3A_770 : i32 to index
        %get3A_798 = arith.constant 112 : index
        %get3A_799 = tpu.vector_load %arg12[%get3A_797, %get3A_798] {strides = array<i32>} : memref<320x128xf32, #tpu.memory_space<vmem>>, vector<16xf32>,
        %get3A_800 = arith.index_cast %add3A_776 : i32 to index
        %get3A_801 = arith.constant 0 : index
        %get3A_802 = tpu.vector_load %arg12[%get3A_800, %get3A_801] {strides = array<i32>} : memref<320x128xf32, #tpu.memory_space<vmem>>, vector<16xf32>,
        %get3A_803 = arith.index_cast %add3A_776 : i32 to index
        %get3A_804 = arith.constant 16 : index
        %get3A_805 = tpu.vector_load %arg12[%get3A_803, %get3A_804] {strides = array<i32>} : memref<320x128xf32, #tpu.memory_space<vmem>>, vector<16xf32>,
        %get3A_806 = arith.index_cast %add3A_776 : i32 to index
        %get3A_807 = arith.constant 32 : index
        %get3A_808 = tpu.vector_load %arg12[%get3A_806, %get3A_807] {strides = array<i32>} : memref<320x128xf32, #tpu.memory_space<vmem>>, vector<16xf32>,
        %get3A_809 = arith.index_cast %add3A_776 : i32 to index
        %get3A_810 = arith.constant 48 : index
        %get3A_811 = tpu.vector_load %arg12[%get3A_809, %get3A_810] {strides = array<i32>} : memref<320x128xf32, #tpu.memory_space<vmem>>, vector<16xf32>,
        %get3A_812 = arith.index_cast %add3A_776 : i32 to index
        %get3A_813 = arith.constant 64 : index
        %get3A_814 = tpu.vector_load %arg12[%get3A_812, %get3A_813] {strides = array<i32>} : memref<320x128xf32, #tpu.memory_space<vmem>>, vector<16xf32>,
        %get3A_815 = arith.index_cast %add3A_776 : i32 to index
        %get3A_816 = arith.constant 80 : index
        %get3A_817 = tpu.vector_load %arg12[%get3A_815, %get3A_816] {strides = array<i32>} : memref<320x128xf32, #tpu.memory_space<vmem>>, vector<16xf32>,
        %get3A_818 = arith.index_cast %add3A_776 : i32 to index
        %get3A_819 = arith.constant 96 : index
        %get3A_820 = tpu.vector_load %arg12[%get3A_818, %get3A_819] {strides = array<i32>} : memref<320x128xf32, #tpu.memory_space<vmem>>, vector<16xf32>,
        %get3A_821 = arith.index_cast %add3A_776 : i32 to index
        %get3A_822 = arith.constant 112 : index
        %get3A_823 = tpu.vector_load %arg12[%get3A_821, %get3A_822] {strides = array<i32>} : memref<320x128xf32, #tpu.memory_space<vmem>>, vector<16xf32>,
        %add3A_824 = arith.constant 1 : i32
        %add3A_825 = arith.addi %mul3A_770, %add3A_824 : i32
        %get3A_826 = arith.index_cast %add3A_825 : i32 to index
        %get3A_827 = arith.constant 0 : index
        %get3A_828 = tpu.vector_load %arg12[%get3A_826, %get3A_827] {strides = array<i32>} : memref<320x128xf32, #tpu.memory_space<vmem>>, vector<16xf32>,
        %mul3A_829 = arith.mulf %get3A_778, %get3A_828 : vector<16xf32>
        %add3A_830 = arith.constant 1 : i32
        %add3A_831 = arith.addi %mul3A_770, %add3A_830 : i32
        %get3A_832 = arith.index_cast %add3A_831 : i32 to index
        %get3A_833 = arith.constant 16 : index
        %get3A_834 = tpu.vector_load %arg12[%get3A_832, %get3A_833] {strides = array<i32>} : memref<320x128xf32, #tpu.memory_space<vmem>>, vector<16xf32>,
        %mul3A_835 = arith.mulf %get3A_781, %get3A_834 : vector<16xf32>
        %add3A_836 = arith.addf %mul3A_829, %mul3A_835 : vector<16xf32>
        %add3A_837 = arith.constant 1 : i32
        %add3A_838 = arith.addi %mul3A_770, %add3A_837 : i32
        %get3A_839 = arith.index_cast %add3A_838 : i32 to index
        %get3A_840 = arith.constant 32 : index
        %get3A_841 = tpu.vector_load %arg12[%get3A_839, %get3A_840] {strides = array<i32>} : memref<320x128xf32, #tpu.memory_space<vmem>>, vector<16xf32>,
        %mul3A_842 = arith.mulf %get3A_784, %get3A_841 : vector<16xf32>
        %add3A_843 = arith.addf %add3A_836, %mul3A_842 : vector<16xf32>
        %add3A_844 = arith.constant 1 : i32
        %add3A_845 = arith.addi %mul3A_770, %add3A_844 : i32
        %get3A_846 = arith.index_cast %add3A_845 : i32 to index
        %get3A_847 = arith.constant 48 : index
        %get3A_848 = tpu.vector_load %arg12[%get3A_846, %get3A_847] {strides = array<i32>} : memref<320x128xf32, #tpu.memory_space<vmem>>, vector<16xf32>,
        %mul3A_849 = arith.mulf %get3A_787, %get3A_848 : vector<16xf32>
        %add3A_850 = arith.addf %add3A_843, %mul3A_849 : vector<16xf32>
        %add3A_851 = arith.constant 1 : i32
        %add3A_852 = arith.addi %mul3A_770, %add3A_851 : i32
        %get3A_853 = arith.index_cast %add3A_852 : i32 to index
        %get3A_854 = arith.constant 64 : index
        %get3A_855 = tpu.vector_load %arg12[%get3A_853, %get3A_854] {strides = array<i32>} : memref<320x128xf32, #tpu.memory_space<vmem>>, vector<16xf32>,
        %mul3A_856 = arith.mulf %get3A_790, %get3A_855 : vector<16xf32>
        %add3A_857 = arith.addf %add3A_850, %mul3A_856 : vector<16xf32>
        %add3A_858 = arith.constant 1 : i32
        %add3A_859 = arith.addi %mul3A_770, %add3A_858 : i32
        %get3A_860 = arith.index_cast %add3A_859 : i32 to index
        %get3A_861 = arith.constant 80 : index
        %get3A_862 = tpu.vector_load %arg12[%get3A_860, %get3A_861] {strides = array<i32>} : memref<320x128xf32, #tpu.memory_space<vmem>>, vector<16xf32>,
        %mul3A_863 = arith.mulf %get3A_793, %get3A_862 : vector<16xf32>
        %add3A_864 = arith.addf %add3A_857, %mul3A_863 : vector<16xf32>
        %add3A_865 = arith.constant 1 : i32
        %add3A_866 = arith.addi %mul3A_770, %add3A_865 : i32
        %get3A_867 = arith.index_cast %add3A_866 : i32 to index
        %get3A_868 = arith.constant 96 : index
        %get3A_869 = tpu.vector_load %arg12[%get3A_867, %get3A_868] {strides = array<i32>} : memref<320x128xf32, #tpu.memory_space<vmem>>, vector<16xf32>,
        %mul3A_870 = arith.mulf %get3A_796, %get3A_869 : vector<16xf32>
        %add3A_871 = arith.addf %add3A_864, %mul3A_870 : vector<16xf32>
        %add3A_872 = arith.constant 1 : i32
        %add3A_873 = arith.addi %mul3A_770, %add3A_872 : i32
        %get3A_874 = arith.index_cast %add3A_873 : i32 to index
        %get3A_875 = arith.constant 112 : index
        %get3A_876 = tpu.vector_load %arg12[%get3A_874, %get3A_875] {strides = array<i32>} : memref<320x128xf32, #tpu.memory_space<vmem>>, vector<16xf32>,
        %mul3A_877 = arith.mulf %get3A_799, %get3A_876 : vector<16xf32>
        %add3A_878 = arith.addf %add3A_871, %mul3A_877 : vector<16xf32>
        %eq3A_879 = vector.broadcast %scan3A_748 : i32 to vector<16xi32>
        %eq3A_880 = arith.cmpi eq, %iota3A, %eq3A_879 : vector<16xi32>
        %reduce_sum3A = arith.constant true
        %reduce_sum3A_881 = vector.broadcast %reduce_sum3A : i1 to vector<16xi1>
        %reduce_sum3A_882 = tpu.scan <sum>, %add3A_878 masked %reduce_sum3A_881 : vector<16xf32>, vector<16xi1> -> vector<16xf32>
        %reduce_sum3A_883 = vector.extract %reduce_sum3A_882[15] : f32 from vector<16xf32>
        %broadcast_in_dim3A_884 = vector.broadcast %reduce_sum3A_883 : f32 to vector<16xf32>
        %select_n3A = arith.select %eq3A_880, %broadcast_in_dim3A_884, %scan3A_749 : vector<16xi1>, vector<16xf32>
        %add3A_885 = arith.constant 2 : i32
        %add3A_886 = arith.addi %mul3A_770, %add3A_885 : i32
        %get3A_887 = arith.index_cast %add3A_886 : i32 to index
        %get3A_888 = arith.constant 0 : index
        %get3A_889 = tpu.vector_load %arg12[%get3A_887, %get3A_888] {strides = array<i32>} : memref<320x128xf32, #tpu.memory_space<vmem>>, vector<16xf32>,
        %mul3A_890 = arith.mulf %get3A_778, %get3A_889 : vector<16xf32>
        %add3A_891 = arith.constant 2 : i32
        %add3A_892 = arith.addi %mul3A_770, %add3A_891 : i32
        %get3A_893 = arith.index_cast %add3A_892 : i32 to index
        %get3A_894 = arith.constant 16 : index
        %get3A_895 = tpu.vector_load %arg12[%get3A_893, %get3A_894] {strides = array<i32>} : memref<320x128xf32, #tpu.memory_space<vmem>>, vector<16xf32>,
        %mul3A_896 = arith.mulf %get3A_781, %get3A_895 : vector<16xf32>
        %add3A_897 = arith.addf %mul3A_890, %mul3A_896 : vector<16xf32>
        %add3A_898 = arith.constant 2 : i32
        %add3A_899 = arith.addi %mul3A_770, %add3A_898 : i32
        %get3A_900 = arith.index_cast %add3A_899 : i32 to index
        %get3A_901 = arith.constant 32 : index
        %get3A_902 = tpu.vector_load %arg12[%get3A_900, %get3A_901] {strides = array<i32>} : memref<320x128xf32, #tpu.memory_space<vmem>>, vector<16xf32>,
        %mul3A_903 = arith.mulf %get3A_784, %get3A_902 : vector<16xf32>
        %add3A_904 = arith.addf %add3A_897, %mul3A_903 : vector<16xf32>
        %add3A_905 = arith.constant 2 : i32
        %add3A_906 = arith.addi %mul3A_770, %add3A_905 : i32
        %get3A_907 = arith.index_cast %add3A_906 : i32 to index
        %get3A_908 = arith.constant 48 : index
        %get3A_909 = tpu.vector_load %arg12[%get3A_907, %get3A_908] {strides = array<i32>} : memref<320x128xf32, #tpu.memory_space<vmem>>, vector<16xf32>,
        %mul3A_910 = arith.mulf %get3A_787, %get3A_909 : vector<16xf32>
        %add3A_911 = arith.addf %add3A_904, %mul3A_910 : vector<16xf32>
        %add3A_912 = arith.constant 2 : i32
        %add3A_913 = arith.addi %mul3A_770, %add3A_912 : i32
        %get3A_914 = arith.index_cast %add3A_913 : i32 to index
        %get3A_915 = arith.constant 64 : index
        %get3A_916 = tpu.vector_load %arg12[%get3A_914, %get3A_915] {strides = array<i32>} : memref<320x128xf32, #tpu.memory_space<vmem>>, vector<16xf32>,
        %mul3A_917 = arith.mulf %get3A_790, %get3A_916 : vector<16xf32>
        %add3A_918 = arith.addf %add3A_911, %mul3A_917 : vector<16xf32>
        %add3A_919 = arith.constant 2 : i32
        %add3A_920 = arith.addi %mul3A_770, %add3A_919 : i32
        %get3A_921 = arith.index_cast %add3A_920 : i32 to index
        %get3A_922 = arith.constant 80 : index
        %get3A_923 = tpu.vector_load %arg12[%get3A_921, %get3A_922] {strides = array<i32>} : memref<320x128xf32, #tpu.memory_space<vmem>>, vector<16xf32>,
        %mul3A_924 = arith.mulf %get3A_793, %get3A_923 : vector<16xf32>
        %add3A_925 = arith.addf %add3A_918, %mul3A_924 : vector<16xf32>
        %add3A_926 = arith.constant 2 : i32
        %add3A_927 = arith.addi %mul3A_770, %add3A_926 : i32
        %get3A_928 = arith.index_cast %add3A_927 : i32 to index
        %get3A_929 = arith.constant 96 : index
        %get3A_930 = tpu.vector_load %arg12[%get3A_928, %get3A_929] {strides = array<i32>} : memref<320x128xf32, #tpu.memory_space<vmem>>, vector<16xf32>,
        %mul3A_931 = arith.mulf %get3A_796, %get3A_930 : vector<16xf32>
        %add3A_932 = arith.addf %add3A_925, %mul3A_931 : vector<16xf32>
        %add3A_933 = arith.constant 2 : i32
        %add3A_934 = arith.addi %mul3A_770, %add3A_933 : i32
        %get3A_935 = arith.index_cast %add3A_934 : i32 to index
        %get3A_936 = arith.constant 112 : index
        %get3A_937 = tpu.vector_load %arg12[%get3A_935, %get3A_936] {strides = array<i32>} : memref<320x128xf32, #tpu.memory_space<vmem>>, vector<16xf32>,
        %mul3A_938 = arith.mulf %get3A_799, %get3A_937 : vector<16xf32>
        %add3A_939 = arith.addf %add3A_932, %mul3A_938 : vector<16xf32>
        %eq3A_940 = vector.broadcast %scan3A_748 : i32 to vector<16xi32>
        %eq3A_941 = arith.cmpi eq, %iota3A, %eq3A_940 : vector<16xi32>
        %reduce_sum3A_942 = arith.constant true
        %reduce_sum3A_943 = vector.broadcast %reduce_sum3A_942 : i1 to vector<16xi1>
        %reduce_sum3A_944 = tpu.scan <sum>, %add3A_939 masked %reduce_sum3A_943 : vector<16xf32>, vector<16xi1> -> vector<16xf32>
        %reduce_sum3A_945 = vector.extract %reduce_sum3A_944[15] : f32 from vector<16xf32>
        %broadcast_in_dim3A_946 = vector.broadcast %reduce_sum3A_945 : f32 to vector<16xf32>
        %select_n3A_947 = arith.select %eq3A_941, %broadcast_in_dim3A_946, %scan3A_750 : vector<16xi1>, vector<16xf32>
        %add3A_948 = arith.constant 3 : i32
        %add3A_949 = arith.addi %mul3A_770, %add3A_948 : i32
        %get3A_950 = arith.index_cast %add3A_949 : i32 to index
        %get3A_951 = arith.constant 0 : index
        %get3A_952 = tpu.vector_load %arg12[%get3A_950, %get3A_951] {strides = array<i32>} : memref<320x128xf32, #tpu.memory_space<vmem>>, vector<16xf32>,
        %mul3A_953 = arith.mulf %get3A_778, %get3A_952 : vector<16xf32>
        %add3A_954 = arith.constant 3 : i32
        %add3A_955 = arith.addi %mul3A_770, %add3A_954 : i32
        %get3A_956 = arith.index_cast %add3A_955 : i32 to index
        %get3A_957 = arith.constant 16 : index
        %get3A_958 = tpu.vector_load %arg12[%get3A_956, %get3A_957] {strides = array<i32>} : memref<320x128xf32, #tpu.memory_space<vmem>>, vector<16xf32>,
        %mul3A_959 = arith.mulf %get3A_781, %get3A_958 : vector<16xf32>
        %add3A_960 = arith.addf %mul3A_953, %mul3A_959 : vector<16xf32>
        %add3A_961 = arith.constant 3 : i32
        %add3A_962 = arith.addi %mul3A_770, %add3A_961 : i32
        %get3A_963 = arith.index_cast %add3A_962 : i32 to index
        %get3A_964 = arith.constant 32 : index
        %get3A_965 = tpu.vector_load %arg12[%get3A_963, %get3A_964] {strides = array<i32>} : memref<320x128xf32, #tpu.memory_space<vmem>>, vector<16xf32>,
        %mul3A_966 = arith.mulf %get3A_784, %get3A_965 : vector<16xf32>
        %add3A_967 = arith.addf %add3A_960, %mul3A_966 : vector<16xf32>
        %add3A_968 = arith.constant 3 : i32
        %add3A_969 = arith.addi %mul3A_770, %add3A_968 : i32
        %get3A_970 = arith.index_cast %add3A_969 : i32 to index
        %get3A_971 = arith.constant 48 : index
        %get3A_972 = tpu.vector_load %arg12[%get3A_970, %get3A_971] {strides = array<i32>} : memref<320x128xf32, #tpu.memory_space<vmem>>, vector<16xf32>,
        %mul3A_973 = arith.mulf %get3A_787, %get3A_972 : vector<16xf32>
        %add3A_974 = arith.addf %add3A_967, %mul3A_973 : vector<16xf32>
        %add3A_975 = arith.constant 3 : i32
        %add3A_976 = arith.addi %mul3A_770, %add3A_975 : i32
        %get3A_977 = arith.index_cast %add3A_976 : i32 to index
        %get3A_978 = arith.constant 64 : index
        %get3A_979 = tpu.vector_load %arg12[%get3A_977, %get3A_978] {strides = array<i32>} : memref<320x128xf32, #tpu.memory_space<vmem>>, vector<16xf32>,
        %mul3A_980 = arith.mulf %get3A_790, %get3A_979 : vector<16xf32>
        %add3A_981 = arith.addf %add3A_974, %mul3A_980 : vector<16xf32>
        %add3A_982 = arith.constant 3 : i32
        %add3A_983 = arith.addi %mul3A_770, %add3A_982 : i32
        %get3A_984 = arith.index_cast %add3A_983 : i32 to index
        %get3A_985 = arith.constant 80 : index
        %get3A_986 = tpu.vector_load %arg12[%get3A_984, %get3A_985] {strides = array<i32>} : memref<320x128xf32, #tpu.memory_space<vmem>>, vector<16xf32>,
        %mul3A_987 = arith.mulf %get3A_793, %get3A_986 : vector<16xf32>
        %add3A_988 = arith.addf %add3A_981, %mul3A_987 : vector<16xf32>
        %add3A_989 = arith.constant 3 : i32
        %add3A_990 = arith.addi %mul3A_770, %add3A_989 : i32
        %get3A_991 = arith.index_cast %add3A_990 : i32 to index
        %get3A_992 = arith.constant 96 : index
        %get3A_993 = tpu.vector_load %arg12[%get3A_991, %get3A_992] {strides = array<i32>} : memref<320x128xf32, #tpu.memory_space<vmem>>, vector<16xf32>,
        %mul3A_994 = arith.mulf %get3A_796, %get3A_993 : vector<16xf32>
        %add3A_995 = arith.addf %add3A_988, %mul3A_994 : vector<16xf32>
        %add3A_996 = arith.constant 3 : i32
        %add3A_997 = arith.addi %mul3A_770, %add3A_996 : i32
        %get3A_998 = arith.index_cast %add3A_997 : i32 to index
        %get3A_999 = arith.constant 112 : index
        %get3A_1000 = tpu.vector_load %arg12[%get3A_998, %get3A_999] {strides = array<i32>} : memref<320x128xf32, #tpu.memory_space<vmem>>, vector<16xf32>,
        %mul3A_1001 = arith.mulf %get3A_799, %get3A_1000 : vector<16xf32>
        %add3A_1002 = arith.addf %add3A_995, %mul3A_1001 : vector<16xf32>
        %eq3A_1003 = vector.broadcast %scan3A_748 : i32 to vector<16xi32>
        %eq3A_1004 = arith.cmpi eq, %iota3A, %eq3A_1003 : vector<16xi32>
        %reduce_sum3A_1005 = arith.constant true
        %reduce_sum3A_1006 = vector.broadcast %reduce_sum3A_1005 : i1 to vector<16xi1>
        %reduce_sum3A_1007 = tpu.scan <sum>, %add3A_1002 masked %reduce_sum3A_1006 : vector<16xf32>, vector<16xi1> -> vector<16xf32>
        %reduce_sum3A_1008 = vector.extract %reduce_sum3A_1007[15] : f32 from vector<16xf32>
        %broadcast_in_dim3A_1009 = vector.broadcast %reduce_sum3A_1008 : f32 to vector<16xf32>
        %select_n3A_1010 = arith.select %eq3A_1004, %broadcast_in_dim3A_1009, %scan3A_751 : vector<16xi1>, vector<16xf32>
        %add3A_1011 = arith.constant 4 : i32
        %add3A_1012 = arith.addi %mul3A_770, %add3A_1011 : i32
        %get3A_1013 = arith.index_cast %add3A_1012 : i32 to index
        %get3A_1014 = arith.constant 0 : index
        %get3A_1015 = tpu.vector_load %arg12[%get3A_1013, %get3A_1014] {strides = array<i32>} : memref<320x128xf32, #tpu.memory_space<vmem>>, vector<16xf32>,
        %mul3A_1016 = arith.mulf %get3A_778, %get3A_1015 : vector<16xf32>
        %add3A_1017 = arith.constant 4 : i32
        %add3A_1018 = arith.addi %mul3A_770, %add3A_1017 : i32
        %get3A_1019 = arith.index_cast %add3A_1018 : i32 to index
        %get3A_1020 = arith.constant 16 : index
        %get3A_1021 = tpu.vector_load %arg12[%get3A_1019, %get3A_1020] {strides = array<i32>} : memref<320x128xf32, #tpu.memory_space<vmem>>, vector<16xf32>,
        %mul3A_1022 = arith.mulf %get3A_781, %get3A_1021 : vector<16xf32>
        %add3A_1023 = arith.addf %mul3A_1016, %mul3A_1022 : vector<16xf32>
        %add3A_1024 = arith.constant 4 : i32
        %add3A_1025 = arith.addi %mul3A_770, %add3A_1024 : i32
        %get3A_1026 = arith.index_cast %add3A_1025 : i32 to index
        %get3A_1027 = arith.constant 32 : index
        %get3A_1028 = tpu.vector_load %arg12[%get3A_1026, %get3A_1027] {strides = array<i32>} : memref<320x128xf32, #tpu.memory_space<vmem>>, vector<16xf32>,
        %mul3A_1029 = arith.mulf %get3A_784, %get3A_1028 : vector<16xf32>
        %add3A_1030 = arith.addf %add3A_1023, %mul3A_1029 : vector<16xf32>
        %add3A_1031 = arith.constant 4 : i32
        %add3A_1032 = arith.addi %mul3A_770, %add3A_1031 : i32
        %get3A_1033 = arith.index_cast %add3A_1032 : i32 to index
        %get3A_1034 = arith.constant 48 : index
        %get3A_1035 = tpu.vector_load %arg12[%get3A_1033, %get3A_1034] {strides = array<i32>} : memref<320x128xf32, #tpu.memory_space<vmem>>, vector<16xf32>,
        %mul3A_1036 = arith.mulf %get3A_787, %get3A_1035 : vector<16xf32>
        %add3A_1037 = arith.addf %add3A_1030, %mul3A_1036 : vector<16xf32>
        %add3A_1038 = arith.constant 4 : i32
        %add3A_1039 = arith.addi %mul3A_770, %add3A_1038 : i32
        %get3A_1040 = arith.index_cast %add3A_1039 : i32 to index
        %get3A_1041 = arith.constant 64 : index
        %get3A_1042 = tpu.vector_load %arg12[%get3A_1040, %get3A_1041] {strides = array<i32>} : memref<320x128xf32, #tpu.memory_space<vmem>>, vector<16xf32>,
        %mul3A_1043 = arith.mulf %get3A_790, %get3A_1042 : vector<16xf32>
        %add3A_1044 = arith.addf %add3A_1037, %mul3A_1043 : vector<16xf32>
        %add3A_1045 = arith.constant 4 : i32
        %add3A_1046 = arith.addi %mul3A_770, %add3A_1045 : i32
        %get3A_1047 = arith.index_cast %add3A_1046 : i32 to index
        %get3A_1048 = arith.constant 80 : index
        %get3A_1049 = tpu.vector_load %arg12[%get3A_1047, %get3A_1048] {strides = array<i32>} : memref<320x128xf32, #tpu.memory_space<vmem>>, vector<16xf32>,
        %mul3A_1050 = arith.mulf %get3A_793, %get3A_1049 : vector<16xf32>
        %add3A_1051 = arith.addf %add3A_1044, %mul3A_1050 : vector<16xf32>
        %add3A_1052 = arith.constant 4 : i32
        %add3A_1053 = arith.addi %mul3A_770, %add3A_1052 : i32
        %get3A_1054 = arith.index_cast %add3A_1053 : i32 to index
        %get3A_1055 = arith.constant 96 : index
        %get3A_1056 = tpu.vector_load %arg12[%get3A_1054, %get3A_1055] {strides = array<i32>} : memref<320x128xf32, #tpu.memory_space<vmem>>, vector<16xf32>,
        %mul3A_1057 = arith.mulf %get3A_796, %get3A_1056 : vector<16xf32>
        %add3A_1058 = arith.addf %add3A_1051, %mul3A_1057 : vector<16xf32>
        %add3A_1059 = arith.constant 4 : i32
        %add3A_1060 = arith.addi %mul3A_770, %add3A_1059 : i32
        %get3A_1061 = arith.index_cast %add3A_1060 : i32 to index
        %get3A_1062 = arith.constant 112 : index
        %get3A_1063 = tpu.vector_load %arg12[%get3A_1061, %get3A_1062] {strides = array<i32>} : memref<320x128xf32, #tpu.memory_space<vmem>>, vector<16xf32>,
        %mul3A_1064 = arith.mulf %get3A_799, %get3A_1063 : vector<16xf32>
        %add3A_1065 = arith.addf %add3A_1058, %mul3A_1064 : vector<16xf32>
        %eq3A_1066 = vector.broadcast %scan3A_748 : i32 to vector<16xi32>
        %eq3A_1067 = arith.cmpi eq, %iota3A, %eq3A_1066 : vector<16xi32>
        %reduce_sum3A_1068 = arith.constant true
        %reduce_sum3A_1069 = vector.broadcast %reduce_sum3A_1068 : i1 to vector<16xi1>
        %reduce_sum3A_1070 = tpu.scan <sum>, %add3A_1065 masked %reduce_sum3A_1069 : vector<16xf32>, vector<16xi1> -> vector<16xf32>
        %reduce_sum3A_1071 = vector.extract %reduce_sum3A_1070[15] : f32 from vector<16xf32>
        %broadcast_in_dim3A_1072 = vector.broadcast %reduce_sum3A_1071 : f32 to vector<16xf32>
        %select_n3A_1073 = arith.select %eq3A_1067, %broadcast_in_dim3A_1072, %scan3A_752 : vector<16xi1>, vector<16xf32>
        %add3A_1074 = arith.constant 5 : i32
        %add3A_1075 = arith.addi %mul3A_770, %add3A_1074 : i32
        %get3A_1076 = arith.index_cast %add3A_1075 : i32 to index
        %get3A_1077 = arith.constant 0 : index
        %get3A_1078 = tpu.vector_load %arg12[%get3A_1076, %get3A_1077] {strides = array<i32>} : memref<320x128xf32, #tpu.memory_space<vmem>>, vector<16xf32>,
        %mul3A_1079 = arith.mulf %get3A_778, %get3A_1078 : vector<16xf32>
        %add3A_1080 = arith.constant 5 : i32
        %add3A_1081 = arith.addi %mul3A_770, %add3A_1080 : i32
        %get3A_1082 = arith.index_cast %add3A_1081 : i32 to index
        %get3A_1083 = arith.constant 16 : index
        %get3A_1084 = tpu.vector_load %arg12[%get3A_1082, %get3A_1083] {strides = array<i32>} : memref<320x128xf32, #tpu.memory_space<vmem>>, vector<16xf32>,
        %mul3A_1085 = arith.mulf %get3A_781, %get3A_1084 : vector<16xf32>
        %add3A_1086 = arith.addf %mul3A_1079, %mul3A_1085 : vector<16xf32>
        %add3A_1087 = arith.constant 5 : i32
        %add3A_1088 = arith.addi %mul3A_770, %add3A_1087 : i32
        %get3A_1089 = arith.index_cast %add3A_1088 : i32 to index
        %get3A_1090 = arith.constant 32 : index
        %get3A_1091 = tpu.vector_load %arg12[%get3A_1089, %get3A_1090] {strides = array<i32>} : memref<320x128xf32, #tpu.memory_space<vmem>>, vector<16xf32>,
        %mul3A_1092 = arith.mulf %get3A_784, %get3A_1091 : vector<16xf32>
        %add3A_1093 = arith.addf %add3A_1086, %mul3A_1092 : vector<16xf32>
        %add3A_1094 = arith.constant 5 : i32
        %add3A_1095 = arith.addi %mul3A_770, %add3A_1094 : i32
        %get3A_1096 = arith.index_cast %add3A_1095 : i32 to index
        %get3A_1097 = arith.constant 48 : index
        %get3A_1098 = tpu.vector_load %arg12[%get3A_1096, %get3A_1097] {strides = array<i32>} : memref<320x128xf32, #tpu.memory_space<vmem>>, vector<16xf32>,
        %mul3A_1099 = arith.mulf %get3A_787, %get3A_1098 : vector<16xf32>
        %add3A_1100 = arith.addf %add3A_1093, %mul3A_1099 : vector<16xf32>
        %add3A_1101 = arith.constant 5 : i32
        %add3A_1102 = arith.addi %mul3A_770, %add3A_1101 : i32
        %get3A_1103 = arith.index_cast %add3A_1102 : i32 to index
        %get3A_1104 = arith.constant 64 : index
        %get3A_1105 = tpu.vector_load %arg12[%get3A_1103, %get3A_1104] {strides = array<i32>} : memref<320x128xf32, #tpu.memory_space<vmem>>, vector<16xf32>,
        %mul3A_1106 = arith.mulf %get3A_790, %get3A_1105 : vector<16xf32>
        %add3A_1107 = arith.addf %add3A_1100, %mul3A_1106 : vector<16xf32>
        %add3A_1108 = arith.constant 5 : i32
        %add3A_1109 = arith.addi %mul3A_770, %add3A_1108 : i32
        %get3A_1110 = arith.index_cast %add3A_1109 : i32 to index
        %get3A_1111 = arith.constant 80 : index
        %get3A_1112 = tpu.vector_load %arg12[%get3A_1110, %get3A_1111] {strides = array<i32>} : memref<320x128xf32, #tpu.memory_space<vmem>>, vector<16xf32>,
        %mul3A_1113 = arith.mulf %get3A_793, %get3A_1112 : vector<16xf32>
        %add3A_1114 = arith.addf %add3A_1107, %mul3A_1113 : vector<16xf32>
        %add3A_1115 = arith.constant 5 : i32
        %add3A_1116 = arith.addi %mul3A_770, %add3A_1115 : i32
        %get3A_1117 = arith.index_cast %add3A_1116 : i32 to index
        %get3A_1118 = arith.constant 96 : index
        %get3A_1119 = tpu.vector_load %arg12[%get3A_1117, %get3A_1118] {strides = array<i32>} : memref<320x128xf32, #tpu.memory_space<vmem>>, vector<16xf32>,
        %mul3A_1120 = arith.mulf %get3A_796, %get3A_1119 : vector<16xf32>
        %add3A_1121 = arith.addf %add3A_1114, %mul3A_1120 : vector<16xf32>
        %add3A_1122 = arith.constant 5 : i32
        %add3A_1123 = arith.addi %mul3A_770, %add3A_1122 : i32
        %get3A_1124 = arith.index_cast %add3A_1123 : i32 to index
        %get3A_1125 = arith.constant 112 : index
        %get3A_1126 = tpu.vector_load %arg12[%get3A_1124, %get3A_1125] {strides = array<i32>} : memref<320x128xf32, #tpu.memory_space<vmem>>, vector<16xf32>,
        %mul3A_1127 = arith.mulf %get3A_799, %get3A_1126 : vector<16xf32>
        %add3A_1128 = arith.addf %add3A_1121, %mul3A_1127 : vector<16xf32>
        %eq3A_1129 = vector.broadcast %scan3A_748 : i32 to vector<16xi32>
        %eq3A_1130 = arith.cmpi eq, %iota3A, %eq3A_1129 : vector<16xi32>
        %reduce_sum3A_1131 = arith.constant true
        %reduce_sum3A_1132 = vector.broadcast %reduce_sum3A_1131 : i1 to vector<16xi1>
        %reduce_sum3A_1133 = tpu.scan <sum>, %add3A_1128 masked %reduce_sum3A_1132 : vector<16xf32>, vector<16xi1> -> vector<16xf32>
        %reduce_sum3A_1134 = vector.extract %reduce_sum3A_1133[15] : f32 from vector<16xf32>
        %broadcast_in_dim3A_1135 = vector.broadcast %reduce_sum3A_1134 : f32 to vector<16xf32>
        %select_n3A_1136 = arith.select %eq3A_1130, %broadcast_in_dim3A_1135, %scan3A_753 : vector<16xi1>, vector<16xf32>
        %add3A_1137 = arith.constant 6 : i32
        %add3A_1138 = arith.addi %mul3A_770, %add3A_1137 : i32
        %get3A_1139 = arith.index_cast %add3A_1138 : i32 to index
        %get3A_1140 = arith.constant 0 : index
        %get3A_1141 = tpu.vector_load %arg12[%get3A_1139, %get3A_1140] {strides = array<i32>} : memref<320x128xf32, #tpu.memory_space<vmem>>, vector<16xf32>,
        %mul3A_1142 = arith.mulf %get3A_778, %get3A_1141 : vector<16xf32>
        %add3A_1143 = arith.constant 6 : i32
        %add3A_1144 = arith.addi %mul3A_770, %add3A_1143 : i32
        %get3A_1145 = arith.index_cast %add3A_1144 : i32 to index
        %get3A_1146 = arith.constant 16 : index
        %get3A_1147 = tpu.vector_load %arg12[%get3A_1145, %get3A_1146] {strides = array<i32>} : memref<320x128xf32, #tpu.memory_space<vmem>>, vector<16xf32>,
        %mul3A_1148 = arith.mulf %get3A_781, %get3A_1147 : vector<16xf32>
        %add3A_1149 = arith.addf %mul3A_1142, %mul3A_1148 : vector<16xf32>
        %add3A_1150 = arith.constant 6 : i32
        %add3A_1151 = arith.addi %mul3A_770, %add3A_1150 : i32
        %get3A_1152 = arith.index_cast %add3A_1151 : i32 to index
        %get3A_1153 = arith.constant 32 : index
        %get3A_1154 = tpu.vector_load %arg12[%get3A_1152, %get3A_1153] {strides = array<i32>} : memref<320x128xf32, #tpu.memory_space<vmem>>, vector<16xf32>,
        %mul3A_1155 = arith.mulf %get3A_784, %get3A_1154 : vector<16xf32>
        %add3A_1156 = arith.addf %add3A_1149, %mul3A_1155 : vector<16xf32>
        %add3A_1157 = arith.constant 6 : i32
        %add3A_1158 = arith.addi %mul3A_770, %add3A_1157 : i32
        %get3A_1159 = arith.index_cast %add3A_1158 : i32 to index
        %get3A_1160 = arith.constant 48 : index
        %get3A_1161 = tpu.vector_load %arg12[%get3A_1159, %get3A_1160] {strides = array<i32>} : memref<320x128xf32, #tpu.memory_space<vmem>>, vector<16xf32>,
        %mul3A_1162 = arith.mulf %get3A_787, %get3A_1161 : vector<16xf32>
        %add3A_1163 = arith.addf %add3A_1156, %mul3A_1162 : vector<16xf32>
        %add3A_1164 = arith.constant 6 : i32
        %add3A_1165 = arith.addi %mul3A_770, %add3A_1164 : i32
        %get3A_1166 = arith.index_cast %add3A_1165 : i32 to index
        %get3A_1167 = arith.constant 64 : index
        %get3A_1168 = tpu.vector_load %arg12[%get3A_1166, %get3A_1167] {strides = array<i32>} : memref<320x128xf32, #tpu.memory_space<vmem>>, vector<16xf32>,
        %mul3A_1169 = arith.mulf %get3A_790, %get3A_1168 : vector<16xf32>
        %add3A_1170 = arith.addf %add3A_1163, %mul3A_1169 : vector<16xf32>
        %add3A_1171 = arith.constant 6 : i32
        %add3A_1172 = arith.addi %mul3A_770, %add3A_1171 : i32
        %get3A_1173 = arith.index_cast %add3A_1172 : i32 to index
        %get3A_1174 = arith.constant 80 : index
        %get3A_1175 = tpu.vector_load %arg12[%get3A_1173, %get3A_1174] {strides = array<i32>} : memref<320x128xf32, #tpu.memory_space<vmem>>, vector<16xf32>,
        %mul3A_1176 = arith.mulf %get3A_793, %get3A_1175 : vector<16xf32>
        %add3A_1177 = arith.addf %add3A_1170, %mul3A_1176 : vector<16xf32>
        %add3A_1178 = arith.constant 6 : i32
        %add3A_1179 = arith.addi %mul3A_770, %add3A_1178 : i32
        %get3A_1180 = arith.index_cast %add3A_1179 : i32 to index
        %get3A_1181 = arith.constant 96 : index
        %get3A_1182 = tpu.vector_load %arg12[%get3A_1180, %get3A_1181] {strides = array<i32>} : memref<320x128xf32, #tpu.memory_space<vmem>>, vector<16xf32>,
        %mul3A_1183 = arith.mulf %get3A_796, %get3A_1182 : vector<16xf32>
        %add3A_1184 = arith.addf %add3A_1177, %mul3A_1183 : vector<16xf32>
        %add3A_1185 = arith.constant 6 : i32
        %add3A_1186 = arith.addi %mul3A_770, %add3A_1185 : i32
        %get3A_1187 = arith.index_cast %add3A_1186 : i32 to index
        %get3A_1188 = arith.constant 112 : index
        %get3A_1189 = tpu.vector_load %arg12[%get3A_1187, %get3A_1188] {strides = array<i32>} : memref<320x128xf32, #tpu.memory_space<vmem>>, vector<16xf32>,
        %mul3A_1190 = arith.mulf %get3A_799, %get3A_1189 : vector<16xf32>
        %add3A_1191 = arith.addf %add3A_1184, %mul3A_1190 : vector<16xf32>
        %eq3A_1192 = vector.broadcast %scan3A_748 : i32 to vector<16xi32>
        %eq3A_1193 = arith.cmpi eq, %iota3A, %eq3A_1192 : vector<16xi32>
        %reduce_sum3A_1194 = arith.constant true
        %reduce_sum3A_1195 = vector.broadcast %reduce_sum3A_1194 : i1 to vector<16xi1>
        %reduce_sum3A_1196 = tpu.scan <sum>, %add3A_1191 masked %reduce_sum3A_1195 : vector<16xf32>, vector<16xi1> -> vector<16xf32>
        %reduce_sum3A_1197 = vector.extract %reduce_sum3A_1196[15] : f32 from vector<16xf32>
        %broadcast_in_dim3A_1198 = vector.broadcast %reduce_sum3A_1197 : f32 to vector<16xf32>
        %select_n3A_1199 = arith.select %eq3A_1193, %broadcast_in_dim3A_1198, %scan3A_754 : vector<16xi1>, vector<16xf32>
        %add3A_1200 = arith.constant 7 : i32
        %add3A_1201 = arith.addi %mul3A_770, %add3A_1200 : i32
        %get3A_1202 = arith.index_cast %add3A_1201 : i32 to index
        %get3A_1203 = arith.constant 0 : index
        %get3A_1204 = tpu.vector_load %arg12[%get3A_1202, %get3A_1203] {strides = array<i32>} : memref<320x128xf32, #tpu.memory_space<vmem>>, vector<16xf32>,
        %mul3A_1205 = arith.mulf %get3A_778, %get3A_1204 : vector<16xf32>
        %add3A_1206 = arith.constant 7 : i32
        %add3A_1207 = arith.addi %mul3A_770, %add3A_1206 : i32
        %get3A_1208 = arith.index_cast %add3A_1207 : i32 to index
        %get3A_1209 = arith.constant 16 : index
        %get3A_1210 = tpu.vector_load %arg12[%get3A_1208, %get3A_1209] {strides = array<i32>} : memref<320x128xf32, #tpu.memory_space<vmem>>, vector<16xf32>,
        %mul3A_1211 = arith.mulf %get3A_781, %get3A_1210 : vector<16xf32>
        %add3A_1212 = arith.addf %mul3A_1205, %mul3A_1211 : vector<16xf32>
        %add3A_1213 = arith.constant 7 : i32
        %add3A_1214 = arith.addi %mul3A_770, %add3A_1213 : i32
        %get3A_1215 = arith.index_cast %add3A_1214 : i32 to index
        %get3A_1216 = arith.constant 32 : index
        %get3A_1217 = tpu.vector_load %arg12[%get3A_1215, %get3A_1216] {strides = array<i32>} : memref<320x128xf32, #tpu.memory_space<vmem>>, vector<16xf32>,
        %mul3A_1218 = arith.mulf %get3A_784, %get3A_1217 : vector<16xf32>
        %add3A_1219 = arith.addf %add3A_1212, %mul3A_1218 : vector<16xf32>
        %add3A_1220 = arith.constant 7 : i32
        %add3A_1221 = arith.addi %mul3A_770, %add3A_1220 : i32
        %get3A_1222 = arith.index_cast %add3A_1221 : i32 to index
        %get3A_1223 = arith.constant 48 : index
        %get3A_1224 = tpu.vector_load %arg12[%get3A_1222, %get3A_1223] {strides = array<i32>} : memref<320x128xf32, #tpu.memory_space<vmem>>, vector<16xf32>,
        %mul3A_1225 = arith.mulf %get3A_787, %get3A_1224 : vector<16xf32>
        %add3A_1226 = arith.addf %add3A_1219, %mul3A_1225 : vector<16xf32>
        %add3A_1227 = arith.constant 7 : i32
        %add3A_1228 = arith.addi %mul3A_770, %add3A_1227 : i32
        %get3A_1229 = arith.index_cast %add3A_1228 : i32 to index
        %get3A_1230 = arith.constant 64 : index
        %get3A_1231 = tpu.vector_load %arg12[%get3A_1229, %get3A_1230] {strides = array<i32>} : memref<320x128xf32, #tpu.memory_space<vmem>>, vector<16xf32>,
        %mul3A_1232 = arith.mulf %get3A_790, %get3A_1231 : vector<16xf32>
        %add3A_1233 = arith.addf %add3A_1226, %mul3A_1232 : vector<16xf32>
        %add3A_1234 = arith.constant 7 : i32
        %add3A_1235 = arith.addi %mul3A_770, %add3A_1234 : i32
        %get3A_1236 = arith.index_cast %add3A_1235 : i32 to index
        %get3A_1237 = arith.constant 80 : index
        %get3A_1238 = tpu.vector_load %arg12[%get3A_1236, %get3A_1237] {strides = array<i32>} : memref<320x128xf32, #tpu.memory_space<vmem>>, vector<16xf32>,
        %mul3A_1239 = arith.mulf %get3A_793, %get3A_1238 : vector<16xf32>
        %add3A_1240 = arith.addf %add3A_1233, %mul3A_1239 : vector<16xf32>
        %add3A_1241 = arith.constant 7 : i32
        %add3A_1242 = arith.addi %mul3A_770, %add3A_1241 : i32
        %get3A_1243 = arith.index_cast %add3A_1242 : i32 to index
        %get3A_1244 = arith.constant 96 : index
        %get3A_1245 = tpu.vector_load %arg12[%get3A_1243, %get3A_1244] {strides = array<i32>} : memref<320x128xf32, #tpu.memory_space<vmem>>, vector<16xf32>,
        %mul3A_1246 = arith.mulf %get3A_796, %get3A_1245 : vector<16xf32>
        %add3A_1247 = arith.addf %add3A_1240, %mul3A_1246 : vector<16xf32>
        %add3A_1248 = arith.constant 7 : i32
        %add3A_1249 = arith.addi %mul3A_770, %add3A_1248 : i32
        %get3A_1250 = arith.index_cast %add3A_1249 : i32 to index
        %get3A_1251 = arith.constant 112 : index
        %get3A_1252 = tpu.vector_load %arg12[%get3A_1250, %get3A_1251] {strides = array<i32>} : memref<320x128xf32, #tpu.memory_space<vmem>>, vector<16xf32>,
        %mul3A_1253 = arith.mulf %get3A_799, %get3A_1252 : vector<16xf32>
        %add3A_1254 = arith.addf %add3A_1247, %mul3A_1253 : vector<16xf32>
        %eq3A_1255 = vector.broadcast %scan3A_748 : i32 to vector<16xi32>
        %eq3A_1256 = arith.cmpi eq, %iota3A, %eq3A_1255 : vector<16xi32>
        %reduce_sum3A_1257 = arith.constant true
        %reduce_sum3A_1258 = vector.broadcast %reduce_sum3A_1257 : i1 to vector<16xi1>
        %reduce_sum3A_1259 = tpu.scan <sum>, %add3A_1254 masked %reduce_sum3A_1258 : vector<16xf32>, vector<16xi1> -> vector<16xf32>
        %reduce_sum3A_1260 = vector.extract %reduce_sum3A_1259[15] : f32 from vector<16xf32>
        %broadcast_in_dim3A_1261 = vector.broadcast %reduce_sum3A_1260 : f32 to vector<16xf32>
        %select_n3A_1262 = arith.select %eq3A_1256, %broadcast_in_dim3A_1261, %scan3A_755 : vector<16xi1>, vector<16xf32>
        %add3A_1263 = arith.constant 8 : i32
        %add3A_1264 = arith.addi %mul3A_770, %add3A_1263 : i32
        %get3A_1265 = arith.index_cast %add3A_1264 : i32 to index
        %get3A_1266 = arith.constant 0 : index
        %get3A_1267 = tpu.vector_load %arg12[%get3A_1265, %get3A_1266] {strides = array<i32>} : memref<320x128xf32, #tpu.memory_space<vmem>>, vector<16xf32>,
        %mul3A_1268 = arith.mulf %get3A_778, %get3A_1267 : vector<16xf32>
        %add3A_1269 = arith.constant 8 : i32
        %add3A_1270 = arith.addi %mul3A_770, %add3A_1269 : i32
        %get3A_1271 = arith.index_cast %add3A_1270 : i32 to index
        %get3A_1272 = arith.constant 16 : index
        %get3A_1273 = tpu.vector_load %arg12[%get3A_1271, %get3A_1272] {strides = array<i32>} : memref<320x128xf32, #tpu.memory_space<vmem>>, vector<16xf32>,
        %mul3A_1274 = arith.mulf %get3A_781, %get3A_1273 : vector<16xf32>
        %add3A_1275 = arith.addf %mul3A_1268, %mul3A_1274 : vector<16xf32>
        %add3A_1276 = arith.constant 8 : i32
        %add3A_1277 = arith.addi %mul3A_770, %add3A_1276 : i32
        %get3A_1278 = arith.index_cast %add3A_1277 : i32 to index
        %get3A_1279 = arith.constant 32 : index
        %get3A_1280 = tpu.vector_load %arg12[%get3A_1278, %get3A_1279] {strides = array<i32>} : memref<320x128xf32, #tpu.memory_space<vmem>>, vector<16xf32>,
        %mul3A_1281 = arith.mulf %get3A_784, %get3A_1280 : vector<16xf32>
        %add3A_1282 = arith.addf %add3A_1275, %mul3A_1281 : vector<16xf32>
        %add3A_1283 = arith.constant 8 : i32
        %add3A_1284 = arith.addi %mul3A_770, %add3A_1283 : i32
        %get3A_1285 = arith.index_cast %add3A_1284 : i32 to index
        %get3A_1286 = arith.constant 48 : index
        %get3A_1287 = tpu.vector_load %arg12[%get3A_1285, %get3A_1286] {strides = array<i32>} : memref<320x128xf32, #tpu.memory_space<vmem>>, vector<16xf32>,
        %mul3A_1288 = arith.mulf %get3A_787, %get3A_1287 : vector<16xf32>
        %add3A_1289 = arith.addf %add3A_1282, %mul3A_1288 : vector<16xf32>
        %add3A_1290 = arith.constant 8 : i32
        %add3A_1291 = arith.addi %mul3A_770, %add3A_1290 : i32
        %get3A_1292 = arith.index_cast %add3A_1291 : i32 to index
        %get3A_1293 = arith.constant 64 : index
        %get3A_1294 = tpu.vector_load %arg12[%get3A_1292, %get3A_1293] {strides = array<i32>} : memref<320x128xf32, #tpu.memory_space<vmem>>, vector<16xf32>,
        %mul3A_1295 = arith.mulf %get3A_790, %get3A_1294 : vector<16xf32>
        %add3A_1296 = arith.addf %add3A_1289, %mul3A_1295 : vector<16xf32>
        %add3A_1297 = arith.constant 8 : i32
        %add3A_1298 = arith.addi %mul3A_770, %add3A_1297 : i32
        %get3A_1299 = arith.index_cast %add3A_1298 : i32 to index
        %get3A_1300 = arith.constant 80 : index
        %get3A_1301 = tpu.vector_load %arg12[%get3A_1299, %get3A_1300] {strides = array<i32>} : memref<320x128xf32, #tpu.memory_space<vmem>>, vector<16xf32>,
        %mul3A_1302 = arith.mulf %get3A_793, %get3A_1301 : vector<16xf32>
        %add3A_1303 = arith.addf %add3A_1296, %mul3A_1302 : vector<16xf32>
        %add3A_1304 = arith.constant 8 : i32
        %add3A_1305 = arith.addi %mul3A_770, %add3A_1304 : i32
        %get3A_1306 = arith.index_cast %add3A_1305 : i32 to index
        %get3A_1307 = arith.constant 96 : index
        %get3A_1308 = tpu.vector_load %arg12[%get3A_1306, %get3A_1307] {strides = array<i32>} : memref<320x128xf32, #tpu.memory_space<vmem>>, vector<16xf32>,
        %mul3A_1309 = arith.mulf %get3A_796, %get3A_1308 : vector<16xf32>
        %add3A_1310 = arith.addf %add3A_1303, %mul3A_1309 : vector<16xf32>
        %add3A_1311 = arith.constant 8 : i32
        %add3A_1312 = arith.addi %mul3A_770, %add3A_1311 : i32
        %get3A_1313 = arith.index_cast %add3A_1312 : i32 to index
        %get3A_1314 = arith.constant 112 : index
        %get3A_1315 = tpu.vector_load %arg12[%get3A_1313, %get3A_1314] {strides = array<i32>} : memref<320x128xf32, #tpu.memory_space<vmem>>, vector<16xf32>,
        %mul3A_1316 = arith.mulf %get3A_799, %get3A_1315 : vector<16xf32>
        %add3A_1317 = arith.addf %add3A_1310, %mul3A_1316 : vector<16xf32>
        %eq3A_1318 = vector.broadcast %scan3A_748 : i32 to vector<16xi32>
        %eq3A_1319 = arith.cmpi eq, %iota3A, %eq3A_1318 : vector<16xi32>
        %reduce_sum3A_1320 = arith.constant true
        %reduce_sum3A_1321 = vector.broadcast %reduce_sum3A_1320 : i1 to vector<16xi1>
        %reduce_sum3A_1322 = tpu.scan <sum>, %add3A_1317 masked %reduce_sum3A_1321 : vector<16xf32>, vector<16xi1> -> vector<16xf32>
        %reduce_sum3A_1323 = vector.extract %reduce_sum3A_1322[15] : f32 from vector<16xf32>
        %broadcast_in_dim3A_1324 = vector.broadcast %reduce_sum3A_1323 : f32 to vector<16xf32>
        %select_n3A_1325 = arith.select %eq3A_1319, %broadcast_in_dim3A_1324, %scan3A_756 : vector<16xi1>, vector<16xf32>
        %add3A_1326 = arith.constant 9 : i32
        %add3A_1327 = arith.addi %mul3A_770, %add3A_1326 : i32
        %get3A_1328 = arith.index_cast %add3A_1327 : i32 to index
        %get3A_1329 = arith.constant 0 : index
        %get3A_1330 = tpu.vector_load %arg12[%get3A_1328, %get3A_1329] {strides = array<i32>} : memref<320x128xf32, #tpu.memory_space<vmem>>, vector<16xf32>,
        %mul3A_1331 = arith.mulf %get3A_778, %get3A_1330 : vector<16xf32>
        %add3A_1332 = arith.constant 9 : i32
        %add3A_1333 = arith.addi %mul3A_770, %add3A_1332 : i32
        %get3A_1334 = arith.index_cast %add3A_1333 : i32 to index
        %get3A_1335 = arith.constant 16 : index
        %get3A_1336 = tpu.vector_load %arg12[%get3A_1334, %get3A_1335] {strides = array<i32>} : memref<320x128xf32, #tpu.memory_space<vmem>>, vector<16xf32>,
        %mul3A_1337 = arith.mulf %get3A_781, %get3A_1336 : vector<16xf32>
        %add3A_1338 = arith.addf %mul3A_1331, %mul3A_1337 : vector<16xf32>
        %add3A_1339 = arith.constant 9 : i32
        %add3A_1340 = arith.addi %mul3A_770, %add3A_1339 : i32
        %get3A_1341 = arith.index_cast %add3A_1340 : i32 to index
        %get3A_1342 = arith.constant 32 : index
        %get3A_1343 = tpu.vector_load %arg12[%get3A_1341, %get3A_1342] {strides = array<i32>} : memref<320x128xf32, #tpu.memory_space<vmem>>, vector<16xf32>,
        %mul3A_1344 = arith.mulf %get3A_784, %get3A_1343 : vector<16xf32>
        %add3A_1345 = arith.addf %add3A_1338, %mul3A_1344 : vector<16xf32>
        %add3A_1346 = arith.constant 9 : i32
        %add3A_1347 = arith.addi %mul3A_770, %add3A_1346 : i32
        %get3A_1348 = arith.index_cast %add3A_1347 : i32 to index
        %get3A_1349 = arith.constant 48 : index
        %get3A_1350 = tpu.vector_load %arg12[%get3A_1348, %get3A_1349] {strides = array<i32>} : memref<320x128xf32, #tpu.memory_space<vmem>>, vector<16xf32>,
        %mul3A_1351 = arith.mulf %get3A_787, %get3A_1350 : vector<16xf32>
        %add3A_1352 = arith.addf %add3A_1345, %mul3A_1351 : vector<16xf32>
        %add3A_1353 = arith.constant 9 : i32
        %add3A_1354 = arith.addi %mul3A_770, %add3A_1353 : i32
        %get3A_1355 = arith.index_cast %add3A_1354 : i32 to index
        %get3A_1356 = arith.constant 64 : index
        %get3A_1357 = tpu.vector_load %arg12[%get3A_1355, %get3A_1356] {strides = array<i32>} : memref<320x128xf32, #tpu.memory_space<vmem>>, vector<16xf32>,
        %mul3A_1358 = arith.mulf %get3A_790, %get3A_1357 : vector<16xf32>
        %add3A_1359 = arith.addf %add3A_1352, %mul3A_1358 : vector<16xf32>
        %add3A_1360 = arith.constant 9 : i32
        %add3A_1361 = arith.addi %mul3A_770, %add3A_1360 : i32
        %get3A_1362 = arith.index_cast %add3A_1361 : i32 to index
        %get3A_1363 = arith.constant 80 : index
        %get3A_1364 = tpu.vector_load %arg12[%get3A_1362, %get3A_1363] {strides = array<i32>} : memref<320x128xf32, #tpu.memory_space<vmem>>, vector<16xf32>,
        %mul3A_1365 = arith.mulf %get3A_793, %get3A_1364 : vector<16xf32>
        %add3A_1366 = arith.addf %add3A_1359, %mul3A_1365 : vector<16xf32>
        %add3A_1367 = arith.constant 9 : i32
        %add3A_1368 = arith.addi %mul3A_770, %add3A_1367 : i32
        %get3A_1369 = arith.index_cast %add3A_1368 : i32 to index
        %get3A_1370 = arith.constant 96 : index
        %get3A_1371 = tpu.vector_load %arg12[%get3A_1369, %get3A_1370] {strides = array<i32>} : memref<320x128xf32, #tpu.memory_space<vmem>>, vector<16xf32>,
        %mul3A_1372 = arith.mulf %get3A_796, %get3A_1371 : vector<16xf32>
        %add3A_1373 = arith.addf %add3A_1366, %mul3A_1372 : vector<16xf32>
        %add3A_1374 = arith.constant 9 : i32
        %add3A_1375 = arith.addi %mul3A_770, %add3A_1374 : i32
        %get3A_1376 = arith.index_cast %add3A_1375 : i32 to index
        %get3A_1377 = arith.constant 112 : index
        %get3A_1378 = tpu.vector_load %arg12[%get3A_1376, %get3A_1377] {strides = array<i32>} : memref<320x128xf32, #tpu.memory_space<vmem>>, vector<16xf32>,
        %mul3A_1379 = arith.mulf %get3A_799, %get3A_1378 : vector<16xf32>
        %add3A_1380 = arith.addf %add3A_1373, %mul3A_1379 : vector<16xf32>
        %eq3A_1381 = vector.broadcast %scan3A_748 : i32 to vector<16xi32>
        %eq3A_1382 = arith.cmpi eq, %iota3A, %eq3A_1381 : vector<16xi32>
        %reduce_sum3A_1383 = arith.constant true
        %reduce_sum3A_1384 = vector.broadcast %reduce_sum3A_1383 : i1 to vector<16xi1>
        %reduce_sum3A_1385 = tpu.scan <sum>, %add3A_1380 masked %reduce_sum3A_1384 : vector<16xf32>, vector<16xi1> -> vector<16xf32>
        %reduce_sum3A_1386 = vector.extract %reduce_sum3A_1385[15] : f32 from vector<16xf32>
        %broadcast_in_dim3A_1387 = vector.broadcast %reduce_sum3A_1386 : f32 to vector<16xf32>
        %select_n3A_1388 = arith.select %eq3A_1382, %broadcast_in_dim3A_1387, %scan3A_757 : vector<16xi1>, vector<16xf32>
        %add3A_1389 = arith.constant 1 : i32
        %add3A_1390 = arith.addi %add3A_776, %add3A_1389 : i32
        %get3A_1391 = arith.index_cast %add3A_1390 : i32 to index
        %get3A_1392 = arith.constant 0 : index
        %get3A_1393 = tpu.vector_load %arg12[%get3A_1391, %get3A_1392] {strides = array<i32>} : memref<320x128xf32, #tpu.memory_space<vmem>>, vector<16xf32>,
        %mul3A_1394 = arith.mulf %get3A_802, %get3A_1393 : vector<16xf32>
        %add3A_1395 = arith.constant 1 : i32
        %add3A_1396 = arith.addi %add3A_776, %add3A_1395 : i32
        %get3A_1397 = arith.index_cast %add3A_1396 : i32 to index
        %get3A_1398 = arith.constant 16 : index
        %get3A_1399 = tpu.vector_load %arg12[%get3A_1397, %get3A_1398] {strides = array<i32>} : memref<320x128xf32, #tpu.memory_space<vmem>>, vector<16xf32>,
        %mul3A_1400 = arith.mulf %get3A_805, %get3A_1399 : vector<16xf32>
        %add3A_1401 = arith.addf %mul3A_1394, %mul3A_1400 : vector<16xf32>
        %add3A_1402 = arith.constant 1 : i32
        %add3A_1403 = arith.addi %add3A_776, %add3A_1402 : i32
        %get3A_1404 = arith.index_cast %add3A_1403 : i32 to index
        %get3A_1405 = arith.constant 32 : index
        %get3A_1406 = tpu.vector_load %arg12[%get3A_1404, %get3A_1405] {strides = array<i32>} : memref<320x128xf32, #tpu.memory_space<vmem>>, vector<16xf32>,
        %mul3A_1407 = arith.mulf %get3A_808, %get3A_1406 : vector<16xf32>
        %add3A_1408 = arith.addf %add3A_1401, %mul3A_1407 : vector<16xf32>
        %add3A_1409 = arith.constant 1 : i32
        %add3A_1410 = arith.addi %add3A_776, %add3A_1409 : i32
        %get3A_1411 = arith.index_cast %add3A_1410 : i32 to index
        %get3A_1412 = arith.constant 48 : index
        %get3A_1413 = tpu.vector_load %arg12[%get3A_1411, %get3A_1412] {strides = array<i32>} : memref<320x128xf32, #tpu.memory_space<vmem>>, vector<16xf32>,
        %mul3A_1414 = arith.mulf %get3A_811, %get3A_1413 : vector<16xf32>
        %add3A_1415 = arith.addf %add3A_1408, %mul3A_1414 : vector<16xf32>
        %add3A_1416 = arith.constant 1 : i32
        %add3A_1417 = arith.addi %add3A_776, %add3A_1416 : i32
        %get3A_1418 = arith.index_cast %add3A_1417 : i32 to index
        %get3A_1419 = arith.constant 64 : index
        %get3A_1420 = tpu.vector_load %arg12[%get3A_1418, %get3A_1419] {strides = array<i32>} : memref<320x128xf32, #tpu.memory_space<vmem>>, vector<16xf32>,
        %mul3A_1421 = arith.mulf %get3A_814, %get3A_1420 : vector<16xf32>
        %add3A_1422 = arith.addf %add3A_1415, %mul3A_1421 : vector<16xf32>
        %add3A_1423 = arith.constant 1 : i32
        %add3A_1424 = arith.addi %add3A_776, %add3A_1423 : i32
        %get3A_1425 = arith.index_cast %add3A_1424 : i32 to index
        %get3A_1426 = arith.constant 80 : index
        %get3A_1427 = tpu.vector_load %arg12[%get3A_1425, %get3A_1426] {strides = array<i32>} : memref<320x128xf32, #tpu.memory_space<vmem>>, vector<16xf32>,
        %mul3A_1428 = arith.mulf %get3A_817, %get3A_1427 : vector<16xf32>
        %add3A_1429 = arith.addf %add3A_1422, %mul3A_1428 : vector<16xf32>
        %add3A_1430 = arith.constant 1 : i32
        %add3A_1431 = arith.addi %add3A_776, %add3A_1430 : i32
        %get3A_1432 = arith.index_cast %add3A_1431 : i32 to index
        %get3A_1433 = arith.constant 96 : index
        %get3A_1434 = tpu.vector_load %arg12[%get3A_1432, %get3A_1433] {strides = array<i32>} : memref<320x128xf32, #tpu.memory_space<vmem>>, vector<16xf32>,
        %mul3A_1435 = arith.mulf %get3A_820, %get3A_1434 : vector<16xf32>
        %add3A_1436 = arith.addf %add3A_1429, %mul3A_1435 : vector<16xf32>
        %add3A_1437 = arith.constant 1 : i32
        %add3A_1438 = arith.addi %add3A_776, %add3A_1437 : i32
        %get3A_1439 = arith.index_cast %add3A_1438 : i32 to index
        %get3A_1440 = arith.constant 112 : index
        %get3A_1441 = tpu.vector_load %arg12[%get3A_1439, %get3A_1440] {strides = array<i32>} : memref<320x128xf32, #tpu.memory_space<vmem>>, vector<16xf32>,
        %mul3A_1442 = arith.mulf %get3A_823, %get3A_1441 : vector<16xf32>
        %add3A_1443 = arith.addf %add3A_1436, %mul3A_1442 : vector<16xf32>
        %eq3A_1444 = vector.broadcast %scan3A_748 : i32 to vector<16xi32>
        %eq3A_1445 = arith.cmpi eq, %iota3A, %eq3A_1444 : vector<16xi32>
        %reduce_sum3A_1446 = arith.constant true
        %reduce_sum3A_1447 = vector.broadcast %reduce_sum3A_1446 : i1 to vector<16xi1>
        %reduce_sum3A_1448 = tpu.scan <sum>, %add3A_1443 masked %reduce_sum3A_1447 : vector<16xf32>, vector<16xi1> -> vector<16xf32>
        %reduce_sum3A_1449 = vector.extract %reduce_sum3A_1448[15] : f32 from vector<16xf32>
        %broadcast_in_dim3A_1450 = vector.broadcast %reduce_sum3A_1449 : f32 to vector<16xf32>
        %select_n3A_1451 = arith.select %eq3A_1445, %broadcast_in_dim3A_1450, %scan3A_758 : vector<16xi1>, vector<16xf32>
        %add3A_1452 = arith.constant 2 : i32
        %add3A_1453 = arith.addi %add3A_776, %add3A_1452 : i32
        %get3A_1454 = arith.index_cast %add3A_1453 : i32 to index
        %get3A_1455 = arith.constant 0 : index
        %get3A_1456 = tpu.vector_load %arg12[%get3A_1454, %get3A_1455] {strides = array<i32>} : memref<320x128xf32, #tpu.memory_space<vmem>>, vector<16xf32>,
        %mul3A_1457 = arith.mulf %get3A_802, %get3A_1456 : vector<16xf32>
        %add3A_1458 = arith.constant 2 : i32
        %add3A_1459 = arith.addi %add3A_776, %add3A_1458 : i32
        %get3A_1460 = arith.index_cast %add3A_1459 : i32 to index
        %get3A_1461 = arith.constant 16 : index
        %get3A_1462 = tpu.vector_load %arg12[%get3A_1460, %get3A_1461] {strides = array<i32>} : memref<320x128xf32, #tpu.memory_space<vmem>>, vector<16xf32>,
        %mul3A_1463 = arith.mulf %get3A_805, %get3A_1462 : vector<16xf32>
        %add3A_1464 = arith.addf %mul3A_1457, %mul3A_1463 : vector<16xf32>
        %add3A_1465 = arith.constant 2 : i32
        %add3A_1466 = arith.addi %add3A_776, %add3A_1465 : i32
        %get3A_1467 = arith.index_cast %add3A_1466 : i32 to index
        %get3A_1468 = arith.constant 32 : index
        %get3A_1469 = tpu.vector_load %arg12[%get3A_1467, %get3A_1468] {strides = array<i32>} : memref<320x128xf32, #tpu.memory_space<vmem>>, vector<16xf32>,
        %mul3A_1470 = arith.mulf %get3A_808, %get3A_1469 : vector<16xf32>
        %add3A_1471 = arith.addf %add3A_1464, %mul3A_1470 : vector<16xf32>
        %add3A_1472 = arith.constant 2 : i32
        %add3A_1473 = arith.addi %add3A_776, %add3A_1472 : i32
        %get3A_1474 = arith.index_cast %add3A_1473 : i32 to index
        %get3A_1475 = arith.constant 48 : index
        %get3A_1476 = tpu.vector_load %arg12[%get3A_1474, %get3A_1475] {strides = array<i32>} : memref<320x128xf32, #tpu.memory_space<vmem>>, vector<16xf32>,
        %mul3A_1477 = arith.mulf %get3A_811, %get3A_1476 : vector<16xf32>
        %add3A_1478 = arith.addf %add3A_1471, %mul3A_1477 : vector<16xf32>
        %add3A_1479 = arith.constant 2 : i32
        %add3A_1480 = arith.addi %add3A_776, %add3A_1479 : i32
        %get3A_1481 = arith.index_cast %add3A_1480 : i32 to index
        %get3A_1482 = arith.constant 64 : index
        %get3A_1483 = tpu.vector_load %arg12[%get3A_1481, %get3A_1482] {strides = array<i32>} : memref<320x128xf32, #tpu.memory_space<vmem>>, vector<16xf32>,
        %mul3A_1484 = arith.mulf %get3A_814, %get3A_1483 : vector<16xf32>
        %add3A_1485 = arith.addf %add3A_1478, %mul3A_1484 : vector<16xf32>
        %add3A_1486 = arith.constant 2 : i32
        %add3A_1487 = arith.addi %add3A_776, %add3A_1486 : i32
        %get3A_1488 = arith.index_cast %add3A_1487 : i32 to index
        %get3A_1489 = arith.constant 80 : index
        %get3A_1490 = tpu.vector_load %arg12[%get3A_1488, %get3A_1489] {strides = array<i32>} : memref<320x128xf32, #tpu.memory_space<vmem>>, vector<16xf32>,
        %mul3A_1491 = arith.mulf %get3A_817, %get3A_1490 : vector<16xf32>
        %add3A_1492 = arith.addf %add3A_1485, %mul3A_1491 : vector<16xf32>
        %add3A_1493 = arith.constant 2 : i32
        %add3A_1494 = arith.addi %add3A_776, %add3A_1493 : i32
        %get3A_1495 = arith.index_cast %add3A_1494 : i32 to index
        %get3A_1496 = arith.constant 96 : index
        %get3A_1497 = tpu.vector_load %arg12[%get3A_1495, %get3A_1496] {strides = array<i32>} : memref<320x128xf32, #tpu.memory_space<vmem>>, vector<16xf32>,
        %mul3A_1498 = arith.mulf %get3A_820, %get3A_1497 : vector<16xf32>
        %add3A_1499 = arith.addf %add3A_1492, %mul3A_1498 : vector<16xf32>
        %add3A_1500 = arith.constant 2 : i32
        %add3A_1501 = arith.addi %add3A_776, %add3A_1500 : i32
        %get3A_1502 = arith.index_cast %add3A_1501 : i32 to index
        %get3A_1503 = arith.constant 112 : index
        %get3A_1504 = tpu.vector_load %arg12[%get3A_1502, %get3A_1503] {strides = array<i32>} : memref<320x128xf32, #tpu.memory_space<vmem>>, vector<16xf32>,
        %mul3A_1505 = arith.mulf %get3A_823, %get3A_1504 : vector<16xf32>
        %add3A_1506 = arith.addf %add3A_1499, %mul3A_1505 : vector<16xf32>
        %eq3A_1507 = vector.broadcast %scan3A_748 : i32 to vector<16xi32>
        %eq3A_1508 = arith.cmpi eq, %iota3A, %eq3A_1507 : vector<16xi32>
        %reduce_sum3A_1509 = arith.constant true
        %reduce_sum3A_1510 = vector.broadcast %reduce_sum3A_1509 : i1 to vector<16xi1>
        %reduce_sum3A_1511 = tpu.scan <sum>, %add3A_1506 masked %reduce_sum3A_1510 : vector<16xf32>, vector<16xi1> -> vector<16xf32>
        %reduce_sum3A_1512 = vector.extract %reduce_sum3A_1511[15] : f32 from vector<16xf32>
        %broadcast_in_dim3A_1513 = vector.broadcast %reduce_sum3A_1512 : f32 to vector<16xf32>
        %select_n3A_1514 = arith.select %eq3A_1508, %broadcast_in_dim3A_1513, %scan3A_759 : vector<16xi1>, vector<16xf32>
        %add3A_1515 = arith.constant 3 : i32
        %add3A_1516 = arith.addi %add3A_776, %add3A_1515 : i32
        %get3A_1517 = arith.index_cast %add3A_1516 : i32 to index
        %get3A_1518 = arith.constant 0 : index
        %get3A_1519 = tpu.vector_load %arg12[%get3A_1517, %get3A_1518] {strides = array<i32>} : memref<320x128xf32, #tpu.memory_space<vmem>>, vector<16xf32>,
        %mul3A_1520 = arith.mulf %get3A_802, %get3A_1519 : vector<16xf32>
        %add3A_1521 = arith.constant 3 : i32
        %add3A_1522 = arith.addi %add3A_776, %add3A_1521 : i32
        %get3A_1523 = arith.index_cast %add3A_1522 : i32 to index
        %get3A_1524 = arith.constant 16 : index
        %get3A_1525 = tpu.vector_load %arg12[%get3A_1523, %get3A_1524] {strides = array<i32>} : memref<320x128xf32, #tpu.memory_space<vmem>>, vector<16xf32>,
        %mul3A_1526 = arith.mulf %get3A_805, %get3A_1525 : vector<16xf32>
        %add3A_1527 = arith.addf %mul3A_1520, %mul3A_1526 : vector<16xf32>
        %add3A_1528 = arith.constant 3 : i32
        %add3A_1529 = arith.addi %add3A_776, %add3A_1528 : i32
        %get3A_1530 = arith.index_cast %add3A_1529 : i32 to index
        %get3A_1531 = arith.constant 32 : index
        %get3A_1532 = tpu.vector_load %arg12[%get3A_1530, %get3A_1531] {strides = array<i32>} : memref<320x128xf32, #tpu.memory_space<vmem>>, vector<16xf32>,
        %mul3A_1533 = arith.mulf %get3A_808, %get3A_1532 : vector<16xf32>
        %add3A_1534 = arith.addf %add3A_1527, %mul3A_1533 : vector<16xf32>
        %add3A_1535 = arith.constant 3 : i32
        %add3A_1536 = arith.addi %add3A_776, %add3A_1535 : i32
        %get3A_1537 = arith.index_cast %add3A_1536 : i32 to index
        %get3A_1538 = arith.constant 48 : index
        %get3A_1539 = tpu.vector_load %arg12[%get3A_1537, %get3A_1538] {strides = array<i32>} : memref<320x128xf32, #tpu.memory_space<vmem>>, vector<16xf32>,
        %mul3A_1540 = arith.mulf %get3A_811, %get3A_1539 : vector<16xf32>
        %add3A_1541 = arith.addf %add3A_1534, %mul3A_1540 : vector<16xf32>
        %add3A_1542 = arith.constant 3 : i32
        %add3A_1543 = arith.addi %add3A_776, %add3A_1542 : i32
        %get3A_1544 = arith.index_cast %add3A_1543 : i32 to index
        %get3A_1545 = arith.constant 64 : index
        %get3A_1546 = tpu.vector_load %arg12[%get3A_1544, %get3A_1545] {strides = array<i32>} : memref<320x128xf32, #tpu.memory_space<vmem>>, vector<16xf32>,
        %mul3A_1547 = arith.mulf %get3A_814, %get3A_1546 : vector<16xf32>
        %add3A_1548 = arith.addf %add3A_1541, %mul3A_1547 : vector<16xf32>
        %add3A_1549 = arith.constant 3 : i32
        %add3A_1550 = arith.addi %add3A_776, %add3A_1549 : i32
        %get3A_1551 = arith.index_cast %add3A_1550 : i32 to index
        %get3A_1552 = arith.constant 80 : index
        %get3A_1553 = tpu.vector_load %arg12[%get3A_1551, %get3A_1552] {strides = array<i32>} : memref<320x128xf32, #tpu.memory_space<vmem>>, vector<16xf32>,
        %mul3A_1554 = arith.mulf %get3A_817, %get3A_1553 : vector<16xf32>
        %add3A_1555 = arith.addf %add3A_1548, %mul3A_1554 : vector<16xf32>
        %add3A_1556 = arith.constant 3 : i32
        %add3A_1557 = arith.addi %add3A_776, %add3A_1556 : i32
        %get3A_1558 = arith.index_cast %add3A_1557 : i32 to index
        %get3A_1559 = arith.constant 96 : index
        %get3A_1560 = tpu.vector_load %arg12[%get3A_1558, %get3A_1559] {strides = array<i32>} : memref<320x128xf32, #tpu.memory_space<vmem>>, vector<16xf32>,
        %mul3A_1561 = arith.mulf %get3A_820, %get3A_1560 : vector<16xf32>
        %add3A_1562 = arith.addf %add3A_1555, %mul3A_1561 : vector<16xf32>
        %add3A_1563 = arith.constant 3 : i32
        %add3A_1564 = arith.addi %add3A_776, %add3A_1563 : i32
        %get3A_1565 = arith.index_cast %add3A_1564 : i32 to index
        %get3A_1566 = arith.constant 112 : index
        %get3A_1567 = tpu.vector_load %arg12[%get3A_1565, %get3A_1566] {strides = array<i32>} : memref<320x128xf32, #tpu.memory_space<vmem>>, vector<16xf32>,
        %mul3A_1568 = arith.mulf %get3A_823, %get3A_1567 : vector<16xf32>
        %add3A_1569 = arith.addf %add3A_1562, %mul3A_1568 : vector<16xf32>
        %eq3A_1570 = vector.broadcast %scan3A_748 : i32 to vector<16xi32>
        %eq3A_1571 = arith.cmpi eq, %iota3A, %eq3A_1570 : vector<16xi32>
        %reduce_sum3A_1572 = arith.constant true
        %reduce_sum3A_1573 = vector.broadcast %reduce_sum3A_1572 : i1 to vector<16xi1>
        %reduce_sum3A_1574 = tpu.scan <sum>, %add3A_1569 masked %reduce_sum3A_1573 : vector<16xf32>, vector<16xi1> -> vector<16xf32>
        %reduce_sum3A_1575 = vector.extract %reduce_sum3A_1574[15] : f32 from vector<16xf32>
        %broadcast_in_dim3A_1576 = vector.broadcast %reduce_sum3A_1575 : f32 to vector<16xf32>
        %select_n3A_1577 = arith.select %eq3A_1571, %broadcast_in_dim3A_1576, %scan3A_760 : vector<16xi1>, vector<16xf32>
        %add3A_1578 = arith.constant 4 : i32
        %add3A_1579 = arith.addi %add3A_776, %add3A_1578 : i32
        %get3A_1580 = arith.index_cast %add3A_1579 : i32 to index
        %get3A_1581 = arith.constant 0 : index
        %get3A_1582 = tpu.vector_load %arg12[%get3A_1580, %get3A_1581] {strides = array<i32>} : memref<320x128xf32, #tpu.memory_space<vmem>>, vector<16xf32>,
        %mul3A_1583 = arith.mulf %get3A_802, %get3A_1582 : vector<16xf32>
        %add3A_1584 = arith.constant 4 : i32
        %add3A_1585 = arith.addi %add3A_776, %add3A_1584 : i32
        %get3A_1586 = arith.index_cast %add3A_1585 : i32 to index
        %get3A_1587 = arith.constant 16 : index
        %get3A_1588 = tpu.vector_load %arg12[%get3A_1586, %get3A_1587] {strides = array<i32>} : memref<320x128xf32, #tpu.memory_space<vmem>>, vector<16xf32>,
        %mul3A_1589 = arith.mulf %get3A_805, %get3A_1588 : vector<16xf32>
        %add3A_1590 = arith.addf %mul3A_1583, %mul3A_1589 : vector<16xf32>
        %add3A_1591 = arith.constant 4 : i32
        %add3A_1592 = arith.addi %add3A_776, %add3A_1591 : i32
        %get3A_1593 = arith.index_cast %add3A_1592 : i32 to index
        %get3A_1594 = arith.constant 32 : index
        %get3A_1595 = tpu.vector_load %arg12[%get3A_1593, %get3A_1594] {strides = array<i32>} : memref<320x128xf32, #tpu.memory_space<vmem>>, vector<16xf32>,
        %mul3A_1596 = arith.mulf %get3A_808, %get3A_1595 : vector<16xf32>
        %add3A_1597 = arith.addf %add3A_1590, %mul3A_1596 : vector<16xf32>
        %add3A_1598 = arith.constant 4 : i32
        %add3A_1599 = arith.addi %add3A_776, %add3A_1598 : i32
        %get3A_1600 = arith.index_cast %add3A_1599 : i32 to index
        %get3A_1601 = arith.constant 48 : index
        %get3A_1602 = tpu.vector_load %arg12[%get3A_1600, %get3A_1601] {strides = array<i32>} : memref<320x128xf32, #tpu.memory_space<vmem>>, vector<16xf32>,
        %mul3A_1603 = arith.mulf %get3A_811, %get3A_1602 : vector<16xf32>
        %add3A_1604 = arith.addf %add3A_1597, %mul3A_1603 : vector<16xf32>
        %add3A_1605 = arith.constant 4 : i32
        %add3A_1606 = arith.addi %add3A_776, %add3A_1605 : i32
        %get3A_1607 = arith.index_cast %add3A_1606 : i32 to index
        %get3A_1608 = arith.constant 64 : index
        %get3A_1609 = tpu.vector_load %arg12[%get3A_1607, %get3A_1608] {strides = array<i32>} : memref<320x128xf32, #tpu.memory_space<vmem>>, vector<16xf32>,
        %mul3A_1610 = arith.mulf %get3A_814, %get3A_1609 : vector<16xf32>
        %add3A_1611 = arith.addf %add3A_1604, %mul3A_1610 : vector<16xf32>
        %add3A_1612 = arith.constant 4 : i32
        %add3A_1613 = arith.addi %add3A_776, %add3A_1612 : i32
        %get3A_1614 = arith.index_cast %add3A_1613 : i32 to index
        %get3A_1615 = arith.constant 80 : index
        %get3A_1616 = tpu.vector_load %arg12[%get3A_1614, %get3A_1615] {strides = array<i32>} : memref<320x128xf32, #tpu.memory_space<vmem>>, vector<16xf32>,
        %mul3A_1617 = arith.mulf %get3A_817, %get3A_1616 : vector<16xf32>
        %add3A_1618 = arith.addf %add3A_1611, %mul3A_1617 : vector<16xf32>
        %add3A_1619 = arith.constant 4 : i32
        %add3A_1620 = arith.addi %add3A_776, %add3A_1619 : i32
        %get3A_1621 = arith.index_cast %add3A_1620 : i32 to index
        %get3A_1622 = arith.constant 96 : index
        %get3A_1623 = tpu.vector_load %arg12[%get3A_1621, %get3A_1622] {strides = array<i32>} : memref<320x128xf32, #tpu.memory_space<vmem>>, vector<16xf32>,
        %mul3A_1624 = arith.mulf %get3A_820, %get3A_1623 : vector<16xf32>
        %add3A_1625 = arith.addf %add3A_1618, %mul3A_1624 : vector<16xf32>
        %add3A_1626 = arith.constant 4 : i32
        %add3A_1627 = arith.addi %add3A_776, %add3A_1626 : i32
        %get3A_1628 = arith.index_cast %add3A_1627 : i32 to index
        %get3A_1629 = arith.constant 112 : index
        %get3A_1630 = tpu.vector_load %arg12[%get3A_1628, %get3A_1629] {strides = array<i32>} : memref<320x128xf32, #tpu.memory_space<vmem>>, vector<16xf32>,
        %mul3A_1631 = arith.mulf %get3A_823, %get3A_1630 : vector<16xf32>
        %add3A_1632 = arith.addf %add3A_1625, %mul3A_1631 : vector<16xf32>
        %eq3A_1633 = vector.broadcast %scan3A_748 : i32 to vector<16xi32>
        %eq3A_1634 = arith.cmpi eq, %iota3A, %eq3A_1633 : vector<16xi32>
        %reduce_sum3A_1635 = arith.constant true
        %reduce_sum3A_1636 = vector.broadcast %reduce_sum3A_1635 : i1 to vector<16xi1>
        %reduce_sum3A_1637 = tpu.scan <sum>, %add3A_1632 masked %reduce_sum3A_1636 : vector<16xf32>, vector<16xi1> -> vector<16xf32>
        %reduce_sum3A_1638 = vector.extract %reduce_sum3A_1637[15] : f32 from vector<16xf32>
        %broadcast_in_dim3A_1639 = vector.broadcast %reduce_sum3A_1638 : f32 to vector<16xf32>
        %select_n3A_1640 = arith.select %eq3A_1634, %broadcast_in_dim3A_1639, %scan3A_761 : vector<16xi1>, vector<16xf32>
        %add3A_1641 = arith.constant 5 : i32
        %add3A_1642 = arith.addi %add3A_776, %add3A_1641 : i32
        %get3A_1643 = arith.index_cast %add3A_1642 : i32 to index
        %get3A_1644 = arith.constant 0 : index
        %get3A_1645 = tpu.vector_load %arg12[%get3A_1643, %get3A_1644] {strides = array<i32>} : memref<320x128xf32, #tpu.memory_space<vmem>>, vector<16xf32>,
        %mul3A_1646 = arith.mulf %get3A_802, %get3A_1645 : vector<16xf32>
        %add3A_1647 = arith.constant 5 : i32
        %add3A_1648 = arith.addi %add3A_776, %add3A_1647 : i32
        %get3A_1649 = arith.index_cast %add3A_1648 : i32 to index
        %get3A_1650 = arith.constant 16 : index
        %get3A_1651 = tpu.vector_load %arg12[%get3A_1649, %get3A_1650] {strides = array<i32>} : memref<320x128xf32, #tpu.memory_space<vmem>>, vector<16xf32>,
        %mul3A_1652 = arith.mulf %get3A_805, %get3A_1651 : vector<16xf32>
        %add3A_1653 = arith.addf %mul3A_1646, %mul3A_1652 : vector<16xf32>
        %add3A_1654 = arith.constant 5 : i32
        %add3A_1655 = arith.addi %add3A_776, %add3A_1654 : i32
        %get3A_1656 = arith.index_cast %add3A_1655 : i32 to index
        %get3A_1657 = arith.constant 32 : index
        %get3A_1658 = tpu.vector_load %arg12[%get3A_1656, %get3A_1657] {strides = array<i32>} : memref<320x128xf32, #tpu.memory_space<vmem>>, vector<16xf32>,
        %mul3A_1659 = arith.mulf %get3A_808, %get3A_1658 : vector<16xf32>
        %add3A_1660 = arith.addf %add3A_1653, %mul3A_1659 : vector<16xf32>
        %add3A_1661 = arith.constant 5 : i32
        %add3A_1662 = arith.addi %add3A_776, %add3A_1661 : i32
        %get3A_1663 = arith.index_cast %add3A_1662 : i32 to index
        %get3A_1664 = arith.constant 48 : index
        %get3A_1665 = tpu.vector_load %arg12[%get3A_1663, %get3A_1664] {strides = array<i32>} : memref<320x128xf32, #tpu.memory_space<vmem>>, vector<16xf32>,
        %mul3A_1666 = arith.mulf %get3A_811, %get3A_1665 : vector<16xf32>
        %add3A_1667 = arith.addf %add3A_1660, %mul3A_1666 : vector<16xf32>
        %add3A_1668 = arith.constant 5 : i32
        %add3A_1669 = arith.addi %add3A_776, %add3A_1668 : i32
        %get3A_1670 = arith.index_cast %add3A_1669 : i32 to index
        %get3A_1671 = arith.constant 64 : index
        %get3A_1672 = tpu.vector_load %arg12[%get3A_1670, %get3A_1671] {strides = array<i32>} : memref<320x128xf32, #tpu.memory_space<vmem>>, vector<16xf32>,
        %mul3A_1673 = arith.mulf %get3A_814, %get3A_1672 : vector<16xf32>
        %add3A_1674 = arith.addf %add3A_1667, %mul3A_1673 : vector<16xf32>
        %add3A_1675 = arith.constant 5 : i32
        %add3A_1676 = arith.addi %add3A_776, %add3A_1675 : i32
        %get3A_1677 = arith.index_cast %add3A_1676 : i32 to index
        %get3A_1678 = arith.constant 80 : index
        %get3A_1679 = tpu.vector_load %arg12[%get3A_1677, %get3A_1678] {strides = array<i32>} : memref<320x128xf32, #tpu.memory_space<vmem>>, vector<16xf32>,
        %mul3A_1680 = arith.mulf %get3A_817, %get3A_1679 : vector<16xf32>
        %add3A_1681 = arith.addf %add3A_1674, %mul3A_1680 : vector<16xf32>
        %add3A_1682 = arith.constant 5 : i32
        %add3A_1683 = arith.addi %add3A_776, %add3A_1682 : i32
        %get3A_1684 = arith.index_cast %add3A_1683 : i32 to index
        %get3A_1685 = arith.constant 96 : index
        %get3A_1686 = tpu.vector_load %arg12[%get3A_1684, %get3A_1685] {strides = array<i32>} : memref<320x128xf32, #tpu.memory_space<vmem>>, vector<16xf32>,
        %mul3A_1687 = arith.mulf %get3A_820, %get3A_1686 : vector<16xf32>
        %add3A_1688 = arith.addf %add3A_1681, %mul3A_1687 : vector<16xf32>
        %add3A_1689 = arith.constant 5 : i32
        %add3A_1690 = arith.addi %add3A_776, %add3A_1689 : i32
        %get3A_1691 = arith.index_cast %add3A_1690 : i32 to index
        %get3A_1692 = arith.constant 112 : index
        %get3A_1693 = tpu.vector_load %arg12[%get3A_1691, %get3A_1692] {strides = array<i32>} : memref<320x128xf32, #tpu.memory_space<vmem>>, vector<16xf32>,
        %mul3A_1694 = arith.mulf %get3A_823, %get3A_1693 : vector<16xf32>
        %add3A_1695 = arith.addf %add3A_1688, %mul3A_1694 : vector<16xf32>
        %eq3A_1696 = vector.broadcast %scan3A_748 : i32 to vector<16xi32>
        %eq3A_1697 = arith.cmpi eq, %iota3A, %eq3A_1696 : vector<16xi32>
        %reduce_sum3A_1698 = arith.constant true
        %reduce_sum3A_1699 = vector.broadcast %reduce_sum3A_1698 : i1 to vector<16xi1>
        %reduce_sum3A_1700 = tpu.scan <sum>, %add3A_1695 masked %reduce_sum3A_1699 : vector<16xf32>, vector<16xi1> -> vector<16xf32>
        %reduce_sum3A_1701 = vector.extract %reduce_sum3A_1700[15] : f32 from vector<16xf32>
        %broadcast_in_dim3A_1702 = vector.broadcast %reduce_sum3A_1701 : f32 to vector<16xf32>
        %select_n3A_1703 = arith.select %eq3A_1697, %broadcast_in_dim3A_1702, %scan3A_762 : vector<16xi1>, vector<16xf32>
        %add3A_1704 = arith.constant 6 : i32
        %add3A_1705 = arith.addi %add3A_776, %add3A_1704 : i32
        %get3A_1706 = arith.index_cast %add3A_1705 : i32 to index
        %get3A_1707 = arith.constant 0 : index
        %get3A_1708 = tpu.vector_load %arg12[%get3A_1706, %get3A_1707] {strides = array<i32>} : memref<320x128xf32, #tpu.memory_space<vmem>>, vector<16xf32>,
        %mul3A_1709 = arith.mulf %get3A_802, %get3A_1708 : vector<16xf32>
        %add3A_1710 = arith.constant 6 : i32
        %add3A_1711 = arith.addi %add3A_776, %add3A_1710 : i32
        %get3A_1712 = arith.index_cast %add3A_1711 : i32 to index
        %get3A_1713 = arith.constant 16 : index
        %get3A_1714 = tpu.vector_load %arg12[%get3A_1712, %get3A_1713] {strides = array<i32>} : memref<320x128xf32, #tpu.memory_space<vmem>>, vector<16xf32>,
        %mul3A_1715 = arith.mulf %get3A_805, %get3A_1714 : vector<16xf32>
        %add3A_1716 = arith.addf %mul3A_1709, %mul3A_1715 : vector<16xf32>
        %add3A_1717 = arith.constant 6 : i32
        %add3A_1718 = arith.addi %add3A_776, %add3A_1717 : i32
        %get3A_1719 = arith.index_cast %add3A_1718 : i32 to index
        %get3A_1720 = arith.constant 32 : index
        %get3A_1721 = tpu.vector_load %arg12[%get3A_1719, %get3A_1720] {strides = array<i32>} : memref<320x128xf32, #tpu.memory_space<vmem>>, vector<16xf32>,
        %mul3A_1722 = arith.mulf %get3A_808, %get3A_1721 : vector<16xf32>
        %add3A_1723 = arith.addf %add3A_1716, %mul3A_1722 : vector<16xf32>
        %add3A_1724 = arith.constant 6 : i32
        %add3A_1725 = arith.addi %add3A_776, %add3A_1724 : i32
        %get3A_1726 = arith.index_cast %add3A_1725 : i32 to index
        %get3A_1727 = arith.constant 48 : index
        %get3A_1728 = tpu.vector_load %arg12[%get3A_1726, %get3A_1727] {strides = array<i32>} : memref<320x128xf32, #tpu.memory_space<vmem>>, vector<16xf32>,
        %mul3A_1729 = arith.mulf %get3A_811, %get3A_1728 : vector<16xf32>
        %add3A_1730 = arith.addf %add3A_1723, %mul3A_1729 : vector<16xf32>
        %add3A_1731 = arith.constant 6 : i32
        %add3A_1732 = arith.addi %add3A_776, %add3A_1731 : i32
        %get3A_1733 = arith.index_cast %add3A_1732 : i32 to index
        %get3A_1734 = arith.constant 64 : index
        %get3A_1735 = tpu.vector_load %arg12[%get3A_1733, %get3A_1734] {strides = array<i32>} : memref<320x128xf32, #tpu.memory_space<vmem>>, vector<16xf32>,
        %mul3A_1736 = arith.mulf %get3A_814, %get3A_1735 : vector<16xf32>
        %add3A_1737 = arith.addf %add3A_1730, %mul3A_1736 : vector<16xf32>
        %add3A_1738 = arith.constant 6 : i32
        %add3A_1739 = arith.addi %add3A_776, %add3A_1738 : i32
        %get3A_1740 = arith.index_cast %add3A_1739 : i32 to index
        %get3A_1741 = arith.constant 80 : index
        %get3A_1742 = tpu.vector_load %arg12[%get3A_1740, %get3A_1741] {strides = array<i32>} : memref<320x128xf32, #tpu.memory_space<vmem>>, vector<16xf32>,
        %mul3A_1743 = arith.mulf %get3A_817, %get3A_1742 : vector<16xf32>
        %add3A_1744 = arith.addf %add3A_1737, %mul3A_1743 : vector<16xf32>
        %add3A_1745 = arith.constant 6 : i32
        %add3A_1746 = arith.addi %add3A_776, %add3A_1745 : i32
        %get3A_1747 = arith.index_cast %add3A_1746 : i32 to index
        %get3A_1748 = arith.constant 96 : index
        %get3A_1749 = tpu.vector_load %arg12[%get3A_1747, %get3A_1748] {strides = array<i32>} : memref<320x128xf32, #tpu.memory_space<vmem>>, vector<16xf32>,
        %mul3A_1750 = arith.mulf %get3A_820, %get3A_1749 : vector<16xf32>
        %add3A_1751 = arith.addf %add3A_1744, %mul3A_1750 : vector<16xf32>
        %add3A_1752 = arith.constant 6 : i32
        %add3A_1753 = arith.addi %add3A_776, %add3A_1752 : i32
        %get3A_1754 = arith.index_cast %add3A_1753 : i32 to index
        %get3A_1755 = arith.constant 112 : index
        %get3A_1756 = tpu.vector_load %arg12[%get3A_1754, %get3A_1755] {strides = array<i32>} : memref<320x128xf32, #tpu.memory_space<vmem>>, vector<16xf32>,
        %mul3A_1757 = arith.mulf %get3A_823, %get3A_1756 : vector<16xf32>
        %add3A_1758 = arith.addf %add3A_1751, %mul3A_1757 : vector<16xf32>
        %eq3A_1759 = vector.broadcast %scan3A_748 : i32 to vector<16xi32>
        %eq3A_1760 = arith.cmpi eq, %iota3A, %eq3A_1759 : vector<16xi32>
        %reduce_sum3A_1761 = arith.constant true
        %reduce_sum3A_1762 = vector.broadcast %reduce_sum3A_1761 : i1 to vector<16xi1>
        %reduce_sum3A_1763 = tpu.scan <sum>, %add3A_1758 masked %reduce_sum3A_1762 : vector<16xf32>, vector<16xi1> -> vector<16xf32>
        %reduce_sum3A_1764 = vector.extract %reduce_sum3A_1763[15] : f32 from vector<16xf32>
        %broadcast_in_dim3A_1765 = vector.broadcast %reduce_sum3A_1764 : f32 to vector<16xf32>
        %select_n3A_1766 = arith.select %eq3A_1760, %broadcast_in_dim3A_1765, %scan3A_763 : vector<16xi1>, vector<16xf32>
        %add3A_1767 = arith.constant 7 : i32
        %add3A_1768 = arith.addi %add3A_776, %add3A_1767 : i32
        %get3A_1769 = arith.index_cast %add3A_1768 : i32 to index
        %get3A_1770 = arith.constant 0 : index
        %get3A_1771 = tpu.vector_load %arg12[%get3A_1769, %get3A_1770] {strides = array<i32>} : memref<320x128xf32, #tpu.memory_space<vmem>>, vector<16xf32>,
        %mul3A_1772 = arith.mulf %get3A_802, %get3A_1771 : vector<16xf32>
        %add3A_1773 = arith.constant 7 : i32
        %add3A_1774 = arith.addi %add3A_776, %add3A_1773 : i32
        %get3A_1775 = arith.index_cast %add3A_1774 : i32 to index
        %get3A_1776 = arith.constant 16 : index
        %get3A_1777 = tpu.vector_load %arg12[%get3A_1775, %get3A_1776] {strides = array<i32>} : memref<320x128xf32, #tpu.memory_space<vmem>>, vector<16xf32>,
        %mul3A_1778 = arith.mulf %get3A_805, %get3A_1777 : vector<16xf32>
        %add3A_1779 = arith.addf %mul3A_1772, %mul3A_1778 : vector<16xf32>
        %add3A_1780 = arith.constant 7 : i32
        %add3A_1781 = arith.addi %add3A_776, %add3A_1780 : i32
        %get3A_1782 = arith.index_cast %add3A_1781 : i32 to index
        %get3A_1783 = arith.constant 32 : index
        %get3A_1784 = tpu.vector_load %arg12[%get3A_1782, %get3A_1783] {strides = array<i32>} : memref<320x128xf32, #tpu.memory_space<vmem>>, vector<16xf32>,
        %mul3A_1785 = arith.mulf %get3A_808, %get3A_1784 : vector<16xf32>
        %add3A_1786 = arith.addf %add3A_1779, %mul3A_1785 : vector<16xf32>
        %add3A_1787 = arith.constant 7 : i32
        %add3A_1788 = arith.addi %add3A_776, %add3A_1787 : i32
        %get3A_1789 = arith.index_cast %add3A_1788 : i32 to index
        %get3A_1790 = arith.constant 48 : index
        %get3A_1791 = tpu.vector_load %arg12[%get3A_1789, %get3A_1790] {strides = array<i32>} : memref<320x128xf32, #tpu.memory_space<vmem>>, vector<16xf32>,
        %mul3A_1792 = arith.mulf %get3A_811, %get3A_1791 : vector<16xf32>
        %add3A_1793 = arith.addf %add3A_1786, %mul3A_1792 : vector<16xf32>
        %add3A_1794 = arith.constant 7 : i32
        %add3A_1795 = arith.addi %add3A_776, %add3A_1794 : i32
        %get3A_1796 = arith.index_cast %add3A_1795 : i32 to index
        %get3A_1797 = arith.constant 64 : index
        %get3A_1798 = tpu.vector_load %arg12[%get3A_1796, %get3A_1797] {strides = array<i32>} : memref<320x128xf32, #tpu.memory_space<vmem>>, vector<16xf32>,
        %mul3A_1799 = arith.mulf %get3A_814, %get3A_1798 : vector<16xf32>
        %add3A_1800 = arith.addf %add3A_1793, %mul3A_1799 : vector<16xf32>
        %add3A_1801 = arith.constant 7 : i32
        %add3A_1802 = arith.addi %add3A_776, %add3A_1801 : i32
        %get3A_1803 = arith.index_cast %add3A_1802 : i32 to index
        %get3A_1804 = arith.constant 80 : index
        %get3A_1805 = tpu.vector_load %arg12[%get3A_1803, %get3A_1804] {strides = array<i32>} : memref<320x128xf32, #tpu.memory_space<vmem>>, vector<16xf32>,
        %mul3A_1806 = arith.mulf %get3A_817, %get3A_1805 : vector<16xf32>
        %add3A_1807 = arith.addf %add3A_1800, %mul3A_1806 : vector<16xf32>
        %add3A_1808 = arith.constant 7 : i32
        %add3A_1809 = arith.addi %add3A_776, %add3A_1808 : i32
        %get3A_1810 = arith.index_cast %add3A_1809 : i32 to index
        %get3A_1811 = arith.constant 96 : index
        %get3A_1812 = tpu.vector_load %arg12[%get3A_1810, %get3A_1811] {strides = array<i32>} : memref<320x128xf32, #tpu.memory_space<vmem>>, vector<16xf32>,
        %mul3A_1813 = arith.mulf %get3A_820, %get3A_1812 : vector<16xf32>
        %add3A_1814 = arith.addf %add3A_1807, %mul3A_1813 : vector<16xf32>
        %add3A_1815 = arith.constant 7 : i32
        %add3A_1816 = arith.addi %add3A_776, %add3A_1815 : i32
        %get3A_1817 = arith.index_cast %add3A_1816 : i32 to index
        %get3A_1818 = arith.constant 112 : index
        %get3A_1819 = tpu.vector_load %arg12[%get3A_1817, %get3A_1818] {strides = array<i32>} : memref<320x128xf32, #tpu.memory_space<vmem>>, vector<16xf32>,
        %mul3A_1820 = arith.mulf %get3A_823, %get3A_1819 : vector<16xf32>
        %add3A_1821 = arith.addf %add3A_1814, %mul3A_1820 : vector<16xf32>
        %eq3A_1822 = vector.broadcast %scan3A_748 : i32 to vector<16xi32>
        %eq3A_1823 = arith.cmpi eq, %iota3A, %eq3A_1822 : vector<16xi32>
        %reduce_sum3A_1824 = arith.constant true
        %reduce_sum3A_1825 = vector.broadcast %reduce_sum3A_1824 : i1 to vector<16xi1>
        %reduce_sum3A_1826 = tpu.scan <sum>, %add3A_1821 masked %reduce_sum3A_1825 : vector<16xf32>, vector<16xi1> -> vector<16xf32>
        %reduce_sum3A_1827 = vector.extract %reduce_sum3A_1826[15] : f32 from vector<16xf32>
        %broadcast_in_dim3A_1828 = vector.broadcast %reduce_sum3A_1827 : f32 to vector<16xf32>
        %select_n3A_1829 = arith.select %eq3A_1823, %broadcast_in_dim3A_1828, %scan3A_764 : vector<16xi1>, vector<16xf32>
        %add3A_1830 = arith.constant 8 : i32
        %add3A_1831 = arith.addi %add3A_776, %add3A_1830 : i32
        %get3A_1832 = arith.index_cast %add3A_1831 : i32 to index
        %get3A_1833 = arith.constant 0 : index
        %get3A_1834 = tpu.vector_load %arg12[%get3A_1832, %get3A_1833] {strides = array<i32>} : memref<320x128xf32, #tpu.memory_space<vmem>>, vector<16xf32>,
        %mul3A_1835 = arith.mulf %get3A_802, %get3A_1834 : vector<16xf32>
        %add3A_1836 = arith.constant 8 : i32
        %add3A_1837 = arith.addi %add3A_776, %add3A_1836 : i32
        %get3A_1838 = arith.index_cast %add3A_1837 : i32 to index
        %get3A_1839 = arith.constant 16 : index
        %get3A_1840 = tpu.vector_load %arg12[%get3A_1838, %get3A_1839] {strides = array<i32>} : memref<320x128xf32, #tpu.memory_space<vmem>>, vector<16xf32>,
        %mul3A_1841 = arith.mulf %get3A_805, %get3A_1840 : vector<16xf32>
        %add3A_1842 = arith.addf %mul3A_1835, %mul3A_1841 : vector<16xf32>
        %add3A_1843 = arith.constant 8 : i32
        %add3A_1844 = arith.addi %add3A_776, %add3A_1843 : i32
        %get3A_1845 = arith.index_cast %add3A_1844 : i32 to index
        %get3A_1846 = arith.constant 32 : index
        %get3A_1847 = tpu.vector_load %arg12[%get3A_1845, %get3A_1846] {strides = array<i32>} : memref<320x128xf32, #tpu.memory_space<vmem>>, vector<16xf32>,
        %mul3A_1848 = arith.mulf %get3A_808, %get3A_1847 : vector<16xf32>
        %add3A_1849 = arith.addf %add3A_1842, %mul3A_1848 : vector<16xf32>
        %add3A_1850 = arith.constant 8 : i32
        %add3A_1851 = arith.addi %add3A_776, %add3A_1850 : i32
        %get3A_1852 = arith.index_cast %add3A_1851 : i32 to index
        %get3A_1853 = arith.constant 48 : index
        %get3A_1854 = tpu.vector_load %arg12[%get3A_1852, %get3A_1853] {strides = array<i32>} : memref<320x128xf32, #tpu.memory_space<vmem>>, vector<16xf32>,
        %mul3A_1855 = arith.mulf %get3A_811, %get3A_1854 : vector<16xf32>
        %add3A_1856 = arith.addf %add3A_1849, %mul3A_1855 : vector<16xf32>
        %add3A_1857 = arith.constant 8 : i32
        %add3A_1858 = arith.addi %add3A_776, %add3A_1857 : i32
        %get3A_1859 = arith.index_cast %add3A_1858 : i32 to index
        %get3A_1860 = arith.constant 64 : index
        %get3A_1861 = tpu.vector_load %arg12[%get3A_1859, %get3A_1860] {strides = array<i32>} : memref<320x128xf32, #tpu.memory_space<vmem>>, vector<16xf32>,
        %mul3A_1862 = arith.mulf %get3A_814, %get3A_1861 : vector<16xf32>
        %add3A_1863 = arith.addf %add3A_1856, %mul3A_1862 : vector<16xf32>
        %add3A_1864 = arith.constant 8 : i32
        %add3A_1865 = arith.addi %add3A_776, %add3A_1864 : i32
        %get3A_1866 = arith.index_cast %add3A_1865 : i32 to index
        %get3A_1867 = arith.constant 80 : index
        %get3A_1868 = tpu.vector_load %arg12[%get3A_1866, %get3A_1867] {strides = array<i32>} : memref<320x128xf32, #tpu.memory_space<vmem>>, vector<16xf32>,
        %mul3A_1869 = arith.mulf %get3A_817, %get3A_1868 : vector<16xf32>
        %add3A_1870 = arith.addf %add3A_1863, %mul3A_1869 : vector<16xf32>
        %add3A_1871 = arith.constant 8 : i32
        %add3A_1872 = arith.addi %add3A_776, %add3A_1871 : i32
        %get3A_1873 = arith.index_cast %add3A_1872 : i32 to index
        %get3A_1874 = arith.constant 96 : index
        %get3A_1875 = tpu.vector_load %arg12[%get3A_1873, %get3A_1874] {strides = array<i32>} : memref<320x128xf32, #tpu.memory_space<vmem>>, vector<16xf32>,
        %mul3A_1876 = arith.mulf %get3A_820, %get3A_1875 : vector<16xf32>
        %add3A_1877 = arith.addf %add3A_1870, %mul3A_1876 : vector<16xf32>
        %add3A_1878 = arith.constant 8 : i32
        %add3A_1879 = arith.addi %add3A_776, %add3A_1878 : i32
        %get3A_1880 = arith.index_cast %add3A_1879 : i32 to index
        %get3A_1881 = arith.constant 112 : index
        %get3A_1882 = tpu.vector_load %arg12[%get3A_1880, %get3A_1881] {strides = array<i32>} : memref<320x128xf32, #tpu.memory_space<vmem>>, vector<16xf32>,
        %mul3A_1883 = arith.mulf %get3A_823, %get3A_1882 : vector<16xf32>
        %add3A_1884 = arith.addf %add3A_1877, %mul3A_1883 : vector<16xf32>
        %eq3A_1885 = vector.broadcast %scan3A_748 : i32 to vector<16xi32>
        %eq3A_1886 = arith.cmpi eq, %iota3A, %eq3A_1885 : vector<16xi32>
        %reduce_sum3A_1887 = arith.constant true
        %reduce_sum3A_1888 = vector.broadcast %reduce_sum3A_1887 : i1 to vector<16xi1>
        %reduce_sum3A_1889 = tpu.scan <sum>, %add3A_1884 masked %reduce_sum3A_1888 : vector<16xf32>, vector<16xi1> -> vector<16xf32>
        %reduce_sum3A_1890 = vector.extract %reduce_sum3A_1889[15] : f32 from vector<16xf32>
        %broadcast_in_dim3A_1891 = vector.broadcast %reduce_sum3A_1890 : f32 to vector<16xf32>
        %select_n3A_1892 = arith.select %eq3A_1886, %broadcast_in_dim3A_1891, %scan3A_765 : vector<16xi1>, vector<16xf32>
        %add3A_1893 = arith.constant 9 : i32
        %add3A_1894 = arith.addi %add3A_776, %add3A_1893 : i32
        %get3A_1895 = arith.index_cast %add3A_1894 : i32 to index
        %get3A_1896 = arith.constant 0 : index
        %get3A_1897 = tpu.vector_load %arg12[%get3A_1895, %get3A_1896] {strides = array<i32>} : memref<320x128xf32, #tpu.memory_space<vmem>>, vector<16xf32>,
        %mul3A_1898 = arith.mulf %get3A_802, %get3A_1897 : vector<16xf32>
        %add3A_1899 = arith.constant 9 : i32
        %add3A_1900 = arith.addi %add3A_776, %add3A_1899 : i32
        %get3A_1901 = arith.index_cast %add3A_1900 : i32 to index
        %get3A_1902 = arith.constant 16 : index
        %get3A_1903 = tpu.vector_load %arg12[%get3A_1901, %get3A_1902] {strides = array<i32>} : memref<320x128xf32, #tpu.memory_space<vmem>>, vector<16xf32>,
        %mul3A_1904 = arith.mulf %get3A_805, %get3A_1903 : vector<16xf32>
        %add3A_1905 = arith.addf %mul3A_1898, %mul3A_1904 : vector<16xf32>
        %add3A_1906 = arith.constant 9 : i32
        %add3A_1907 = arith.addi %add3A_776, %add3A_1906 : i32
        %get3A_1908 = arith.index_cast %add3A_1907 : i32 to index
        %get3A_1909 = arith.constant 32 : index
        %get3A_1910 = tpu.vector_load %arg12[%get3A_1908, %get3A_1909] {strides = array<i32>} : memref<320x128xf32, #tpu.memory_space<vmem>>, vector<16xf32>,
        %mul3A_1911 = arith.mulf %get3A_808, %get3A_1910 : vector<16xf32>
        %add3A_1912 = arith.addf %add3A_1905, %mul3A_1911 : vector<16xf32>
        %add3A_1913 = arith.constant 9 : i32
        %add3A_1914 = arith.addi %add3A_776, %add3A_1913 : i32
        %get3A_1915 = arith.index_cast %add3A_1914 : i32 to index
        %get3A_1916 = arith.constant 48 : index
        %get3A_1917 = tpu.vector_load %arg12[%get3A_1915, %get3A_1916] {strides = array<i32>} : memref<320x128xf32, #tpu.memory_space<vmem>>, vector<16xf32>,
        %mul3A_1918 = arith.mulf %get3A_811, %get3A_1917 : vector<16xf32>
        %add3A_1919 = arith.addf %add3A_1912, %mul3A_1918 : vector<16xf32>
        %add3A_1920 = arith.constant 9 : i32
        %add3A_1921 = arith.addi %add3A_776, %add3A_1920 : i32
        %get3A_1922 = arith.index_cast %add3A_1921 : i32 to index
        %get3A_1923 = arith.constant 64 : index
        %get3A_1924 = tpu.vector_load %arg12[%get3A_1922, %get3A_1923] {strides = array<i32>} : memref<320x128xf32, #tpu.memory_space<vmem>>, vector<16xf32>,
        %mul3A_1925 = arith.mulf %get3A_814, %get3A_1924 : vector<16xf32>
        %add3A_1926 = arith.addf %add3A_1919, %mul3A_1925 : vector<16xf32>
        %add3A_1927 = arith.constant 9 : i32
        %add3A_1928 = arith.addi %add3A_776, %add3A_1927 : i32
        %get3A_1929 = arith.index_cast %add3A_1928 : i32 to index
        %get3A_1930 = arith.constant 80 : index
        %get3A_1931 = tpu.vector_load %arg12[%get3A_1929, %get3A_1930] {strides = array<i32>} : memref<320x128xf32, #tpu.memory_space<vmem>>, vector<16xf32>,
        %mul3A_1932 = arith.mulf %get3A_817, %get3A_1931 : vector<16xf32>
        %add3A_1933 = arith.addf %add3A_1926, %mul3A_1932 : vector<16xf32>
        %add3A_1934 = arith.constant 9 : i32
        %add3A_1935 = arith.addi %add3A_776, %add3A_1934 : i32
        %get3A_1936 = arith.index_cast %add3A_1935 : i32 to index
        %get3A_1937 = arith.constant 96 : index
        %get3A_1938 = tpu.vector_load %arg12[%get3A_1936, %get3A_1937] {strides = array<i32>} : memref<320x128xf32, #tpu.memory_space<vmem>>, vector<16xf32>,
        %mul3A_1939 = arith.mulf %get3A_820, %get3A_1938 : vector<16xf32>
        %add3A_1940 = arith.addf %add3A_1933, %mul3A_1939 : vector<16xf32>
        %add3A_1941 = arith.constant 9 : i32
        %add3A_1942 = arith.addi %add3A_776, %add3A_1941 : i32
        %get3A_1943 = arith.index_cast %add3A_1942 : i32 to index
        %get3A_1944 = arith.constant 112 : index
        %get3A_1945 = tpu.vector_load %arg12[%get3A_1943, %get3A_1944] {strides = array<i32>} : memref<320x128xf32, #tpu.memory_space<vmem>>, vector<16xf32>,
        %mul3A_1946 = arith.mulf %get3A_823, %get3A_1945 : vector<16xf32>
        %add3A_1947 = arith.addf %add3A_1940, %mul3A_1946 : vector<16xf32>
        %eq3A_1948 = vector.broadcast %scan3A_748 : i32 to vector<16xi32>
        %eq3A_1949 = arith.cmpi eq, %iota3A, %eq3A_1948 : vector<16xi32>
        %reduce_sum3A_1950 = arith.constant true
        %reduce_sum3A_1951 = vector.broadcast %reduce_sum3A_1950 : i1 to vector<16xi1>
        %reduce_sum3A_1952 = tpu.scan <sum>, %add3A_1947 masked %reduce_sum3A_1951 : vector<16xf32>, vector<16xi1> -> vector<16xf32>
        %reduce_sum3A_1953 = vector.extract %reduce_sum3A_1952[15] : f32 from vector<16xf32>
        %broadcast_in_dim3A_1954 = vector.broadcast %reduce_sum3A_1953 : f32 to vector<16xf32>
        %select_n3A_1955 = arith.select %eq3A_1949, %broadcast_in_dim3A_1954, %scan3A_766 : vector<16xi1>, vector<16xf32>
        scf.yield %select_n3A, %select_n3A_947, %select_n3A_1010, %select_n3A_1073, %select_n3A_1136, %select_n3A_1199, %select_n3A_1262, %select_n3A_1325, %select_n3A_1388, %select_n3A_1451, %select_n3A_1514, %select_n3A_1577, %select_n3A_1640, %select_n3A_1703, %select_n3A_1766, %select_n3A_1829, %select_n3A_1892, %select_n3A_1955 : vector<16xf32>, vector<16xf32>, vector<16xf32>, vector<16xf32>, vector<16xf32>, vector<16xf32>, vector<16xf32>, vector<16xf32>, vector<16xf32>, vector<16xf32>, vector<16xf32>, vector<16xf32>, vector<16xf32>, vector<16xf32>, vector<16xf32>, vector<16xf32>, vector<16xf32>, vector<16xf32>
      }
      %scan3A_669 = arith.constant 16 : i32
      %max3A_670 = arith.maximumf %scan3A_668#0, %scan3A_668#1 : vector<16xf32>
      %max3A_671 = arith.maximumf %max3A_670, %scan3A_668#2 : vector<16xf32>
      %max3A_672 = arith.maximumf %max3A_671, %scan3A_668#3 : vector<16xf32>
      %max3A_673 = arith.maximumf %max3A_672, %scan3A_668#4 : vector<16xf32>
      %max3A_674 = arith.maximumf %max3A_673, %scan3A_668#5 : vector<16xf32>
      %max3A_675 = arith.maximumf %max3A_674, %scan3A_668#6 : vector<16xf32>
      %max3A_676 = arith.maximumf %max3A_675, %scan3A_668#7 : vector<16xf32>
      %max3A_677 = arith.maximumf %max3A_676, %scan3A_668#8 : vector<16xf32>
      %max3A_678 = arith.maximumf %max3A_677, %scan3A_668#9 : vector<16xf32>
      %max3A_679 = arith.maximumf %max3A_678, %scan3A_668#10 : vector<16xf32>
      %max3A_680 = arith.maximumf %max3A_679, %scan3A_668#11 : vector<16xf32>
      %max3A_681 = arith.maximumf %max3A_680, %scan3A_668#12 : vector<16xf32>
      %max3A_682 = arith.maximumf %max3A_681, %scan3A_668#13 : vector<16xf32>
      %max3A_683 = arith.maximumf %max3A_682, %scan3A_668#14 : vector<16xf32>
      %max3A_684 = arith.maximumf %max3A_683, %scan3A_668#15 : vector<16xf32>
      %max3A_685 = arith.maximumf %max3A_684, %scan3A_668#16 : vector<16xf32>
      %max3A_686 = arith.maximumf %max3A_685, %scan3A_668#17 : vector<16xf32>
      %broadcast_in_dim3A_687 = arith.constant 0.000000e+00 : f32
      %broadcast_in_dim3A_688 = vector.broadcast %broadcast_in_dim3A_687 : f32 to vector<16xf32>
      %broadcast_in_dim3A_689 = arith.constant 0.000000e+00 : f32
      %broadcast_in_dim3A_690 = vector.broadcast %broadcast_in_dim3A_689 : f32 to vector<16xf32>
      %sub3A_691 = arith.subf %scan3A_668#0, %max3A_686 : vector<16xf32>
      %exp3A_692 = math.exp %sub3A_691 : vector<16xf32>
      %add3A_693 = arith.addf %broadcast_in_dim3A_688, %exp3A_692 : vector<16xf32>
      %sub3A_694 = arith.subf %scan3A_668#9, %max3A_686 : vector<16xf32>
      %exp3A_695 = math.exp %sub3A_694 : vector<16xf32>
      %add3A_696 = arith.addf %broadcast_in_dim3A_690, %exp3A_695 : vector<16xf32>
      %sub3A_697 = arith.subf %scan3A_668#1, %max3A_686 : vector<16xf32>
      %exp3A_698 = math.exp %sub3A_697 : vector<16xf32>
      %add3A_699 = arith.addf %add3A_693, %exp3A_698 : vector<16xf32>
      %sub3A_700 = arith.subf %scan3A_668#10, %max3A_686 : vector<16xf32>
      %exp3A_701 = math.exp %sub3A_700 : vector<16xf32>
      %add3A_702 = arith.addf %add3A_696, %exp3A_701 : vector<16xf32>
      %sub3A_703 = arith.subf %scan3A_668#2, %max3A_686 : vector<16xf32>
      %exp3A_704 = math.exp %sub3A_703 : vector<16xf32>
      %add3A_705 = arith.addf %add3A_699, %exp3A_704 : vector<16xf32>
      %sub3A_706 = arith.subf %scan3A_668#11, %max3A_686 : vector<16xf32>
      %exp3A_707 = math.exp %sub3A_706 : vector<16xf32>
      %add3A_708 = arith.addf %add3A_702, %exp3A_707 : vector<16xf32>
      %sub3A_709 = arith.subf %scan3A_668#3, %max3A_686 : vector<16xf32>
      %exp3A_710 = math.exp %sub3A_709 : vector<16xf32>
      %add3A_711 = arith.addf %add3A_705, %exp3A_710 : vector<16xf32>
      %sub3A_712 = arith.subf %scan3A_668#12, %max3A_686 : vector<16xf32>
      %exp3A_713 = math.exp %sub3A_712 : vector<16xf32>
      %add3A_714 = arith.addf %add3A_708, %exp3A_713 : vector<16xf32>
      %sub3A_715 = arith.subf %scan3A_668#4, %max3A_686 : vector<16xf32>
      %exp3A_716 = math.exp %sub3A_715 : vector<16xf32>
      %add3A_717 = arith.addf %add3A_711, %exp3A_716 : vector<16xf32>
      %sub3A_718 = arith.subf %scan3A_668#13, %max3A_686 : vector<16xf32>
      %exp3A_719 = math.exp %sub3A_718 : vector<16xf32>
      %add3A_720 = arith.addf %add3A_714, %exp3A_719 : vector<16xf32>
      %sub3A_721 = arith.subf %scan3A_668#5, %max3A_686 : vector<16xf32>
      %exp3A_722 = math.exp %sub3A_721 : vector<16xf32>
      %add3A_723 = arith.addf %add3A_717, %exp3A_722 : vector<16xf32>
      %sub3A_724 = arith.subf %scan3A_668#14, %max3A_686 : vector<16xf32>
      %exp3A_725 = math.exp %sub3A_724 : vector<16xf32>
      %add3A_726 = arith.addf %add3A_720, %exp3A_725 : vector<16xf32>
      %sub3A_727 = arith.subf %scan3A_668#6, %max3A_686 : vector<16xf32>
      %exp3A_728 = math.exp %sub3A_727 : vector<16xf32>
      %add3A_729 = arith.addf %add3A_723, %exp3A_728 : vector<16xf32>
      %sub3A_730 = arith.subf %scan3A_668#15, %max3A_686 : vector<16xf32>
      %exp3A_731 = math.exp %sub3A_730 : vector<16xf32>
      %add3A_732 = arith.addf %add3A_726, %exp3A_731 : vector<16xf32>
      %sub3A_733 = arith.subf %scan3A_668#7, %max3A_686 : vector<16xf32>
      %exp3A_734 = math.exp %sub3A_733 : vector<16xf32>
      %add3A_735 = arith.addf %add3A_729, %exp3A_734 : vector<16xf32>
      %sub3A_736 = arith.subf %scan3A_668#16, %max3A_686 : vector<16xf32>
      %exp3A_737 = math.exp %sub3A_736 : vector<16xf32>
      %add3A_738 = arith.addf %add3A_732, %exp3A_737 : vector<16xf32>
      %sub3A_739 = arith.subf %scan3A_668#8, %max3A_686 : vector<16xf32>
      %exp3A_740 = math.exp %sub3A_739 : vector<16xf32>
      %add3A_741 = arith.addf %add3A_735, %exp3A_740 : vector<16xf32>
      %sub3A_742 = arith.subf %scan3A_668#17, %max3A_686 : vector<16xf32>
      %exp3A_743 = math.exp %sub3A_742 : vector<16xf32>
      %add3A_744 = arith.addf %add3A_738, %exp3A_743 : vector<16xf32>
      %add3A_745 = arith.addf %add3A_741, %add3A_744 : vector<16xf32>
      %div3A_746 = arith.divf %add3A_741, %add3A_745 : vector<16xf32>
      %add3A_747 = arith.addf %add3A_505, %div3A_746 : vector<16xf32>
      scf.yield %add3A_747 : vector<16xf32>
    }
    %scan3A_191 = arith.constant 64 : i32
    %dma_wait3A_192 = arith.constant 0 : i32
    %dma_wait3A_193 = arith.constant 0 : i32
    %dma_wait3A_194 = tpu.memref_slice %arg11[%dma_wait3A_192, %dma_wait3A_193] : memref<320x128xf32, #tpu.memory_space<vmem>> -> memref<80x128xf32, #tpu.memory_space<vmem>>
    %dma_wait3A_195 = arith.constant 0 : i32
    %dma_wait3A_196 = tpu.memref_slice %arg9[%dma_wait3A_195] : memref<320xi32, #tpu.memory_space<vmem>> -> memref<80xi32, #tpu.memory_space<vmem>>
    %dma_wait3A_197 = arith.constant 0 : i32
    %dma_wait3A_198 = arith.constant 0 : i32
    %dma_wait3A_199 = tpu.memref_slice %arg5[%dma_wait3A_197, %dma_wait3A_198] : memref<100000x128xf32, #tpu.memory_space<hbm>> -> memref<100000x128xf32, #tpu.memory_space<hbm>>
    tpu.wait_indirect_dma semaphore(%arg19 : memref<!tpu.dma_semaphore, #tpu.memory_space<semaphore_mem>>) src(%dma_wait3A_199 : memref<100000x128xf32, #tpu.memory_space<hbm>>) dst(%dma_wait3A_194 : memref<80x128xf32, #tpu.memory_space<vmem>>)
    %dma_wait3A_200 = arith.constant 80 : i32
    %dma_wait3A_201 = arith.constant 0 : i32
    %dma_wait3A_202 = tpu.memref_slice %arg11[%dma_wait3A_200, %dma_wait3A_201] : memref<320x128xf32, #tpu.memory_space<vmem>> -> memref<80x128xf32, #tpu.memory_space<vmem>>
    %dma_wait3A_203 = arith.constant 80 : i32
    %dma_wait3A_204 = tpu.memref_slice %arg9[%dma_wait3A_203] : memref<320xi32, #tpu.memory_space<vmem>> -> memref<80xi32, #tpu.memory_space<vmem>>
    %dma_wait3A_205 = arith.constant 0 : i32
    %dma_wait3A_206 = arith.constant 0 : i32
    %dma_wait3A_207 = tpu.memref_slice %arg5[%dma_wait3A_205, %dma_wait3A_206] : memref<100000x128xf32, #tpu.memory_space<hbm>> -> memref<100000x128xf32, #tpu.memory_space<hbm>>
    tpu.wait_indirect_dma semaphore(%arg19 : memref<!tpu.dma_semaphore, #tpu.memory_space<semaphore_mem>>) src(%dma_wait3A_207 : memref<100000x128xf32, #tpu.memory_space<hbm>>) dst(%dma_wait3A_202 : memref<80x128xf32, #tpu.memory_space<vmem>>)
    %dma_wait3A_208 = arith.constant 160 : i32
    %dma_wait3A_209 = arith.constant 0 : i32
    %dma_wait3A_210 = tpu.memref_slice %arg11[%dma_wait3A_208, %dma_wait3A_209] : memref<320x128xf32, #tpu.memory_space<vmem>> -> memref<80x128xf32, #tpu.memory_space<vmem>>
    %dma_wait3A_211 = arith.constant 160 : i32
    %dma_wait3A_212 = tpu.memref_slice %arg9[%dma_wait3A_211] : memref<320xi32, #tpu.memory_space<vmem>> -> memref<80xi32, #tpu.memory_space<vmem>>
    %dma_wait3A_213 = arith.constant 0 : i32
    %dma_wait3A_214 = arith.constant 0 : i32
    %dma_wait3A_215 = tpu.memref_slice %arg5[%dma_wait3A_213, %dma_wait3A_214] : memref<100000x128xf32, #tpu.memory_space<hbm>> -> memref<100000x128xf32, #tpu.memory_space<hbm>>
    tpu.wait_indirect_dma semaphore(%arg19 : memref<!tpu.dma_semaphore, #tpu.memory_space<semaphore_mem>>) src(%dma_wait3A_215 : memref<100000x128xf32, #tpu.memory_space<hbm>>) dst(%dma_wait3A_210 : memref<80x128xf32, #tpu.memory_space<vmem>>)
    %dma_wait3A_216 = arith.constant 240 : i32
    %dma_wait3A_217 = arith.constant 0 : i32
    %dma_wait3A_218 = tpu.memref_slice %arg11[%dma_wait3A_216, %dma_wait3A_217] : memref<320x128xf32, #tpu.memory_space<vmem>> -> memref<80x128xf32, #tpu.memory_space<vmem>>
    %dma_wait3A_219 = arith.constant 240 : i32
    %dma_wait3A_220 = tpu.memref_slice %arg9[%dma_wait3A_219] : memref<320xi32, #tpu.memory_space<vmem>> -> memref<80xi32, #tpu.memory_space<vmem>>
    %dma_wait3A_221 = arith.constant 0 : i32
    %dma_wait3A_222 = arith.constant 0 : i32
    %dma_wait3A_223 = tpu.memref_slice %arg5[%dma_wait3A_221, %dma_wait3A_222] : memref<100000x128xf32, #tpu.memory_space<hbm>> -> memref<100000x128xf32, #tpu.memory_space<hbm>>
    tpu.wait_indirect_dma semaphore(%arg19 : memref<!tpu.dma_semaphore, #tpu.memory_space<semaphore_mem>>) src(%dma_wait3A_223 : memref<100000x128xf32, #tpu.memory_space<hbm>>) dst(%dma_wait3A_218 : memref<80x128xf32, #tpu.memory_space<vmem>>)
    %dma_wait3A_224 = arith.constant 0 : i32
    %dma_wait3A_225 = tpu.memref_slice %arg10[%dma_wait3A_224] : memref<320xi32, #tpu.memory_space<vmem>> -> memref<80xi32, #tpu.memory_space<vmem>>
    %dma_wait3A_226 = arith.constant 0 : i32
    %dma_wait3A_227 = tpu.memref_slice %arg8[%dma_wait3A_226] : memref<320xi32, #tpu.memory_space<vmem>> -> memref<80xi32, #tpu.memory_space<vmem>>
    %dma_wait3A_228 = arith.constant 0 : i32
    %dma_wait3A_229 = tpu.memref_slice %arg14[%dma_wait3A_228] : memref<100000xi32, #tpu.memory_space<vmem_shared>> -> memref<100000xi32, #tpu.memory_space<vmem_shared>>
    tpu.wait_indirect_dma semaphore(%arg18 : memref<!tpu.dma_semaphore, #tpu.memory_space<semaphore_mem>>) src(%dma_wait3A_229 : memref<100000xi32, #tpu.memory_space<vmem_shared>>) dst(%dma_wait3A_225 : memref<80xi32, #tpu.memory_space<vmem>>)
    %dma_wait3A_230 = arith.constant 80 : i32
    %dma_wait3A_231 = tpu.memref_slice %arg10[%dma_wait3A_230] : memref<320xi32, #tpu.memory_space<vmem>> -> memref<80xi32, #tpu.memory_space<vmem>>
    %dma_wait3A_232 = arith.constant 80 : i32
    %dma_wait3A_233 = tpu.memref_slice %arg8[%dma_wait3A_232] : memref<320xi32, #tpu.memory_space<vmem>> -> memref<80xi32, #tpu.memory_space<vmem>>
    %dma_wait3A_234 = arith.constant 0 : i32
    %dma_wait3A_235 = tpu.memref_slice %arg14[%dma_wait3A_234] : memref<100000xi32, #tpu.memory_space<vmem_shared>> -> memref<100000xi32, #tpu.memory_space<vmem_shared>>
    tpu.wait_indirect_dma semaphore(%arg18 : memref<!tpu.dma_semaphore, #tpu.memory_space<semaphore_mem>>) src(%dma_wait3A_235 : memref<100000xi32, #tpu.memory_space<vmem_shared>>) dst(%dma_wait3A_231 : memref<80xi32, #tpu.memory_space<vmem>>)
    %dma_wait3A_236 = arith.constant 160 : i32
    %dma_wait3A_237 = tpu.memref_slice %arg10[%dma_wait3A_236] : memref<320xi32, #tpu.memory_space<vmem>> -> memref<80xi32, #tpu.memory_space<vmem>>
    %dma_wait3A_238 = arith.constant 160 : i32
    %dma_wait3A_239 = tpu.memref_slice %arg8[%dma_wait3A_238] : memref<320xi32, #tpu.memory_space<vmem>> -> memref<80xi32, #tpu.memory_space<vmem>>
    %dma_wait3A_240 = arith.constant 0 : i32
    %dma_wait3A_241 = tpu.memref_slice %arg14[%dma_wait3A_240] : memref<100000xi32, #tpu.memory_space<vmem_shared>> -> memref<100000xi32, #tpu.memory_space<vmem_shared>>
    tpu.wait_indirect_dma semaphore(%arg18 : memref<!tpu.dma_semaphore, #tpu.memory_space<semaphore_mem>>) src(%dma_wait3A_241 : memref<100000xi32, #tpu.memory_space<vmem_shared>>) dst(%dma_wait3A_237 : memref<80xi32, #tpu.memory_space<vmem>>)
    %dma_wait3A_242 = arith.constant 240 : i32
    %dma_wait3A_243 = tpu.memref_slice %arg10[%dma_wait3A_242] : memref<320xi32, #tpu.memory_space<vmem>> -> memref<80xi32, #tpu.memory_space<vmem>>
    %dma_wait3A_244 = arith.constant 240 : i32
    %dma_wait3A_245 = tpu.memref_slice %arg8[%dma_wait3A_244] : memref<320xi32, #tpu.memory_space<vmem>> -> memref<80xi32, #tpu.memory_space<vmem>>
    %dma_wait3A_246 = arith.constant 0 : i32
    %dma_wait3A_247 = tpu.memref_slice %arg14[%dma_wait3A_246] : memref<100000xi32, #tpu.memory_space<vmem_shared>> -> memref<100000xi32, #tpu.memory_space<vmem_shared>>
    tpu.wait_indirect_dma semaphore(%arg18 : memref<!tpu.dma_semaphore, #tpu.memory_space<semaphore_mem>>) src(%dma_wait3A_247 : memref<100000xi32, #tpu.memory_space<vmem_shared>>) dst(%dma_wait3A_243 : memref<80xi32, #tpu.memory_space<vmem>>)
    %rem3A_248 = arith.constant 2 : i32
    %rem3A_249 = arith.constant 128 : i32
    %rem3A_250 = arith.remsi %rem3A_248, %rem3A_249 : i32
    %mul3A_251 = arith.constant 160 : i32
    %mul3A_252 = arith.muli %rem3A_250, %mul3A_251 : i32
    %add3A_253 = arith.addi %mul3A_2, %mul3A_252 : i32
    %multiple_of3A_254 = tpu.assume_multiple %add3A_253, 8 : i32
    %dma_wait3A_255 = arith.constant 0 : i32
    %dma_wait3A_256 = tpu.memref_slice %arg7[%dma_wait3A_255] : memref<320xi32, #tpu.memory_space<vmem>> -> memref<160xi32, #tpu.memory_space<vmem>>
    %dma_wait3A_257 = tpu.memref_slice %arg2[%multiple_of3A_254] : memref<655360xi32, #tpu.memory_space<hbm>> -> memref<160xi32, #tpu.memory_space<hbm>>
    %dma_wait3A_258 = arith.constant 0 : i32
    %dma_wait3A_259 = tpu.memref_slice %arg7[%dma_wait3A_258] : memref<320xi32, #tpu.memory_space<vmem>> -> memref<160xi32, #tpu.memory_space<vmem>>
    %dma_wait3A_260 = tpu.memref_slice %arg2[%multiple_of3A_254] : memref<655360xi32, #tpu.memory_space<hbm>> -> memref<160xi32, #tpu.memory_space<hbm>>
    tpu.wait_dma2 semaphore(%arg15 : memref<!tpu.dma_semaphore, #tpu.memory_space<semaphore_mem>>) src(%dma_wait3A_260 : memref<160xi32, #tpu.memory_space<hbm>>) dst(%dma_wait3A_259 : memref<160xi32, #tpu.memory_space<vmem>>)
    %dma_wait3A_261 = arith.constant 160 : i32
    %dma_wait3A_262 = tpu.memref_slice %arg7[%dma_wait3A_261] : memref<320xi32, #tpu.memory_space<vmem>> -> memref<160xi32, #tpu.memory_space<vmem>>
    %dma_wait3A_263 = tpu.memref_slice %arg3[%multiple_of3A_254] : memref<655360xi32, #tpu.memory_space<hbm>> -> memref<160xi32, #tpu.memory_space<hbm>>
    %dma_wait3A_264 = arith.constant 160 : i32
    %dma_wait3A_265 = tpu.memref_slice %arg7[%dma_wait3A_264] : memref<320xi32, #tpu.memory_space<vmem>> -> memref<160xi32, #tpu.memory_space<vmem>>
    %dma_wait3A_266 = tpu.memref_slice %arg3[%multiple_of3A_254] : memref<655360xi32, #tpu.memory_space<hbm>> -> memref<160xi32, #tpu.memory_space<hbm>>
    tpu.wait_dma2 semaphore(%arg15 : memref<!tpu.dma_semaphore, #tpu.memory_space<semaphore_mem>>) src(%dma_wait3A_266 : memref<160xi32, #tpu.memory_space<hbm>>) dst(%dma_wait3A_265 : memref<160xi32, #tpu.memory_space<vmem>>)
    %swap3A = arith.constant 0 : index
    %swap3A_267 = tpu.vector_load %arg13[%swap3A] {strides = array<i32>} : memref<16xf32, #tpu.memory_space<vmem>>, vector<16xf32>,
    tpu.vector_store %arg13[%swap3A], %scan3A_190 {strides = array<i32>} : memref<16xf32, #tpu.memory_space<vmem>>, vector<16xf32>,
    "tpu.region"() ({
      %run_scoped3A = tpu.sem_alloc : memref<!tpu.dma_semaphore, #tpu.memory_space<semaphore_mem>>
      %dma_start3A_268 = arith.constant 0 : i32
      %dma_start3A_269 = tpu.memref_slice %arg6[%add3A, %dma_start3A_268] : memref<32x16xf32, #tpu.memory_space<hbm>> -> memref<1x16xf32, #tpu.memory_space<hbm>>
      %dma_start3A_270 = tpu.memref_squeeze %dma_start3A_269 : memref<1x16xf32, #tpu.memory_space<hbm>> -> memref<16xf32, #tpu.memory_space<hbm>>
      %dma_start3A_271 = arith.constant 0 : i32
      %dma_start3A_272 = tpu.memref_slice %arg6[%add3A, %dma_start3A_271] : memref<32x16xf32, #tpu.memory_space<hbm>> -> memref<1x16xf32, #tpu.memory_space<hbm>>
      %dma_start3A_273 = tpu.memref_squeeze %dma_start3A_272 : memref<1x16xf32, #tpu.memory_space<hbm>> -> memref<16xf32, #tpu.memory_space<hbm>>
      tpu.enqueue_dma source(%arg13 : memref<16xf32, #tpu.memory_space<vmem>>) target(%dma_start3A_273 : memref<16xf32, #tpu.memory_space<hbm>>) target_semaphore(%run_scoped3A : memref<!tpu.dma_semaphore, #tpu.memory_space<semaphore_mem>>)
      %dma_wait3A_274 = arith.constant 0 : i32
      %dma_wait3A_275 = tpu.memref_slice %arg6[%add3A, %dma_wait3A_274] : memref<32x16xf32, #tpu.memory_space<hbm>> -> memref<1x16xf32, #tpu.memory_space<hbm>>
      %dma_wait3A_276 = tpu.memref_squeeze %dma_wait3A_275 : memref<1x16xf32, #tpu.memory_space<hbm>> -> memref<16xf32, #tpu.memory_space<hbm>>
      %dma_wait3A_277 = arith.constant 0 : i32
      %dma_wait3A_278 = tpu.memref_slice %arg6[%add3A, %dma_wait3A_277] : memref<32x16xf32, #tpu.memory_space<hbm>> -> memref<1x16xf32, #tpu.memory_space<hbm>>
      %dma_wait3A_279 = tpu.memref_squeeze %dma_wait3A_278 : memref<1x16xf32, #tpu.memory_space<hbm>> -> memref<16xf32, #tpu.memory_space<hbm>>
      tpu.wait_dma2 semaphore(%run_scoped3A : memref<!tpu.dma_semaphore, #tpu.memory_space<semaphore_mem>>) src(%arg13 : memref<16xf32, #tpu.memory_space<vmem>>) dst(%dma_wait3A_279 : memref<16xf32, #tpu.memory_space<hbm>>)
      tpu.yield
    }) : () -> ()
    return
  }
}

</mosaic_0001>

<sc_bundles>
// kernel: kernel.3.cloned.1.call-start
scs
__scs_entry_jumppad:
0x0: {  	(pc) =	sbr.rel $0x88, $3  }
0x1: {  	(tag) =	ssettag $0x0;
	lr =	simm.s32 $0x1  }
0x2: {  	[smem:$0x3F9D] =	sst lr;
	_ =	strace $0xD0000000  }
0x3: {  	_ = 	snop  }
0x4: {  	_ = 	snop  }
0x5: {  	_ = 	snop  }
0x6: {  	_ = 	snop  }
0x7: {  	_ = 	snop  }
__scs_overlays_trampoline_lowered:
0x8: {  	[smem:$0x3FAC] =	sst s0  }
0x9: {  	[smem:$0x3FAD] =	sst s1  }
0xa: {  	[smem:$0x3FAE] =	sst s2  }
0xb: {  	[smem:$0x3FAF] =	sst s3  }
0xc: {  	[smem:$0x3FB0] =	sst s4  }
0xd: {  	[smem:$0x3FB1] =	sst s5  }
0xe: {  	[smem:$0x3FB2] =	sst s6  }
0xf: {  	[smem:$0x3FB3] =	sst s7  }
0x10: {  	[smem:$0x3FB4] =	sst s8  }
0x11: {  	[smem:$0x3FB5] =	sst s9;
	s0 =	simm.s32 @!p0 $0x0  }
0x12: {  	s1 =	sld [smem:$0x3F9B];
	s0 =	simm.s32 @p0 $0x1  }
0x13: {  	[smem:$0x3FB6] =	sst s0;
	s0 =	simm.s32 @!p1 $0x0  }
0x14: {  	s2 =	sld [smem:$0x3F9A];
	s0 =	simm.s32 @p1 $0x1  }
0x15: {  	[smem:$0x3FB7] =	sst s0;
	s0 =	simm.s32 @!p2 $0x0  }
0x16: {  	s3 =	sld [smem:$0x3FDB];
	s0 =	simm.s32 @p2 $0x1  }
0x17: {  	s4 =	simm.s32 $0x1BF5;
	[smem:$0x3FB9] =	sst s0  }
0x18: {  	s0 =	sld [smem:$0x3F9C];
	_ =	swait.ge [sflag:s4], $0x0  }
0x19: {  	s7 =	sld [smem:$0x3F9D]  }
0x1a: {  	s8 =	sadd.s32 $0xFFFFE003, lr  }
0x1b: {  	s9 =	sadd.s32 $0xFFFFFEF7, lr;
	s5 =	simm.s32 $0xFFFFFFFF;
	p2 =	slt.u32 s8, $0xFFFFF086  }
0x1c: {  	p1 =	slt.u32 s9, $0xF7A;
	s5 =	simm.s32 @!p2 $0x0  }
0x1d: {  	s5 =	simm.s32 @p1 $0x1;
	p0 =	seq.s32 s7, s2  }
0x1e: {  	s7 =	smul.u32 @!p0 $0xF7A, s2;
	p2 =	seq.s32 @!p0 s5, $0x0  }
0x1f: {  	s9 =	smul.u32 $0xF7A, s1;
	s8 =	simm.s32 @!p0 $0x1BF5;
	p2 =	por !p2, p0  }
0x20: {  	[sflag:s8] =	ssyncset.s32 @!p0 $0xFFFFF086;
	s6 =	sadd.s32 @!p0 s3, s7;
	s7 =	simm.s32 @!p0 $0x108  }
0x21: {  	s3 =	sadd.s32 s3, s9;
	s6 =	sadd.s32 @!p0 $0x88, s6;
	s7 =	simm.s32 @p2 $0x1082  }
0x22: {  	[simem:s7], [sflag:s8] =	dma.local @!p0 [hbm:s6], $0xF7A  }
0x23: {  	s9 =	sor.u32 $0xD0000000, s2;
	s6 =	simm.s32 $0x108;
	_ =	swait.ge @!p0 [sflag:s8], $0x0  }
0x24: {  	s3 =	sadd.s32 $0x88, s3;
	s6 =	simm.s32 @!p1 $0x1082;
	[sflag:s4] =	ssyncset.s32 $0xFFFFF086  }
0x25: {  	[simem:s6], [sflag:s4] =	dma.local [hbm:s3], $0xF7A  }
0x26: {  	[smem:$0x3F9D] =	sst s1;
	(tag) =	ssettag s2;
	_ =	strace s9  }
0x27: {  	s1 =	sld [smem:$0x3FAD]  }
0x28: {  	s2 =	sld [smem:$0x3FAE]  }
0x29: {  	s4 =	sld [smem:$0x3FB0]  }
0x2a: {  	p0 =	seq.s32 s5, $0x0;
	s5 =	sld [smem:$0x3FB1]  }
0x2b: {  	s6 =	sld [smem:$0x3FB2]  }
0x2c: {  	s7 =	sld [smem:$0x3FB3]  }
0x2d: {  	s3 =	simm.s32 $0x108;
	s8 =	sld [smem:$0x3FB4]  }
0x2e: {  	s3 =	simm.s32 @!p0 $0x1082;
	s9 =	sld [smem:$0x3FB5]  }
0x2f: {  	lr =	sadd.s32 s0, s3;
	s0 =	sld [smem:$0x3FAC]  }
0x30: {  	s3 =	sld [smem:$0x3FAF]  }
0x31: {  	[smem:$0x3FB8] =	sst s10  }
0x32: {  	s10 =	sld [smem:$0x3FB6];
	_ =	sdelay $0x3  }
0x33: {  	p0 =	seq.s32 s10, $0x1;
	s10 =	sld [smem:$0x3FB8];
	_ =	sdelay $0x3  }
0x34: {  	[smem:$0x3FB8] =	sst s10  }
0x35: {  	s10 =	sld [smem:$0x3FB7];
	_ =	sdelay $0x3  }
0x36: {  	p1 =	seq.s32 s10, $0x1;
	s10 =	sld [smem:$0x3FB8];
	_ =	sdelay $0x3  }
0x37: {  	[smem:$0x3FB8] =	sst s10  }
0x38: {  	s10 =	sld [smem:$0x3FB9]  }
0x39: {  	_ = 	snop;
	(pc) =	sbr.ind lr, $3  }
0x3a: {  	_ = 	snop  }
0x3b: {  	_ = 	snop  }
0x3c: {  	p2 =	seq.s32 s10, $0x1;
	s10 =	sld [smem:$0x3FB8]  }
0x3d: {  	_ =	shalt  }
0x3e: {  	_ =	shalt  }
0x3f: {  	_ =	shalt  }
0x40: {  	_ =	shalt  }
0x41: {  	_ =	shalt  }
0x42: {  	_ =	shalt  }
0x43: {  	_ =	shalt  }
0x44: {  	_ =	shalt  }
0x45: {  	_ =	shalt  }
0x46: {  	_ =	shalt  }
0x47: {  	_ =	shalt  }
0x48: {  	_ =	shalt  }
0x49: {  	_ =	shalt  }
0x4a: {  	_ =	shalt  }
0x4b: {  	_ =	shalt  }
0x4c: {  	_ =	shalt  }
0x4d: {  	_ =	shalt  }
0x4e: {  	_ =	shalt  }
0x4f: {  	_ =	shalt  }
0x50: {  	_ =	shalt  }
0x51: {  	_ =	shalt  }
0x52: {  	_ =	shalt  }
0x53: {  	_ =	shalt  }
0x54: {  	_ =	shalt  }
0x55: {  	_ =	shalt  }
0x56: {  	_ =	shalt  }
0x57: {  	_ =	shalt  }
0x58: {  	_ =	shalt  }
0x59: {  	_ =	shalt  }
0x5a: {  	_ =	shalt  }
0x5b: {  	_ =	shalt  }
0x5c: {  	_ =	shalt  }
0x5d: {  	_ =	shalt  }
0x5e: {  	_ =	shalt  }
0x5f: {  	_ =	shalt  }
0x60: {  	_ =	shalt  }
0x61: {  	_ =	shalt  }
0x62: {  	_ =	shalt  }
0x63: {  	_ =	shalt  }
0x64: {  	_ =	shalt  }
0x65: {  	_ =	shalt  }
0x66: {  	_ =	shalt  }
0x67: {  	_ =	shalt  }
0x68: {  	_ =	shalt  }
0x69: {  	_ =	shalt  }
0x6a: {  	_ =	shalt  }
0x6b: {  	_ =	shalt  }
0x6c: {  	_ =	shalt  }
0x6d: {  	_ =	shalt  }
0x6e: {  	_ =	shalt  }
0x6f: {  	_ =	shalt  }
0x70: {  	_ =	shalt  }
0x71: {  	_ =	shalt  }
0x72: {  	_ =	shalt  }
0x73: {  	_ =	shalt  }
0x74: {  	_ =	shalt  }
0x75: {  	_ =	shalt  }
0x76: {  	_ =	shalt  }
0x77: {  	_ =	shalt  }
0x78: {  	_ =	shalt  }
0x79: {  	_ =	shalt  }
0x7a: {  	_ =	shalt  }
0x7b: {  	_ =	shalt  }
0x7c: {  	_ =	shalt  }
0x7d: {  	_ =	shalt  }
0x7e: {  	_ =	shalt  }
0x7f: {  	_ =	shalt  }
0x80: {  	_ =	shalt  }
0x81: {  	_ =	shalt  }
0x82: {  	_ =	shalt  }
0x83: {  	_ =	shalt  }
0x84: {  	_ =	shalt  }
0x85: {  	_ =	shalt  }
0x86: {  	_ =	shalt  }
0x87: {  	_ =	shalt  }
.Lfunc_end0:
.L_simem_size_0:
called_computation_lowered:
.L_overlay_start_0:
0x88: {  	s2 =	sld [smem:$0x3FD9]  }
0x89: {  	s3 =	sld [smem:$0x3FFE];
	_ =	sdelay $0x1  }
0x8a: {  	s1 =	srdreg.scid  }
0x8b: {  	s0 =	sand.u32 $0x1, s1  }
0x8c: {  	s17 =	sshll.u32 s0, $0xA;
	s2 =	sadd.s32 s3, s2  }
0x8d: {  	s2 =	sadd.s32 s2, s17  }
0x8e: {  	[smem:$0x3FC4] =	sst s2  }
0x8f: {  	_ = 	snop  }
0x90: {  	s2 =	sld [smem:$0x3FC7]  }
0x91: {  	s18 =	sld [smem:$0x3FC6];
	(tm) =	ssettm $0x1  }
0x92: {  	s4 =	sld [smem:$0x3FFB];
	_ =	sdelay $0x3  }
0x93: {  	_ =	strace s4  }
0x94: {  	s4 =	sld [smem:$0x3FFC];
	_ =	sdelay $0x3  }
0x95: {  	_ =	strace s4  }
0x96: {  	s4 =	sld [smem:$0x3FFD];
	_ =	sdelay $0x3  }
0x97: {  	_ =	strace s4  }
0x98: {  	_ =	strace $0x8FFFFFFF  }
0x99: {  	s19 =	sld [smem:$0x3FDB];
	_ =	sdelay $0x1  }
0x9a: {  	s5 =	simm.s32 $_scs_section_size  }
0x9b: {  	s6 =	simm.s32 $_size__tile_overlayer_lowered;
	s7 =	simm.s32 $_tile_overlayer_lowered  }
0x9c: {  	s22 =	simm.s32 $0x1BFF;
	s21 =	sshll.u32 s7, $0x1;
	s4 =	sadd.s32 s5, s19  }
0x9d: {  	s8 =	simm.s32 $0x0;
	s20 =	sshll.u32 s6, $0x1;
	s6 =	sadd.s32 s21, s4  }
0x9e: {  	[timem:s8], [sflag:s22] =	dma.local [hbm:s6], s20  }
0x9f: {  	_ =	swait.ge [sflag:s22], s20  }
0xa0: {  	s5 =	ssub.s32 $0x0, s20;
	[sflag:s22] =	ssyncset.done $0x0  }
0xa1: {  	[sflag:s22] =	ssyncadd.s32 s5;
	_ =	sdelay $0x1  }
0xa2: {  	s23 =	simm.s32 $0x1B8B  }
0xa3: {  	_ =	swait.ge [sflag:s23], $0x1  }
0xa4: {  	[sflag:s23] =	ssyncset.done $0x0  }
0xa5: {  	s25 =	simm.s32 $0x1B8E;
	s24 =	sld [smem:$0x3FFE];
	[sflag:s23] =	ssyncadd.s32 $0xFFFFFFFF  }
0xa6: {  	s26 =	simm.s32 $execute0_lowered;
	[smem:$0x3FD2] =	sst s25  }
0xa7: {  	s6 =	sshll.u32 s26, $0x1;
	_ =	strace $0x80000046;
	[dreg:$0x1] =	wrdreg $0xFFFFFFFF  }
0xa8: {  	s28 =	simm.s32 $_size_execute0_lowered;
	s4 =	sadd.s32 s4, s6;
	[dreg:$0x0] =	wrdreg $0x0  }
0xa9: {  	s6 =	sshll.u32 s28, $0x1;
	[dreg:$0x2] =	wrdreg s4  }
0xaa: {  	[dreg:$0x3] =	wrdreg s6  }
0xab: {  	[dreg:$0x4] =	wrdreg $0xC0  }
0xac: {  	_ =	task [dreg:s8], $0x5FFFF  }
0xad: {  	[dreg:$0x1] =	wrdreg $0xFFFFFFFF  }
0xae: {  	[dreg:$0x0] =	wrdreg $0x60  }
0xaf: {  	[dreg:$0x2] =	wrdreg s24  }
0xb0: {  	[dreg:$0x3] =	wrdreg s2  }
0xb1: {  	[dreg:$0x4] =	wrdreg s18  }
0xb2: {  	[dreg:$0x5] =	wrdreg $0x146800  }
0xb3: {  	[dreg:$0x6] =	wrdreg $0x9  }
0xb4: {  	_ =	task.clear_ibuf [dreg:s8], $0x7FFFF;
	_ =	strace $0x90000046  }
0xb5: {  	s29 =	simm.s32 $0x9;
	_ =	strace $0x80000048  }
0xb6: {  	_ =	swait.ge [sflag:s29], $0x1  }
0xb7: {  	[sflag:s29] =	ssyncadd.s32 $0xFFFFFFFF  }
0xb8: {  	_ =	strace $0x90000048  }
0xb9: {  	_ =	sfence  }
0xba: {  	s30 =	sld [smem:$0x0];
	_ =	sdelay $0x2  }
0xbb: {  	s31 =	sshll.u32 s1, $0xD;
	s1 =	sshrl.u32 s1, $0x2  }
0xbc: {  	s3 =	sand.u32 $0x4000, s31;
	s1 =	sadd.s32 s1, s30  }
0xbd: {  	s0 =	sor.u32 s3, s0;
	s1 =	sshll.u32 s1, $0x11  }
0xbe: {  	s0 =	sor.u32 s1, s0  }
0xbf: {  	s0 =	sadd.s32 $0x8F2B, s0  }
0xc0: {  	[sflag:s0] =	ssyncadd.remote.s32 $0x1  }
0xc1: {  	_ =	sfence.sel $0xFFFF  }
0xc2: {  	[dreg:$0x0] =	wrdreg $0xFFFFFFFF;
	(pc) =	sbr.abs _section_cstart, $3  }
0xc3: {  	[dreg:$0x1] =	wrdreg $0xFFFFFFFF  }
0xc4: {  	_ =	task.clear_ibuf [dreg:s8], $0x2FFFF;
	_ =	strace $0x9FFFFFFF  }
0xc5: {  	(tm) =	ssettm $0x7FFFFFFF  }
tec
execute0_lowered:
.L_overlay_start_1:
0x0: {  	(tag) =	ssettag $0x1  }
0x1: {  	s0 =	rddreg [dreg:$0x0]  }
0x2: {  	s2 =	rddreg [dreg:$0x2]  }
0x3: {  	s3 =	rddreg [dreg:$0x3]  }
0x4: {  	s23 =	simm.s32 $0x0;
	s1 =	srdreg.scid;
	s4 =	stileid.u32  }
0x5: {  	s17 =	simm.s32 $0xA0;
	s18 =	simm.s32 $0x1;
	s19 =	simm.s32 $0x50  }
0x6: {  	s28 =	simm.s32 $0x220;
	s29 =	simm.s32 $0x2;
	s11 =	simm.s32 $0x520  }
0x7: {  	s12 =	simm.s32 $0x270;
	s13 =	simm.s32 $0x570;
	s14 =	simm.s32 $0x4  }
0x8: {  	s16 =	simm.s32 $0x5;
	s30 =	simm.s32 $0x0;
	[smem:$0x7FF] =	sst s23  }
0x9: {  	s1 =	sand.u32 $0x1, s1;
	s5 =	sshll.u32 s4, $0x1;
	s7 =	sadd.s32 $0x114200, s0  }
0xa: {  	p0 =	sne.s32 s4, $0x0;
	s4 =	simm.s32 $0x6;
	s8 =	sor.u32 s1, s5  }
0xb: {  	s1 =	ssub.s32 $0x2, s1;
	s6 =	smul.u32 $0x5000, s8;
	s8 =	sshll.u32 s8, $0x4  }
0xc: {  	s5 =	sadd.s32 $0x100200, s0;
	s20 =	sshrl.u32 s1, $0x1;
	s0 =	sadd.s32 s8, s0  }
0xd: {  	_ =	strace $0x80000047;
	s1 =	ssub.s32 s1, s20;
	s0 =	sadd.s32 $0x200, s0  }
0xe: {  	s9 =	sshrl.u32 s6, $0x3;
	s31 =	smax.u32 s1, $0x1;
	[dreg:$0xb] =	wrdreg s0  }
0xf: {  	s20 =	simm.s32 $0x300;
	s21 =	sadd.s32 s5, s9;
	[dreg:$0xc] =	wrdreg s31  }
0x10: {  	s1 =	simm.s32 $0x7E00;
	s10 =	sadd.s32 s7, s9;
	[dreg:$0x5] =	wrdreg s21  }
0x11: {  	s22 =	sor.u32 $0x14, s9;
	s0 =	sshrl.u32 @!p0 s3, $0x3;
	[dreg:$0x6] =	wrdreg s10  }
0x12: {  	s9 =	sor.u32 $0x28, s9;
	s24 =	sadd.s32 s5, s22;
	[dreg:$0xd] =	wrdreg s0  }
0x13: {  	s8 =	sadd.s32 s7, s22;
	s25 =	sadd.s32 s5, s9;
	[dreg:$0x7] =	wrdreg s24  }
0x14: {  	s26 =	sadd.s32 s7, s9;
	s21 =	simm.s32 $0x350;
	[dreg:$0x8] =	wrdreg s8  }
0x15: {  	s22 =	simm.s32 $0x3A0;
	s9 =	simm.s32 $0x1D0;
	[dreg:$0x9] =	wrdreg s25  }
0x16: {  	s10 =	simm.s32 $0x4D0;
	[dreg:$0xa] =	wrdreg s26;
	s24 =	simm.s32 $0x3F0  }
0x17: {  	v0 =	vlaneseq.u32;
	s25 =	simm.s32 $0x3;
	s26 =	simm.s32 $0x180;
	s8 =	simm.s32 $0x480  }
.LBB2_1:
0x18: {  	[dreg:$0xe] =	wrdreg s30  }
0x19: {  	s15 =	rddreg [dreg:$0x1]  }
0x1a: {  	s0 =	simm.s32 @!p0 $0x1C07;
	s30 =	rddreg [dreg:$0xd]  }
0x1b: {  	[spmem:s30], [sflag:s0] =	dma.local @!p0 [hbm:s15], $0x30E0  }
0x1c: {  	s0 =	simm.s32 @!p0 $0x7  }
0x1d: {  	_ =	swait.ge @!p0 [sflag:s0], $0x30E0  }
0x1e: {  	[sflag:s0] =	ssyncset.done @!p0 $0x0  }
0x1f: {  	[sflag:s0] =	ssyncadd.s32 @!p0 $0xFFFFCF20  }
0x20: {  	[bflag:$0x0] =	sbarrier.arrive $0xFFFF  }
0x21: {  	s31 =	rddreg [dreg:$0x5]  }
0x22: {  	[tilespmem:s23], [sflag:$0x1] =	stream.linear.gather [hbm4b:s31+s23], $0xA0, $0x38;
	[tilespmem:$0x15EF0] =	vst v63  }
0x23: {  	s15 =	rddreg [dreg:$0x6]  }
0x24: {  	[tilespmem:s17], [sflag:$0x1] =	stream.linear.gather [hbm4b:s15+s23], $0xA0, $0x38;
	[tilespmem:$0x15EF0] =	vst v63  }
0x25: {  	_ =	swait.ge [sflag:s18], $0xA0  }
0x26: {  	[sflag:s18] =	ssyncset.done $0x0  }
0x27: {  	[sflag:s18] =	ssyncadd.s32 $0xFFFFFF60  }
0x28: {  	_ =	swait.ge [sflag:s18], $0xA0  }
0x29: {  	[sflag:s18] =	ssyncset.done $0x0  }
0x2a: {  	[sflag:s18] =	ssyncadd.s32 $0xFFFFFF60  }
0x2b: {  	[tilespmem:s20], [sflag:$0x3] =	stream.indirect.gather [spmem:s3], $0x1, s23, s19, $0xb8;
	[tilespmem:$0x15EF0] =	vst v63  }
0x2c: {  	_ = 	snop  }
0x2d: {  	[tilespmem:s21], [sflag:$0x3] =	stream.indirect.gather [spmem:s3], $0x1, s19, s19, $0xb8;
	[tilespmem:$0x15EF0] =	vst v63  }
0x2e: {  	_ = 	snop  }
0x2f: {  	[tilespmem:s22], [sflag:$0x3] =	stream.indirect.gather [spmem:s3], $0x1, s17, s19, $0xb8;
	[tilespmem:$0x15EF0] =	vst v63  }
0x30: {  	s30 =	simm.s32 $0xF0  }
0x31: {  	[tilespmem:s24], [sflag:$0x3] =	stream.indirect.gather [spmem:s3], $0x1, s30, s19, $0xb8;
	[tilespmem:$0x15EF0] =	vst v63  }
0x32: {  	_ =	swait.ge [sflag:s25], $0x50  }
0x33: {  	[sflag:s25] =	ssyncset.done $0x0  }
0x34: {  	[sflag:s25] =	ssyncadd.s32 $0xFFFFFFB0  }
0x35: {  	_ =	swait.ge [sflag:s25], $0x50  }
0x36: {  	[sflag:s25] =	ssyncset.done $0x0  }
0x37: {  	[sflag:s25] =	ssyncadd.s32 $0xFFFFFFB0  }
0x38: {  	_ =	swait.ge [sflag:s25], $0x50  }
0x39: {  	[sflag:s25] =	ssyncset.done $0x0  }
0x3a: {  	[sflag:s25] =	ssyncadd.s32 $0xFFFFFFB0  }
0x3b: {  	_ =	swait.ge [sflag:s25], $0x50  }
0x3c: {  	[sflag:s25] =	ssyncset.done $0x0  }
0x3d: {  	s31 =	rddreg [dreg:$0x7];
	[sflag:s25] =	ssyncadd.s32 $0xFFFFFFB0  }
0x3e: {  	[tilespmem:s26], [sflag:$0x2] =	stream.linear.gather [hbm4b:s31+s23], $0xA0, $0x38;
	[tilespmem:$0x15EF0] =	vst v63  }
0x3f: {  	s15 =	rddreg [dreg:$0x8]  }
0x40: {  	[tilespmem:s28], [sflag:$0x2] =	stream.linear.gather [hbm4b:s15+s23], $0xA0, $0x38;
	[tilespmem:$0x15EF0] =	vst v63  }
0x41: {  	_ =	swait.ge [sflag:s29], $0xA0  }
0x42: {  	[sflag:s29] =	ssyncset.done $0x0  }
0x43: {  	[sflag:s29] =	ssyncadd.s32 $0xFFFFFF60  }
0x44: {  	_ =	swait.ge [sflag:s29], $0xA0  }
0x45: {  	[sflag:s29] =	ssyncset.done $0x0  }
0x46: {  	s30 =	simm.s32 $0x600;
	[sflag:s29] =	ssyncadd.s32 $0xFFFFFF60  }
0x47: {  	[tilespmem:s30], [sflag:$0x5] =	stream.indirect.gather [hbm4b:s2+s19], $0x80, s20, s19, $0xb8;
	[tilespmem:$0x15EF0] =	vst v63  }
0x48: {  	s31 =	simm.s32 $0x2E00  }
0x49: {  	[tilespmem:s31], [sflag:$0x5] =	stream.indirect.gather [hbm4b:s2+s19], $0x80, s21, s19, $0xb8;
	[tilespmem:$0x15EF0] =	vst v63  }
0x4a: {  	s15 =	simm.s32 $0x5600  }
0x4b: {  	[tilespmem:s15], [sflag:$0x5] =	stream.indirect.gather [hbm4b:s2+s19], $0x80, s22, s19, $0xb8;
	[tilespmem:$0x15EF0] =	vst v63  }
0x4c: {  	_ = 	snop  }
0x4d: {  	[tilespmem:s1], [sflag:$0x5] =	stream.indirect.gather [hbm4b:s2+s19], $0x80, s24, s19, $0xb8;
	[tilespmem:$0x15EF0] =	vst v63  }
0x4e: {  	_ = 	snop  }
0x4f: {  	[tilespmem:s8], [sflag:$0x4] =	stream.indirect.gather [spmem:s3], $0x1, s26, s19, $0xb8;
	[tilespmem:$0x15EF0] =	vst v63  }
0x50: {  	_ = 	snop  }
0x51: {  	[tilespmem:s10], [sflag:$0x4] =	stream.indirect.gather [spmem:s3], $0x1, s9, s19, $0xb8;
	[tilespmem:$0x15EF0] =	vst v63  }
0x52: {  	_ = 	snop  }
0x53: {  	[tilespmem:s11], [sflag:$0x4] =	stream.indirect.gather [spmem:s3], $0x1, s28, s19, $0xb8;
	[tilespmem:$0x15EF0] =	vst v63  }
0x54: {  	_ = 	snop  }
0x55: {  	[tilespmem:s13], [sflag:$0x4] =	stream.indirect.gather [spmem:s3], $0x1, s12, s19, $0xb8;
	[tilespmem:$0x15EF0] =	vst v63  }
0x56: {  	s30 =	rddreg [dreg:$0x9]  }
0x57: {  	[tilespmem:s23], [sflag:$0x1] =	stream.linear.gather [hbm4b:s30+s23], $0xA0, $0x38;
	[tilespmem:$0x15EF0] =	vst v63  }
0x58: {  	s31 =	rddreg [dreg:$0xa];
	s15 =	simm.s32 $0x0  }
0x59: {  	v1 =	vimm.f32 $0.0e+00;
	[tilespmem:s17], [sflag:$0x1] =	stream.linear.gather [hbm4b:s31+s23], $0xA0, $0x38;
	[tilespmem:$0x15EF0] =	vst v63  }
.LBB2_2:
0x5a: {  	[tilespmem:$0x1FF40] =	vst v1  }
0x5b: {  	_ =	swait.ge [sflag:s14], $0x50  }
0x5c: {  	[sflag:s14] =	ssyncset.done $0x0  }
0x5d: {  	[sflag:s14] =	ssyncadd.s32 $0xFFFFFFB0  }
0x5e: {  	_ =	swait.ge [sflag:s14], $0x50  }
0x5f: {  	[sflag:s14] =	ssyncset.done $0x0  }
0x60: {  	[sflag:s14] =	ssyncadd.s32 $0xFFFFFFB0  }
0x61: {  	_ =	swait.ge [sflag:s14], $0x50  }
0x62: {  	[sflag:s14] =	ssyncset.done $0x0  }
0x63: {  	[sflag:s14] =	ssyncadd.s32 $0xFFFFFFB0  }
0x64: {  	_ =	swait.ge [sflag:s14], $0x50  }
0x65: {  	[sflag:s14] =	ssyncset.done $0x0  }
0x66: {  	s0 =	simm.s32 $0xA600;
	[sflag:s14] =	ssyncadd.s32 $0xFFFFFFB0  }
0x67: {  	[tilespmem:s0], [sflag:$0x6] =	stream.indirect.gather [hbm4b:s2+s19], $0x80, s8, s19, $0xb8;
	[tilespmem:$0x15EF0] =	vst v63  }
0x68: {  	s23 =	simm.s32 $0xCE00  }
0x69: {  	[tilespmem:s23], [sflag:$0x6] =	stream.indirect.gather [hbm4b:s2+s19], $0x80, s10, s19, $0xb8;
	[tilespmem:$0x15EF0] =	vst v63  }
0x6a: {  	s23 =	simm.s32 $0xF600  }
0x6b: {  	[tilespmem:s23], [sflag:$0x6] =	stream.indirect.gather [hbm4b:s2+s19], $0x80, s11, s19, $0xb8;
	[tilespmem:$0x15EF0] =	vst v63  }
0x6c: {  	s23 =	simm.s32 $0x11E00  }
0x6d: {  	[tilespmem:s23], [sflag:$0x6] =	stream.indirect.gather [hbm4b:s2+s19], $0x80, s13, s19, $0xb8;
	[tilespmem:$0x15EF0] =	vst v63  }
0x6e: {  	_ =	swait.ge [sflag:s16], $0x2800  }
0x6f: {  	[sflag:s16] =	ssyncset.done $0x0  }
0x70: {  	[sflag:s16] =	ssyncadd.s32 $0xFFFFD800  }
0x71: {  	_ =	swait.ge [sflag:s16], $0x2800  }
0x72: {  	s30 =	sshll.u32 s15, $0x1;
	[sflag:s16] =	ssyncset.done $0x0  }
0x73: {  	s23 =	sadd.s32 $0x3, s30;
	[sflag:s16] =	ssyncadd.s32 $0xFFFFD800  }
0x74: {  	s0 =	sand.u32 $0x7F, s23;
	_ =	swait.ge [sflag:s16], $0x2800  }
0x75: {  	s0 =	smul.u32 $0xA0, s0;
	[sflag:s16] =	ssyncset.done $0x0  }
0x76: {  	[sflag:s16] =	ssyncadd.s32 $0xFFFFD800  }
0x77: {  	s0 =	sadd.s32 s6, s0;
	_ =	swait.ge [sflag:s16], $0x2800  }
0x78: {  	s0 =	sshrl.u32 s0, $0x3;
	[sflag:s16] =	ssyncset.done $0x0  }
0x79: {  	s23 =	simm.s32 $0x0;
	s31 =	sadd.s32 s5, s0;
	[sflag:s16] =	ssyncadd.s32 $0xFFFFD800  }
0x7a: {  	[tilespmem:s26], [sflag:$0x2] =	stream.linear.gather [hbm4b:s31+s23], $0xA0, $0x38;
	[tilespmem:$0x15EF0] =	vst v63  }
0x7b: {  	s0 =	sadd.s32 s7, s0  }
0x7c: {  	[tilespmem:s28], [sflag:$0x2] =	stream.linear.gather [hbm4b:s0+s23], $0xA0, $0x38;
	[tilespmem:$0x15EF0] =	vst v63  }
0x7d: {  	_ =	swait.ge [sflag:s18], $0xA0  }
0x7e: {  	[sflag:s18] =	ssyncset.done $0x0  }
0x7f: {  	[sflag:s18] =	ssyncadd.s32 $0xFFFFFF60  }
0x80: {  	_ =	swait.ge [sflag:s18], $0xA0  }
0x81: {  	[sflag:s18] =	ssyncset.done $0x0  }
0x82: {  	[sflag:s18] =	ssyncadd.s32 $0xFFFFFF60  }
0x83: {  	[tilespmem:s20], [sflag:$0x3] =	stream.indirect.gather [spmem:s3], $0x1, s23, s19, $0xb8;
	[tilespmem:$0x15EF0] =	vst v63  }
0x84: {  	_ = 	snop  }
0x85: {  	[tilespmem:s21], [sflag:$0x3] =	stream.indirect.gather [spmem:s3], $0x1, s19, s19, $0xb8;
	[tilespmem:$0x15EF0] =	vst v63  }
0x86: {  	_ = 	snop  }
0x87: {  	[tilespmem:s22], [sflag:$0x3] =	stream.indirect.gather [spmem:s3], $0x1, s17, s19, $0xb8;
	[tilespmem:$0x15EF0] =	vst v63  }
0x88: {  	s0 =	simm.s32 $0xF0  }
0x89: {  	[tilespmem:s24], [sflag:$0x3] =	stream.indirect.gather [spmem:s3], $0x1, s0, s19, $0xb8;
	[tilespmem:$0x15EF0] =	vst v63  }
0x8a: {  	s0 =	simm.s32 $0x0  }
0x8b: {  	v2 =	vld [tilespmem:s0+$0x5600]  }
0x8c: {  	v3 =	vld [tilespmem:s0+$0x5610]  }
0x8d: {  	v8 =	vld [tilespmem:s0+$0x5A80]  }
0x8e: {  	v9 =	vld [tilespmem:s0+$0x5A90]  }
0x8f: {  	v7 =	vld [tilespmem:s0+$0x5620]  }
0x90: {  	v10 =	vld [tilespmem:s0+$0x5AA0]  }
0x91: {  	v6 =	vld [tilespmem:s0+$0x5630]  }
0x92: {  	v12 =	vld [tilespmem:s0+$0x5AB0]  }
0x93: {  	v5 =	vld [tilespmem:s0+$0x5640]  }
0x94: {  	v1 =	vld [tilespmem:s0+$0x5AC0]  }
0x95: {  	v11 =	vld [tilespmem:s0+$0x5650]  }
0x96: {  	v14 =	vld [tilespmem:s0+$0x5AD0]  }
0x97: {  	v13 =	vld [tilespmem:s0+$0x5660]  }
0x98: {  	v22 =	vld [tilespmem:s0+$0x5AE0]  }
0x99: {  	v21 =	vld [tilespmem:s0+$0x5670]  }
0x9a: {  	v23 =	vld [tilespmem:s0+$0x5AF0]  }
0x9b: {  	v24 =	vld [tilespmem:s0+$0x600]  }
0x9c: {  	v25 =	vld [tilespmem:s0+$0x610]  }
0x9d: {  	v26 =	vld [tilespmem:s0+$0x680]  }
0x9e: {  	v27 =	vld [tilespmem:s0+$0x690]  }
0x9f: {  	v28 =	vld [tilespmem:s0+$0x700]  }
0xa0: {  	v29 =	vld [tilespmem:s0+$0x710]  }
0xa1: {  	v30 =	vld [tilespmem:s0+$0x780]  }
0xa2: {  	v31 =	vld [tilespmem:s0+$0x790]  }
0xa3: {  	v32 =	vld [tilespmem:s0+$0x800]  }
0xa4: {  	v33 =	vld [tilespmem:s0+$0x810]  }
0xa5: {  	v34 =	vld [tilespmem:s0+$0x880]  }
0xa6: {  	v4 =	vld [tilespmem:s0+$0x56A0]  }
0xa7: {  	v35 =	vld [tilespmem:s0+$0x890]  }
0xa8: {  	v36 =	vld [tilespmem:s0+$0x900]  }
0xa9: {  	v37 =	vld [tilespmem:s0+$0x910]  }
0xaa: {  	v38 =	vld [tilespmem:s0+$0x980]  }
0xab: {  	[tilespmem:$0x1FF50] =	vst v4;
	v4 =	vld [tilespmem:s0+$0x5720]  }
0xac: {  	v39 =	vld [tilespmem:s0+$0x990]  }
0xad: {  	v40 =	vld [tilespmem:s0+$0xA00]  }
0xae: {  	v41 =	vld [tilespmem:s0+$0xA10]  }
0xaf: {  	v42 =	vld [tilespmem:s0+$0xA80]  }
0xb0: {  	[tilespmem:$0x1FF60] =	vst v4;
	v4 =	vld [tilespmem:s0+$0x57A0]  }
0xb1: {  	v43 =	vld [tilespmem:s0+$0xA90]  }
0xb2: {  	v44 =	vld [tilespmem:s0+$0x5680]  }
0xb3: {  	v45 =	vld [tilespmem:s0+$0x5690]  }
0xb4: {  	v46 =	vld [tilespmem:s0+$0x5700]  }
0xb5: {  	[tilespmem:$0x1FF70] =	vst v4;
	v4 =	vld [tilespmem:s0+$0x5820]  }
0xb6: {  	v47 =	vld [tilespmem:s0+$0x5710]  }
0xb7: {  	v48 =	vld [tilespmem:s0+$0x5780]  }
0xb8: {  	v49 =	vld [tilespmem:s0+$0x5790]  }
0xb9: {  	v50 =	vld [tilespmem:s0+$0x5800]  }
0xba: {  	[tilespmem:$0x1FF80] =	vst v4;
	v4 =	vld [tilespmem:s0+$0x58A0]  }
0xbb: {  	v51 =	vld [tilespmem:s0+$0x5810]  }
0xbc: {  	v52 =	vld [tilespmem:s0+$0x5880]  }
0xbd: {  	v53 =	vld [tilespmem:s0+$0x5890]  }
0xbe: {  	v54 =	vld [tilespmem:s0+$0x5900]  }
0xbf: {  	[tilespmem:$0x1FF90] =	vst v4;
	v4 =	vld [tilespmem:s0+$0x5920]  }
0xc0: {  	v55 =	vld [tilespmem:s0+$0x5910]  }
0xc1: {  	v56 =	vld [tilespmem:s0+$0x5980]  }
0xc2: {  	v57 =	vld [tilespmem:s0+$0x5990]  }
0xc3: {  	v58 =	vld [tilespmem:s0+$0x5A00]  }
0xc4: {  	[tilespmem:$0x1FFA0] =	vst v4;
	v4 =	vld [tilespmem:s0+$0x5A20]  }
0xc5: {  	v59 =	vld [tilespmem:s0+$0x5A10]  }
0xc6: {  	v17 =	vld [tilespmem:s0+$0x620]  }
0xc7: {  	v60 =	vld [tilespmem:s0+$0x6A0]  }
0xc8: {  	v61 =	vld [tilespmem:s0+$0x720]  }
0xc9: {  	v8 =	vmul.f32 v8, v2;
	v9 =	vmul.f32 v9, v3;
	[tilespmem:$0x1FFB0] =	vst v4;
	v4 =	vld [tilespmem:s0+$0x6B0]  }
0xca: {  	v62 =	vld [tilespmem:s0+$0x7A0]  }
0xcb: {  	v63 =	vld [tilespmem:s0+$0x820];
	v10 =	vmul.f32 v10, v7;
	v9 =	vadd.f32 v9, v8  }
0xcc: {  	v15 =	vld [tilespmem:s0+$0x8A0]  }
0xcd: {  	v18 =	vld [tilespmem:s0+$0x920];
	v12 =	vmul.f32 v12, v6;
	v10 =	vadd.f32 v10, v9  }
0xce: {  	[tilespmem:$0x1FFC0] =	vst v4;
	v4 =	vld [tilespmem:s0+$0x7B0]  }
0xcf: {  	v16 =	vld [tilespmem:s0+$0x9A0];
	v1 =	vmul.f32 v1, v5;
	v10 =	vadd.f32 v12, v10  }
0xd0: {  	v20 =	vld [tilespmem:s0+$0xA20]  }
0xd1: {  	v19 =	vld [tilespmem:s0+$0xAA0];
	v26 =	vmul.f32 v26, v24;
	v1 =	vadd.f32 v1, v10;
	v10 =	vmul.f32 v14, v11  }
0xd2: {  	v30 =	vmul.f32 v30, v24;
	v62 =	vmul.f32 v62, v17;
	v8 =	vld [tilespmem:s0+$0x59A0]  }
0xd3: {  	v15 =	vmul.f32 v15, v17;
	v1 =	vadd.f32 v10, v1;
	v10 =	vmul.f32 v22, v13;
	[tilespmem:$0x1FFD0] =	vst v4;
	v4 =	vld [tilespmem:s0+$0x8B0]  }
0xd4: {  	v9 =	vld [tilespmem:s0+$0x630];
	v22 =	vmul.f32 v23, v21;
	v23 =	vmul.f32 v27, v25  }
0xd5: {  	v18 =	vmul.f32 v18, v17;
	v12 =	vld [tilespmem:s0+$0x730];
	v10 =	vadd.f32 v10, v1;
	v1 =	vmul.f32 v31, v25  }
0xd6: {  	v14 =	vld [tilespmem:s0+$0x830];
	v23 =	vadd.f32 v23, v26;
	v26 =	vmul.f32 v34, v24;
	v34 =	vmul.f32 v35, v25  }
0xd7: {  	v27 =	vld [tilespmem:s0+$0x9B0];
	v22 =	vadd.f32 v22, v10;
	v10 =	vmul.f32 v32, v24;
	v32 =	vmul.f32 v33, v25  }
0xd8: {  	v1 =	vadd.f32 v1, v30;
	v26 =	vadd.f32 v34, v26;
	v34 =	vmul.f32 v37, v25;
	[tilespmem:$0x1FFE0] =	vst v4;
	v4 =	vld [tilespmem:s0+$0x930]  }
0xd9: {  	v31 =	vld [tilespmem:s0+$0xAB0];
	v37 =	vmov s23;
	v30 =	vadd.f32 v32, v10;
	v10 =	vmul.f32 v36, v24  }
0xda: {  	v35 =	vld [tilespmem:s0+$0x5730];
	vm0 =	veq.s32 v37, v0;
	v37 =	vmul.f32 v39, v25;
	v36 =	vmul.f32 v38, v24  }
0xdb: {  	v16 =	vmul.f32 v16, v17;
	v33 =	vld [tilespmem:s0+$0x56B0];
	v39 =	vmul.f32 v40, v24;
	v34 =	vadd.f32 v34, v10  }
0xdc: {  	v40 =	vld [tilespmem:s0+$0x5930];
	v10 =	vmul.f32 v41, v25;
	v36 =	vadd.f32 v37, v36;
	v37 =	vmul.f32 v44, v2  }
0xdd: {  	v32 =	vld [tilespmem:s0+$0x5830];
	v1 =	vadd.f32 v62, v1;
	[tilespmem:$0x1FFF0] =	vst v4;
	v4 =	vmul.f32 v28, v24;
	v28 =	vmul.f32 v29, v25  }
0xde: {  	v38 =	vld [tilespmem:s0+$0x58B0];
	v15 =	vadd.f32 v15, v26;
	v24 =	vmul.f32 v42, v24;
	v25 =	vmul.f32 v43, v25  }
0xdf: {  	v26 =	vld [tilespmem:$0x1FF50];
	v44 =	vmul.f32 v46, v2;
	v39 =	vadd.f32 v10, v39;
	v43 =	vmul.f32 v45, v3  }
0xe0: {  	v41 =	vld [tilespmem:s0+$0x59B0];
	v18 =	vadd.f32 v18, v34;
	v24 =	vadd.f32 v25, v24;
	v25 =	vmul.f32 v47, v3  }
0xe1: {  	v46 =	vld [tilespmem:s0+$0x6C0];
	v45 =	vmul.f32 v48, v2;
	v37 =	vadd.f32 v43, v37;
	v43 =	vmul.f32 v49, v3  }
0xe2: {  	v10 =	vld [tilespmem:s0+$0x640];
	v47 =	vmul.f32 v50, v2;
	v49 =	vmul.f32 v52, v2;
	v25 =	vadd.f32 v25, v44  }
0xe3: {  	v34 =	vld [tilespmem:s0+$0x5840];
	v44 =	vmul.f32 v51, v3;
	v43 =	vadd.f32 v43, v45;
	v45 =	vmul.f32 v53, v3  }
0xe4: {  	v16 =	vadd.f32 v16, v36;
	v36 =	vld [tilespmem:s0+$0x58C0];
	v51 =	vmul.f32 v54, v2;
	v53 =	vmul.f32 v56, v2  }
0xe5: {  	v62 =	vld [tilespmem:$0x1FFB0];
	v2 =	vmul.f32 v58, v2;
	v44 =	vadd.f32 v44, v47;
	v47 =	vmul.f32 v55, v3  }
0xe6: {  	v29 =	vld [tilespmem:s0+$0xA30];
	v45 =	vadd.f32 v45, v49;
	v49 =	vmul.f32 v57, v3;
	v3 =	vmul.f32 v59, v3  }
0xe7: {  	v60 =	vmul.f32 v60, v17;
	v61 =	vmul.f32 v61, v17;
	v42 =	vld [tilespmem:s0+$0x5A30]  }
0xe8: {  	v20 =	vmul.f32 v20, v17;
	v48 =	vld [tilespmem:s0+$0x740];
	v4 =	vadd.f32 v28, v4;
	v2 =	vadd.f32 v3, v2  }
0xe9: {  	v28 =	vld [tilespmem:s0+$0x57B0];
	v3 =	vadd.f32 v60, v23;
	v23 =	vmul.f32 v63, v17;
	v17 =	vmul.f32 v19, v17  }
0xea: {  	v50 =	vld [tilespmem:s0+$0x7C0]  }
0xeb: {  	v17 =	vadd.f32 v17, v24;
	v24 =	vld [tilespmem:$0x1FF60]  }
0xec: {  	v52 =	vld [tilespmem:s0+$0x840]  }
0xed: {  	v54 =	vld [tilespmem:s0+$0x8C0]  }
0xee: {  	v56 =	vld [tilespmem:s0+$0x9C0]  }
0xef: {  	v57 =	vld [tilespmem:$0x1FF70]  }
0xf0: {  	v59 =	vld [tilespmem:$0x1FF80];
	v24 =	vmul.f32 v24, v7  }
0xf1: {  	v60 =	vld [tilespmem:$0x1FFA0]  }
0xf2: {  	v24 =	vadd.f32 v24, v25;
	v25 =	vld [tilespmem:$0x1FF90]  }
0xf3: {  	v12 =	vmul.f32 v12, v9;
	v26 =	vmul.f32 v26, v7;
	v58 =	vld [tilespmem:s0+$0xA40];
	v4 =	vadd.f32 v61, v4  }
0xf4: {  	v8 =	vmul.f32 v8, v7;
	v20 =	vadd.f32 v20, v39;
	v55 =	vld [tilespmem:s0+$0x940]  }
0xf5: {  	v26 =	vadd.f32 v26, v37;
	v4 =	vadd.f32 v12, v4;
	v12 =	vld [tilespmem:$0x1FFE0];
	v37 =	vmul.f32 v57, v7  }
0xf6: {  	v47 =	vadd.f32 v47, v51;
	v51 =	vld [tilespmem:s0+$0xAC0];
	v39 =	vmul.f32 v59, v7;
	v59 =	vmul.f32 v60, v7  }
0xf7: {  	v49 =	vadd.f32 v49, v53;
	v53 =	vld [tilespmem:s0+$0x56C0];
	v25 =	vmul.f32 v25, v7;
	v7 =	vmul.f32 v62, v7  }
0xf8: {  	v19 =	vld [tilespmem:s0+$0x57C0]  }
0xf9: {  	v2 =	vadd.f32 v7, v2;
	v7 =	vld [tilespmem:$0x1FFD0]  }
0xfa: {  	v63 =	vld [tilespmem:$0x1FFC0]  }
0xfb: {  	v23 =	vadd.f32 v23, v30;
	v30 =	vld [tilespmem:s0+$0x5740]  }
0xfc: {  	v8 =	vadd.f32 v8, v49;
	v49 =	vld [tilespmem:s0+$0x6D0]  }
0xfd: {  	v57 =	vld [tilespmem:s0+$0x5940]  }
0xfe: {  	v14 =	vmul.f32 v14, v9;
	v60 =	vld [tilespmem:s0+$0x59C0];
	v7 =	vmul.f32 v7, v9  }
0xff: {  	v40 =	vmul.f32 v40, v6;
	v12 =	vmul.f32 v12, v9;
	v37 =	vadd.f32 v37, v43;
	v43 =	vld [tilespmem:s0+$0x5A40]  }
0x100: {  	v41 =	vmul.f32 v41, v6;
	v1 =	vadd.f32 v7, v1;
	v7 =	vadd.f32 v14, v23;
	v14 =	vld [tilespmem:$0x1FFF0]  }
0x101: {  	v12 =	vadd.f32 v12, v15;
	v15 =	vmul.f32 v27, v9;
	v27 =	vmul.f32 v29, v9;
	v29 =	vld [tilespmem:s0+$0x8D0]  }
0x102: {  	v50 =	vmul.f32 v50, v10;
	v52 =	vmul.f32 v52, v10;
	v61 =	vadd.f32 v59, v47;
	v59 =	vld [tilespmem:s0+$0x750]  }
0x103: {  	v54 =	vmul.f32 v54, v10;
	v15 =	vadd.f32 v15, v16;
	v16 =	vadd.f32 v27, v20;
	v27 =	vld [tilespmem:s0+$0x9D0]  }
0x104: {  	v8 =	vadd.f32 v41, v8;
	v39 =	vadd.f32 v39, v44;
	v47 =	vmul.f32 v63, v9;
	v63 =	vld [tilespmem:s0+$0x5A50]  }
0x105: {  	v20 =	vmul.f32 v35, v6;
	v12 =	vadd.f32 v54, v12;
	v54 =	vld [tilespmem:s0+$0x8E0];
	v14 =	vmul.f32 v14, v9  }
0x106: {  	(xrf2) =	vadd.scan.msk.f32 $0xffff, v22;
	v3 =	vadd.f32 v47, v3;
	v47 =	vld [tilespmem:s0+$0x7D0];
	v22 =	vmul.f32 v60, v5;
	v25 =	vadd.f32 v25, v45  }
0x107: {  	v45 =	vld [tilespmem:s0+$0x650];
	v9 =	vmul.f32 v31, v9;
	v14 =	vadd.f32 v14, v18;
	v18 =	vmul.f32 v33, v6  }
0x108: {  	v20 =	vadd.f32 v20, v24;
	v24 =	vmul.f32 v32, v6;
	v8 =	vadd.f32 v22, v8;
	v23 =	vld [tilespmem:s0+$0x850]  }
0x109: {  	v22 =	vld [tilespmem:s0+$0x960];
	v9 =	vadd.f32 v9, v17;
	v17 =	vadd.f32 v18, v26;
	v18 =	vmul.f32 v28, v6  }
0x10a: {  	v1 =	vadd.f32 v50, v1;
	v50 =	vld [tilespmem:s0+$0x660];
	v28 =	vmul.f32 v38, v6;
	v6 =	vmul.f32 v42, v6  }
0x10b: {  	v46 =	vmul.f32 v46, v10;
	v30 =	vmul.f32 v30, v5;
	v60 =	vld [tilespmem:s0+$0x59E0];
	v24 =	vadd.f32 v24, v39  }
0x10c: {  	v32 =	vld [tilespmem:s0+$0xAD0];
	v7 =	vadd.f32 v52, v7;
	v2 =	vadd.f32 v6, v2;
	v6 =	vmul.f32 v48, v10  }
0x10d: {  	v39 =	vld [tilespmem:s0+$0x5950];
	v23 =	vmul.f32 v23, v45;
	v33 =	vadd.f32 v40, v61;
	v61 =	vmul.f32 v56, v10  }
0x10e: {  	v3 =	vadd.f32 v46, v3;
	v62 =	vld [tilespmem:s0+$0x59D0];
	v4 =	vadd.f32 v6, v4;
	v6 =	vmul.f32 v55, v10  }
0x10f: {  	v52 =	vld [tilespmem:s0+$0x7E0];
	v7 =	vadd.f32 v23, v7;
	v22 =	vmul.f32 v22, v50;
	v15 =	vadd.f32 v61, v15  }
0x110: {  	v31 =	vld [tilespmem:s0+$0x950];
	v6 =	vadd.f32 v6, v14;
	v14 =	vmul.f32 v58, v10;
	v10 =	vmul.f32 v51, v10  }
0x111: {  	v40 =	vld [tilespmem:s0+$0x5850];
	v18 =	vadd.f32 v18, v37;
	v25 =	vadd.f32 v28, v25;
	v48 =	vmul.f32 v53, v5  }
0x112: {  	v26 =	vld [tilespmem:s0+$0xA50];
	v51 =	vmul.f32 v57, v5;
	v9 =	vadd.f32 v10, v9;
	v10 =	vmul.f32 v19, v5  }
0x113: {  	v38 =	vld [tilespmem:s0+$0x57D0];
	v14 =	vadd.f32 v14, v16;
	v19 =	vadd.f32 v30, v20;
	v20 =	vmul.f32 v34, v5  }
0x114: {  	v16 =	vld [tilespmem:s0+$0x6E0];
	v10 =	vadd.f32 v10, v18;
	v18 =	vmul.f32 v36, v5;
	v5 =	vmul.f32 v43, v5  }
0x115: {  	v37 =	vld [tilespmem:s0+$0x56D0];
	v53 =	vmul.f32 v49, v45;
	v17 =	vadd.f32 v48, v17;
	v20 =	vadd.f32 v20, v24  }
0x116: {  	v24 =	vld [tilespmem:s0+$0x860];
	v18 =	vadd.f32 v18, v25;
	v2 =	vadd.f32 v5, v2;
	v5 =	vmul.f32 v59, v45  }
0x117: {  	v28 =	vld [tilespmem:s0+$0x5750];
	v25 =	vadd.f32 v51, v33;
	v33 =	vadd.f32 v53, v3;
	v3 =	vmul.f32 v47, v45  }
0x118: {  	v23 =	vld [tilespmem:s0+$0xAE0];
	v58 =	vmul.f32 v39, v11;
	v4 =	vadd.f32 v5, v4;
	v5 =	vmul.f32 v29, v45  }
0x119: {  	v42 =	vld [tilespmem:s0+$0x58D0];
	v16 =	vmul.f32 v16, v50;
	v29 =	vmul.f32 v31, v45;
	v1 =	vadd.f32 v3, v1  }
0x11a: {  	v55 =	vld [tilespmem:s0+$0x9E0];
	v3 =	vmul.f32 v27, v45;
	v5 =	vadd.f32 v5, v12;
	v12 =	vmul.f32 v26, v45  }
0x11b: {  	v56 =	vld [tilespmem:s0+$0x57E0];
	v27 =	vmul.f32 v37, v11;
	v16 =	vadd.f32 v16, v33;
	v24 =	vmul.f32 v24, v50  }
0x11c: {  	v61 =	vld [tilespmem:s0+$0x6F0];
	v12 =	vadd.f32 v12, v14;
	v14 =	vmul.f32 v28, v11;
	v28 =	vmul.f32 v38, v11  }
0x11d: {  	v30 =	vld [tilespmem:s0+$0x760];
	v6 =	vadd.f32 v29, v6;
	v15 =	vadd.f32 v3, v15;
	v3 =	vmul.f32 v32, v45  }
0x11e: {  	v57 =	vld [tilespmem:s0+$0x58E0];
	v7 =	vadd.f32 v24, v7;
	v10 =	vadd.f32 v28, v10;
	v28 =	vmul.f32 v42, v11  }
0x11f: {  	v31 =	vld [tilespmem:s0+$0xA60];
	v24 =	vmul.f32 v55, v50;
	v9 =	vadd.f32 v3, v9;
	v3 =	vmul.f32 v40, v11  }
0x120: {  	v26 =	vld [tilespmem:s0+$0x56E0];
	v18 =	vadd.f32 v28, v18;
	v28 =	vmul.f32 v62, v11;
	v11 =	vmul.f32 v63, v11  }
0x121: {  	v17 =	vadd.f32 v27, v17;
	v27 =	vld [tilespmem:s0+$0x5860];
	v6 =	vadd.f32 v22, v6  }
0x122: {  	v59 =	vld [tilespmem:s0+$0x5960];
	v15 =	vadd.f32 v24, v15;
	v2 =	vadd.f32 v11, v2;
	v11 =	vmul.f32 v30, v50  }
0x123: {  	v23 =	vmul.f32 v23, v50;
	v29 =	vld [tilespmem:s0+$0x5760];
	v14 =	vadd.f32 v14, v19;
	v20 =	vadd.f32 v3, v20  }
0x124: {  	v22 =	vld [tilespmem:s0+$0x870];
	v19, _, _ =	vpop (xrf2);
	v3 =	vimm.f32 $0.0e+00;
	v4 =	vadd.f32 v11, v4;
	v11 =	vmul.f32 v54, v50  }
0x125: {  	v9 =	vadd.f32 v23, v9;
	v19 =	vbroadcast v19, $0xF;
	v24 =	vmul.f32 v26, v13;
	v26 =	vld [tilespmem:s0+$0x8F0]  }
0x126: {  	v23 =	vmul.f32 v27, v13;
	v62 =	vld [tilespmem:s0+$0x770];
	v5 =	vadd.f32 v11, v5;
	v11 =	vmul.f32 v31, v50  }
0x127: {  	v3 =	vsel vm0, v19, v3;
	v19 =	vadd.f32 v58, v25;
	v25 =	vld [tilespmem:s0+$0x5A60];
	v30 =	vmul.f32 v52, v50  }
0x128: {  	v8 =	vadd.f32 v28, v8;
	v28 =	vld [tilespmem:s0+$0x670];
	v11 =	vadd.f32 v11, v12;
	v12 =	vmul.f32 v29, v13  }
0x129: {  	v17 =	vadd.f32 v24, v17;
	v1 =	vadd.f32 v30, v1;
	v30 =	vld [tilespmem:s0+$0x7F0];
	v29 =	vmul.f32 v56, v13  }
0x12a: {  	v24 =	vld [tilespmem:s0+$0x9F0];
	v20 =	vadd.f32 v23, v20;
	v12 =	vadd.f32 v12, v14;
	v14 =	vmul.f32 v57, v13  }
0x12b: {  	v27 =	vld [tilespmem:s0+$0xA70];
	v23 =	vmul.f32 v59, v13;
	v10 =	vadd.f32 v29, v10;
	v29 =	vmul.f32 v60, v13  }
0x12c: {  	vm0 =	vmmov vm0;
	v31 =	vld [tilespmem:s0+$0x970];
	v13 =	vmul.f32 v25, v13;
	v38 =	vadd.f32 v14, v18  }
0x12d: {  	v63 =	vld [tilespmem:s0+$0xAF0];
	v14 =	vmul.f32 v61, v28;
	v37 =	vadd.f32 v29, v8;
	v8 =	vmul.f32 v62, v28  }
0x12e: {  	v43 =	vadd.f32 v23, v19;
	v19 =	vld [tilespmem:s0+$0x5770];
	v41 =	vadd.f32 v13, v2;
	v13 =	vmul.f32 v30, v28  }
0x12f: {  	v23 =	vmul.f32 v24, v28;
	v2 =	vadd.f32 v14, v16;
	v4 =	vadd.f32 v8, v4  }
0x130: {  	v18 =	vld [tilespmem:s0+$0x56F0];
	v8 =	vmul.f32 v22, v28;
	v16 =	vmul.f32 v26, v28;
	v1 =	vadd.f32 v13, v1  }
0x131: {  	v14 =	vld [tilespmem:s0+$0x57F0];
	v13 =	vmul.f32 v31, v28;
	v31 =	vadd.f32 v23, v15;
	v15 =	vimm.f32 $0.0e+00  }
0x132: {  	v30 =	vadd.f32 v8, v7;
	v35 =	vadd.f32 v16, v5;
	v5 =	vmul.f32 v27, v28;
	(xrf2) =	vadd.scan.msk.f32 $0xffff, v2  }
0x133: {  	v22 =	vld [tilespmem:s0+$0x5870];
	v32 =	vadd.f32 v13, v6;
	v2 =	vmul.f32 v63, v28;
	v8 =	vmul.f32 v19, v21  }
0x134: {  	v19 =	vimm.f32 $0.0e+00;
	v13 =	vimm.f32 $0.0e+00;
	v16 =	vimm.f32 $0.0e+00  }
0x135: {  	v7 =	vld [tilespmem:s0+$0x58F0];
	(xrf2) =	vadd.scan.msk.f32 $0xffff, v4;
	v4 =	vimm.f32 $0.0e+00;
	v29 =	vadd.f32 v5, v11;
	v5 =	vmul.f32 v18, v21  }
0x136: {  	v6 =	vld [tilespmem:s0+$0x5970];
	v28 =	vadd.f32 v2, v9;
	v26 =	vadd.f32 v8, v12;
	v2 =	vmul.f32 v14, v21  }
0x137: {  	v18 =	vimm.f32 $0.0e+00;
	v11 =	vimm.f32 $0.0e+00;
	v12 =	vimm.f32 $0.0e+00  }
0x138: {  	(xrf2) =	vadd.scan.msk.f32 $0xffff, v1;
	v8 =	vimm.f32 $0.0e+00;
	v9 =	vmul.f32 v22, v21;
	v25 =	vadd.f32 v2, v10;
	v2 =	vld [tilespmem:s0+$0x59F0]  }
0x139: {  	s31 =	simm.s32 $0x500;
	v45 =	vld [tilespmem:s0+$0x5A70];
	v14 =	vimm.f32 $0.0e+00;
	v27 =	vadd.f32 v5, v17;
	v17 =	vimm.f32 $0.0e+00  }
0x13a: {  	v34 =	vld [tilespmem:s31+$0x5610];
	v5 =	vimm.f32 $0.0e+00;
	v39 =	vmul.f32 v7, v21;
	v24 =	vadd.f32 v9, v20  }
0x13b: {  	v47 =	vld [tilespmem:s31+$0x5A80];
	(xrf2) =	vadd.scan.msk.f32 $0xffff, v30;
	v59 =	vmul.f32 v6, v21;
	v20 =	vimm.f32 $0.0e+00;
	v6 =	vimm.f32 $0.0e+00  }
0x13c: {  	v33 =	vld [tilespmem:s31+$0x5600];
	v7 =	vimm.f32 $0.0e+00;
	s0 =	simm.s32 $0x2800;
	v10 =	vimm.f32 $0.0e+00;
	v9 =	vimm.f32 $0.0e+00;
	v23, _, _ =	vpop (xrf2)  }
.LBB2_3:
0x13d: {  	p1 =	sne.s32 s0, $0x12C00;
	v22 =	vld [tilespmem:s31+$0x5A90];
	v1 =	vbroadcast v23, $0xF;
	v39 =	vadd.f32 v39, v38;
	v23 =	vmul.f32 v2, v21  }
0x13e: {  	v36 =	vld [tilespmem:s31+$0x5620];
	v38 =	vadd.f32 v59, v43;
	v21 =	vmul.f32 v45, v21;
	(xrf2) =	vadd.scan.msk.f32 $0xffff, v35  }
0x13f: {  	v40 =	vld [tilespmem:s31+$0x5AA0];
	v20 =	vsel vm0, v1, v20;
	v1 =	vadd.f32 v23, v37;
	v2, _, _ =	vpop (xrf2)  }
0x140: {  	v35 =	vld [tilespmem:s31+$0x5630];
	v23 =	vbroadcast v2, $0xF;
	v37 =	vadd.f32 v21, v41  }
0x141: {  	v21 =	vld [tilespmem:s31+$0x5AB0];
	(xrf2) =	vadd.scan.msk.f32 $0xffff, v32  }
0x142: {  	v32 =	vmul.f32 v47, v33;
	v30 =	vld [tilespmem:s31+$0x5640];
	v22 =	vmul.f32 v22, v34;
	v19 =	vsel vm0, v23, v19;
	v2, _, _ =	vpop (xrf2)  }
0x143: {  	v41 =	vld [tilespmem:s31+$0x5AC0];
	v42 =	vbroadcast v2, $0xF  }
0x144: {  	v23 =	vld [tilespmem:s31+$0x5650];
	v32 =	vadd.f32 v22, v32;
	v40 =	vmul.f32 v40, v36;
	(xrf2) =	vadd.scan.msk.f32 $0xffff, v31  }
0x145: {  	v31 =	vld [tilespmem:s31+$0x5AD0];
	v18 =	vsel vm0, v42, v18;
	v2, _, _ =	vpop (xrf2)  }
0x146: {  	v22 =	vld [tilespmem:s31+$0x5660];
	v32 =	vadd.f32 v40, v32;
	v40 =	vmul.f32 v21, v35;
	v43 =	vbroadcast v2, $0xF  }
0x147: {  	v42 =	vld [tilespmem:s31+$0x5AE0];
	(xrf2) =	vadd.scan.msk.f32 $0xffff, v29  }
0x148: {  	v21 =	vld [tilespmem:s31+$0x5670];
	v29 =	vadd.f32 v40, v32;
	v32 =	vmul.f32 v41, v30;
	v15 =	vsel vm0, v43, v15;
	v2, _, _ =	vpop (xrf2)  }
0x149: {  	v40 =	vld [tilespmem:s31+$0x5AF0];
	v43 =	vbroadcast v2, $0xF  }
0x14a: {  	v41 =	vld [tilespmem:s31+$0x600];
	v29 =	vadd.f32 v32, v29;
	v31 =	vmul.f32 v31, v23;
	(xrf2) =	vadd.scan.msk.f32 $0xffff, v28  }
0x14b: {  	v32 =	vld [tilespmem:s31+$0x610];
	v11 =	vsel vm0, v43, v11;
	v2, _, _ =	vpop (xrf2)  }
0x14c: {  	v28 =	vld [tilespmem:s31+$0x680];
	v29 =	vadd.f32 v31, v29;
	v31 =	vmul.f32 v42, v22;
	v43 =	vbroadcast v2, $0xF  }
0x14d: {  	v42 =	vld [tilespmem:s31+$0x690];
	(xrf2) =	vadd.scan.msk.f32 $0xffff, v27  }
0x14e: {  	v27 =	vld [tilespmem:s31+$0x700];
	v29 =	vadd.f32 v31, v29;
	v31 =	vmul.f32 v40, v21;
	v13 =	vsel vm0, v43, v13;
	v2, _, _ =	vpop (xrf2)  }
0x14f: {  	v40 =	vld [tilespmem:s31+$0x710];
	v44 =	vbroadcast v2, $0xF  }
0x150: {  	v43 =	vld [tilespmem:s31+$0x780];
	v29 =	vadd.f32 v31, v29  }
0x151: {  	v28 =	vmul.f32 v28, v41;
	v31 =	vld [tilespmem:s31+$0x790];
	v14 =	vsel vm0, v44, v14;
	v2, _, _ =	vpop (xrf2)  }
0x152: {  	v42 =	vmul.f32 v42, v32;
	v44 =	vld [tilespmem:s31+$0x800];
	(xrf2) =	vadd.scan.msk.f32 $0xffff, v29;
	v46 =	vbroadcast v2, $0xF  }
0x153: {  	v27 =	vmul.f32 v27, v41;
	v45 =	vld [tilespmem:s31+$0x810]  }
0x154: {  	v2 =	vadd.f32 v42, v28;
	v28 =	vmul.f32 v40, v32;
	v40 =	vld [tilespmem:s31+$0x880];
	v12 =	vsel vm0, v46, v12;
	v29, _, _ =	vpop (xrf2)  }
0x155: {  	v42 =	vmul.f32 v43, v41;
	v43 =	vld [tilespmem:s31+$0x890];
	v46 =	vbroadcast v29, $0xF;
	(xrf2) =	vadd.scan.msk.f32 $0xffff, v26  }
0x156: {  	v26 =	vadd.f32 v28, v27;
	v27 =	vmul.f32 v31, v32;
	v28 =	vld [tilespmem:s31+$0x900]  }
0x157: {  	v31 =	vmul.f32 v44, v41;
	v44 =	vld [tilespmem:s31+$0x910];
	v16 =	vsel vm0, v46, v16;
	v29, _, _ =	vpop (xrf2)  }
0x158: {  	v27 =	vadd.f32 v27, v42;
	v42 =	vmul.f32 v45, v32;
	v45 =	vld [tilespmem:s31+$0x980];
	v29 =	vbroadcast v29, $0xF;
	(xrf2) =	vadd.scan.msk.f32 $0xffff, v25  }
0x159: {  	v40 =	vmul.f32 v40, v41;
	v46 =	vld [tilespmem:s31+$0x990]  }
0x15a: {  	v25 =	vadd.f32 v42, v31;
	v31 =	vmul.f32 v43, v32;
	v42 =	vld [tilespmem:s31+$0xA00];
	v17 =	vsel vm0, v29, v17  }
0x15b: {  	v28 =	vmul.f32 v28, v41;
	v29 =	vld [tilespmem:s31+$0xA10];
	(xrf2) =	vadd.scan.msk.f32 $0xffff, v24  }
0x15c: {  	s23 =	sadd.s32 $0x1, s23;
	v24 =	vadd.f32 v31, v40;
	v31 =	vmul.f32 v44, v32;
	v40 =	vld [tilespmem:s31+$0xA80];
	v43, _, _ =	vpop (xrf2)  }
0x15d: {  	v44 =	vmov s23;
	v45 =	vmul.f32 v45, v41;
	v47 =	vld [tilespmem:s31+$0xA90];
	v48 =	vbroadcast v43, $0xF  }
0x15e: {  	vm1 =	veq.s32 v44, v0;
	v28 =	vadd.f32 v31, v28;
	v31 =	vmul.f32 v46, v32;
	v44 =	vld [tilespmem:s31+$0x5680];
	(xrf2) =	vadd.scan.msk.f32 $0xffff, v39  }
0x15f: {  	v46 =	vmul.f32 v42, v41;
	v42 =	vld [tilespmem:s31+$0x5690];
	v3 =	vsel vm1, v48, v3;
	v43, _, _ =	vpop (xrf2)  }
0x160: {  	v31 =	vadd.f32 v31, v45;
	v29 =	vmul.f32 v29, v32;
	v45 =	vld [tilespmem:s31+$0x5700];
	v43 =	vbroadcast v43, $0xF  }
0x161: {  	v40 =	vmul.f32 v40, v41;
	v41 =	vld [tilespmem:s31+$0x5710];
	(xrf2) =	vadd.scan.msk.f32 $0xffff, v38  }
0x162: {  	v29 =	vadd.f32 v29, v46;
	v32 =	vmul.f32 v47, v32;
	v38 =	vld [tilespmem:s31+$0x5780];
	v5 =	vsel vm0, v43, v5;
	v39, _, _ =	vpop (xrf2)  }
0x163: {  	v43 =	vmul.f32 v44, v33;
	v44 =	vld [tilespmem:s31+$0x5790];
	v46 =	vbroadcast v39, $0xF  }
0x164: {  	v32 =	vadd.f32 v32, v40;
	v40 =	vmul.f32 v42, v34;
	v42 =	vld [tilespmem:s31+$0x5800];
	(xrf2) =	vadd.scan.msk.f32 $0xffff, v1  }
0x165: {  	v1 =	vmul.f32 v45, v33;
	v45 =	vld [tilespmem:s31+$0x5810];
	v8 =	vsel vm0, v46, v8;
	v39, _, _ =	vpop (xrf2)  }
0x166: {  	v40 =	vadd.f32 v40, v43;
	v41 =	vmul.f32 v41, v34;
	v43 =	vld [tilespmem:s31+$0x5880];
	v47 =	vbroadcast v39, $0xF  }
0x167: {  	v38 =	vmul.f32 v38, v33;
	v46 =	vld [tilespmem:s31+$0x5890];
	(xrf2) =	vadd.scan.msk.f32 $0xffff, v37  }
0x168: {  	v1 =	vadd.f32 v41, v1;
	v37 =	vmul.f32 v44, v34;
	v41 =	vld [tilespmem:s31+$0x5900];
	v6 =	vsel vm0, v47, v6;
	v39, _, _ =	vpop (xrf2)  }
0x169: {  	v42 =	vmul.f32 v42, v33;
	v44 =	vld [tilespmem:s31+$0x5910];
	v48 =	vbroadcast v39, $0xF  }
0x16a: {  	v37 =	vadd.f32 v37, v38;
	v38 =	vmul.f32 v45, v34;
	v45 =	vld [tilespmem:s31+$0x5980]  }
0x16b: {  	v43 =	vmul.f32 v43, v33;
	v47 =	vld [tilespmem:s31+$0x5990];
	v7 =	vsel vm0, v48, v7;
	v39, _, _ =	vpop (xrf2)  }
0x16c: {  	v38 =	vadd.f32 v38, v42;
	v42 =	vmul.f32 v46, v34;
	v46 =	vld [tilespmem:s31+$0x5A00];
	v50 =	vbroadcast v39, $0xF  }
0x16d: {  	v41 =	vmul.f32 v41, v33;
	v48 =	vld [tilespmem:s31+$0x5A10]  }
0x16e: {  	v49 =	vld [tilespmem:s31+$0x620];
	v42 =	vadd.f32 v42, v43;
	v43 =	vmul.f32 v44, v34;
	v10 =	vsel vm0, v50, v10;
	v39, _, _ =	vpop (xrf2)  }
0x16f: {  	v44 =	vld [tilespmem:s31+$0x6A0];
	v45 =	vmul.f32 v45, v33;
	v51 =	vbroadcast v39, $0xF  }
0x170: {  	v50 =	vld [tilespmem:s31+$0x720];
	v41 =	vadd.f32 v43, v41;
	v43 =	vmul.f32 v47, v34  }
0x171: {  	v47 =	vld [tilespmem:s31+$0x7A0];
	v33 =	vmul.f32 v46, v33;
	v9 =	vsel vm0, v51, v9;
	v39, _, _ =	vpop (xrf2)  }
0x172: {  	v46 =	vld [tilespmem:s31+$0x820];
	v43 =	vadd.f32 v43, v45;
	v34 =	vmul.f32 v48, v34;
	v39 =	vbroadcast v39, $0xF  }
0x173: {  	v45 =	vld [tilespmem:s31+$0x8A0]  }
0x174: {  	v44 =	vmul.f32 v44, v49;
	v48 =	vld [tilespmem:s31+$0x920];
	v33 =	vadd.f32 v34, v33;
	v4 =	vsel vm0, v39, v4  }
0x175: {  	vm0 =	vmmov vm1;
	v34 =	vmul.f32 v50, v49;
	v39 =	vld [tilespmem:s31+$0x9A0]  }
0x176: {  	v2 =	vadd.f32 v44, v2;
	v44 =	vmul.f32 v47, v49;
	v47 =	vld [tilespmem:s31+$0xA20]  }
0x177: {  	v26 =	vadd.f32 v34, v26;
	v34 =	vmul.f32 v46, v49;
	v46 =	vld [tilespmem:s31+$0xAA0]  }
0x178: {  	v27 =	vadd.f32 v44, v27;
	v44 =	vmul.f32 v45, v49;
	v45 =	vld [tilespmem:s31+$0x56A0]  }
0x179: {  	v25 =	vadd.f32 v34, v25;
	v34 =	vmul.f32 v48, v49;
	v48 =	vld [tilespmem:s31+$0x5720]  }
0x17a: {  	v24 =	vadd.f32 v44, v24;
	v39 =	vmul.f32 v39, v49;
	v44 =	vld [tilespmem:s31+$0x57A0]  }
0x17b: {  	v28 =	vadd.f32 v34, v28;
	v34 =	vmul.f32 v47, v49;
	v47 =	vld [tilespmem:s31+$0x5820]  }
0x17c: {  	v31 =	vadd.f32 v39, v31;
	v39 =	vmul.f32 v46, v49;
	v46 =	vld [tilespmem:s31+$0x58A0]  }
0x17d: {  	v29 =	vadd.f32 v34, v29;
	v34 =	vmul.f32 v45, v36;
	v45 =	vld [tilespmem:s31+$0x5920]  }
0x17e: {  	v32 =	vadd.f32 v39, v32;
	v39 =	vmul.f32 v48, v36;
	v48 =	vld [tilespmem:s31+$0x59A0]  }
0x17f: {  	v34 =	vadd.f32 v34, v40;
	v40 =	vmul.f32 v44, v36;
	v44 =	vld [tilespmem:s31+$0x5A20]  }
0x180: {  	v49 =	vld [tilespmem:s31+$0x630];
	v1 =	vadd.f32 v39, v1;
	v39 =	vmul.f32 v47, v36  }
0x181: {  	v47 =	vld [tilespmem:s31+$0x6B0];
	v37 =	vadd.f32 v40, v37;
	v40 =	vmul.f32 v46, v36  }
0x182: {  	v46 =	vld [tilespmem:s31+$0x730];
	v38 =	vadd.f32 v39, v38;
	v39 =	vmul.f32 v45, v36  }
0x183: {  	v45 =	vld [tilespmem:s31+$0x7B0];
	v40 =	vadd.f32 v40, v42;
	v42 =	vmul.f32 v48, v36  }
0x184: {  	v48 =	vld [tilespmem:s31+$0x830];
	v39 =	vadd.f32 v39, v41;
	v36 =	vmul.f32 v44, v36  }
0x185: {  	v41 =	vld [tilespmem:s31+$0x8B0];
	v42 =	vadd.f32 v42, v43  }
0x186: {  	v43 =	vmul.f32 v47, v49;
	v44 =	vld [tilespmem:s31+$0x930];
	v33 =	vadd.f32 v36, v33  }
0x187: {  	v36 =	vmul.f32 v46, v49;
	v46 =	vld [tilespmem:s31+$0x9B0]  }
0x188: {  	v2 =	vadd.f32 v43, v2;
	v43 =	vmul.f32 v45, v49;
	v45 =	vld [tilespmem:s31+$0xA30]  }
0x189: {  	v26 =	vadd.f32 v36, v26;
	v36 =	vmul.f32 v48, v49;
	v47 =	vld [tilespmem:s31+$0xAB0]  }
0x18a: {  	v27 =	vadd.f32 v43, v27;
	v41 =	vmul.f32 v41, v49;
	v43 =	vld [tilespmem:s31+$0x56B0]  }
0x18b: {  	v25 =	vadd.f32 v36, v25;
	v36 =	vmul.f32 v44, v49;
	v44 =	vld [tilespmem:s31+$0x5730]  }
0x18c: {  	v24 =	vadd.f32 v41, v24;
	v41 =	vmul.f32 v46, v49;
	v46 =	vld [tilespmem:s31+$0x57B0]  }
0x18d: {  	v28 =	vadd.f32 v36, v28;
	v36 =	vmul.f32 v45, v49;
	v45 =	vld [tilespmem:s31+$0x5830]  }
0x18e: {  	v31 =	vadd.f32 v41, v31;
	v41 =	vmul.f32 v47, v49;
	v47 =	vld [tilespmem:s31+$0x58B0]  }
0x18f: {  	v29 =	vadd.f32 v36, v29;
	v36 =	vmul.f32 v43, v35;
	v43 =	vld [tilespmem:s31+$0x5930]  }
0x190: {  	v32 =	vadd.f32 v41, v32;
	v41 =	vmul.f32 v44, v35;
	v44 =	vld [tilespmem:s31+$0x59B0]  }
0x191: {  	v34 =	vadd.f32 v36, v34;
	v36 =	vmul.f32 v46, v35;
	v46 =	vld [tilespmem:s31+$0x5A30]  }
0x192: {  	v48 =	vld [tilespmem:s31+$0x640];
	v1 =	vadd.f32 v41, v1;
	v41 =	vmul.f32 v45, v35  }
0x193: {  	v45 =	vld [tilespmem:s31+$0x6C0];
	v36 =	vadd.f32 v36, v37;
	v37 =	vmul.f32 v47, v35  }
0x194: {  	v47 =	vld [tilespmem:s31+$0x740];
	v38 =	vadd.f32 v41, v38;
	v41 =	vmul.f32 v43, v35  }
0x195: {  	v43 =	vld [tilespmem:s31+$0x7C0];
	v37 =	vadd.f32 v37, v40;
	v40 =	vmul.f32 v44, v35  }
0x196: {  	v44 =	vld [tilespmem:s31+$0x840];
	v39 =	vadd.f32 v41, v39;
	v35 =	vmul.f32 v46, v35  }
0x197: {  	v41 =	vld [tilespmem:s31+$0x8C0];
	v40 =	vadd.f32 v40, v42  }
0x198: {  	v42 =	vmul.f32 v45, v48;
	v45 =	vld [tilespmem:s31+$0x940];
	v33 =	vadd.f32 v35, v33  }
0x199: {  	v35 =	vmul.f32 v47, v48;
	v46 =	vld [tilespmem:s31+$0x9C0]  }
0x19a: {  	v2 =	vadd.f32 v42, v2;
	v42 =	vmul.f32 v43, v48;
	v43 =	vld [tilespmem:s31+$0xA40]  }
0x19b: {  	v26 =	vadd.f32 v35, v26;
	v35 =	vmul.f32 v44, v48;
	v44 =	vld [tilespmem:s31+$0xAC0]  }
0x19c: {  	v27 =	vadd.f32 v42, v27;
	v41 =	vmul.f32 v41, v48;
	v42 =	vld [tilespmem:s31+$0x56C0]  }
0x19d: {  	v25 =	vadd.f32 v35, v25;
	v35 =	vmul.f32 v45, v48;
	v45 =	vld [tilespmem:s31+$0x5740]  }
0x19e: {  	v24 =	vadd.f32 v41, v24;
	v41 =	vmul.f32 v46, v48;
	v46 =	vld [tilespmem:s31+$0x57C0]  }
0x19f: {  	v28 =	vadd.f32 v35, v28;
	v35 =	vmul.f32 v43, v48;
	v43 =	vld [tilespmem:s31+$0x5840]  }
0x1a0: {  	v31 =	vadd.f32 v41, v31;
	v41 =	vmul.f32 v44, v48;
	v44 =	vld [tilespmem:s31+$0x58C0]  }
0x1a1: {  	v29 =	vadd.f32 v35, v29;
	v35 =	vmul.f32 v42, v30;
	v42 =	vld [tilespmem:s31+$0x5940]  }
0x1a2: {  	v32 =	vadd.f32 v41, v32;
	v41 =	vmul.f32 v45, v30;
	v45 =	vld [tilespmem:s31+$0x59C0]  }
0x1a3: {  	v34 =	vadd.f32 v35, v34;
	v35 =	vmul.f32 v46, v30;
	v46 =	vld [tilespmem:s31+$0x5A40]  }
0x1a4: {  	v47 =	vld [tilespmem:s31+$0x650];
	v1 =	vadd.f32 v41, v1;
	v41 =	vmul.f32 v43, v30  }
0x1a5: {  	v43 =	vld [tilespmem:s31+$0x6D0];
	v35 =	vadd.f32 v35, v36;
	v36 =	vmul.f32 v44, v30  }
0x1a6: {  	v44 =	vld [tilespmem:s31+$0x750];
	v38 =	vadd.f32 v41, v38;
	v41 =	vmul.f32 v42, v30  }
0x1a7: {  	v42 =	vld [tilespmem:s31+$0x7D0];
	v36 =	vadd.f32 v36, v37;
	v37 =	vmul.f32 v45, v30  }
0x1a8: {  	v45 =	vld [tilespmem:s31+$0x850];
	v39 =	vadd.f32 v41, v39;
	v30 =	vmul.f32 v46, v30  }
0x1a9: {  	v41 =	vld [tilespmem:s31+$0x8D0];
	v37 =	vadd.f32 v37, v40  }
0x1aa: {  	v40 =	vmul.f32 v43, v47;
	v43 =	vld [tilespmem:s31+$0x950];
	v30 =	vadd.f32 v30, v33  }
0x1ab: {  	v33 =	vmul.f32 v44, v47;
	v44 =	vld [tilespmem:s31+$0x9D0]  }
0x1ac: {  	v2 =	vadd.f32 v40, v2;
	v40 =	vmul.f32 v42, v47;
	v42 =	vld [tilespmem:s31+$0xA50]  }
0x1ad: {  	v26 =	vadd.f32 v33, v26;
	v33 =	vmul.f32 v45, v47;
	v45 =	vld [tilespmem:s31+$0xAD0]  }
0x1ae: {  	v27 =	vadd.f32 v40, v27;
	v40 =	vmul.f32 v41, v47;
	v41 =	vld [tilespmem:s31+$0x56D0]  }
0x1af: {  	v25 =	vadd.f32 v33, v25;
	v33 =	vmul.f32 v43, v47;
	v43 =	vld [tilespmem:s31+$0x5750]  }
0x1b0: {  	v24 =	vadd.f32 v40, v24;
	v40 =	vmul.f32 v44, v47;
	v44 =	vld [tilespmem:s31+$0x57D0]  }
0x1b1: {  	v28 =	vadd.f32 v33, v28;
	v33 =	vmul.f32 v42, v47;
	v42 =	vld [tilespmem:s31+$0x5850]  }
0x1b2: {  	v31 =	vadd.f32 v40, v31;
	v40 =	vmul.f32 v45, v47;
	v45 =	vld [tilespmem:s31+$0x58D0]  }
0x1b3: {  	v29 =	vadd.f32 v33, v29;
	v33 =	vmul.f32 v41, v23;
	v41 =	vld [tilespmem:s31+$0x5950]  }
0x1b4: {  	v32 =	vadd.f32 v40, v32;
	v40 =	vmul.f32 v43, v23;
	v43 =	vld [tilespmem:s31+$0x59D0]  }
0x1b5: {  	v33 =	vadd.f32 v33, v34;
	v34 =	vmul.f32 v44, v23;
	v44 =	vld [tilespmem:s31+$0x5A50]  }
0x1b6: {  	v46 =	vld [tilespmem:s31+$0x660];
	v1 =	vadd.f32 v40, v1;
	v40 =	vmul.f32 v42, v23  }
0x1b7: {  	v42 =	vld [tilespmem:s31+$0x6E0];
	v34 =	vadd.f32 v34, v35;
	v35 =	vmul.f32 v45, v23  }
0x1b8: {  	v45 =	vld [tilespmem:s31+$0x760];
	v38 =	vadd.f32 v40, v38;
	v40 =	vmul.f32 v41, v23  }
0x1b9: {  	v41 =	vld [tilespmem:s31+$0x7E0];
	v35 =	vadd.f32 v35, v36;
	v36 =	vmul.f32 v43, v23  }
0x1ba: {  	v43 =	vld [tilespmem:s31+$0x860];
	v39 =	vadd.f32 v40, v39;
	v23 =	vmul.f32 v44, v23  }
0x1bb: {  	v40 =	vld [tilespmem:s31+$0x8E0];
	v36 =	vadd.f32 v36, v37  }
0x1bc: {  	v37 =	vmul.f32 v42, v46;
	v42 =	vld [tilespmem:s31+$0x960];
	v23 =	vadd.f32 v23, v30  }
0x1bd: {  	v30 =	vmul.f32 v45, v46;
	v44 =	vld [tilespmem:s31+$0x9E0]  }
0x1be: {  	v2 =	vadd.f32 v37, v2;
	v37 =	vmul.f32 v41, v46;
	v41 =	vld [tilespmem:s31+$0xA60]  }
0x1bf: {  	v26 =	vadd.f32 v30, v26;
	v30 =	vmul.f32 v43, v46;
	v43 =	vld [tilespmem:s31+$0xAE0]  }
0x1c0: {  	v27 =	vadd.f32 v37, v27;
	v37 =	vmul.f32 v40, v46;
	v40 =	vld [tilespmem:s31+$0x56E0]  }
0x1c1: {  	v25 =	vadd.f32 v30, v25;
	v30 =	vmul.f32 v42, v46;
	v42 =	vld [tilespmem:s31+$0x5760]  }
0x1c2: {  	v24 =	vadd.f32 v37, v24;
	v37 =	vmul.f32 v44, v46;
	v44 =	vld [tilespmem:s31+$0x57E0]  }
0x1c3: {  	v28 =	vadd.f32 v30, v28;
	v30 =	vmul.f32 v41, v46;
	v41 =	vld [tilespmem:s31+$0x5860]  }
0x1c4: {  	v31 =	vadd.f32 v37, v31;
	v37 =	vmul.f32 v43, v46;
	v43 =	vld [tilespmem:s31+$0x58E0]  }
0x1c5: {  	v29 =	vadd.f32 v30, v29;
	v30 =	vmul.f32 v40, v22;
	v40 =	vld [tilespmem:s31+$0x5960]  }
0x1c6: {  	v45 =	vadd.f32 v37, v32;
	v32 =	vmul.f32 v42, v22;
	v37 =	vld [tilespmem:s31+$0x59E0]  }
0x1c7: {  	v30 =	vadd.f32 v30, v33;
	v33 =	vmul.f32 v44, v22;
	v42 =	vld [tilespmem:s31+$0x5A60]  }
0x1c8: {  	v44 =	vld [tilespmem:s31+$0x670];
	v1 =	vadd.f32 v32, v1;
	v32 =	vmul.f32 v41, v22  }
0x1c9: {  	v41 =	vld [tilespmem:s31+$0x6F0];
	v46 =	vadd.f32 v33, v34;
	v33 =	vmul.f32 v43, v22  }
0x1ca: {  	v34 =	vld [tilespmem:s31+$0x770];
	v48 =	vadd.f32 v32, v38;
	v32 =	vmul.f32 v40, v22  }
0x1cb: {  	v40 =	vld [tilespmem:s31+$0x7F0];
	v38 =	vadd.f32 v33, v35;
	v33 =	vmul.f32 v37, v22  }
0x1cc: {  	v35 =	vld [tilespmem:s31+$0x870];
	v43 =	vadd.f32 v32, v39;
	v22 =	vmul.f32 v42, v22  }
0x1cd: {  	v32 =	vld [tilespmem:s31+$0x8F0];
	v37 =	vadd.f32 v33, v36  }
0x1ce: {  	v33 =	vmul.f32 v41, v44;
	v36 =	vld [tilespmem:s31+$0x970];
	v41 =	vadd.f32 v22, v23  }
0x1cf: {  	v22 =	vmul.f32 v34, v44;
	v23 =	vld [tilespmem:s31+$0x9F0]  }
0x1d0: {  	v2 =	vadd.f32 v33, v2;
	v33 =	vmul.f32 v40, v44;
	v34 =	vld [tilespmem:s31+$0xA70]  }
0x1d1: {  	v22 =	vadd.f32 v22, v26;
	v26 =	vmul.f32 v35, v44;
	v39 =	vld [tilespmem:s31+$0xAF0]  }
0x1d2: {  	v27 =	vadd.f32 v33, v27;
	v32 =	vmul.f32 v32, v44;
	v33 =	vld [tilespmem:s31+$0x56F0];
	(xrf2) =	vadd.scan.msk.f32 $0xffff, v2  }
0x1d3: {  	v40 =	vadd.f32 v26, v25;
	v2 =	vmul.f32 v36, v44;
	v25 =	vld [tilespmem:s31+$0x5770]  }
0x1d4: {  	v35 =	vadd.f32 v32, v24;
	v23 =	vmul.f32 v23, v44;
	v24 =	vld [tilespmem:s31+$0x57F0]  }
0x1d5: {  	v32 =	vadd.f32 v2, v28;
	v2 =	vmul.f32 v34, v44;
	v34 =	vld [tilespmem:s31+$0x5870];
	(xrf2) =	vadd.scan.msk.f32 $0xffff, v22  }
0x1d6: {  	v31 =	vadd.f32 v23, v31;
	v22 =	vmul.f32 v39, v44;
	v23 =	vld [tilespmem:s31+$0x58F0]  }
0x1d7: {  	v29 =	vadd.f32 v2, v29;
	v26 =	vmul.f32 v33, v21;
	v36 =	vld [tilespmem:s31+$0x5970]  }
.Ltmp0:
0x1d8: {  	v28 =	vadd.f32 v22, v45;
	v22 =	vmul.f32 v25, v21;
	v2 =	vld [tilespmem:s31+$0x59F0];
	(xrf2) =	vadd.scan.msk.f32 $0xffff, v27;
	(pc) =	sbr.rel @p1 .LBB2_3-.Ltmp0, $4  }
0x1d9: {  	v27 =	vadd.f32 v26, v30;
	v24 =	vmul.f32 v24, v21;
	v45 =	vld [tilespmem:s31+$0x5A70];
	s31 =	sshra.s32 s0, $0x2  }
0x1da: {  	v33 =	vld [tilespmem:s31+$0x5600];
	v26 =	vadd.f32 v22, v1;
	v1 =	vmul.f32 v34, v21  }
0x1db: {  	v34 =	vld [tilespmem:s31+$0x5610];
	v25 =	vadd.f32 v24, v46;
	v39 =	vmul.f32 v23, v21;
	(xrf2) =	vadd.scan.msk.f32 $0xffff, v40  }
0x1dc: {  	s0 =	sadd.s32 $0x1400, s0;
	v47 =	vld [tilespmem:s31+$0x5A80];
	v24 =	vadd.f32 v1, v48;
	v59 =	vmul.f32 v36, v21;
	v23, _, _ =	vpop (xrf2)  }
0x1dd: {  	v1 =	vld [tilespmem:s31+$0x790];
	_ =	sdelay $0x4  }
0x1de: {  	[tilespmem:$0x1F420] =	vst v1;
	v1 =	vld [tilespmem:s31+$0x800];
	_ =	sdelay $0x4  }
0x1df: {  	[tilespmem:$0x1F430] =	vst v1;
	v1 =	vld [tilespmem:s31+$0x810];
	_ =	sdelay $0x4  }
0x1e0: {  	[tilespmem:$0x1F440] =	vst v1;
	v1 =	vld [tilespmem:s31+$0x880];
	_ =	sdelay $0x4  }
0x1e1: {  	[tilespmem:$0x1F450] =	vst v1;
	v1 =	vld [tilespmem:s31+$0x890];
	_ =	sdelay $0x4  }
0x1e2: {  	[tilespmem:$0x1F460] =	vst v1;
	v1 =	vld [tilespmem:s31+$0x900];
	_ =	sdelay $0x4  }
0x1e3: {  	[tilespmem:$0x1F470] =	vst v1;
	v1 =	vld [tilespmem:s31+$0x910];
	_ =	sdelay $0x4  }
0x1e4: {  	[tilespmem:$0x1F480] =	vst v1;
	v1 =	vld [tilespmem:s31+$0x980];
	_ =	sdelay $0x4  }
0x1e5: {  	[tilespmem:$0x1F490] =	vst v1;
	v1 =	vld [tilespmem:s31+$0x990];
	_ =	sdelay $0x4  }
0x1e6: {  	[tilespmem:$0x1F4A0] =	vst v1;
	v1 =	vld [tilespmem:s31+$0xA00];
	_ =	sdelay $0x4  }
0x1e7: {  	[tilespmem:$0x1F4B0] =	vst v1;
	v1 =	vld [tilespmem:s31+$0xA10];
	_ =	sdelay $0x4  }
0x1e8: {  	[tilespmem:$0x1F4C0] =	vst v1;
	v1 =	vld [tilespmem:s31+$0xA80];
	_ =	sdelay $0x4  }
0x1e9: {  	[tilespmem:$0x1F4D0] =	vst v1;
	v1 =	vld [tilespmem:s31+$0xA90];
	_ =	sdelay $0x4  }
0x1ea: {  	[tilespmem:$0x1F4E0] =	vst v1;
	v1 =	vld [tilespmem:s31+$0x5680];
	_ =	sdelay $0x4  }
0x1eb: {  	[tilespmem:$0x1F4F0] =	vst v1;
	v1 =	vld [tilespmem:s31+$0x5690];
	_ =	sdelay $0x4  }
0x1ec: {  	[tilespmem:$0x1F500] =	vst v1;
	v1 =	vld [tilespmem:s31+$0x5700];
	_ =	sdelay $0x4  }
0x1ed: {  	[tilespmem:$0x1F510] =	vst v1;
	v1 =	vld [tilespmem:s31+$0x5710];
	_ =	sdelay $0x4  }
0x1ee: {  	[tilespmem:$0x1F520] =	vst v1;
	v1 =	vld [tilespmem:s31+$0x5780];
	_ =	sdelay $0x4  }
0x1ef: {  	[tilespmem:$0x1F530] =	vst v1;
	v1 =	vld [tilespmem:s31+$0x5790];
	_ =	sdelay $0x4  }
0x1f0: {  	[tilespmem:$0x1F540] =	vst v1;
	v1 =	vld [tilespmem:s31+$0x5800];
	_ =	sdelay $0x4  }
0x1f1: {  	[tilespmem:$0x1F550] =	vst v1;
	v1 =	vld [tilespmem:s31+$0x5810];
	_ =	sdelay $0x4  }
0x1f2: {  	[tilespmem:$0x1F560] =	vst v1;
	v1 =	vld [tilespmem:s31+$0x5880];
	_ =	sdelay $0x4  }
0x1f3: {  	[tilespmem:$0x1F570] =	vst v1;
	v1 =	vld [tilespmem:s31+$0x5890];
	_ =	sdelay $0x4  }
0x1f4: {  	[tilespmem:$0x1F580] =	vst v1;
	v1 =	vld [tilespmem:s31+$0x5900];
	_ =	sdelay $0x4  }
0x1f5: {  	[tilespmem:$0x1F590] =	vst v1;
	v1 =	vld [tilespmem:s31+$0x5910];
	_ =	sdelay $0x4  }
0x1f6: {  	[tilespmem:$0x1F5A0] =	vst v1;
	v1 =	vld [tilespmem:s31+$0x5980];
	_ =	sdelay $0x4  }
0x1f7: {  	[tilespmem:$0x1F5B0] =	vst v1;
	v1 =	vld [tilespmem:s31+$0x5990];
	_ =	sdelay $0x4  }
0x1f8: {  	[tilespmem:$0x1F5C0] =	vst v1;
	v1 =	vld [tilespmem:s31+$0x5A00];
	_ =	sdelay $0x4  }
0x1f9: {  	[tilespmem:$0x1F5D0] =	vst v1;
	v1 =	vld [tilespmem:s31+$0x5A10];
	_ =	sdelay $0x4  }
0x1fa: {  	[tilespmem:$0x1F5E0] =	vst v1;
	v1 =	vld [tilespmem:s31+$0x6A0];
	_ =	sdelay $0x4  }
0x1fb: {  	[tilespmem:$0x1F5F0] =	vst v1;
	v1 =	vld [tilespmem:s31+$0x720];
	_ =	sdelay $0x4  }
0x1fc: {  	[tilespmem:$0x1F600] =	vst v1;
	v1 =	vld [tilespmem:s31+$0x7A0];
	_ =	sdelay $0x4  }
0x1fd: {  	[tilespmem:$0x1F610] =	vst v1;
	v1 =	vld [tilespmem:s31+$0x820];
	_ =	sdelay $0x4  }
0x1fe: {  	[tilespmem:$0x1F620] =	vst v1;
	v1 =	vld [tilespmem:s31+$0x8A0];
	_ =	sdelay $0x4  }
0x1ff: {  	[tilespmem:$0x1F630] =	vst v1;
	v1 =	vld [tilespmem:s31+$0x920];
	_ =	sdelay $0x4  }
0x200: {  	[tilespmem:$0x1F640] =	vst v1;
	v1 =	vld [tilespmem:s31+$0x9A0];
	_ =	sdelay $0x4  }
0x201: {  	[tilespmem:$0x1F650] =	vst v1;
	v1 =	vld [tilespmem:s31+$0xA20];
	_ =	sdelay $0x4  }
0x202: {  	[tilespmem:$0x1F660] =	vst v1;
	v1 =	vld [tilespmem:s31+$0xAA0];
	_ =	sdelay $0x4  }
0x203: {  	[tilespmem:$0x1F670] =	vst v1;
	v1 =	vld [tilespmem:s31+$0x56A0];
	_ =	sdelay $0x4  }
0x204: {  	[tilespmem:$0x1F680] =	vst v1;
	v1 =	vld [tilespmem:s31+$0x5720];
	_ =	sdelay $0x4  }
0x205: {  	[tilespmem:$0x1F690] =	vst v1;
	v1 =	vld [tilespmem:s31+$0x57A0];
	_ =	sdelay $0x4  }
0x206: {  	[tilespmem:$0x1F6A0] =	vst v1;
	v1 =	vld [tilespmem:s31+$0x5820];
	_ =	sdelay $0x3  }
0x207: {  	v46 =	vld [tilespmem:s31+$0x5A90]  }
0x208: {  	[tilespmem:$0x1F6B0] =	vst v1;
	v1 =	vld [tilespmem:s31+$0x58A0];
	_ =	sdelay $0x4  }
0x209: {  	v46 =	vmul.f32 v46, v34;
	[tilespmem:$0x1F6C0] =	vst v1;
	v1 =	vmul.f32 v47, v33;
	_ =	sdelay $0x1  }
0x20a: {  	v46 =	vadd.f32 v46, v1;
	v1 =	vld [tilespmem:s31+$0x5A20];
	_ =	sdelay $0x2  }
0x20b: {  	v44 =	vld [tilespmem:s31+$0x5620]  }
0x20c: {  	v48 =	vld [tilespmem:s31+$0x5AA0]  }
0x20d: {  	[tilespmem:$0x1F6F0] =	vst v1;
	v1 =	vld [tilespmem:s31+$0x6B0]  }
0x20e: {  	v42 =	vld [tilespmem:s31+$0x5630]  }
0x20f: {  	v49 =	vld [tilespmem:s31+$0x5AB0]  }
0x210: {  	v51 =	vld [tilespmem:s31+$0x5640]  }
0x211: {  	v36 =	vld [tilespmem:s31+$0x5AC0]  }
0x212: {  	[tilespmem:$0x1F700] =	vst v1;
	v1 =	vld [tilespmem:s31+$0x730]  }
0x213: {  	v48 =	vmul.f32 v48, v44;
	_ =	sdelay $0x1  }
0x214: {  	v49 =	vmul.f32 v49, v42;
	v46 =	vadd.f32 v48, v46;
	_ =	sdelay $0x1  }
0x215: {  	v46 =	vadd.f32 v49, v46;
	[tilespmem:$0x1F710] =	vst v1;
	v1 =	vmul.f32 v36, v51;
	_ =	sdelay $0x1  }
0x216: {  	v46 =	vadd.f32 v1, v46;
	v1 =	vld [tilespmem:s31+$0x8B0];
	_ =	sdelay $0x4  }
0x217: {  	[tilespmem:$0x1F740] =	vst v1;
	v1 =	vld [tilespmem:s31+$0x930];
	_ =	sdelay $0x4  }
0x218: {  	[tilespmem:$0x1F750] =	vst v1;
	v1 =	vld [tilespmem:s31+$0x9B0];
	_ =	sdelay $0x4  }
0x219: {  	[tilespmem:$0x1F760] =	vst v1;
	v1 =	vadd.f32 v39, v38;
	_ =	sdelay $0x1  }
0x21a: {  	v2 =	vmul.f32 v2, v21;
	[tilespmem:$0x1FA00] =	vst v1;
	v1 =	vadd.f32 v59, v43;
	_ =	sdelay $0x1  }
0x21b: {  	[tilespmem:$0x1FA10] =	vst v1;
	v1 =	vadd.f32 v2, v37  }
0x21c: {  	v61 =	vld [tilespmem:s31+$0x5650]  }
0x21d: {  	[tilespmem:$0x1FA30] =	vst v1;
	v1 =	vld [tilespmem:s31+$0xAB0]  }
0x21e: {  	v55 =	vld [tilespmem:s31+$0x5AD0]  }
0x21f: {  	v62 =	vld [tilespmem:s31+$0x5660]  }
0x220: {  	v53 =	vld [tilespmem:s31+$0x5AE0];
	v21 =	vmul.f32 v45, v21  }
0x221: {  	v63 =	vld [tilespmem:s31+$0x5670]  }
0x222: {  	v52 =	vld [tilespmem:s31+$0x5AF0];
	[tilespmem:$0x1F770] =	vst v1;
	v1 =	vadd.f32 v21, v41  }
0x223: {  	v55 =	vmul.f32 v55, v61  }
0x224: {  	[tilespmem:$0x1FA40] =	vst v1;
	v1 =	vld [tilespmem:s31+$0x56B0]  }
0x225: {  	v36 =	vmul.f32 v53, v62;
	v46 =	vadd.f32 v55, v46;
	_ =	sdelay $0x1  }
0x226: {  	v39 =	vmul.f32 v52, v63;
	v2 =	vadd.f32 v36, v46;
	_ =	sdelay $0x1  }
0x227: {  	[tilespmem:$0x1F780] =	vst v1;
	v1 =	vadd.f32 v39, v2;
	_ =	sdelay $0x1  }
0x228: {  	[tilespmem:$0x1F9F0] =	vst v1;
	v1 =	vld [tilespmem:s31+$0x5730];
	_ =	sdelay $0x2  }
0x229: {  	v22 =	vld [tilespmem:s31+$0x610]  }
0x22a: {  	v47 =	vld [tilespmem:s31+$0x59A0]  }
0x22b: {  	[tilespmem:$0x1F790] =	vst v1;
	v1 =	vld [tilespmem:$0x1F420];
	_ =	sdelay $0x4  }
0x22c: {  	[tilespmem:$0x1F6E0] =	vst v47;
	v47 =	vmul.f32 v1, v22;
	v1 =	vld [tilespmem:s31+$0x57B0]  }
0x22d: {  	v30 =	vld [tilespmem:s31+$0x600]  }
0x22e: {  	v57 =	vld [tilespmem:s31+$0x700]  }
0x22f: {  	v58 =	vld [tilespmem:s31+$0x710]  }
0x230: {  	v49 =	vld [tilespmem:s31+$0x830]  }
0x231: {  	[tilespmem:$0x1F7A0] =	vst v1;
	v1 =	vld [tilespmem:$0x1F430];
	_ =	sdelay $0x2  }
0x232: {  	v43 =	vmul.f32 v58, v22;
	v2 =	vmul.f32 v57, v30  }
0x233: {  	v48 =	vld [tilespmem:s31+$0x7B0]  }
0x234: {  	[tilespmem:$0x1F730] =	vst v49;
	v49 =	vadd.f32 v43, v2;
	v2 =	vmul.f32 v1, v30;
	v1 =	vld [tilespmem:$0x1F440];
	_ =	sdelay $0x4  }
0x235: {  	[tilespmem:$0x1F720] =	vst v48;
	v48 =	vmul.f32 v1, v22;
	v1 =	vld [tilespmem:s31+$0x5830];
	_ =	sdelay $0x4  }
0x236: {  	[tilespmem:$0x1F7B0] =	vst v1;
	v1 =	vld [tilespmem:$0x1F450];
	_ =	sdelay $0x4  }
0x237: {  	v52 =	vmul.f32 v1, v30;
	v1 =	vld [tilespmem:$0x1F460];
	_ =	sdelay $0x2  }
0x238: {  	v54 =	vld [tilespmem:s31+$0x680]  }
0x239: {  	v56 =	vld [tilespmem:s31+$0x690]  }
0x23a: {  	v53 =	vmul.f32 v1, v22;
	v1 =	vld [tilespmem:s31+$0x58B0]  }
0x23b: {  	v57 =	vadd.f32 v48, v2;
	v2 =	vld [tilespmem:s31+$0x5930];
	_ =	sdelay $0x1  }
0x23c: {  	v60 =	vld [tilespmem:s31+$0x780];
	_ =	sdelay $0x1  }
0x23d: {  	[tilespmem:$0x1F7C0] =	vst v1;
	v1 =	vld [tilespmem:$0x1F470]  }
0x23e: {  	v21 =	vmul.f32 v54, v30;
	v41 =	vmul.f32 v56, v22;
	[tilespmem:$0x1F7D0] =	vst v2;
	v2 =	vld [tilespmem:$0x1F490];
	_ =	sdelay $0x1  }
0x23f: {  	v37 =	vadd.f32 v41, v21;
	v21 =	vmul.f32 v60, v30;
	_ =	sdelay $0x1  }
0x240: {  	v56 =	vadd.f32 v47, v21;
	v21 =	vmul.f32 v1, v30;
	v1 =	vld [tilespmem:$0x1F480]  }
0x241: {  	v54 =	vmul.f32 v2, v30;
	v2 =	vld [tilespmem:$0x1F4A0];
	_ =	sdelay $0x3  }
0x242: {  	v1 =	vmul.f32 v1, v22  }
0x243: {  	v2 =	vmul.f32 v2, v22  }
0x244: {  	v48 =	vadd.f32 v1, v21;
	v1 =	vld [tilespmem:$0x1F4B0]  }
0x245: {  	v60 =	vadd.f32 v2, v54;
	v2 =	vld [tilespmem:$0x1F4D0];
	_ =	sdelay $0x3  }
0x246: {  	v21 =	vmul.f32 v1, v30;
	v1 =	vld [tilespmem:$0x1F4C0]  }
0x247: {  	v30 =	vmul.f32 v2, v30;
	v2 =	vld [tilespmem:$0x1F4E0];
	_ =	sdelay $0x4  }
0x248: {  	v1 =	vmul.f32 v1, v22;
	v22 =	vmul.f32 v2, v22;
	v2 =	vld [tilespmem:s31+$0x6C0];
	_ =	sdelay $0x2  }
0x249: {  	v47 =	vadd.f32 v1, v21;
	v1 =	vld [tilespmem:$0x1F4F0];
	_ =	sdelay $0x1  }
0x24a: {  	[tilespmem:$0x1F800] =	vst v2;
	v2 =	vld [tilespmem:$0x1F510];
	_ =	sdelay $0x2  }
0x24b: {  	v21 =	vmul.f32 v1, v33;
	v1 =	vld [tilespmem:$0x1F500];
	_ =	sdelay $0x1  }
0x24c: {  	v46 =	vadd.f32 v22, v30;
	v30 =	vmul.f32 v2, v33;
	v2 =	vld [tilespmem:$0x1F520];
	_ =	sdelay $0x2  }
0x24d: {  	v1 =	vmul.f32 v1, v34;
	_ =	sdelay $0x1  }
0x24e: {  	v45 =	vadd.f32 v1, v21;
	v1 =	vld [tilespmem:$0x1F530];
	v2 =	vmul.f32 v2, v34;
	_ =	sdelay $0x1  }
0x24f: {  	v39 =	vadd.f32 v2, v30;
	v2 =	vld [tilespmem:$0x1F550];
	_ =	sdelay $0x2  }
0x250: {  	v21 =	vmul.f32 v1, v33;
	v1 =	vld [tilespmem:$0x1F540];
	_ =	sdelay $0x1  }
0x251: {  	v30 =	vmul.f32 v2, v33;
	v2 =	vld [tilespmem:$0x1F560];
	_ =	sdelay $0x1  }
0x252: {  	v55 =	vld [tilespmem:s31+$0x59B0]  }
0x253: {  	v1 =	vmul.f32 v1, v34;
	_ =	sdelay $0x1  }
0x254: {  	v58 =	vadd.f32 v53, v52;
	v53 =	vadd.f32 v1, v21;
	v1 =	vld [tilespmem:$0x1F570];
	v2 =	vmul.f32 v2, v34;
	_ =	sdelay $0x1  }
0x255: {  	[tilespmem:$0x1F7E0] =	vst v55;
	v55 =	vadd.f32 v2, v30;
	v2 =	vld [tilespmem:$0x1F590];
	_ =	sdelay $0x2  }
0x256: {  	v21 =	vmul.f32 v1, v33;
	v1 =	vld [tilespmem:$0x1F580];
	_ =	sdelay $0x1  }
0x257: {  	v30 =	vmul.f32 v2, v33;
	v2 =	vld [tilespmem:$0x1F5A0];
	_ =	sdelay $0x2  }
0x258: {  	v1 =	vmul.f32 v1, v34;
	_ =	sdelay $0x1  }
0x259: {  	v52 =	vadd.f32 v1, v21;
	v1 =	vld [tilespmem:$0x1F5B0];
	v2 =	vmul.f32 v2, v34;
	_ =	sdelay $0x1  }
0x25a: {  	v43 =	vadd.f32 v2, v30;
	v2 =	vld [tilespmem:$0x1F5D0];
	_ =	sdelay $0x2  }
0x25b: {  	v21 =	vmul.f32 v1, v33;
	v1 =	vld [tilespmem:$0x1F5C0];
	_ =	sdelay $0x1  }
0x25c: {  	v30 =	vmul.f32 v2, v33;
	v2 =	vld [tilespmem:$0x1F5E0]  }
0x25d: {  	v22 =	vld [tilespmem:s31+$0x740];
	_ =	sdelay $0x1  }
0x25e: {  	v1 =	vmul.f32 v1, v34  }
0x25f: {  	v50 =	vld [tilespmem:s31+$0x620]  }
0x260: {  	v41 =	vmul.f32 v2, v34;
	v34 =	vadd.f32 v1, v21;
	v1 =	vld [tilespmem:$0x1F5F0]  }
0x261: {  	[tilespmem:$0x1F810] =	vst v22;
	v22 =	vld [tilespmem:s31+$0x7C0];
	_ =	sdelay $0x3  }
0x262: {  	v21 =	vmul.f32 v1, v50;
	v1 =	vld [tilespmem:$0x1F600]  }
0x263: {  	[tilespmem:$0x1F820] =	vst v22;
	v22 =	vld [tilespmem:s31+$0x840];
	_ =	sdelay $0x3  }
0x264: {  	v1 =	vmul.f32 v1, v50  }
0x265: {  	[tilespmem:$0x1F830] =	vst v22;
	v22 =	vld [tilespmem:s31+$0x8C0]  }
0x266: {  	v30 =	vadd.f32 v41, v30;
	v41 =	vadd.f32 v1, v49;
	v1 =	vld [tilespmem:$0x1F630];
	_ =	sdelay $0x3  }
0x267: {  	[tilespmem:$0x1F840] =	vst v22;
	v22 =	vld [tilespmem:s31+$0x940]  }
0x268: {  	v49 =	vmul.f32 v1, v50;
	v1 =	vld [tilespmem:s31+$0x5740];
	_ =	sdelay $0x2  }
0x269: {  	[tilespmem:$0x1FA80] =	vst v63;
	v63 =	vld [tilespmem:s31+$0x5A30]  }
0x26a: {  	[tilespmem:$0x1F850] =	vst v22;
	v22 =	vld [tilespmem:s31+$0x9C0]  }
0x26b: {  	[tilespmem:$0x1F8A0] =	vst v1;
	v1 =	vld [tilespmem:$0x1F640];
	_ =	sdelay $0x3  }
0x26c: {  	[tilespmem:$0x1F860] =	vst v22;
	v22 =	vld [tilespmem:s31+$0x56C0]  }
0x26d: {  	[tilespmem:$0x1F7F0] =	vst v63;
	v63 =	vmul.f32 v1, v50;
	v1 =	vld [tilespmem:$0x1F650];
	_ =	sdelay $0x3  }
0x26e: {  	v2 =	vld [tilespmem:s31+$0xA40]  }
0x26f: {  	[tilespmem:$0x1F890] =	vst v22;
	v22 =	vadd.f32 v21, v37;
	v37 =	vmul.f32 v1, v50;
	v1 =	vld [tilespmem:$0x1F660];
	_ =	sdelay $0x3  }
0x270: {  	[tilespmem:$0x1F870] =	vst v2;
	v2 =	vld [tilespmem:s31+$0xAC0]  }
0x271: {  	v1 =	vmul.f32 v1, v50  }
0x272: {  	v49 =	vadd.f32 v49, v58  }
0x273: {  	v58 =	vadd.f32 v37, v60;
	v37 =	vadd.f32 v1, v47;
	v1 =	vld [tilespmem:$0x1F690];
	_ =	sdelay $0x1  }
0x274: {  	[tilespmem:$0x1F880] =	vst v2;
	v2 =	vld [tilespmem:$0x1F610];
	_ =	sdelay $0x2  }
0x275: {  	v47 =	vmul.f32 v1, v44;
	v1 =	vld [tilespmem:$0x1F6A0];
	_ =	sdelay $0x1  }
0x276: {  	v54 =	vmul.f32 v2, v50;
	v2 =	vld [tilespmem:$0x1F620];
	_ =	sdelay $0x2  }
0x277: {  	v48 =	vadd.f32 v63, v48;
	v63 =	vmul.f32 v1, v44;
	v1 =	vld [tilespmem:$0x1F6B0];
	_ =	sdelay $0x1  }
0x278: {  	v2 =	vmul.f32 v2, v50;
	_ =	sdelay $0x1  }
0x279: {  	v38 =	vadd.f32 v2, v57;
	v2 =	vld [tilespmem:s31+$0x5840]  }
0x27a: {  	v39 =	vadd.f32 v47, v39;
	v47 =	vmul.f32 v1, v44;
	v1 =	vld [tilespmem:$0x1F6C0];
	_ =	sdelay $0x2  }
0x27b: {  	v40 =	vld [tilespmem:s31+$0x5920]  }
0x27c: {  	[tilespmem:$0x1F8B0] =	vst v2;
	v2 =	vld [tilespmem:$0x1F670]  }
0x27d: {  	v21 =	vmul.f32 v1, v44;
	v1 =	vld [tilespmem:s31+$0x5A40];
	_ =	sdelay $0x3  }
0x27e: {  	[tilespmem:$0x1F6D0] =	vst v40;
	v50 =	vmul.f32 v2, v50;
	v2 =	vld [tilespmem:$0x1F680]  }
0x27f: {  	[tilespmem:$0x1F8D0] =	vst v1;
	v1 =	vld [tilespmem:$0x1F6D0];
	_ =	sdelay $0x3  }
0x280: {  	v33 =	vadd.f32 v54, v56;
	v56 =	vmul.f32 v2, v44;
	v2 =	vld [tilespmem:s31+$0x58C0]  }
0x281: {  	v46 =	vadd.f32 v50, v46;
	v50 =	vadd.f32 v63, v53;
	v63 =	vmul.f32 v1, v44;
	v1 =	vld [tilespmem:$0x1F6E0];
	_ =	sdelay $0x4  }
0x282: {  	[tilespmem:$0x1F8C0] =	vst v2;
	v2 =	vmul.f32 v1, v44  }
0x283: {  	v40 =	vld [tilespmem:s31+$0x630]  }
0x284: {  	v54 =	vadd.f32 v21, v52;
	v52 =	vadd.f32 v2, v34;
	v2 =	vld [tilespmem:$0x1F700];
	_ =	sdelay $0x3  }
0x285: {  	v21 =	vld [tilespmem:$0x1F6F0]  }
0x286: {  	v34 =	vmul.f32 v2, v40;
	v2 =	vld [tilespmem:s31+$0x750];
	_ =	sdelay $0x3  }
0x287: {  	v44 =	vmul.f32 v21, v44;
	v21 =	vld [tilespmem:s31+$0x6D0]  }
0x288: {  	[tilespmem:$0x1F8F0] =	vst v2;
	v2 =	vld [tilespmem:$0x1F710];
	_ =	sdelay $0x4  }
0x289: {  	[tilespmem:$0x1F8E0] =	vst v21;
	v21 =	vadd.f32 v44, v30;
	v44 =	vmul.f32 v2, v40;
	v2 =	vld [tilespmem:$0x1F720];
	_ =	sdelay $0x4  }
0x28a: {  	v43 =	vadd.f32 v63, v43;
	v63 =	vmul.f32 v2, v40;
	v2 =	vld [tilespmem:s31+$0x7D0];
	_ =	sdelay $0x4  }
0x28b: {  	[tilespmem:$0x1F900] =	vst v2;
	v2 =	vld [tilespmem:$0x1F730];
	_ =	sdelay $0x4  }
0x28c: {  	v53 =	vmul.f32 v2, v40;
	v2 =	vld [tilespmem:$0x1F740];
	_ =	sdelay $0x4  }
0x28d: {  	v2 =	vmul.f32 v2, v40;
	_ =	sdelay $0x1  }
0x28e: {  	v49 =	vadd.f32 v2, v49;
	v2 =	vld [tilespmem:$0x1F760]  }
0x28f: {  	v30 =	vld [tilespmem:s31+$0x850];
	_ =	sdelay $0x3  }
0x290: {  	v33 =	vadd.f32 v63, v33;
	v63 =	vmul.f32 v2, v40;
	v2 =	vld [tilespmem:s31+$0x950]  }
0x291: {  	[tilespmem:$0x1F910] =	vst v30;
	v30 =	vld [tilespmem:$0x1F750];
	_ =	sdelay $0x2  }
0x292: {  	v59 =	vld [tilespmem:s31+$0xA30]  }
0x293: {  	[tilespmem:$0x1F930] =	vst v2;
	v2 =	vld [tilespmem:$0x1F770]  }
0x294: {  	v47 =	vadd.f32 v47, v55;
	v55 =	vmul.f32 v30, v40;
	v30 =	vld [tilespmem:s31+$0x8D0];
	_ =	sdelay $0x2  }
0x295: {  	v22 =	vadd.f32 v34, v22  }
0x296: {  	v34 =	vadd.f32 v53, v38;
	v53 =	vmul.f32 v59, v40;
	v40 =	vmul.f32 v2, v40;
	v2 =	vld [tilespmem:s31+$0x9D0]  }
0x297: {  	[tilespmem:$0x1F920] =	vst v30;
	v30 =	vld [tilespmem:s31+$0xA50];
	_ =	sdelay $0x3  }
0x298: {  	[tilespmem:$0x1F940] =	vst v2;
	v2 =	vld [tilespmem:$0x1F780]  }
0x299: {  	[tilespmem:$0x1F950] =	vst v30;
	v30 =	vld [tilespmem:$0x1F7A0];
	_ =	sdelay $0x3  }
0x29a: {  	v41 =	vadd.f32 v44, v41;
	v44 =	vadd.f32 v55, v48;
	v55 =	vmul.f32 v2, v42;
	v2 =	vld [tilespmem:$0x1F790]  }
0x29b: {  	v59 =	vmul.f32 v30, v42;
	v30 =	vld [tilespmem:s31+$0xAD0]  }
0x29c: {  	v36 =	vld [tilespmem:s31+$0x640]  }
0x29d: {  	v57 =	vld [tilespmem:s31+$0x57C0]  }
0x29e: {  	v60 =	vld [tilespmem:s31+$0x5940]  }
0x29f: {  	v45 =	vadd.f32 v56, v45;
	v56 =	vld [tilespmem:s31+$0x59C0];
	v2 =	vmul.f32 v2, v42  }
0x2a0: {  	v1 =	vld [tilespmem:s31+$0x650];
	[tilespmem:$0x1F960] =	vst v30  }
0x2a1: {  	v48 =	vadd.f32 v2, v39;
	v2 =	vld [tilespmem:$0x1F7B0];
	_ =	sdelay $0x4  }
0x2a2: {  	v38 =	vadd.f32 v63, v58;
	v63 =	vmul.f32 v2, v42;
	v2 =	vld [tilespmem:s31+$0x56D0];
	_ =	sdelay $0x4  }
0x2a3: {  	[tilespmem:$0x1F970] =	vst v2;
	v2 =	vld [tilespmem:$0x1F7C0];
	_ =	sdelay $0x4  }
0x2a4: {  	v37 =	vadd.f32 v53, v37;
	v53 =	vmul.f32 v2, v42;
	v2 =	vld [tilespmem:$0x1F7D0];
	_ =	sdelay $0x4  }
0x2a5: {  	v2 =	vmul.f32 v2, v42  }
0x2a6: {  	v40 =	vadd.f32 v40, v46  }
0x2a7: {  	v46 =	vadd.f32 v59, v50;
	v50 =	vadd.f32 v2, v43;
	v2 =	vld [tilespmem:$0x1F800];
	_ =	sdelay $0x4  }
0x2a8: {  	v58 =	vmul.f32 v2, v36;
	v2 =	vld [tilespmem:s31+$0x5850];
	_ =	sdelay $0x4  }
0x2a9: {  	[tilespmem:$0x1F9A0] =	vst v2;
	v2 =	vld [tilespmem:$0x1F810];
	_ =	sdelay $0x4  }
0x2aa: {  	v59 =	vmul.f32 v2, v36;
	v2 =	vld [tilespmem:s31+$0x58D0]  }
0x2ab: {  	v30 =	vld [tilespmem:s31+$0x5750];
	_ =	sdelay $0x3  }
0x2ac: {  	[tilespmem:$0x1F9B0] =	vst v2;
	v2 =	vld [tilespmem:$0x1F820]  }
0x2ad: {  	[tilespmem:$0x1F980] =	vst v30;
	v30 =	vld [tilespmem:$0x1F7E0];
	_ =	sdelay $0x3  }
0x2ae: {  	v39 =	vadd.f32 v63, v47;
	v63 =	vmul.f32 v2, v36;
	v2 =	vld [tilespmem:$0x1F830]  }
0x2af: {  	v45 =	vadd.f32 v55, v45;
	v55 =	vmul.f32 v30, v42;
	v30 =	vld [tilespmem:$0x1F7F0];
	_ =	sdelay $0x3  }
0x2b0: {  	v2 =	vmul.f32 v2, v36  }
0x2b1: {  	v42 =	vmul.f32 v30, v42;
	v30 =	vld [tilespmem:s31+$0x57D0]  }
0x2b2: {  	v43 =	vadd.f32 v2, v34;
	v2 =	vld [tilespmem:$0x1F860];
	_ =	sdelay $0x3  }
0x2b3: {  	[tilespmem:$0x1F990] =	vst v30;
	v30 =	vadd.f32 v53, v54;
	v54 =	vadd.f32 v42, v21;
	v21 =	vld [tilespmem:s31+$0x5950]  }
0x2b4: {  	v33 =	vadd.f32 v63, v33;
	v63 =	vmul.f32 v2, v36;
	v2 =	vld [tilespmem:s31+$0x5A50];
	_ =	sdelay $0x3  }
0x2b5: {  	[tilespmem:$0x1F9C0] =	vst v21;
	v21 =	vld [tilespmem:$0x1F840]  }
0x2b6: {  	[tilespmem:$0x1F9E0] =	vst v2;
	v2 =	vld [tilespmem:$0x1F870];
	_ =	sdelay $0x3  }
0x2b7: {  	v22 =	vadd.f32 v58, v22;
	v58 =	vmul.f32 v21, v36;
	v21 =	vld [tilespmem:$0x1F850]  }
0x2b8: {  	v47 =	vadd.f32 v55, v52;
	v55 =	vmul.f32 v2, v36;
	v2 =	vld [tilespmem:$0x1F880];
	_ =	sdelay $0x4  }
0x2b9: {  	v21 =	vmul.f32 v21, v36;
	v36 =	vmul.f32 v2, v36;
	v2 =	vld [tilespmem:$0x1F890];
	_ =	sdelay $0x4  }
0x2ba: {  	v34 =	vadd.f32 v63, v38;
	v63 =	vmul.f32 v2, v51;
	v2 =	vld [tilespmem:$0x1F8A0];
	_ =	sdelay $0x4  }
0x2bb: {  	v52 =	vadd.f32 v21, v44;
	v44 =	vmul.f32 v2, v51;
	v2 =	vmul.f32 v57, v51  }
0x2bc: {  	v21 =	vld [tilespmem:$0x1F8B0]  }
0x2bd: {  	v38 =	vadd.f32 v63, v45;
	v45 =	vadd.f32 v2, v46;
	v2 =	vld [tilespmem:$0x1F8C0];
	_ =	sdelay $0x3  }
0x2be: {  	v63 =	vmul.f32 v21, v51  }
0x2bf: {  	v21 =	vld [tilespmem:$0x1F8D0];
	v53 =	vmul.f32 v2, v51;
	v2 =	vmul.f32 v56, v51;
	_ =	sdelay $0x1  }
0x2c0: {  	v44 =	vadd.f32 v44, v48;
	v48 =	vadd.f32 v2, v47;
	v2 =	vld [tilespmem:$0x1F8F0];
	_ =	sdelay $0x2  }
0x2c1: {  	v46 =	vmul.f32 v21, v51;
	v21 =	vld [tilespmem:$0x1F8E0];
	_ =	sdelay $0x1  }
0x2c2: {  	v47 =	vmul.f32 v2, v1;
	v2 =	vld [tilespmem:$0x1F900];
	_ =	sdelay $0x2  }
0x2c3: {  	v39 =	vadd.f32 v63, v39;
	v63 =	vmul.f32 v21, v1  }
0x2c4: {  	v21 =	vld [tilespmem:$0x1F930]  }
0x2c5: {  	v22 =	vadd.f32 v63, v22;
	v63 =	vmul.f32 v2, v1;
	v2 =	vld [tilespmem:$0x1F910];
	_ =	sdelay $0x2  }
0x2c6: {  	v41 =	vadd.f32 v59, v41;
	v33 =	vadd.f32 v63, v33;
	v63 =	vld [tilespmem:s31+$0x56E0]  }
0x2c7: {  	v36 =	vadd.f32 v36, v40;
	v40 =	vmul.f32 v60, v51  }
0x2c8: {  	v51 =	vmul.f32 v21, v1;
	v21 =	vld [tilespmem:$0x1F940];
	v41 =	vadd.f32 v47, v41;
	v47 =	vmul.f32 v2, v1  }
0x2c9: {  	v2 =	vld [tilespmem:$0x1F920]  }
0x2ca: {  	v43 =	vadd.f32 v47, v43;
	v47 =	vld [tilespmem:$0x1F950]  }
0x2cb: {  	[tilespmem:$0x1FA20] =	vst v63;
	v63 =	vld [tilespmem:s31+$0x57E0]  }
0x2cc: {  	v51 =	vadd.f32 v51, v52;
	v52 =	vld [tilespmem:$0x1F960];
	_ =	sdelay $0x1  }
0x2cd: {  	v42 =	vadd.f32 v58, v49;
	v2 =	vmul.f32 v2, v1;
	_ =	sdelay $0x1  }
0x2ce: {  	v37 =	vadd.f32 v55, v37;
	v2 =	vadd.f32 v2, v42;
	v42 =	vmul.f32 v47, v1;
	[tilespmem:$0x1FA50] =	vst v63;
	v63 =	vld [tilespmem:s31+$0x5860]  }
0x2cf: {  	v21 =	vmul.f32 v21, v1;
	v1 =	vmul.f32 v52, v1;
	v52 =	vld [tilespmem:$0x1F980]  }
0x2d0: {  	v37 =	vadd.f32 v42, v37;
	v42 =	vld [tilespmem:$0x1F970];
	_ =	sdelay $0x2  }
0x2d1: {  	[tilespmem:$0x1FA60] =	vst v63;
	v63 =	vld [tilespmem:$0x1F990];
	_ =	sdelay $0x1  }
0x2d2: {  	v52 =	vmul.f32 v52, v61;
	v42 =	vmul.f32 v42, v61  }
0x2d3: {  	(xrf2) =	vadd.scan.msk.f32 $0xffff, v35;
	v59 =	vld [tilespmem:s31+$0x59D0]  }
0x2d4: {  	(xrf2) =	vadd.scan.msk.f32 $0xffff, v32;
	v32 =	vadd.f32 v42, v38;
	v38 =	vadd.f32 v52, v44;
	v52 =	vld [tilespmem:$0x1F9B0]  }
0x2d5: {  	v35 =	vmul.f32 v63, v61;
	v63 =	vld [tilespmem:s31+$0x58E0]  }
0x2d6: {  	v49 =	vld [tilespmem:s31+$0x660]  }
0x2d7: {  	v58 =	vld [tilespmem:s31+$0x860]  }
0x2d8: {  	[tilespmem:$0x1F9D0] =	vst v59;
	v59 =	vld [tilespmem:s31+$0x6E0]  }
0x2d9: {  	v55 =	vld [tilespmem:s31+$0x760]  }
0x2da: {  	v60 =	vld [tilespmem:s31+$0x8E0];
	v30 =	vadd.f32 v53, v30;
	[tilespmem:$0x1FA70] =	vst v63;
	v63 =	vmul.f32 v52, v61  }
0x2db: {  	(xrf2) =	vadd.scan.msk.f32 $0xffff, v31;
	v40 =	vadd.f32 v40, v50;
	v50 =	vld [tilespmem:s31+$0xAE0]  }
0x2dc: {  	(xrf2) =	vadd.scan.msk.f32 $0xffff, v29;
	v29 =	vadd.f32 v63, v30;
	v30 =	vld [tilespmem:$0x1F9D0]  }
0x2dd: {  	v63 =	vld [tilespmem:$0x1F9E0]  }
0x2de: {  	v57 =	vld [tilespmem:s31+$0x7E0]  }
0x2df: {  	v46 =	vadd.f32 v46, v54;
	v54 =	vld [tilespmem:s31+$0xA60]  }
0x2e0: {  	v1 =	vadd.f32 v1, v36;
	v36 =	vld [tilespmem:$0x1F9A0]  }
0x2e1: {  	v31 =	vadd.f32 v35, v45;
	v45 =	vld [tilespmem:$0x1F9C0]  }
0x2e2: {  	v56 =	vld [tilespmem:s31+$0x9E0];
	v21 =	vadd.f32 v21, v34;
	v30 =	vmul.f32 v30, v61;
	v34 =	vmul.f32 v63, v61  }
0x2e3: {  	(xrf2) =	vadd.scan.msk.f32 $0xffff, v28;
	v53 =	vld [tilespmem:s31+$0x960]  }
0x2e4: {  	(xrf2) =	vadd.scan.msk.f32 $0xffff, v27;
	v27 =	vadd.f32 v30, v48;
	v30 =	vadd.f32 v34, v46;
	v34 =	vld [tilespmem:$0x1F9F0]  }
0x2e5: {  	v47 =	vld [tilespmem:s31+$0x5760]  }
0x2e6: {  	v36 =	vmul.f32 v36, v61;
	v44 =	vld [tilespmem:s31+$0x5960];
	v52 =	vmul.f32 v45, v61  }
0x2e7: {  	v28 =	vmul.f32 v59, v49;
	v42 =	vld [tilespmem:s31+$0x8F0];
	v61 =	vmul.f32 v55, v49  }
0x2e8: {  	v35 =	vadd.f32 v36, v39;
	v36 =	vadd.f32 v52, v40;
	v52 =	vld [tilespmem:s31+$0x670];
	v63 =	vmul.f32 v57, v49  }
0x2e9: {  	v22 =	vadd.f32 v28, v22;
	v55 =	vmul.f32 v58, v49;
	v46 =	vld [tilespmem:s31+$0x6F0];
	v28 =	vadd.f32 v61, v41;
	(xrf2) =	vadd.scan.msk.f32 $0xffff, v34  }
0x2ea: {  	v58, _, _ =	vpop (xrf2);
	v41 =	vld [tilespmem:s31+$0x770];
	(xrf2) =	vadd.scan.msk.f32 $0xffff, v26;
	v26 =	vadd.f32 v63, v33;
	v33 =	vmul.f32 v60, v49;
	v60 =	vmul.f32 v53, v49  }
0x2eb: {  	v57 =	vmul.f32 v50, v49;
	v59, _, _ =	vpop (xrf2);
	v34 =	vld [tilespmem:$0x1FA00]  }
0x2ec: {  	v63 =	vmul.f32 v54, v49;
	v54, _, _ =	vpop (xrf2);
	(xrf2) =	vadd.scan.msk.f32 $0xffff, v25;
	v25 =	vadd.f32 v55, v43;
	v55 =	vld [tilespmem:$0x1FA20]  }
0x2ed: {  	v48 =	vld [tilespmem:s31+$0x7F0];
	v50, _, _ =	vpop (xrf2)  }
0x2ee: {  	v61 =	vmul.f32 v56, v49;
	v53 =	vld [tilespmem:s31+$0x870];
	(xrf2) =	vadd.scan.msk.f32 $0xffff, v24;
	v24 =	vadd.f32 v60, v51;
	v60, _, _ =	vpop (xrf2)  }
0x2ef: {  	v1 =	vadd.f32 v57, v1;
	v56 =	vmul.f32 v41, v52;
	v51 =	vld [tilespmem:$0x1FA10];
	v57, _, _ =	vpop (xrf2)  }
0x2f0: {  	v21 =	vadd.f32 v61, v21;
	v61 =	vld [tilespmem:$0x1FA30];
	v40 =	vmul.f32 v46, v52;
	(xrf2) =	vadd.scan.msk.f32 $0xffff, v34;
	v34, _, _ =	vpop (xrf2)  }
0x2f1: {  	v2 =	vadd.f32 v33, v2;
	v33 =	vadd.f32 v56, v28;
	v46 =	vmul.f32 v55, v62;
	v55 =	vld [tilespmem:$0x1FA40];
	v28, _, _ =	vpop (xrf2)  }
0x2f2: {  	[tilespmem:$0x1FAB0] =	vst v28;
	v28 =	vld [tilespmem:$0x1FA50]  }
0x2f3: {  	v39 =	vld [tilespmem:s31+$0x59E0];
	v37 =	vadd.f32 v63, v37;
	v63 =	vmul.f32 v48, v52  }
0x2f4: {  	v43 =	vld [tilespmem:s31+$0x970];
	v56 =	vmul.f32 v53, v52;
	(xrf2) =	vadd.scan.msk.f32 $0xffff, v51  }
0x2f5: {  	v41 =	vld [tilespmem:s31+$0x9F0];
	v22 =	vadd.f32 v40, v22;
	v26 =	vadd.f32 v63, v26;
	(xrf2) =	vadd.scan.msk.f32 $0xffff, v61  }
0x2f6: {  	v48 =	vld [tilespmem:s31+$0xA70];
	v25 =	vadd.f32 v56, v25;
	(xrf2) =	vadd.scan.msk.f32 $0xffff, v55  }
0x2f7: {  	v47 =	vmul.f32 v47, v62;
	[tilespmem:$0x1FA90] =	vst v57;
	v57 =	vld [tilespmem:s31+$0xAF0];
	(xrf2) =	vadd.scan.msk.f32 $0xffff, v22;
	v61 =	vmul.f32 v28, v62;
	v28, _, _ =	vpop (xrf2)  }
0x2f8: {  	v63 =	vmul.f32 v42, v52;
	v42 =	vld [tilespmem:s31+$0x56F0];
	(xrf2) =	vadd.scan.msk.f32 $0xffff, v33;
	v51, _, _ =	vpop (xrf2)  }
0x2f9: {  	v53 =	vld [tilespmem:$0x1FA60];
	v22 =	vadd.f32 v47, v38;
	v47 =	vmul.f32 v43, v52;
	(xrf2) =	vadd.scan.msk.f32 $0xffff, v26;
	v26, _, _ =	vpop (xrf2)  }
0x2fa: {  	v2 =	vadd.f32 v63, v2;
	v63 =	vld [tilespmem:$0x1FA80];
	v55 =	vmul.f32 v41, v52;
	(xrf2) =	vadd.scan.msk.f32 $0xffff, v25;
	v25, _, _ =	vpop (xrf2)  }
0x2fb: {  	v24 =	vadd.f32 v47, v24;
	[tilespmem:$0x1FAE0] =	vst v25;
	v25 =	vld [tilespmem:$0x1FA70]  }
0x2fc: {  	[tilespmem:$0x1FAA0] =	vst v34;
	v57 =	vmul.f32 v57, v52;
	v43 =	vld [tilespmem:s31+$0x5770];
	v21 =	vadd.f32 v55, v21  }
0x2fd: {  	v56 =	vld [tilespmem:s31+$0x57F0];
	[tilespmem:$0x1FAD0] =	vst v26;
	v26 =	vadd.f32 v61, v31;
	v31 =	vmul.f32 v48, v52  }
0x2fe: {  	v34 =	vld [tilespmem:s31+$0x5870];
	v32 =	vadd.f32 v46, v32;
	v1 =	vadd.f32 v57, v1;
	[tilespmem:$0x1FAC0] =	vst v51;
	(xrf2) =	vadd.scan.msk.f32 $0xffff, v2;
	v2, _, _ =	vpop (xrf2)  }
0x2ff: {  	v42 =	vmul.f32 v42, v63;
	v47 =	vld [tilespmem:s31+$0x5970];
	(xrf2) =	vadd.scan.msk.f32 $0xffff, v24;
	[tilespmem:$0x1FAF0] =	vst v2;
	v31 =	vadd.f32 v31, v37;
	v24, _, _ =	vpop (xrf2)  }
0x300: {  	v33 =	vmul.f32 v53, v62;
	v61 =	vld [tilespmem:s31+$0x58F0];
	(xrf2) =	vadd.scan.msk.f32 $0xffff, v21;
	[tilespmem:$0x1FB10] =	vst v24;
	v21, _, _ =	vpop (xrf2);
	v25 =	vmul.f32 v25, v62  }
0x301: {  	v45 =	vld [tilespmem:s31+$0x5A60];
	v48 =	vmul.f32 v43, v63;
	v24 =	vmul.f32 v44, v62;
	[tilespmem:$0x1FB20] =	vst v21;
	(xrf2) =	vadd.scan.msk.f32 $0xffff, v31;
	v55, _, _ =	vpop (xrf2)  }
0x302: {  	v49 =	vld [tilespmem:s31+$0x59F0];
	(xrf2) =	vadd.scan.msk.f32 $0xffff, v1;
	v1, _, _ =	vpop (xrf2);
	v21 =	vadd.f32 v25, v29;
	v25 =	vadd.f32 v42, v32;
	v29 =	vmul.f32 v56, v63  }
0x303: {  	v51 =	vld [tilespmem:s31+$0x5A70];
	v2 =	vadd.f32 v33, v35;
	v22 =	vadd.f32 v48, v22;
	v31 =	vmul.f32 v39, v62;
	[tilespmem:$0x1FB30] =	vst v1  }
0x304: {  	v1 =	vadd.f32 v24, v36;
	v56 =	vmul.f32 v34, v63;
	v24 =	vadd.f32 v29, v26;
	(xrf2) =	vadd.scan.msk.f32 $0xffff, v25  }
0x305: {  	v57, _, _ =	vpop (xrf2);
	v26 =	vmul.f32 v61, v63;
	v29 =	vmul.f32 v47, v63;
	(xrf2) =	vadd.scan.msk.f32 $0xffff, v22;
	v22 =	vadd.f32 v31, v27  }
0x306: {  	v25 =	vmul.f32 v45, v62;
	v2 =	vadd.f32 v56, v2  }
0x307: {  	v27, _, _ =	vpop (xrf2);
	v21 =	vadd.f32 v26, v21;
	v26 =	vmul.f32 v49, v63;
	(xrf2) =	vadd.scan.msk.f32 $0xffff, v24;
	v1 =	vadd.f32 v29, v1  }
0x308: {  	[tilespmem:$0x1FB40] =	vst v57;
	v24 =	vadd.f32 v25, v30;
	v25 =	vmul.f32 v51, v63;
	v62, _, _ =	vpop (xrf2);
	(xrf2) =	vadd.scan.msk.f32 $0xffff, v2  }
0x309: {  	[tilespmem:$0x1FB50] =	vst v27;
	v2 =	vadd.f32 v26, v22;
	v22, _, _ =	vpop (xrf2);
	(xrf2) =	vadd.scan.msk.f32 $0xffff, v21  }
0x30a: {  	v21 =	vadd.f32 v25, v24;
	[tilespmem:$0x1FB70] =	vst v22;
	v22, _, _ =	vpop (xrf2);
	(xrf2) =	vadd.scan.msk.f32 $0xffff, v1  }
0x30b: {  	[tilespmem:$0x1FBA0] =	vst v22;
	v1, _, _ =	vpop (xrf2);
	(xrf2) =	vadd.scan.msk.f32 $0xffff, v2  }
0x30c: {  	[tilespmem:$0x1FBD0] =	vst v1;
	v1, _, _ =	vpop (xrf2);
	(xrf2) =	vadd.scan.msk.f32 $0xffff, v21  }
0x30d: {  	[tilespmem:$0x1FBE0] =	vst v1;
	v1, _, _ =	vpop (xrf2)  }
0x30e: {  	[tilespmem:$0x1FBF0] =	vst v1;
	v1, _, _ =	vpop (xrf2)  }
0x30f: {  	[tilespmem:$0x1FC20] =	vst v1;
	v1, _, _ =	vpop (xrf2)  }
0x310: {  	[tilespmem:$0x1FC50] =	vst v1;
	v1, _, _ =	vpop (xrf2)  }
0x311: {  	[tilespmem:$0x1FC60] =	vst v1;
	v1, _, _ =	vpop (xrf2)  }
0x312: {  	[tilespmem:$0x1FC70] =	vst v1;
	v1, _, _ =	vpop (xrf2)  }
0x313: {  	[tilespmem:$0x1FCA0] =	vst v1;
	v1, _, _ =	vpop (xrf2)  }
0x314: {  	[tilespmem:$0x1FCD0] =	vst v1;
	v1, _, _ =	vpop (xrf2)  }
0x315: {  	[tilespmem:$0x1FCE0] =	vst v1;
	v1, _, _ =	vpop (xrf2)  }
0x316: {  	[tilespmem:$0x1FCF0] =	vst v1;
	v1, _, _ =	vpop (xrf2)  }
0x317: {  	[tilespmem:$0x1FD20] =	vst v1  }
0x318: {  	_ =	swait.ge [sflag:s25], $0x50  }
0x319: {  	[sflag:s25] =	ssyncset.done $0x0  }
0x31a: {  	[sflag:s25] =	ssyncadd.s32 $0xFFFFFFB0  }
0x31b: {  	_ =	swait.ge [sflag:s25], $0x50  }
0x31c: {  	[sflag:s25] =	ssyncset.done $0x0  }
0x31d: {  	[sflag:s25] =	ssyncadd.s32 $0xFFFFFFB0  }
0x31e: {  	_ =	swait.ge [sflag:s25], $0x50  }
0x31f: {  	[sflag:s25] =	ssyncset.done $0x0  }
0x320: {  	[sflag:s25] =	ssyncadd.s32 $0xFFFFFFB0  }
0x321: {  	_ =	swait.ge [sflag:s25], $0x50  }
0x322: {  	[sflag:s25] =	ssyncset.done $0x0  }
0x323: {  	s0 =	simm.s32 $0x600;
	[sflag:s25] =	ssyncadd.s32 $0xFFFFFFB0  }
0x324: {  	[tilespmem:s0], [sflag:$0x5] =	stream.indirect.gather [hbm4b:s2+s19], $0x80, s20, s19, $0xb8;
	[tilespmem:$0x15EF0] =	vst v63  }
0x325: {  	s31 =	simm.s32 $0x2E00  }
0x326: {  	[tilespmem:s31], [sflag:$0x5] =	stream.indirect.gather [hbm4b:s2+s19], $0x80, s21, s19, $0xb8;
	[tilespmem:$0x15EF0] =	vst v63  }
0x327: {  	s31 =	simm.s32 $0x5600  }
0x328: {  	[tilespmem:s31], [sflag:$0x5] =	stream.indirect.gather [hbm4b:s2+s19], $0x80, s22, s19, $0xb8;
	[tilespmem:$0x15EF0] =	vst v63  }
0x329: {  	_ = 	snop  }
0x32a: {  	[tilespmem:s1], [sflag:$0x5] =	stream.indirect.gather [hbm4b:s2+s19], $0x80, s24, s19, $0xb8;
	[tilespmem:$0x15EF0] =	vst v63  }
0x32b: {  	_ =	swait.ge [sflag:s4], $0x2800  }
0x32c: {  	[sflag:s4] =	ssyncset.done $0x0  }
0x32d: {  	[sflag:s4] =	ssyncadd.s32 $0xFFFFD800  }
0x32e: {  	_ =	swait.ge [sflag:s4], $0x2800  }
0x32f: {  	[sflag:s4] =	ssyncset.done $0x0  }
0x330: {  	s31 =	sadd.s32 $0x4, s30;
	[sflag:s4] =	ssyncadd.s32 $0xFFFFD800  }
0x331: {  	s0 =	sand.u32 $0x7E, s31;
	_ =	swait.ge [sflag:s4], $0x2800  }
0x332: {  	s0 =	smul.u32 $0xA0, s0;
	[sflag:s4] =	ssyncset.done $0x0  }
0x333: {  	[sflag:s4] =	ssyncadd.s32 $0xFFFFD800  }
0x334: {  	s0 =	sadd.s32 s6, s0;
	_ =	swait.ge [sflag:s4], $0x2800  }
0x335: {  	s0 =	sshrl.u32 s0, $0x3;
	[sflag:s4] =	ssyncset.done $0x0  }
0x336: {  	s30 =	simm.s32 $0x0;
	s31 =	sadd.s32 s5, s0;
	[sflag:s4] =	ssyncadd.s32 $0xFFFFD800  }
0x337: {  	[tilespmem:s30], [sflag:$0x1] =	stream.linear.gather [hbm4b:s31+s30], $0xA0, $0x38;
	[tilespmem:$0x15EF0] =	vst v63  }
0x338: {  	s0 =	sadd.s32 s7, s0  }
0x339: {  	[tilespmem:s17], [sflag:$0x1] =	stream.linear.gather [hbm4b:s0+s30], $0xA0, $0x38;
	[tilespmem:$0x15EF0] =	vst v63  }
0x33a: {  	_ =	swait.ge [sflag:s29], $0xA0  }
0x33b: {  	[sflag:s29] =	ssyncset.done $0x0  }
0x33c: {  	[sflag:s29] =	ssyncadd.s32 $0xFFFFFF60  }
0x33d: {  	_ =	swait.ge [sflag:s29], $0xA0  }
0x33e: {  	[sflag:s29] =	ssyncset.done $0x0  }
0x33f: {  	[sflag:s29] =	ssyncadd.s32 $0xFFFFFF60  }
0x340: {  	[tilespmem:s8], [sflag:$0x4] =	stream.indirect.gather [spmem:s3], $0x1, s26, s19, $0xb8;
	[tilespmem:$0x15EF0] =	vst v63  }
0x341: {  	_ = 	snop  }
0x342: {  	[tilespmem:s10], [sflag:$0x4] =	stream.indirect.gather [spmem:s3], $0x1, s9, s19, $0xb8;
	[tilespmem:$0x15EF0] =	vst v63  }
0x343: {  	_ = 	snop  }
0x344: {  	[tilespmem:s11], [sflag:$0x4] =	stream.indirect.gather [spmem:s3], $0x1, s28, s19, $0xb8;
	[tilespmem:$0x15EF0] =	vst v63  }
0x345: {  	s31 =	simm.s32 $0x0  }
0x346: {  	[tilespmem:s13], [sflag:$0x4] =	stream.indirect.gather [spmem:s3], $0x1, s12, s19, $0xb8;
	[tilespmem:$0x15EF0] =	vst v63  }
0x347: {  	v1 =	vld [tilespmem:s31+$0xA910];
	_ =	sdelay $0x4  }
0x348: {  	[tilespmem:$0x1FD50] =	vst v1;
	v1 =	vld [tilespmem:s31+$0xAA10];
	_ =	sdelay $0x4  }
0x349: {  	[tilespmem:$0x1FD60] =	vst v1;
	v1 =	vld [tilespmem:s31+$0xAA90];
	_ =	sdelay $0x4  }
0x34a: {  	[tilespmem:$0x1FD70] =	vst v1;
	v1 =	vld [tilespmem:s31+$0xF680];
	_ =	sdelay $0x4  }
0x34b: {  	[tilespmem:$0x1FD80] =	vst v1;
	v1 =	vld [tilespmem:s31+$0xF690];
	_ =	sdelay $0x4  }
0x34c: {  	[tilespmem:$0x1FD90] =	vst v1;
	v1 =	vld [tilespmem:s31+$0xF700];
	_ =	sdelay $0x4  }
0x34d: {  	[tilespmem:$0x1FDA0] =	vst v1;
	v1 =	vld [tilespmem:s31+$0xF710];
	_ =	sdelay $0x4  }
0x34e: {  	[tilespmem:$0x1FDB0] =	vst v1;
	v1 =	vld [tilespmem:s31+$0xF780];
	_ =	sdelay $0x4  }
0x34f: {  	[tilespmem:$0x1FDC0] =	vst v1;
	v1 =	vld [tilespmem:s31+$0xF790];
	_ =	sdelay $0x4  }
0x350: {  	[tilespmem:$0x1FDD0] =	vst v1;
	v1 =	vld [tilespmem:s31+$0xF800];
	_ =	sdelay $0x4  }
0x351: {  	[tilespmem:$0x1FDE0] =	vst v1;
	v1 =	vld [tilespmem:s31+$0xF810];
	_ =	sdelay $0x4  }
0x352: {  	[tilespmem:$0x1FE30] =	vst v1;
	v1 =	vld [tilespmem:s31+$0xF880];
	_ =	sdelay $0x4  }
0x353: {  	[tilespmem:$0x1FDF0] =	vst v1;
	v1 =	vld [tilespmem:s31+$0xF890];
	_ =	sdelay $0x4  }
0x354: {  	[tilespmem:$0x1FE40] =	vst v1;
	v1 =	vld [tilespmem:s31+$0xF900];
	_ =	sdelay $0x4  }
0x355: {  	[tilespmem:$0x1FE00] =	vst v1;
	v1 =	vld [tilespmem:s31+$0xF910];
	_ =	sdelay $0x4  }
0x356: {  	v23 =	vbroadcast v23, $0xF;
	[tilespmem:$0x1FE50] =	vst v1;
	v1 =	vld [tilespmem:s31+$0xF980];
	_ =	sdelay $0x1  }
0x357: {  	v24 =	vsel vm0, v23, v20;
	v23 =	vld [tilespmem:s31+$0xF990];
	_ =	sdelay $0x1  }
0x358: {  	v58 =	vbroadcast v58, $0xF  }
0x359: {  	v20 =	vbroadcast v59, $0xF;
	[tilespmem:$0x1FE10] =	vst v1;
	v1 =	vbroadcast v54, $0xF;
	_ =	sdelay $0x1  }
0x35a: {  	[tilespmem:$0x1FE60] =	vst v23;
	v23 =	vsel vm0, v58, v19;
	v19 =	vsel vm0, v20, v18;
	v18 =	vsel vm0, v1, v15;
	v1 =	vld [tilespmem:$0x1FAB0];
	_ =	sdelay $0x4  }
0x35b: {  	v15 =	vbroadcast v1, $0xF;
	v1 =	vbroadcast v28, $0xF;
	_ =	sdelay $0x1  }
0x35c: {  	v29 =	vsel vm0, v1, v17;
	v1 =	vld [tilespmem:s31+$0xA720];
	_ =	sdelay $0x2  }
0x35d: {  	v58 =	vld [tilespmem:s31+$0xFA00]  }
0x35e: {  	v54 =	vld [tilespmem:$0x1FAA0]  }
0x35f: {  	[tilespmem:$0x1FE90] =	vst v1;
	v1 =	vld [tilespmem:$0x1FAC0];
	_ =	sdelay $0x4  }
0x360: {  	[tilespmem:$0x1FE20] =	vst v58;
	v58 =	vbroadcast v54, $0xF;
	v54 =	vbroadcast v1, $0xF;
	v1 =	vld [tilespmem:$0x1FAD0];
	_ =	sdelay $0x1  }
0x361: {  	v59 =	vbroadcast v50, $0xF;
	v50 =	vld [tilespmem:$0x1FA90];
	_ =	sdelay $0x2  }
0x362: {  	v12 =	vsel vm0, v58, v12;
	v58 =	vbroadcast v1, $0xF;
	v1 =	vld [tilespmem:s31+$0xA7A0];
	_ =	sdelay $0x1  }
0x363: {  	v20 =	vbroadcast v50, $0xF;
	_ =	sdelay $0x1  }
0x364: {  	v14 =	vsel vm0, v20, v14;
	v20 =	vld [tilespmem:s31+$0xA6A0]  }
0x365: {  	[tilespmem:$0x1FEA0] =	vst v1;
	v1 =	vld [tilespmem:$0x1FAE0];
	_ =	sdelay $0x2  }
0x366: {  	s23 =	sadd.s32 $0x1, s23  }
0x367: {  	[tilespmem:$0x1FE80] =	vst v20;
	v20 =	vmov s23  }
0x368: {  	vm1 =	veq.s32 v20, v0;
	v20 =	vbroadcast v1, $0xF;
	v1 =	vld [tilespmem:$0x1FAF0];
	_ =	sdelay $0x4  }
0x369: {  	v11 =	vsel vm0, v59, v11;
	v59 =	vbroadcast v1, $0xF;
	v1 =	vld [tilespmem:s31+$0xA820];
	_ =	sdelay $0x4  }
0x36a: {  	[tilespmem:$0x1FEB0] =	vst v1;
	v1 =	vsel vm1, v54, v3  }
0x36b: {  	[tilespmem:$0x1FB00] =	vst v1;
	v1 =	vld [tilespmem:$0x1FB10];
	_ =	sdelay $0x4  }
0x36c: {  	v3 =	vbroadcast v1, $0xF;
	v1 =	vld [tilespmem:$0x1FB20];
	_ =	sdelay $0x2  }
0x36d: {  	v60 =	vbroadcast v60, $0xF;
	_ =	sdelay $0x1  }
0x36e: {  	v13 =	vsel vm0, v60, v13;
	v60 =	vbroadcast v1, $0xF;
	v1 =	vld [tilespmem:s31+$0xA8A0];
	_ =	sdelay $0x4  }
0x36f: {  	[tilespmem:$0x1FEC0] =	vst v1;
	v1 =	vld [tilespmem:s31+$0xA920];
	_ =	sdelay $0x4  }
0x370: {  	[tilespmem:$0x1FED0] =	vst v1;
	v1 =	vld [tilespmem:$0x1FB30];
	_ =	sdelay $0x2  }
0x371: {  	v17 =	vsel vm0, v58, v5;
	v5 =	vbroadcast v55, $0xF;
	_ =	sdelay $0x1  }
0x372: {  	v7 =	vsel vm0, v3, v7;
	v3 =	vsel vm0, v5, v9;
	v5 =	vbroadcast v1, $0xF;
	v1 =	vld [tilespmem:$0x1FB40];
	_ =	sdelay $0x4  }
0x373: {  	v9 =	vbroadcast v1, $0xF;
	v1 =	vld [tilespmem:s31+$0xAA20];
	_ =	sdelay $0x4  }
0x374: {  	[tilespmem:$0x1FEE0] =	vst v1;
	v1 =	vld [tilespmem:$0x1FB50];
	_ =	sdelay $0x4  }
0x375: {  	v1 =	vbroadcast v1, $0xF  }
0x376: {  	v62 =	vbroadcast v62, $0xF;
	vm1 =	vmmov vm1  }
0x377: {  	v1 =	vsel vm1, v1, v23  }
0x378: {  	v4 =	vsel vm0, v5, v4;
	v5 =	vsel vm1, v9, v24;
	v9 =	vld [tilespmem:s31+$0xF6A0];
	[tilespmem:$0x1FB80] =	vst v1;
	v1 =	vsel vm1, v62, v19  }
0x379: {  	[tilespmem:$0x1FB90] =	vst v1;
	v1 =	vld [tilespmem:$0x1FBA0];
	_ =	sdelay $0x3  }
0x37a: {  	[tilespmem:$0x1FF00] =	vst v9;
	v9 =	vld [tilespmem:s31+$0xF720]  }
0x37b: {  	v1 =	vbroadcast v1, $0xF;
	_ =	sdelay $0x1  }
0x37c: {  	v1 =	vsel vm1, v1, v11  }
0x37d: {  	[tilespmem:$0x1FBC0] =	vst v1;
	v1 =	vld [tilespmem:$0x1FBD0]  }
0x37e: {  	[tilespmem:$0x1FF10] =	vst v9;
	v9 =	vld [tilespmem:$0x1FBE0];
	_ =	sdelay $0x3  }
0x37f: {  	v1 =	vbroadcast v1, $0xF  }
0x380: {  	v55 =	vbroadcast v9, $0xF;
	v9 =	vld [tilespmem:$0x1FBF0]  }
0x381: {  	v1 =	vsel vm1, v1, v13  }
0x382: {  	[tilespmem:$0x1FC00] =	vst v1;
	v1 =	vsel vm1, v55, v14  }
0x383: {  	[tilespmem:$0x1FC10] =	vst v1;
	v1 =	vld [tilespmem:$0x1FC20];
	_ =	sdelay $0x1  }
0x384: {  	v58 =	vbroadcast v9, $0xF;
	v9 =	vld [tilespmem:s31+$0xF8A0];
	_ =	sdelay $0x2  }
0x385: {  	v1 =	vbroadcast v1, $0xF  }
0x386: {  	v15 =	vsel vm0, v15, v16  }
0x387: {  	[tilespmem:$0x1FF20] =	vst v9;
	v1 =	vsel vm1, v1, v15  }
0x388: {  	v9 =	vsel vm1, v58, v12;
	[tilespmem:$0x1FC40] =	vst v1;
	v1 =	vld [tilespmem:$0x1FC50]  }
0x389: {  	[tilespmem:$0x1FC30] =	vst v9;
	v9 =	vld [tilespmem:$0x1FC60];
	_ =	sdelay $0x1  }
0x38a: {  	v33 =	vld [tilespmem:s31+$0xF600]  }
0x38b: {  	v30 =	vld [tilespmem:s31+$0xF610]  }
0x38c: {  	v34 =	vld [tilespmem:s31+$0xFA80];
	v1 =	vbroadcast v1, $0xF  }
0x38d: {  	v32 =	vld [tilespmem:s31+$0xFA90];
	v15 =	vbroadcast v9, $0xF  }
0x38e: {  	v27 =	vld [tilespmem:s31+$0xF620];
	[tilespmem:$0x1FB60] =	vst v5;
	v1 =	vsel vm1, v1, v29  }
0x38f: {  	v5 =	vld [tilespmem:$0x1FB70];
	[tilespmem:$0x1FC80] =	vst v1;
	v1 =	vsel vm1, v15, v17  }
0x390: {  	[tilespmem:$0x1FC90] =	vst v1;
	v1 =	vld [tilespmem:$0x1FCA0]  }
0x391: {  	v35 =	vld [tilespmem:s31+$0xFAA0]  }
0x392: {  	v26 =	vld [tilespmem:s31+$0xF630]  }
0x393: {  	v36 =	vld [tilespmem:s31+$0xFAB0]  }
0x394: {  	v21 =	vld [tilespmem:s31+$0xF640]  }
0x395: {  	v37 =	vld [tilespmem:s31+$0xFAC0];
	v5 =	vbroadcast v5, $0xF;
	v1 =	vbroadcast v1, $0xF  }
0x396: {  	v25 =	vld [tilespmem:s31+$0xF650];
	v6 =	vsel vm0, v59, v6  }
0x397: {  	v5 =	vsel vm1, v5, v18;
	v1 =	vsel vm1, v1, v6;
	v6 =	vld [tilespmem:$0x1FCE0]  }
0x398: {  	v38 =	vld [tilespmem:s31+$0xFAD0];
	v54 =	vmul.f32 v32, v30;
	[tilespmem:$0x1FBB0] =	vst v5;
	v5 =	vmul.f32 v34, v33  }
0x399: {  	v50 =	vld [tilespmem:s31+$0xFA10]  }
0x39a: {  	v5 =	vadd.f32 v54, v5;
	v19 =	vmul.f32 v35, v27;
	[tilespmem:$0x1FCC0] =	vst v1;
	v1 =	vld [tilespmem:$0x1FCD0]  }
0x39b: {  	v31 =	vld [tilespmem:s31+$0xF660]  }
0x39c: {  	v5 =	vadd.f32 v19, v5;
	v14 =	vmul.f32 v36, v26;
	v29 =	vbroadcast v6, $0xF;
	v6 =	vld [tilespmem:$0x1FCF0]  }
0x39d: {  	v39 =	vld [tilespmem:s31+$0xFAE0]  }
0x39e: {  	v22 =	vld [tilespmem:s31+$0xF670];
	[tilespmem:$0x1FE70] =	vst v50;
	v36 =	vmul.f32 v37, v21;
	v50 =	vadd.f32 v14, v5  }
0x39f: {  	v42 =	vld [tilespmem:s31+$0xFAF0];
	v1 =	vbroadcast v1, $0xF  }
0x3a0: {  	v2 =	vld [tilespmem:s31+$0xA600];
	v37 =	vmul.f32 v38, v25;
	v15 =	vadd.f32 v36, v50  }
0x3a1: {  	v56 =	vld [tilespmem:s31+$0xA610];
	v16 =	vsel vm0, v60, v10;
	v1 =	vsel vm1, v1, v7;
	v38 =	vbroadcast v6, $0xF  }
0x3a2: {  	v40 =	vld [tilespmem:s31+$0xA680];
	v39 =	vmul.f32 v39, v31;
	v15 =	vadd.f32 v37, v15;
	[tilespmem:$0x1FD00] =	vst v1;
	v1 =	vsel vm1, v29, v16  }
0x3a3: {  	v41 =	vld [tilespmem:s31+$0xA690];
	[tilespmem:$0x1FD10] =	vst v1;
	v3 =	vsel vm1, v38, v3  }
0x3a4: {  	v7 =	vmul.f32 v42, v22;
	v1 =	vld [tilespmem:$0x1FD20];
	[tilespmem:$0x1FD30] =	vst v3;
	v3 =	vadd.f32 v39, v15  }
0x3a5: {  	v44 =	vld [tilespmem:s31+$0xA700]  }
0x3a6: {  	v46 =	vld [tilespmem:s31+$0xA780];
	v3 =	vadd.f32 v7, v3  }
0x3a7: {  	v45 =	vld [tilespmem:s31+$0xA790]  }
0x3a8: {  	[tilespmem:$0x1FF30] =	vst v3;
	v3 =	vld [tilespmem:$0x1FD50]  }
0x3a9: {  	v48 =	vld [tilespmem:s31+$0xA800];
	v1 =	vbroadcast v1, $0xF  }
0x3aa: {  	v51 =	vld [tilespmem:s31+$0xA880]  }
0x3ab: {  	v49 =	vld [tilespmem:s31+$0xA890];
	v1 =	vsel vm1, v1, v4  }
0x3ac: {  	v61 =	vld [tilespmem:s31+$0xAA00];
	v4 =	vmul.f32 v41, v56;
	[tilespmem:$0x1FD40] =	vst v1;
	v1 =	vmul.f32 v40, v2  }
0x3ad: {  	v17 =	vmul.f32 v3, v56;
	v3 =	vld [tilespmem:$0x1FD60]  }
0x3ae: {  	v57 =	vld [tilespmem:s31+$0xA900];
	v29 =	vmul.f32 v45, v56;
	v6 =	vadd.f32 v4, v1;
	v1 =	vmul.f32 v46, v2  }
0x3af: {  	v63 =	vld [tilespmem:s31+$0xA990]  }
0x3b0: {  	v52 =	vld [tilespmem:s31+$0xA980];
	v29 =	vadd.f32 v29, v1;
	v1 =	vmul.f32 v51, v2;
	v51 =	vmul.f32 v49, v56  }
0x3b1: {  	v53 =	vld [tilespmem:s31+$0xAA80]  }
0x3b2: {  	v38 =	vadd.f32 v51, v1;
	v1 =	vmul.f32 v61, v2;
	v61 =	vmul.f32 v3, v56;
	v3 =	vld [tilespmem:$0x1FD70];
	_ =	sdelay $0x1  }
0x3b3: {  	v18 =	vmul.f32 v63, v56  }
0x3b4: {  	v36 =	vmul.f32 v57, v2;
	v7 =	vmul.f32 v44, v2  }
0x3b5: {  	v43 =	vld [tilespmem:s31+$0xA710];
	v40 =	vmul.f32 v52, v2;
	v46 =	vmul.f32 v48, v2  }
0x3b6: {  	v47 =	vld [tilespmem:s31+$0xA810];
	v2 =	vmul.f32 v53, v2;
	v63 =	vmul.f32 v3, v56  }
0x3b7: {  	v3 =	vld [tilespmem:$0x1FD80]  }
0x3b8: {  	v9 =	vadd.f32 v63, v2;
	v2 =	vld [tilespmem:$0x1FDE0];
	_ =	sdelay $0x3  }
0x3b9: {  	v44 =	vmul.f32 v43, v56;
	v43 =	vmul.f32 v3, v33;
	v3 =	vld [tilespmem:$0x1FD90]  }
0x3ba: {  	v48 =	vmul.f32 v47, v56;
	v47 =	vmul.f32 v2, v33;
	v2 =	vld [tilespmem:$0x1FDF0]  }
0x3bb: {  	v5 =	vld [tilespmem:$0x1FC70];
	_ =	sdelay $0x2  }
0x3bc: {  	v36 =	vadd.f32 v17, v36;
	v17 =	vmul.f32 v3, v30;
	v3 =	vld [tilespmem:$0x1FDA0]  }
0x3bd: {  	v45 =	vadd.f32 v61, v1;
	v61 =	vmul.f32 v2, v33;
	v2 =	vld [tilespmem:$0x1FE00]  }
0x3be: {  	v19 =	vbroadcast v5, $0xF  }
0x3bf: {  	v8 =	vsel vm0, v20, v8  }
0x3c0: {  	v8 =	vsel vm1, v19, v8  }
0x3c1: {  	[tilespmem:$0x1FCB0] =	vst v8;
	v8 =	vadd.f32 v44, v7;
	v44 =	vmul.f32 v3, v33;
	v3 =	vld [tilespmem:$0x1FDB0]  }
0x3c2: {  	v49 =	vmul.f32 v2, v33;
	v2 =	vld [tilespmem:$0x1FE10];
	_ =	sdelay $0x2  }
0x3c3: {  	v20 =	vld [tilespmem:s31+$0xAAA0]  }
0x3c4: {  	v1 =	vld [tilespmem:$0x1FDC0]  }
0x3c5: {  	v40 =	vadd.f32 v18, v40;
	v18 =	vmul.f32 v3, v30;
	v3 =	vmul.f32 v2, v33;
	v2 =	vld [tilespmem:$0x1FE20];
	_ =	sdelay $0x1  }
0x3c6: {  	v28 =	vld [tilespmem:s31+$0xA620]  }
0x3c7: {  	v59 =	vld [tilespmem:s31+$0xF7A0]  }
0x3c8: {  	[tilespmem:$0x1FEF0] =	vst v20;
	v20 =	vld [tilespmem:s31+$0xA9B0]  }
0x3c9: {  	v56 =	vmul.f32 v1, v33;
	v33 =	vmul.f32 v2, v33;
	v2 =	vld [tilespmem:$0x1FE30]  }
0x3ca: {  	v32 =	vld [tilespmem:s31+$0xA930]  }
0x3cb: {  	v10 =	vld [tilespmem:s31+$0xA9A0]  }
0x3cc: {  	v1 =	vld [tilespmem:$0x1FDD0]  }
0x3cd: {  	v60 =	vld [tilespmem:s31+$0xF820]  }
0x3ce: {  	v52 =	vmul.f32 v2, v30;
	v2 =	vld [tilespmem:$0x1FE40]  }
0x3cf: {  	v24 =	vld [tilespmem:s31+$0xA730]  }
0x3d0: {  	v34 =	vld [tilespmem:s31+$0xA8B0];
	v57 =	vmov s30  }
0x3d1: {  	v23 =	vld [tilespmem:s31+$0xA830];
	vm0 =	veq.s32 v57, v0;
	v57 =	vmul.f32 v1, v30  }
0x3d2: {  	v62 =	vld [tilespmem:s31+$0xF920]  }
0x3d3: {  	v56 =	vadd.f32 v57, v56;
	v57 =	vmul.f32 v2, v30;
	v2 =	vld [tilespmem:$0x1FE50]  }
0x3d4: {  	v54 =	vld [tilespmem:s31+$0xA6B0]  }
0x3d5: {  	v35 =	vld [tilespmem:s31+$0xAAB0]  }
0x3d6: {  	v11 =	vld [tilespmem:s31+$0xF7C0]  }
0x3d7: {  	v58 =	vld [tilespmem:s31+$0xF9A0]  }
0x3d8: {  	v4 =	vld [tilespmem:$0x1FE60];
	v2 =	vmul.f32 v2, v30  }
0x3d9: {  	v12 =	vld [tilespmem:s31+$0xAA40]  }
0x3da: {  	v7 =	vadd.f32 v2, v49;
	v2 =	vld [tilespmem:$0x1FE80]  }
0x3db: {  	v13 =	vld [tilespmem:s31+$0xAAC0]  }
0x3dc: {  	v55 =	vld [tilespmem:s31+$0xFA20]  }
0x3dd: {  	v47 =	vadd.f32 v52, v47;
	v52 =	vmul.f32 v4, v30;
	v4 =	vld [tilespmem:$0x1FE70]  }
0x3de: {  	v14 =	vld [tilespmem:s31+$0xA8C0]  }
0x3df: {  	v49 =	vmul.f32 v2, v28;
	v2 =	vld [tilespmem:$0x1FE90]  }
0x3e0: {  	v5 =	vld [tilespmem:s31+$0xA630]  }
0x3e1: {  	v19 =	vld [tilespmem:s31+$0xAA30]  }
0x3e2: {  	v50 =	vld [tilespmem:s31+$0xA7B0];
	v30 =	vmul.f32 v4, v30  }
0x3e3: {  	v37 =	vld [tilespmem:s31+$0xF6B0]  }
0x3e4: {  	v30 =	vadd.f32 v30, v33;
	v33 =	vmul.f32 v2, v28;
	v2 =	vld [tilespmem:$0x1FEA0]  }
0x3e5: {  	v42 =	vld [tilespmem:s31+$0xF830]  }
0x3e6: {  	v39 =	vld [tilespmem:s31+$0xF730]  }
0x3e7: {  	v15 =	vld [tilespmem:s31+$0xA740]  }
0x3e8: {  	v4 =	vadd.f32 v52, v3;
	v3 =	vld [tilespmem:$0x1FEC0]  }
0x3e9: {  	v6 =	vadd.f32 v49, v6;
	v49 =	vmul.f32 v2, v28;
	v2 =	vld [tilespmem:$0x1FEB0]  }
0x3ea: {  	v41 =	vld [tilespmem:s31+$0xF7B0]  }
0x3eb: {  	v16 =	vadd.f32 v48, v46;
	v46 =	vld [tilespmem:s31+$0xF8B0]  }
0x3ec: {  	v48 =	vld [tilespmem:s31+$0xF930]  }
0x3ed: {  	v51 =	vld [tilespmem:s31+$0xF9B0]  }
0x3ee: {  	v8 =	vadd.f32 v33, v8;
	v33 =	vmul.f32 v3, v28;
	v3 =	vld [tilespmem:$0x1FED0];
	v2 =	vmul.f32 v2, v28  }
0x3ef: {  	v53 =	vld [tilespmem:s31+$0xFA30]  }
0x3f0: {  	v2 =	vadd.f32 v2, v16;
	v16 =	vmul.f32 v10, v28;
	v10 =	vld [tilespmem:$0x1FEE0]  }
0x3f1: {  	v63 =	vld [tilespmem:s31+$0xA6C0]  }
0x3f2: {  	v1 =	vld [tilespmem:s31+$0xA640]  }
0x3f3: {  	v43 =	vadd.f32 v17, v43;
	v17 =	vld [tilespmem:s31+$0xA840];
	v3 =	vmul.f32 v3, v28  }
0x3f4: {  	v58 =	vmul.f32 v58, v27;
	v44 =	vadd.f32 v18, v44;
	v18 =	vld [tilespmem:s31+$0xA7C0]  }
0x3f5: {  	v54 =	vmul.f32 v54, v5;
	v3 =	vadd.f32 v3, v36;
	v36 =	vmul.f32 v10, v28;
	v10 =	vld [tilespmem:$0x1FEF0]  }
0x3f6: {  	v57 =	vadd.f32 v57, v61;
	v61 =	vld [tilespmem:s31+$0xA940]  }
0x3f7: {  	v52 =	vld [tilespmem:s31+$0xA9C0];
	v4 =	vadd.f32 v58, v4;
	v6 =	vadd.f32 v54, v6;
	v54 =	vmul.f32 v51, v26  }
0x3f8: {  	v58 =	vld [tilespmem:s31+$0xF850]  }
0x3f9: {  	v24 =	vmul.f32 v24, v5;
	v4 =	vadd.f32 v54, v4;
	v54 =	vld [tilespmem:s31+$0xAAE0]  }
0x3fa: {  	v59 =	vmul.f32 v59, v27;
	v28 =	vmul.f32 v10, v28;
	v10 =	vld [tilespmem:$0x1FF00]  }
0x3fb: {  	v15 =	vmul.f32 v15, v1;
	v33 =	vadd.f32 v33, v38;
	v38 =	vld [tilespmem:s31+$0xF740];
	v8 =	vadd.f32 v24, v8  }
0x3fc: {  	v23 =	vmul.f32 v23, v5;
	v24 =	vmul.f32 v34, v5;
	v34 =	vld [tilespmem:s31+$0xA750]  }
0x3fd: {  	v8 =	vadd.f32 v15, v8;
	v15 =	vmul.f32 v17, v1;
	v17 =	vmul.f32 v58, v25;
	v58 =	vld [tilespmem:s31+$0xF7E0]  }
0x3fe: {  	v11 =	vmul.f32 v11, v21;
	v20 =	vmul.f32 v20, v5;
	v29 =	vadd.f32 v49, v29;
	v49 =	vld [tilespmem:s31+$0xF6C0]  }
0x3ff: {  	v16 =	vadd.f32 v16, v40;
	v2 =	vadd.f32 v23, v2;
	v40 =	vmul.f32 v10, v27;
	v10 =	vld [tilespmem:$0x1FF10]  }
0x400: {  	v19 =	vmul.f32 v19, v5;
	v14 =	vmul.f32 v14, v1;
	v23 =	vadd.f32 v24, v33;
	v24 =	vld [tilespmem:s31+$0xA850]  }
0x401: {  	v16 =	vadd.f32 v20, v16;
	v20 =	vld [tilespmem:s31+$0xA8D0];
	v2 =	vadd.f32 v15, v2;
	v15 =	vmul.f32 v52, v1  }
0x402: {  	v9 =	vadd.f32 v28, v9;
	v28 =	vadd.f32 v40, v43;
	v40 =	vmul.f32 v60, v27;
	v60 =	vld [tilespmem:$0x1FF20]  }
0x403: {  	v42 =	vmul.f32 v42, v26;
	v14 =	vadd.f32 v14, v23;
	v23 =	vld [tilespmem:s31+$0xA660];
	v36 =	vadd.f32 v36, v45  }
0x404: {  	v46 =	vmul.f32 v46, v26;
	v52 =	vld [tilespmem:s31+$0xAA60];
	v15 =	vadd.f32 v15, v16;
	v45 =	vmul.f32 v10, v27  }
0x405: {  	v12 =	vmul.f32 v12, v1;
	v19 =	vadd.f32 v19, v36;
	v43 =	vld [tilespmem:s31+$0xF8C0];
	v40 =	vadd.f32 v40, v47  }
0x406: {  	v47 =	vmul.f32 v62, v27;
	v62 =	vmul.f32 v39, v26;
	v10 =	vld [tilespmem:s31+$0xF840];
	v44 =	vadd.f32 v45, v44  }
0x407: {  	v39 =	vld [tilespmem:s31+$0xAA50];
	v45 =	vadd.f32 v59, v56;
	v56 =	vmul.f32 v60, v27;
	v27 =	vmul.f32 v55, v27  }
0x408: {  	v48 =	vmul.f32 v48, v26;
	v12 =	vadd.f32 v12, v19;
	v7 =	vadd.f32 v47, v7;
	v47 =	vld [tilespmem:s31+$0xA650]  }
0x409: {  	v36 =	vadd.f32 v42, v40;
	v40 =	vld [tilespmem:s31+$0xF8D0];
	v27 =	vadd.f32 v27, v30;
	v30 =	vmul.f32 v50, v5  }
0x40a: {  	v18 =	vmul.f32 v18, v1;
	v42 =	vld [tilespmem:s31+$0xF950];
	v7 =	vadd.f32 v48, v7;
	v56 =	vadd.f32 v56, v57  }
0x40b: {  	v59 =	vld [tilespmem:s31+$0xF940];
	v10 =	vmul.f32 v10, v21;
	v29 =	vadd.f32 v30, v29;
	v30 =	vmul.f32 v32, v5  }
0x40c: {  	v60 =	vld [tilespmem:s31+$0xF9C0];
	v5 =	vmul.f32 v35, v5;
	v33 =	vadd.f32 v46, v56;
	v56 =	vmul.f32 v63, v1  }
0x40d: {  	v55 =	vld [tilespmem:s31+$0xFA40];
	v20 =	vmul.f32 v20, v47;
	v10 =	vadd.f32 v10, v36;
	v36 =	vimm.f32 $0.0e+00  }
0x40e: {  	v48 =	vld [tilespmem:s31+$0xA860];
	v3 =	vadd.f32 v30, v3;
	v30 =	vmul.f32 v37, v26;
	v5 =	vadd.f32 v5, v9  }
0x40f: {  	v50 =	vld [tilespmem:s31+$0xA6D0];
	v9 =	vmul.f32 v41, v26;
	v26 =	vmul.f32 v53, v26;
	v6 =	vadd.f32 v56, v6  }
0x410: {  	v57 =	vld [tilespmem:s31+$0xF750];
	v18 =	vadd.f32 v18, v29;
	v29 =	vmul.f32 v61, v1;
	v1 =	vmul.f32 v13, v1  }
0x411: {  	v32 =	vld [tilespmem:s31+$0xA7D0];
	v61 =	vmul.f32 v49, v21;
	v14 =	vadd.f32 v20, v14;
	v10 =	vadd.f32 v17, v10  }
0x412: {  	v35 =	vld [tilespmem:s31+$0xA950];
	v49 =	vmul.f32 v34, v47;
	v28 =	vadd.f32 v30, v28;
	v30 =	vadd.f32 v62, v44  }
0x413: {  	v37 =	vld [tilespmem:s31+$0xA9D0];
	v20 =	vmul.f32 v39, v47;
	v9 =	vadd.f32 v9, v45;
	v26 =	vadd.f32 v26, v27  }
0x414: {  	v41 =	vld [tilespmem:s31+$0xAAD0];
	v3 =	vadd.f32 v29, v3;
	v1 =	vadd.f32 v1, v5;
	v5 =	vmul.f32 v38, v21  }
0x415: {  	v13 =	vld [tilespmem:s31+$0xF9D0];
	v8 =	vadd.f32 v49, v8;
	v12 =	vadd.f32 v20, v12;
	v20 =	vmul.f32 v57, v25  }
0x416: {  	v63 =	vld [tilespmem:$0x1FF30];
	v38 =	vimm.f32 $0.0e+00;
	v32 =	vmul.f32 v32, v47;
	v16 =	vadd.f32 v61, v28  }
0x417: {  	v46 =	vld [tilespmem:s31+$0xA7E0];
	v28 =	vmul.f32 v43, v21;
	v9 =	vadd.f32 v11, v9;
	v11 =	vmul.f32 v59, v21  }
0x418: {  	v56 =	vld [tilespmem:s31+$0xF760];
	v5 =	vadd.f32 v5, v30;
	v43 =	vmul.f32 v60, v21;
	v60 =	vmul.f32 v42, v25  }
0x419: {  	v62 =	vld [tilespmem:s31+$0xFA50];
	v18 =	vadd.f32 v32, v18;
	v51 =	vmul.f32 v37, v47;
	v53 =	vmul.f32 v41, v47  }
0x41a: {  	v44 =	vld [tilespmem:s31+$0xF6D0];
	v13 =	vmul.f32 v13, v25;
	v37 =	vimm.f32 $0.0e+00;
	v32 =	vimm.f32 $0.0e+00  }
0x41b: {  	v29 =	vld [tilespmem:s31+$0xA6E0];
	v28 =	vadd.f32 v28, v33;
	v7 =	vadd.f32 v11, v7;
	v11 =	vmul.f32 v55, v21  }
0x41c: {  	v30 =	vld [tilespmem:s31+$0xA760];
	v21 =	vmul.f32 v50, v47;
	v4 =	vadd.f32 v43, v4;
	v5 =	vadd.f32 v20, v5  }
0x41d: {  	v27 =	vld [tilespmem:s31+$0xF7D0];
	v20 =	vmul.f32 v40, v25;
	v33 =	vimm.f32 $0.0e+00;
	v15 =	vadd.f32 v51, v15  }
0x41e: {  	(xrf2) =	vadd.scan.msk.f32 $0xffff, v63;
	v63 =	vld [tilespmem:s31+$0xF9E0];
	v1 =	vadd.f32 v53, v1;
	v62 =	vmul.f32 v62, v25;
	v11 =	vadd.f32 v11, v26  }
0x41f: {  	v59 =	vld [tilespmem:s31+$0xF860];
	v6 =	vadd.f32 v21, v6;
	v21 =	vmul.f32 v24, v47;
	v20 =	vadd.f32 v20, v28  }
0x420: {  	v50 =	vld [tilespmem:s31+$0xA8E0];
	v7 =	vadd.f32 v60, v7;
	v4 =	vadd.f32 v13, v4;
	v13 =	vmul.f32 v29, v23  }
0x421: {  	v24 =	vld [tilespmem:s31+$0xA960];
	v29 =	vmul.f32 v46, v23;
	v43 =	vmul.f32 v30, v23;
	v2 =	vadd.f32 v21, v2  }
0x422: {  	v26 =	vld [tilespmem:s31+$0xA9E0];
	v21 =	vmul.f32 v35, v47;
	v6 =	vadd.f32 v13, v6;
	v13 =	vmul.f32 v48, v23  }
0x423: {  	v49 =	vld [tilespmem:s31+$0xA8F0];
	v11 =	vadd.f32 v62, v11;
	v47 =	vmul.f32 v52, v23;
	v48 =	vmul.f32 v56, v31  }
0x424: {  	v61 =	vld [tilespmem:s31+$0xF8E0];
	v45 =	vadd.f32 v29, v18;
	v56 =	vmul.f32 v59, v31;
	v59 =	vmul.f32 v63, v31  }
0x425: {  	v55 =	vld [tilespmem:s31+$0xF6E0];
	v34 =	vmul.f32 v50, v23;
	v8 =	vadd.f32 v43, v8;
	v3 =	vadd.f32 v21, v3  }
0x426: {  	v28 =	vld [tilespmem:s31+$0xF960];
	v21 =	vmul.f32 v44, v25;
	v2 =	vadd.f32 v13, v2;
	v12 =	vadd.f32 v47, v12  }
0x427: {  	v30 =	vld [tilespmem:s31+$0xA670];
	v46 =	vmul.f32 v24, v23;
	v13 =	vadd.f32 v34, v14;
	v14 =	vmul.f32 v26, v23  }
0x428: {  	v29 =	vld [tilespmem:s31+$0xA870];
	v23 =	vmul.f32 v54, v23;
	v16 =	vadd.f32 v21, v16;
	v21 =	vmul.f32 v27, v25  }
0x429: {  	v35 =	vimm.f32 $0.0e+00;
	v44 =	vld [tilespmem:s31+$0xA6F0];
	v5 =	vadd.f32 v48, v5;
	v10 =	vadd.f32 v56, v10  }
0x42a: {  	v25 =	vld [tilespmem:s31+$0xFA60];
	v50 =	vadd.f32 v23, v1;
	v1 =	vmul.f32 v58, v31;
	v9 =	vadd.f32 v21, v9  }
0x42b: {  	v53 =	vadd.f32 v59, v4;
	v57, _, _ =	vpop (xrf2);
	v24 =	vld [tilespmem:s31+$0xA770];
	v28 =	vmul.f32 v28, v31;
	v34 =	vimm.f32 $0.0e+00  }
0x42c: {  	v26 =	vld [tilespmem:s31+$0xA7F0];
	v39 =	vbroadcast v57, $0xF;
	v9 =	vadd.f32 v1, v9;
	v1 =	vmul.f32 v61, v31  }
0x42d: {  	v27 =	vimm.f32 $0.0e+00;
	v3 =	vadd.f32 v46, v3;
	v14 =	vadd.f32 v14, v15;
	v23 =	vld [tilespmem:s31+$0xA970]  }
0x42e: {  	v57 =	vld [tilespmem:s31+$0xA9F0];
	v15 =	vmul.f32 v55, v31;
	v41 =	vadd.f32 v1, v20;
	v1 =	vmul.f32 v44, v30  }
0x42f: {  	v58 =	vld [tilespmem:s31+$0xAA70];
	v54 =	vadd.f32 v28, v7;
	v28 =	vimm.f32 $0.0e+00;
	v60 =	vmul.f32 v25, v31  }
0x430: {  	v7 =	vld [tilespmem:s31+$0xF6F0];
	v21 =	vsel vm0, v39, v27;
	v4 =	vmul.f32 v24, v30;
	v1 =	vadd.f32 v1, v6  }
0x431: {  	v62 =	vld [tilespmem:s31+$0xF7F0];
	vm0 =	vmmov vm0;
	v52 =	vadd.f32 v60, v11;
	v11 =	vmul.f32 v29, v30  }
0x432: {  	v8 =	vadd.f32 v4, v8;
	v4 =	vmul.f32 v49, v30;
	v20 =	vmul.f32 v23, v30;
	v23 =	vld [tilespmem:s31+$0xF870];
	(xrf2) =	vadd.scan.msk.f32 $0xffff, v1  }
0x433: {  	v39 =	vimm.f32 $0.0e+00;
	v61 =	vld [tilespmem:s31+$0xF770];
	v6 =	vmul.f32 v26, v30;
	v2 =	vadd.f32 v11, v2  }
0x434: {  	v11 =	vadd.f32 v4, v13;
	v4 =	vadd.f32 v20, v3;
	v3 =	vmul.f32 v58, v30;
	v13 =	vld [tilespmem:s31+$0xF970]  }
0x435: {  	v15 =	vadd.f32 v15, v16;
	v25 =	vld [tilespmem:s31+$0xAAF0];
	v63 =	vmul.f32 v57, v30;
	v7 =	vmul.f32 v7, v22;
	(xrf2) =	vadd.scan.msk.f32 $0xffff, v8  }
0x436: {  	v24 =	vld [tilespmem:s31+$0xF8F0];
	v6 =	vadd.f32 v6, v45;
	v58 =	vadd.f32 v3, v12;
	v12 =	vmul.f32 v62, v22  }
0x437: {  	v31 =	vimm.f32 $0.0e+00;
	v55 =	vadd.f32 v7, v15;
	v7 =	vmul.f32 v23, v22  }
0x438: {  	v29 =	vimm.f32 $0.0e+00;
	v26 =	vimm.f32 $0.0e+00;
	(xrf2) =	vadd.scan.msk.f32 $0xffff, v6;
	v49 =	vadd.f32 v12, v9;
	v12 =	vld [tilespmem:s31+$0xF9F0]  }
0x439: {  	s23 =	simm.s32 $0x500;
	v1 =	vadd.f32 v63, v14;
	v48 =	vadd.f32 v7, v10;
	v10 =	vmul.f32 v13, v22;
	v13 =	vld [tilespmem:s31+$0xFA70]  }
0x43a: {  	v42 =	vld [tilespmem:s23+$0xF600];
	v14 =	vmul.f32 v25, v30;
	v30 =	vimm.f32 $0.0e+00;
	v3 =	vmul.f32 v61, v22  }
0x43b: {  	v43 =	vld [tilespmem:s23+$0xF610];
	v25 =	vimm.f32 $0.0e+00;
	v23 =	vimm.f32 $0.0e+00;
	v9 =	vmul.f32 v24, v22;
	(xrf2) =	vadd.scan.msk.f32 $0xffff, v2  }
0x43c: {  	s0 =	simm.s32 $0x2800;
	v56 =	vld [tilespmem:s23+$0xFA80];
	v57 =	vadd.f32 v14, v50;
	v51 =	vadd.f32 v3, v5;
	v24 =	vimm.f32 $0.0e+00;
	v63, _, _ =	vpop (xrf2)  }
.LBB2_5:
0x43d: {  	p1 =	sne.s32 s0, $0x12C00;
	v3 =	vld [tilespmem:s23+$0xFA90];
	v2 =	vbroadcast v63, $0xF;
	v6 =	vadd.f32 v9, v41;
	v12 =	vmul.f32 v12, v22  }
0x43e: {  	v46 =	vld [tilespmem:s23+$0xF620];
	v5 =	vadd.f32 v10, v54;
	v8 =	vmul.f32 v13, v22;
	(xrf2) =	vadd.scan.msk.f32 $0xffff, v11  }
0x43f: {  	v9 =	vld [tilespmem:s23+$0xFAA0];
	v27 =	vsel vm0, v2, v27;
	v2 =	vadd.f32 v12, v53;
	v7, _, _ =	vpop (xrf2)  }
0x440: {  	v45 =	vld [tilespmem:s23+$0xF630];
	v10 =	vbroadcast v7, $0xF;
	v47 =	vadd.f32 v8, v52  }
0x441: {  	v8 =	vld [tilespmem:s23+$0xFAB0];
	(xrf2) =	vadd.scan.msk.f32 $0xffff, v4  }
0x442: {  	v4 =	vmul.f32 v56, v42;
	v44 =	vld [tilespmem:s23+$0xF640];
	v3 =	vmul.f32 v3, v43;
	v39 =	vsel vm0, v10, v39;
	v7, _, _ =	vpop (xrf2)  }
0x443: {  	v10 =	vld [tilespmem:s23+$0xFAC0];
	v11 =	vbroadcast v7, $0xF  }
0x444: {  	v41 =	vld [tilespmem:s23+$0xF650];
	v3 =	vadd.f32 v3, v4;
	v4 =	vmul.f32 v9, v46;
	(xrf2) =	vadd.scan.msk.f32 $0xffff, v1  }
0x445: {  	v1 =	vld [tilespmem:s23+$0xFAD0];
	v38 =	vsel vm0, v11, v38;
	v7, _, _ =	vpop (xrf2)  }
0x446: {  	v40 =	vld [tilespmem:s23+$0xF660];
	v3 =	vadd.f32 v4, v3;
	v4 =	vmul.f32 v8, v45;
	v9 =	vbroadcast v7, $0xF  }
0x447: {  	v8 =	vld [tilespmem:s23+$0xFAE0];
	(xrf2) =	vadd.scan.msk.f32 $0xffff, v58  }
0x448: {  	v22 =	vld [tilespmem:s23+$0xF670];
	v3 =	vadd.f32 v4, v3;
	v12 =	vmul.f32 v10, v44;
	v37 =	vsel vm0, v9, v37;
	v7, _, _ =	vpop (xrf2)  }
0x449: {  	v9 =	vld [tilespmem:s23+$0xFAF0];
	v7 =	vbroadcast v7, $0xF  }
0x44a: {  	v10 =	vld [tilespmem:s23+$0xA600];
	v3 =	vadd.f32 v12, v3;
	v1 =	vmul.f32 v1, v41;
	(xrf2) =	vadd.scan.msk.f32 $0xffff, v57  }
0x44b: {  	v11 =	vld [tilespmem:s23+$0xA610];
	v36 =	vsel vm0, v7, v36;
	v4, _, _ =	vpop (xrf2)  }
0x44c: {  	v7 =	vld [tilespmem:s23+$0xA680];
	v1 =	vadd.f32 v1, v3;
	v3 =	vmul.f32 v8, v40;
	v13 =	vbroadcast v4, $0xF  }
0x44d: {  	v8 =	vld [tilespmem:s23+$0xA690];
	(xrf2) =	vadd.scan.msk.f32 $0xffff, v55  }
0x44e: {  	v12 =	vld [tilespmem:s23+$0xA700];
	v1 =	vadd.f32 v3, v1;
	v3 =	vmul.f32 v9, v22;
	v35 =	vsel vm0, v13, v35;
	v4, _, _ =	vpop (xrf2)  }
0x44f: {  	v9 =	vld [tilespmem:s23+$0xA710];
	v14 =	vbroadcast v4, $0xF  }
0x450: {  	v13 =	vld [tilespmem:s23+$0xA780];
	v1 =	vadd.f32 v3, v1  }
0x451: {  	v3 =	vmul.f32 v7, v10;
	v7 =	vld [tilespmem:s23+$0xA790];
	v34 =	vsel vm0, v14, v34;
	v4, _, _ =	vpop (xrf2)  }
0x452: {  	v8 =	vmul.f32 v8, v11;
	v14 =	vld [tilespmem:s23+$0xA800];
	(xrf2) =	vadd.scan.msk.f32 $0xffff, v1;
	v16 =	vbroadcast v4, $0xF  }
0x453: {  	v12 =	vmul.f32 v12, v10;
	v15 =	vld [tilespmem:s23+$0xA810]  }
0x454: {  	v1 =	vadd.f32 v8, v3;
	v3 =	vmul.f32 v9, v11;
	v8 =	vld [tilespmem:s23+$0xA880];
	v33 =	vsel vm0, v16, v33;
	v4, _, _ =	vpop (xrf2)  }
0x455: {  	v9 =	vmul.f32 v13, v10;
	v13 =	vld [tilespmem:s23+$0xA890];
	v18 =	vbroadcast v4, $0xF;
	(xrf2) =	vadd.scan.msk.f32 $0xffff, v51  }
0x456: {  	v4 =	vadd.f32 v3, v12;
	v3 =	vmul.f32 v7, v11;
	v12 =	vld [tilespmem:s23+$0xA900]  }
0x457: {  	v14 =	vmul.f32 v14, v10;
	v17 =	vld [tilespmem:s23+$0xA910];
	v32 =	vsel vm0, v18, v32;
	v16, _, _ =	vpop (xrf2)  }
0x458: {  	v7 =	vadd.f32 v3, v9;
	v3 =	vmul.f32 v15, v11;
	v9 =	vld [tilespmem:s23+$0xA980];
	v15 =	vbroadcast v16, $0xF;
	(xrf2) =	vadd.scan.msk.f32 $0xffff, v49  }
0x459: {  	v8 =	vmul.f32 v8, v10;
	v16 =	vld [tilespmem:s23+$0xA990]  }
0x45a: {  	v3 =	vadd.f32 v3, v14;
	v13 =	vmul.f32 v13, v11;
	v14 =	vld [tilespmem:s23+$0xAA00];
	v31 =	vsel vm0, v15, v31  }
0x45b: {  	v12 =	vmul.f32 v12, v10;
	v15 =	vld [tilespmem:s23+$0xAA10];
	(xrf2) =	vadd.scan.msk.f32 $0xffff, v48  }
0x45c: {  	s30 =	sadd.s32 $0x1, s30;
	v8 =	vadd.f32 v13, v8;
	v13 =	vmul.f32 v17, v11;
	v17 =	vld [tilespmem:s23+$0xAA80];
	v18, _, _ =	vpop (xrf2)  }
0x45d: {  	v19 =	vmov s30;
	v20 =	vmul.f32 v9, v10;
	v48 =	vld [tilespmem:s23+$0xAA90];
	v18 =	vbroadcast v18, $0xF  }
0x45e: {  	vm1 =	veq.s32 v19, v0;
	v9 =	vadd.f32 v13, v12;
	v12 =	vmul.f32 v16, v11;
	v13 =	vld [tilespmem:s23+$0xF680];
	(xrf2) =	vadd.scan.msk.f32 $0xffff, v6  }
0x45f: {  	v6 =	vmul.f32 v14, v10;
	v14 =	vld [tilespmem:s23+$0xF690];
	v21 =	vsel vm1, v18, v21;
	v16, _, _ =	vpop (xrf2)  }
0x460: {  	v12 =	vadd.f32 v12, v20;
	v19 =	vmul.f32 v15, v11;
	v18 =	vld [tilespmem:s23+$0xF700];
	v16 =	vbroadcast v16, $0xF  }
0x461: {  	v10 =	vmul.f32 v17, v10;
	v17 =	vld [tilespmem:s23+$0xF710];
	(xrf2) =	vadd.scan.msk.f32 $0xffff, v5  }
0x462: {  	v5 =	vadd.f32 v19, v6;
	v6 =	vmul.f32 v48, v11;
	v11 =	vld [tilespmem:s23+$0xF780];
	v30 =	vsel vm0, v16, v30;
	v15, _, _ =	vpop (xrf2)  }
0x463: {  	v13 =	vmul.f32 v13, v42;
	v16 =	vld [tilespmem:s23+$0xF790];
	v19 =	vbroadcast v15, $0xF  }
0x464: {  	v6 =	vadd.f32 v6, v10;
	v10 =	vmul.f32 v14, v43;
	v14 =	vld [tilespmem:s23+$0xF800];
	(xrf2) =	vadd.scan.msk.f32 $0xffff, v2  }
0x465: {  	v2 =	vmul.f32 v18, v42;
	v18 =	vld [tilespmem:s23+$0xF810];
	v29 =	vsel vm0, v19, v29;
	v15, _, _ =	vpop (xrf2)  }
0x466: {  	v10 =	vadd.f32 v10, v13;
	v13 =	vmul.f32 v17, v43;
	v17 =	vld [tilespmem:s23+$0xF880];
	v20 =	vbroadcast v15, $0xF  }
0x467: {  	v11 =	vmul.f32 v11, v42;
	v19 =	vld [tilespmem:s23+$0xF890];
	(xrf2) =	vadd.scan.msk.f32 $0xffff, v47  }
0x468: {  	v2 =	vadd.f32 v13, v2;
	v13 =	vmul.f32 v16, v43;
	v16 =	vld [tilespmem:s23+$0xF900];
	v28 =	vsel vm0, v20, v28;
	v15, _, _ =	vpop (xrf2)  }
0x469: {  	v14 =	vmul.f32 v14, v42;
	v20 =	vld [tilespmem:s23+$0xF910];
	v48 =	vbroadcast v15, $0xF  }
0x46a: {  	v11 =	vadd.f32 v13, v11;
	v13 =	vmul.f32 v18, v43;
	v18 =	vld [tilespmem:s23+$0xF980]  }
0x46b: {  	v17 =	vmul.f32 v17, v42;
	v47 =	vld [tilespmem:s23+$0xF990];
	v26 =	vsel vm0, v48, v26;
	v15, _, _ =	vpop (xrf2)  }
0x46c: {  	v13 =	vadd.f32 v13, v14;
	v14 =	vmul.f32 v19, v43;
	v19 =	vld [tilespmem:s23+$0xFA00];
	v50 =	vbroadcast v15, $0xF  }
0x46d: {  	v16 =	vmul.f32 v16, v42;
	v48 =	vld [tilespmem:s23+$0xFA10]  }
0x46e: {  	v49 =	vld [tilespmem:s23+$0xA620];
	v14 =	vadd.f32 v14, v17;
	v17 =	vmul.f32 v20, v43;
	v25 =	vsel vm0, v50, v25;
	v15, _, _ =	vpop (xrf2)  }
0x46f: {  	v20 =	vld [tilespmem:s23+$0xA6A0];
	v18 =	vmul.f32 v18, v42;
	v51 =	vbroadcast v15, $0xF  }
0x470: {  	v50 =	vld [tilespmem:s23+$0xA720];
	v16 =	vadd.f32 v17, v16;
	v17 =	vmul.f32 v47, v43  }
0x471: {  	v47 =	vld [tilespmem:s23+$0xA7A0];
	v19 =	vmul.f32 v19, v42;
	v24 =	vsel vm0, v51, v24;
	v15, _, _ =	vpop (xrf2)  }
0x472: {  	v42 =	vld [tilespmem:s23+$0xA820];
	v17 =	vadd.f32 v17, v18;
	v18 =	vmul.f32 v48, v43;
	v15 =	vbroadcast v15, $0xF  }
0x473: {  	v43 =	vld [tilespmem:s23+$0xA8A0]  }
0x474: {  	v20 =	vmul.f32 v20, v49;
	v48 =	vld [tilespmem:s23+$0xA920];
	v18 =	vadd.f32 v18, v19;
	v23 =	vsel vm0, v15, v23  }
0x475: {  	vm0 =	vmmov vm1;
	v15 =	vmul.f32 v50, v49;
	v19 =	vld [tilespmem:s23+$0xA9A0]  }
0x476: {  	v1 =	vadd.f32 v20, v1;
	v20 =	vmul.f32 v47, v49;
	v47 =	vld [tilespmem:s23+$0xAA20]  }
0x477: {  	v4 =	vadd.f32 v15, v4;
	v15 =	vmul.f32 v42, v49;
	v42 =	vld [tilespmem:s23+$0xAAA0]  }
0x478: {  	v7 =	vadd.f32 v20, v7;
	v20 =	vmul.f32 v43, v49;
	v43 =	vld [tilespmem:s23+$0xF6A0]  }
0x479: {  	v3 =	vadd.f32 v15, v3;
	v15 =	vmul.f32 v48, v49;
	v48 =	vld [tilespmem:s23+$0xF720]  }
0x47a: {  	v8 =	vadd.f32 v20, v8;
	v19 =	vmul.f32 v19, v49;
	v20 =	vld [tilespmem:s23+$0xF7A0]  }
0x47b: {  	v9 =	vadd.f32 v15, v9;
	v15 =	vmul.f32 v47, v49;
	v47 =	vld [tilespmem:s23+$0xF820]  }
0x47c: {  	v12 =	vadd.f32 v19, v12;
	v19 =	vmul.f32 v42, v49;
	v42 =	vld [tilespmem:s23+$0xF8A0]  }
0x47d: {  	v5 =	vadd.f32 v15, v5;
	v15 =	vmul.f32 v43, v46;
	v43 =	vld [tilespmem:s23+$0xF920]  }
0x47e: {  	v6 =	vadd.f32 v19, v6;
	v19 =	vmul.f32 v48, v46;
	v48 =	vld [tilespmem:s23+$0xF9A0]  }
0x47f: {  	v10 =	vadd.f32 v15, v10;
	v15 =	vmul.f32 v20, v46;
	v20 =	vld [tilespmem:s23+$0xFA20]  }
0x480: {  	v49 =	vld [tilespmem:s23+$0xA630];
	v2 =	vadd.f32 v19, v2;
	v19 =	vmul.f32 v47, v46  }
0x481: {  	v47 =	vld [tilespmem:s23+$0xA6B0];
	v11 =	vadd.f32 v15, v11;
	v15 =	vmul.f32 v42, v46  }
0x482: {  	v42 =	vld [tilespmem:s23+$0xA730];
	v13 =	vadd.f32 v19, v13;
	v19 =	vmul.f32 v43, v46  }
0x483: {  	v43 =	vld [tilespmem:s23+$0xA7B0];
	v14 =	vadd.f32 v15, v14;
	v15 =	vmul.f32 v48, v46  }
0x484: {  	v48 =	vld [tilespmem:s23+$0xA830];
	v16 =	vadd.f32 v19, v16;
	v19 =	vmul.f32 v20, v46  }
0x485: {  	v20 =	vld [tilespmem:s23+$0xA8B0];
	v15 =	vadd.f32 v15, v17  }
0x486: {  	v17 =	vmul.f32 v47, v49;
	v46 =	vld [tilespmem:s23+$0xA930];
	v18 =	vadd.f32 v19, v18  }
0x487: {  	v19 =	vmul.f32 v42, v49;
	v42 =	vld [tilespmem:s23+$0xA9B0]  }
0x488: {  	v1 =	vadd.f32 v17, v1;
	v17 =	vmul.f32 v43, v49;
	v43 =	vld [tilespmem:s23+$0xAA30]  }
0x489: {  	v4 =	vadd.f32 v19, v4;
	v19 =	vmul.f32 v48, v49;
	v47 =	vld [tilespmem:s23+$0xAAB0]  }
0x48a: {  	v7 =	vadd.f32 v17, v7;
	v17 =	vmul.f32 v20, v49;
	v20 =	vld [tilespmem:s23+$0xF6B0]  }
0x48b: {  	v3 =	vadd.f32 v19, v3;
	v19 =	vmul.f32 v46, v49;
	v46 =	vld [tilespmem:s23+$0xF730]  }
0x48c: {  	v8 =	vadd.f32 v17, v8;
	v17 =	vmul.f32 v42, v49;
	v42 =	vld [tilespmem:s23+$0xF7B0]  }
0x48d: {  	v9 =	vadd.f32 v19, v9;
	v19 =	vmul.f32 v43, v49;
	v43 =	vld [tilespmem:s23+$0xF830]  }
0x48e: {  	v12 =	vadd.f32 v17, v12;
	v17 =	vmul.f32 v47, v49;
	v47 =	vld [tilespmem:s23+$0xF8B0]  }
0x48f: {  	v5 =	vadd.f32 v19, v5;
	v19 =	vmul.f32 v20, v45;
	v20 =	vld [tilespmem:s23+$0xF930]  }
0x490: {  	v6 =	vadd.f32 v17, v6;
	v17 =	vmul.f32 v46, v45;
	v46 =	vld [tilespmem:s23+$0xF9B0]  }
0x491: {  	v10 =	vadd.f32 v19, v10;
	v19 =	vmul.f32 v42, v45;
	v42 =	vld [tilespmem:s23+$0xFA30]  }
0x492: {  	v48 =	vld [tilespmem:s23+$0xA640];
	v2 =	vadd.f32 v17, v2;
	v17 =	vmul.f32 v43, v45  }
0x493: {  	v43 =	vld [tilespmem:s23+$0xA6C0];
	v11 =	vadd.f32 v19, v11;
	v19 =	vmul.f32 v47, v45  }
0x494: {  	v47 =	vld [tilespmem:s23+$0xA740];
	v13 =	vadd.f32 v17, v13;
	v17 =	vmul.f32 v20, v45  }
0x495: {  	v20 =	vld [tilespmem:s23+$0xA7C0];
	v14 =	vadd.f32 v19, v14;
	v19 =	vmul.f32 v46, v45  }
0x496: {  	v46 =	vld [tilespmem:s23+$0xA840];
	v16 =	vadd.f32 v17, v16;
	v17 =	vmul.f32 v42, v45  }
0x497: {  	v42 =	vld [tilespmem:s23+$0xA8C0];
	v15 =	vadd.f32 v19, v15  }
0x498: {  	v19 =	vmul.f32 v43, v48;
	v43 =	vld [tilespmem:s23+$0xA940];
	v17 =	vadd.f32 v17, v18  }
0x499: {  	v18 =	vmul.f32 v47, v48;
	v45 =	vld [tilespmem:s23+$0xA9C0]  }
0x49a: {  	v1 =	vadd.f32 v19, v1;
	v19 =	vmul.f32 v20, v48;
	v20 =	vld [tilespmem:s23+$0xAA40]  }
0x49b: {  	v4 =	vadd.f32 v18, v4;
	v18 =	vmul.f32 v46, v48;
	v46 =	vld [tilespmem:s23+$0xAAC0]  }
0x49c: {  	v7 =	vadd.f32 v19, v7;
	v19 =	vmul.f32 v42, v48;
	v42 =	vld [tilespmem:s23+$0xF6C0]  }
0x49d: {  	v3 =	vadd.f32 v18, v3;
	v18 =	vmul.f32 v43, v48;
	v43 =	vld [tilespmem:s23+$0xF740]  }
0x49e: {  	v8 =	vadd.f32 v19, v8;
	v19 =	vmul.f32 v45, v48;
	v45 =	vld [tilespmem:s23+$0xF7C0]  }
0x49f: {  	v9 =	vadd.f32 v18, v9;
	v18 =	vmul.f32 v20, v48;
	v20 =	vld [tilespmem:s23+$0xF840]  }
0x4a0: {  	v12 =	vadd.f32 v19, v12;
	v19 =	vmul.f32 v46, v48;
	v46 =	vld [tilespmem:s23+$0xF8C0]  }
0x4a1: {  	v5 =	vadd.f32 v18, v5;
	v18 =	vmul.f32 v42, v44;
	v42 =	vld [tilespmem:s23+$0xF940]  }
0x4a2: {  	v6 =	vadd.f32 v19, v6;
	v19 =	vmul.f32 v43, v44;
	v43 =	vld [tilespmem:s23+$0xF9C0]  }
0x4a3: {  	v10 =	vadd.f32 v18, v10;
	v18 =	vmul.f32 v45, v44;
	v45 =	vld [tilespmem:s23+$0xFA40]  }
0x4a4: {  	v47 =	vld [tilespmem:s23+$0xA650];
	v2 =	vadd.f32 v19, v2;
	v19 =	vmul.f32 v20, v44  }
0x4a5: {  	v20 =	vld [tilespmem:s23+$0xA6D0];
	v11 =	vadd.f32 v18, v11;
	v18 =	vmul.f32 v46, v44  }
0x4a6: {  	v46 =	vld [tilespmem:s23+$0xA750];
	v13 =	vadd.f32 v19, v13;
	v19 =	vmul.f32 v42, v44  }
0x4a7: {  	v42 =	vld [tilespmem:s23+$0xA7D0];
	v14 =	vadd.f32 v18, v14;
	v18 =	vmul.f32 v43, v44  }
0x4a8: {  	v43 =	vld [tilespmem:s23+$0xA850];
	v16 =	vadd.f32 v19, v16;
	v19 =	vmul.f32 v45, v44  }
0x4a9: {  	v44 =	vld [tilespmem:s23+$0xA8D0];
	v15 =	vadd.f32 v18, v15  }
0x4aa: {  	v18 =	vmul.f32 v20, v47;
	v20 =	vld [tilespmem:s23+$0xA950];
	v17 =	vadd.f32 v19, v17  }
0x4ab: {  	v19 =	vmul.f32 v46, v47;
	v45 =	vld [tilespmem:s23+$0xA9D0]  }
0x4ac: {  	v1 =	vadd.f32 v18, v1;
	v18 =	vmul.f32 v42, v47;
	v42 =	vld [tilespmem:s23+$0xAA50]  }
0x4ad: {  	v4 =	vadd.f32 v19, v4;
	v19 =	vmul.f32 v43, v47;
	v43 =	vld [tilespmem:s23+$0xAAD0]  }
0x4ae: {  	v7 =	vadd.f32 v18, v7;
	v18 =	vmul.f32 v44, v47;
	v44 =	vld [tilespmem:s23+$0xF6D0]  }
0x4af: {  	v3 =	vadd.f32 v19, v3;
	v19 =	vmul.f32 v20, v47;
	v20 =	vld [tilespmem:s23+$0xF750]  }
0x4b0: {  	v8 =	vadd.f32 v18, v8;
	v18 =	vmul.f32 v45, v47;
	v45 =	vld [tilespmem:s23+$0xF7D0]  }
0x4b1: {  	v9 =	vadd.f32 v19, v9;
	v19 =	vmul.f32 v42, v47;
	v42 =	vld [tilespmem:s23+$0xF850]  }
0x4b2: {  	v12 =	vadd.f32 v18, v12;
	v18 =	vmul.f32 v43, v47;
	v43 =	vld [tilespmem:s23+$0xF8D0]  }
0x4b3: {  	v5 =	vadd.f32 v19, v5;
	v19 =	vmul.f32 v44, v41;
	v44 =	vld [tilespmem:s23+$0xF950]  }
0x4b4: {  	v6 =	vadd.f32 v18, v6;
	v18 =	vmul.f32 v20, v41;
	v20 =	vld [tilespmem:s23+$0xF9D0]  }
0x4b5: {  	v10 =	vadd.f32 v19, v10;
	v19 =	vmul.f32 v45, v41;
	v45 =	vld [tilespmem:s23+$0xFA50]  }
0x4b6: {  	v46 =	vld [tilespmem:s23+$0xA660];
	v2 =	vadd.f32 v18, v2;
	v18 =	vmul.f32 v42, v41  }
0x4b7: {  	v42 =	vld [tilespmem:s23+$0xA6E0];
	v11 =	vadd.f32 v19, v11;
	v19 =	vmul.f32 v43, v41  }
0x4b8: {  	v43 =	vld [tilespmem:s23+$0xA760];
	v13 =	vadd.f32 v18, v13;
	v18 =	vmul.f32 v44, v41  }
0x4b9: {  	v44 =	vld [tilespmem:s23+$0xA7E0];
	v14 =	vadd.f32 v19, v14;
	v19 =	vmul.f32 v20, v41  }
0x4ba: {  	v20 =	vld [tilespmem:s23+$0xA860];
	v16 =	vadd.f32 v18, v16;
	v18 =	vmul.f32 v45, v41  }
0x4bb: {  	v41 =	vld [tilespmem:s23+$0xA8E0];
	v15 =	vadd.f32 v19, v15  }
0x4bc: {  	v19 =	vmul.f32 v42, v46;
	v42 =	vld [tilespmem:s23+$0xA960];
	v17 =	vadd.f32 v18, v17  }
0x4bd: {  	v18 =	vmul.f32 v43, v46;
	v43 =	vld [tilespmem:s23+$0xA9E0]  }
0x4be: {  	v1 =	vadd.f32 v19, v1;
	v19 =	vmul.f32 v44, v46;
	v44 =	vld [tilespmem:s23+$0xAA60]  }
0x4bf: {  	v4 =	vadd.f32 v18, v4;
	v18 =	vmul.f32 v20, v46;
	v20 =	vld [tilespmem:s23+$0xAAE0]  }
0x4c0: {  	v7 =	vadd.f32 v19, v7;
	v19 =	vmul.f32 v41, v46;
	v41 =	vld [tilespmem:s23+$0xF6E0]  }
0x4c1: {  	v3 =	vadd.f32 v18, v3;
	v18 =	vmul.f32 v42, v46;
	v42 =	vld [tilespmem:s23+$0xF760]  }
0x4c2: {  	v8 =	vadd.f32 v19, v8;
	v19 =	vmul.f32 v43, v46;
	v43 =	vld [tilespmem:s23+$0xF7E0]  }
0x4c3: {  	v9 =	vadd.f32 v18, v9;
	v18 =	vmul.f32 v44, v46;
	v44 =	vld [tilespmem:s23+$0xF860]  }
0x4c4: {  	v12 =	vadd.f32 v19, v12;
	v19 =	vmul.f32 v20, v46;
	v20 =	vld [tilespmem:s23+$0xF8E0]  }
0x4c5: {  	v5 =	vadd.f32 v18, v5;
	v18 =	vmul.f32 v41, v40;
	v41 =	vld [tilespmem:s23+$0xF960]  }
0x4c6: {  	v6 =	vadd.f32 v19, v6;
	v19 =	vmul.f32 v42, v40;
	v42 =	vld [tilespmem:s23+$0xF9E0]  }
0x4c7: {  	v10 =	vadd.f32 v18, v10;
	v18 =	vmul.f32 v43, v40;
	v43 =	vld [tilespmem:s23+$0xFA60]  }
0x4c8: {  	v45 =	vld [tilespmem:s23+$0xA670];
	v2 =	vadd.f32 v19, v2;
	v19 =	vmul.f32 v44, v40  }
0x4c9: {  	v44 =	vld [tilespmem:s23+$0xA6F0];
	v18 =	vadd.f32 v18, v11;
	v11 =	vmul.f32 v20, v40  }
0x4ca: {  	v20 =	vld [tilespmem:s23+$0xA770];
	v19 =	vadd.f32 v19, v13;
	v13 =	vmul.f32 v41, v40  }
0x4cb: {  	v46 =	vld [tilespmem:s23+$0xA7F0];
	v41 =	vadd.f32 v11, v14;
	v11 =	vmul.f32 v42, v40  }
0x4cc: {  	v14 =	vld [tilespmem:s23+$0xA870];
	v54 =	vadd.f32 v13, v16;
	v13 =	vmul.f32 v43, v40  }
0x4cd: {  	v16 =	vld [tilespmem:s23+$0xA8F0];
	v53 =	vadd.f32 v11, v15  }
0x4ce: {  	v11 =	vmul.f32 v44, v45;
	v15 =	vld [tilespmem:s23+$0xA970];
	v52 =	vadd.f32 v13, v17  }
0x4cf: {  	v13 =	vmul.f32 v20, v45;
	v17 =	vld [tilespmem:s23+$0xA9F0]  }
0x4d0: {  	v1 =	vadd.f32 v11, v1;
	v11 =	vmul.f32 v46, v45;
	v20 =	vld [tilespmem:s23+$0xAA70]  }
0x4d1: {  	v13 =	vadd.f32 v13, v4;
	v4 =	vmul.f32 v14, v45;
	v14 =	vld [tilespmem:s23+$0xAAF0]  }
0x4d2: {  	v7 =	vadd.f32 v11, v7;
	v11 =	vmul.f32 v16, v45;
	v16 =	vld [tilespmem:s23+$0xF6F0];
	(xrf2) =	vadd.scan.msk.f32 $0xffff, v1  }
0x4d3: {  	v3 =	vadd.f32 v4, v3;
	v1 =	vmul.f32 v15, v45;
	v15 =	vld [tilespmem:s23+$0xF770]  }
0x4d4: {  	v11 =	vadd.f32 v11, v8;
	v8 =	vmul.f32 v17, v45;
	v17 =	vld [tilespmem:s23+$0xF7F0]  }
0x4d5: {  	v4 =	vadd.f32 v1, v9;
	v9 =	vmul.f32 v20, v45;
	v20 =	vld [tilespmem:s23+$0xF870];
	(xrf2) =	vadd.scan.msk.f32 $0xffff, v13  }
0x4d6: {  	v1 =	vadd.f32 v8, v12;
	v8 =	vmul.f32 v14, v45;
	v14 =	vld [tilespmem:s23+$0xF8F0]  }
0x4d7: {  	v58 =	vadd.f32 v9, v5;
	v5 =	vmul.f32 v16, v22;
	v16 =	vld [tilespmem:s23+$0xF970]  }
.Ltmp1:
0x4d8: {  	v57 =	vadd.f32 v8, v6;
	v6 =	vmul.f32 v15, v22;
	v12 =	vld [tilespmem:s23+$0xF9F0];
	(xrf2) =	vadd.scan.msk.f32 $0xffff, v7;
	(pc) =	sbr.rel @p1 .LBB2_5-.Ltmp1, $4  }
0x4d9: {  	v55 =	vadd.f32 v5, v10;
	v5 =	vmul.f32 v17, v22;
	v13 =	vld [tilespmem:s23+$0xFA70];
	s23 =	sshra.s32 s0, $0x2  }
0x4da: {  	v42 =	vld [tilespmem:s23+$0xF600];
	v51 =	vadd.f32 v6, v2;
	v2 =	vmul.f32 v20, v22  }
0x4db: {  	v43 =	vld [tilespmem:s23+$0xF610];
	v49 =	vadd.f32 v5, v18;
	v9 =	vmul.f32 v14, v22;
	(xrf2) =	vadd.scan.msk.f32 $0xffff, v3  }
0x4dc: {  	s0 =	sadd.s32 $0x1400, s0;
	v56 =	vld [tilespmem:s23+$0xFA80];
	v48 =	vadd.f32 v2, v19;
	v10 =	vmul.f32 v16, v22;
	v63, _, _ =	vpop (xrf2)  }
0x4dd: {  	v62 =	vld [tilespmem:s23+$0xA810];
	_ =	sdelay $0x4  }
0x4de: {  	[tilespmem:$0x1F0B0] =	vst v62;
	v62 =	vld [tilespmem:s23+$0xA880];
	_ =	sdelay $0x4  }
0x4df: {  	[tilespmem:$0x1F0C0] =	vst v62;
	v62 =	vld [tilespmem:s23+$0xA890];
	_ =	sdelay $0x4  }
0x4e0: {  	[tilespmem:$0x1F0D0] =	vst v62;
	v62 =	vld [tilespmem:s23+$0xA900];
	_ =	sdelay $0x4  }
0x4e1: {  	[tilespmem:$0x1F0E0] =	vst v62;
	v62 =	vld [tilespmem:s23+$0xA910];
	_ =	sdelay $0x4  }
0x4e2: {  	[tilespmem:$0x1F0F0] =	vst v62;
	v62 =	vld [tilespmem:s23+$0xA980];
	_ =	sdelay $0x4  }
0x4e3: {  	[tilespmem:$0x1F100] =	vst v62;
	v62 =	vld [tilespmem:s23+$0xA990];
	_ =	sdelay $0x4  }
0x4e4: {  	[tilespmem:$0x1F110] =	vst v62;
	v62 =	vld [tilespmem:s23+$0xAA00];
	_ =	sdelay $0x4  }
0x4e5: {  	[tilespmem:$0x1F120] =	vst v62;
	v62 =	vld [tilespmem:s23+$0xAA10];
	_ =	sdelay $0x4  }
0x4e6: {  	[tilespmem:$0x1F130] =	vst v62;
	v62 =	vld [tilespmem:s23+$0xAA80];
	_ =	sdelay $0x4  }
0x4e7: {  	[tilespmem:$0x1F140] =	vst v62;
	v62 =	vld [tilespmem:s23+$0xAA90];
	_ =	sdelay $0x4  }
0x4e8: {  	[tilespmem:$0x1F150] =	vst v62;
	v62 =	vld [tilespmem:s23+$0xF680];
	_ =	sdelay $0x4  }
0x4e9: {  	[tilespmem:$0x1F160] =	vst v62;
	v62 =	vld [tilespmem:s23+$0xF690];
	_ =	sdelay $0x4  }
0x4ea: {  	[tilespmem:$0x1F170] =	vst v62;
	v62 =	vld [tilespmem:s23+$0xF700];
	_ =	sdelay $0x4  }
0x4eb: {  	[tilespmem:$0x1F180] =	vst v62;
	v62 =	vld [tilespmem:s23+$0xF710];
	_ =	sdelay $0x4  }
0x4ec: {  	[tilespmem:$0x1F190] =	vst v62;
	v62 =	vld [tilespmem:s23+$0xF780];
	_ =	sdelay $0x4  }
0x4ed: {  	[tilespmem:$0x1F1A0] =	vst v62;
	v62 =	vld [tilespmem:s23+$0xF790];
	_ =	sdelay $0x4  }
0x4ee: {  	[tilespmem:$0x1F1B0] =	vst v62;
	v62 =	vld [tilespmem:s23+$0xF800];
	_ =	sdelay $0x4  }
0x4ef: {  	[tilespmem:$0x1F1C0] =	vst v62;
	v62 =	vld [tilespmem:s23+$0xF810];
	_ =	sdelay $0x4  }
0x4f0: {  	[tilespmem:$0x1F1D0] =	vst v62;
	v62 =	vld [tilespmem:s23+$0xF880];
	_ =	sdelay $0x4  }
0x4f1: {  	[tilespmem:$0x1F1E0] =	vst v62;
	v62 =	vld [tilespmem:s23+$0xF890];
	_ =	sdelay $0x1  }
0x4f2: {  	v2 =	vld [tilespmem:s23+$0xFA90]  }
0x4f3: {  	v50 =	vld [tilespmem:s23+$0xF620]  }
0x4f4: {  	v3 =	vld [tilespmem:s23+$0xFAA0]  }
0x4f5: {  	[tilespmem:$0x1F1F0] =	vst v62;
	v62 =	vld [tilespmem:s23+$0xF900]  }
0x4f6: {  	v47 =	vld [tilespmem:s23+$0xF630]  }
0x4f7: {  	v5 =	vld [tilespmem:s23+$0xFAB0]  }
0x4f8: {  	v56 =	vmul.f32 v56, v42;
	v2 =	vmul.f32 v2, v43;
	_ =	sdelay $0x1  }
0x4f9: {  	v3 =	vmul.f32 v3, v50;
	v2 =	vadd.f32 v2, v56;
	[tilespmem:$0x1F200] =	vst v62;
	v62 =	vld [tilespmem:s23+$0xF910];
	_ =	sdelay $0x1  }
0x4fa: {  	(xrf2) =	vadd.scan.msk.f32 $0xffff, v11;
	v2 =	vadd.f32 v3, v2;
	v3 =	vmul.f32 v5, v47  }
0x4fb: {  	(xrf2) =	vadd.scan.msk.f32 $0xffff, v4  }
0x4fc: {  	(xrf2) =	vadd.scan.msk.f32 $0xffff, v1;
	v1 =	vadd.f32 v3, v2;
	v3 =	vld [tilespmem:s23+$0xA7A0]  }
0x4fd: {  	[tilespmem:$0x1F210] =	vst v62;
	v62 =	vld [tilespmem:s23+$0xF980];
	_ =	sdelay $0x3  }
0x4fe: {  	[tilespmem:$0x1F280] =	vst v3;
	v3 =	vld [tilespmem:s23+$0xA820]  }
0x4ff: {  	[tilespmem:$0x1F220] =	vst v62;
	v62 =	vld [tilespmem:s23+$0xF990]  }
0x500: {  	v46 =	vld [tilespmem:s23+$0xF640]  }
0x501: {  	v6 =	vld [tilespmem:s23+$0xFAC0]  }
0x502: {  	v45 =	vld [tilespmem:s23+$0xF650]  }
0x503: {  	[tilespmem:$0x1F290] =	vst v3;
	v3 =	vld [tilespmem:s23+$0xA8A0]  }
0x504: {  	[tilespmem:$0x1F230] =	vst v62;
	v62 =	vld [tilespmem:s23+$0xFA00]  }
0x505: {  	v8 =	vld [tilespmem:s23+$0xFAD0]  }
0x506: {  	v44 =	vld [tilespmem:s23+$0xF660]  }
0x507: {  	v15 =	vld [tilespmem:s23+$0xFAE0]  }
0x508: {  	[tilespmem:$0x1F2A0] =	vst v3;
	v3 =	vld [tilespmem:s23+$0xA920]  }
0x509: {  	[tilespmem:$0x1F240] =	vst v62;
	v62 =	vld [tilespmem:s23+$0xFA10]  }
0x50a: {  	v40 =	vld [tilespmem:s23+$0xF670]  }
0x50b: {  	v16 =	vld [tilespmem:s23+$0xFAF0]  }
0x50c: {  	v7 =	vld [tilespmem:s23+$0xA600]  }
0x50d: {  	v2 =	vmul.f32 v6, v46;
	[tilespmem:$0x1F2B0] =	vst v3;
	v3 =	vld [tilespmem:s23+$0xA9A0]  }
0x50e: {  	[tilespmem:$0x1F250] =	vst v62;
	v62 =	vld [tilespmem:s23+$0xA6A0]  }
0x50f: {  	v17 =	vld [tilespmem:s23+$0xA680];
	(xrf2) =	vadd.scan.msk.f32 $0xffff, v58;
	v1 =	vadd.f32 v2, v1;
	v2 =	vmul.f32 v8, v45  }
0x510: {  	v59 =	vld [tilespmem:s23+$0xA780];
	(xrf2) =	vadd.scan.msk.f32 $0xffff, v57  }
0x511: {  	v58 =	vbroadcast v63, $0xF;
	v63 =	vld [tilespmem:s23+$0xAA20];
	(xrf2) =	vadd.scan.msk.f32 $0xffff, v55;
	v1 =	vadd.f32 v2, v1;
	v2 =	vmul.f32 v15, v44  }
0x512: {  	[tilespmem:$0x1F2C0] =	vst v3;
	v3 =	vadd.f32 v9, v41;
	v41 =	vld [tilespmem:s23+$0xAAA0]  }
0x513: {  	v15 =	vmul.f32 v16, v40;
	v1 =	vadd.f32 v2, v1;
	[tilespmem:$0x1F260] =	vst v62;
	v62, _, _ =	vpop (xrf2)  }
0x514: {  	v14 =	vld [tilespmem:s23+$0xA610];
	v5 =	vadd.f32 v10, v54;
	v54 =	vmul.f32 v13, v22;
	v16, _, _ =	vpop (xrf2)  }
0x515: {  	v18 =	vld [tilespmem:s23+$0xA690];
	v13 =	vmul.f32 v59, v7;
	v2 =	vmul.f32 v12, v22;
	v1 =	vadd.f32 v15, v1;
	v57, _, _ =	vpop (xrf2)  }
0x516: {  	v4 =	vsel vm0, v58, v27;
	[tilespmem:$0x1F2D0] =	vst v63;
	v55 =	vbroadcast v62, $0xF;
	v62 =	vbroadcast v16, $0xF;
	v63, _, _ =	vpop (xrf2)  }
0x517: {  	v60 =	vld [tilespmem:s23+$0xA790];
	[tilespmem:$0x1F2E0] =	vst v41;
	v41 =	vmul.f32 v17, v7;
	(xrf2) =	vadd.scan.msk.f32 $0xffff, v1;
	v27, _, _ =	vpop (xrf2);
	v1 =	vbroadcast v63, $0xF  }
0x518: {  	[tilespmem:$0x1F310] =	vst v4;
	v4 =	vsel vm0, v55, v39;
	v22 =	vbroadcast v57, $0xF;
	v8 =	vsel vm0, v62, v38;
	v38, _, _ =	vpop (xrf2)  }
0x519: {  	(xrf2) =	vadd.scan.msk.f32 $0xffff, v51;
	[tilespmem:$0x1F320] =	vst v4;
	v39 =	vbroadcast v38, $0xF;
	v51, _, _ =	vpop (xrf2);
	v1 =	vsel vm0, v1, v36  }
0x51a: {  	v6 =	vbroadcast v27, $0xF;
	v4 =	vsel vm0, v22, v37;
	[tilespmem:$0x1F350] =	vst v1;
	v1 =	vmul.f32 v18, v14;
	v12, _, _ =	vpop (xrf2)  }
0x51b: {  	[tilespmem:$0x1F340] =	vst v4;
	v9 =	vbroadcast v51, $0xF;
	v4 =	vsel vm0, v39, v34;
	v27 =	vbroadcast v12, $0xF;
	v37, _, _ =	vpop (xrf2)  }
0x51c: {  	v34 =	vadd.f32 v1, v41;
	v1 =	vmul.f32 v60, v14;
	v59 =	vbroadcast v37, $0xF  }
0x51d: {  	v38 =	vsel vm0, v9, v33  }
0x51e: {  	v9 =	vsel vm0, v27, v32;
	v27 =	vadd.f32 v1, v13;
	v1 =	vsel vm0, v59, v31  }
0x51f: {  	[tilespmem:$0x1F3A0] =	vst v1;
	v1 =	vld [tilespmem:$0x1F0E0];
	_ =	sdelay $0x4  }
0x520: {  	v10 =	vmul.f32 v1, v7;
	v1 =	vld [tilespmem:$0x1F0F0];
	_ =	sdelay $0x4  }
0x521: {  	v12 =	vmul.f32 v1, v14;
	v1 =	vld [tilespmem:$0x1F100];
	_ =	sdelay $0x4  }
0x522: {  	v13 =	vmul.f32 v1, v7;
	v1, _, _ =	vpop (xrf2)  }
0x523: {  	[tilespmem:$0x1F400] =	vst v1;
	v1 =	vld [tilespmem:$0x1F110];
	_ =	sdelay $0x4  }
0x524: {  	v31 =	vmul.f32 v1, v14;
	v1 =	vld [tilespmem:$0x1F120];
	_ =	sdelay $0x4  }
0x525: {  	v6 =	vsel vm0, v6, v35;
	v35 =	vmul.f32 v1, v7;
	v1 =	vld [tilespmem:$0x1F130]  }
0x526: {  	v19 =	vld [tilespmem:s23+$0xA700];
	(xrf2) =	vadd.scan.msk.f32 $0xffff, v49  }
0x527: {  	v20 =	vld [tilespmem:s23+$0xA710];
	(xrf2) =	vadd.scan.msk.f32 $0xffff, v48  }
0x528: {  	v61 =	vld [tilespmem:s23+$0xA800];
	v2 =	vadd.f32 v2, v53;
	(xrf2) =	vadd.scan.msk.f32 $0xffff, v3  }
0x529: {  	(xrf2) =	vadd.scan.msk.f32 $0xffff, v5;
	v60 =	vld [tilespmem:$0x1F0C0]  }
0x52a: {  	(xrf2) =	vadd.scan.msk.f32 $0xffff, v2;
	v2 =	vmul.f32 v1, v14;
	v1 =	vld [tilespmem:$0x1F140];
	_ =	sdelay $0x1  }
0x52b: {  	v62 =	vmul.f32 v19, v7;
	v63 =	vmul.f32 v20, v14  }
0x52c: {  	v39 =	vld [tilespmem:$0x1F0B0]  }
0x52d: {  	v36 =	vmul.f32 v61, v7;
	v33 =	vadd.f32 v63, v62;
	v62 =	vld [tilespmem:$0x1F0D0]  }
0x52e: {  	v61 =	vmul.f32 v60, v7;
	v7 =	vmul.f32 v1, v7;
	v1 =	vld [tilespmem:$0x1F150];
	_ =	sdelay $0x1  }
0x52f: {  	[tilespmem:$0x1F380] =	vst v38;
	v38, _, _ =	vpop (xrf2)  }
0x530: {  	v48 =	vbroadcast v38, $0xF  }
0x531: {  	v41 =	vmul.f32 v39, v14  }
0x532: {  	v63 =	vmul.f32 v62, v14;
	v14 =	vmul.f32 v1, v14;
	v1 =	vsel vm0, v48, v30  }
0x533: {  	[tilespmem:$0x1F3B0] =	vst v1;
	v1 =	vld [tilespmem:$0x1F160];
	_ =	sdelay $0x4  }
0x534: {  	[tilespmem:$0x1F330] =	vst v8;
	v8 =	vmul.f32 v1, v42;
	v1 =	vld [tilespmem:$0x1F170]  }
0x535: {  	v15 =	vadd.f32 v54, v52  }
0x536: {  	[tilespmem:$0x1F360] =	vst v6;
	v6, _, _ =	vpop (xrf2)  }
0x537: {  	(xrf2) =	vadd.scan.msk.f32 $0xffff, v15;
	v15 =	vbroadcast v6, $0xF;
	_ =	sdelay $0x1  }
0x538: {  	[tilespmem:$0x1F390] =	vst v9;
	v9 =	vmul.f32 v1, v43;
	v1 =	vsel vm0, v15, v29  }
0x539: {  	[tilespmem:$0x1F3C0] =	vst v1;
	v1 =	vld [tilespmem:$0x1F180];
	_ =	sdelay $0x2  }
0x53a: {  	s0 =	sadd.s32 $0x1, s30  }
0x53b: {  	v17 =	vmov s0  }
0x53c: {  	vm1 =	veq.s32 v17, v0;
	v17 =	vadd.f32 v12, v10;
	v10 =	vmul.f32 v1, v42;
	v1 =	vld [tilespmem:$0x1F190];
	_ =	sdelay $0x4  }
0x53d: {  	v18 =	vadd.f32 v2, v35;
	v2 =	vmul.f32 v1, v43;
	v1, _, _ =	vpop (xrf2)  }
0x53e: {  	v3 =	vbroadcast v1, $0xF;
	v1 =	vld [tilespmem:$0x1F1A0];
	_ =	sdelay $0x4  }
0x53f: {  	v20 =	vmul.f32 v1, v42;
	v1 =	vld [tilespmem:$0x1F1B0];
	_ =	sdelay $0x3  }
0x540: {  	v19 =	vadd.f32 v31, v13  }
0x541: {  	v13 =	vadd.f32 v14, v7;
	v14 =	vadd.f32 v9, v8;
	v8 =	vmul.f32 v1, v43;
	v1 =	vld [tilespmem:$0x1F1C0];
	_ =	sdelay $0x4  }
0x542: {  	v9 =	vmul.f32 v1, v42;
	v1, _, _ =	vpop (xrf2)  }
0x543: {  	v12 =	vadd.f32 v2, v10;
	v10 =	vbroadcast v1, $0xF;
	v1 =	vld [tilespmem:$0x1F1D0];
	_ =	sdelay $0x4  }
0x544: {  	v48 =	vsel vm0, v3, v28;
	v3 =	vmul.f32 v1, v43;
	v1 =	vld [tilespmem:$0x1F1E0];
	_ =	sdelay $0x2  }
0x545: {  	v11 =	vld [tilespmem:s23+$0xA720];
	_ =	sdelay $0x1  }
0x546: {  	v15 =	vadd.f32 v8, v20;
	v20 =	vmul.f32 v1, v42;
	v1 =	vld [tilespmem:$0x1F1F0];
	_ =	sdelay $0x1  }
0x547: {  	v58 =	vld [tilespmem:s23+$0xF6A0]  }
0x548: {  	[tilespmem:$0x1F270] =	vst v11;
	v11 =	vld [tilespmem:s23+$0xA630]  }
0x549: {  	v56 =	vld [tilespmem:s23+$0xA620]  }
0x54a: {  	v16 =	vld [tilespmem:s23+$0xF720];
	v2 =	vmul.f32 v1, v43;
	v1, _, _ =	vpop (xrf2)  }
0x54b: {  	v9 =	vadd.f32 v3, v9;
	v3 =	vbroadcast v1, $0xF;
	v1 =	vld [tilespmem:$0x1F200]  }
0x54c: {  	[tilespmem:$0x1F2F0] =	vst v58;
	v58 =	vld [tilespmem:s23+$0xF7A0]  }
0x54d: {  	v54 =	vld [tilespmem:s23+$0xF8A0]  }
0x54e: {  	v53 =	vld [tilespmem:s23+$0xF9A0]  }
0x54f: {  	v52 =	vld [tilespmem:s23+$0xFA20]  }
0x550: {  	[tilespmem:$0x1F300] =	vst v16;
	v16 =	vmul.f32 v1, v42;
	v1 =	vld [tilespmem:$0x1F210]  }
0x551: {  	v57 =	vld [tilespmem:s23+$0xF820]  }
0x552: {  	v55 =	vld [tilespmem:s23+$0xF920]  }
0x553: {  	v49 =	vld [tilespmem:s23+$0xA730]  }
0x554: {  	v51 =	vld [tilespmem:s23+$0xA6B0]  }
0x555: {  	[tilespmem:$0x1F370] =	vst v4;
	v37 =	vld [tilespmem:s23+$0xAAB0];
	v4 =	vsel vm0, v10, v26;
	v10 =	vadd.f32 v2, v20;
	v20 =	vmul.f32 v1, v43;
	v1, _, _ =	vpop (xrf2)  }
0x556: {  	v59 =	vld [tilespmem:s23+$0xA8B0];
	v2 =	vsel vm0, v3, v25;
	v3 =	vbroadcast v1, $0xF;
	v1, _, _ =	vpop (xrf2)  }
0x557: {  	v39 =	vld [tilespmem:s23+$0xA830];
	v1 =	vbroadcast v1, $0xF  }
0x558: {  	v62 =	vld [tilespmem:s23+$0xA930]  }
0x559: {  	v60 =	vld [tilespmem:$0x1F230];
	v1 =	vsel vm0, v1, v23  }
0x55a: {  	[tilespmem:$0x1F410] =	vst v1;
	v1 =	vld [tilespmem:$0x1F260]  }
0x55b: {  	v32 =	vadd.f32 v41, v36;
	v41 =	vld [tilespmem:s23+$0xA7B0]  }
0x55c: {  	v36 =	vld [tilespmem:s23+$0xF730]  }
0x55d: {  	v22 =	vadd.f32 v63, v61;
	v61 =	vld [tilespmem:s23+$0xA9B0]  }
0x55e: {  	v8 =	vadd.f32 v20, v16;
	v16 =	vld [tilespmem:$0x1F240]  }
0x55f: {  	v23 =	vmul.f32 v1, v56;
	v1 =	vld [tilespmem:$0x1F270]  }
0x560: {  	v63 =	vld [tilespmem:s23+$0xF6B0]  }
0x561: {  	v38 =	vld [tilespmem:s23+$0xAA30];
	v3 =	vsel vm0, v3, v24  }
0x562: {  	[tilespmem:$0x1F3F0] =	vst v3;
	v3 =	vld [tilespmem:$0x1F250]  }
0x563: {  	v31 =	vld [tilespmem:s23+$0xF830]  }
0x564: {  	v20 =	vmul.f32 v16, v42;
	v16 =	vmul.f32 v1, v56;
	v1 =	vld [tilespmem:$0x1F280]  }
0x565: {  	v35 =	vld [tilespmem:s23+$0xF7B0]  }
0x566: {  	v30 =	vld [tilespmem:s23+$0xF8B0]  }
0x567: {  	[tilespmem:$0x1F3E0] =	vst v2;
	v2 =	vld [tilespmem:$0x1F220];
	v3 =	vmul.f32 v3, v43  }
0x568: {  	v29 =	vld [tilespmem:s23+$0xF930]  }
0x569: {  	v5 =	vadd.f32 v3, v20;
	v3 =	vld [tilespmem:$0x1F290];
	v1 =	vmul.f32 v1, v56  }
0x56a: {  	v28 =	vld [tilespmem:s23+$0xF9B0]  }
0x56b: {  	v7 =	vadd.f32 v1, v27;
	v1 =	vld [tilespmem:$0x1F2B0]  }
0x56c: {  	v60 =	vmul.f32 v60, v43;
	v26 =	vld [tilespmem:s23+$0xFA30];
	[tilespmem:$0x1F3D0] =	vst v4;
	v4 =	vmul.f32 v2, v42  }
0x56d: {  	v25 =	vld [tilespmem:s23+$0xA6C0]  }
0x56e: {  	v6 =	vadd.f32 v60, v4;
	v4 =	vadd.f32 v23, v34;
	v34 =	vmul.f32 v3, v56;
	v3 =	vld [tilespmem:$0x1F2A0]  }
0x56f: {  	v2 =	vld [tilespmem:s23+$0xA640]  }
0x570: {  	v33 =	vadd.f32 v16, v33;
	v16 =	vmul.f32 v1, v56;
	v1 =	vld [tilespmem:$0x1F2C0]  }
0x571: {  	v60 =	vld [tilespmem:s23+$0xA7C0]  }
0x572: {  	v24 =	vld [tilespmem:s23+$0xA840]  }
0x573: {  	v23 =	vld [tilespmem:s23+$0xA8C0];
	v3 =	vmul.f32 v3, v56  }
0x574: {  	v42 =	vld [tilespmem:s23+$0xA940]  }
0x575: {  	v3 =	vadd.f32 v3, v22;
	v22 =	vmul.f32 v1, v56;
	v1 =	vld [tilespmem:$0x1F2D0]  }
0x576: {  	v59 =	vmul.f32 v59, v11;
	v43 =	vld [tilespmem:s23+$0xA740]  }
0x577: {  	v20 =	vld [tilespmem:s23+$0xAAC0]  }
0x578: {  	v23 =	vmul.f32 v23, v2;
	v32 =	vadd.f32 v34, v32;
	v34 =	vld [tilespmem:s23+$0xA9C0];
	v3 =	vadd.f32 v59, v3  }
0x579: {  	v59 =	vmul.f32 v63, v47;
	v63 =	vmul.f32 v31, v47;
	v31 =	vld [tilespmem:s23+$0xA850]  }
0x57a: {  	v3 =	vadd.f32 v23, v3;
	v23 =	vld [tilespmem:s23+$0xF7D0];
	v27 =	vmul.f32 v1, v56  }
0x57b: {  	v17 =	vadd.f32 v16, v17;
	v16 =	vld [tilespmem:s23+$0xAA40]  }
0x57c: {  	v1 =	vld [tilespmem:$0x1F2E0];
	v18 =	vadd.f32 v27, v18;
	v27 =	vmul.f32 v58, v50  }
0x57d: {  	v58 =	vmul.f32 v57, v50;
	v57 =	vmul.f32 v55, v50;
	v55 =	vld [tilespmem:s23+$0xF7C0]  }
0x57e: {  	v15 =	vadd.f32 v27, v15;
	v27 =	vmul.f32 v54, v50;
	v54 =	vmul.f32 v51, v11;
	v51 =	vld [tilespmem:s23+$0xF8C0]  }
0x57f: {  	v8 =	vadd.f32 v57, v8;
	v57 =	vmul.f32 v49, v11;
	v49 =	vld [tilespmem:s23+$0xF940]  }
0x580: {  	v9 =	vadd.f32 v58, v9;
	v58 =	vmul.f32 v53, v50;
	v53 =	vld [tilespmem:s23+$0xFA40]  }
0x581: {  	v39 =	vmul.f32 v39, v11;
	v56 =	vmul.f32 v1, v56;
	v1 =	vld [tilespmem:$0x1F2F0]  }
0x582: {  	v6 =	vadd.f32 v58, v6;
	v58 =	vmul.f32 v41, v11;
	v41 =	vld [tilespmem:s23+$0xF9C0]  }
0x583: {  	v35 =	vmul.f32 v35, v47;
	v10 =	vadd.f32 v27, v10;
	v27 =	vadd.f32 v39, v32;
	v39 =	vld [tilespmem:s23+$0xA650]  }
0x584: {  	v32 =	vld [tilespmem:s23+$0xA8D0]  }
0x585: {  	v15 =	vadd.f32 v35, v15;
	v35 =	vmul.f32 v29, v47;
	v29 =	vld [tilespmem:s23+$0xA950]  }
0x586: {  	v30 =	vmul.f32 v30, v47;
	v13 =	vadd.f32 v56, v13;
	v56 =	vld [tilespmem:s23+$0xF6C0]  }
0x587: {  	v28 =	vmul.f32 v28, v47;
	v7 =	vadd.f32 v58, v7;
	v58 =	vmul.f32 v38, v11;
	v38 =	vld [tilespmem:s23+$0xA6D0]  }
0x588: {  	v25 =	vmul.f32 v25, v2;
	v4 =	vadd.f32 v54, v4;
	v10 =	vadd.f32 v30, v10;
	v30 =	vld [tilespmem:s23+$0xA9D0]  }
0x589: {  	v62 =	vmul.f32 v62, v11;
	v6 =	vadd.f32 v28, v6;
	v28 =	vld [tilespmem:s23+$0xAA50]  }
0x58a: {  	v4 =	vadd.f32 v25, v4;
	v25 =	vld [tilespmem:s23+$0xF8D0]  }
0x58b: {  	v17 =	vadd.f32 v62, v17;
	v8 =	vadd.f32 v35, v8;
	v35 =	vld [tilespmem:$0x1FD10]  }
0x58c: {  	v19 =	vadd.f32 v22, v19;
	v54 =	vmul.f32 v42, v2;
	v22 =	vmul.f32 v1, v50;
	v1 =	vld [tilespmem:$0x1F300]  }
0x58d: {  	v16 =	vmul.f32 v16, v2;
	v9 =	vadd.f32 v63, v9;
	v63 =	vmul.f32 v41, v46;
	v41 =	vld [tilespmem:s23+$0xA660]  }
0x58e: {  	v17 =	vadd.f32 v54, v17;
	v18 =	vadd.f32 v58, v18;
	v54 =	vmul.f32 v32, v39;
	v32 =	vld [tilespmem:$0x1FBC0]  }
0x58f: {  	v14 =	vadd.f32 v22, v14;
	v22 =	vld [tilespmem:s23+$0xF740]  }
0x590: {  	v16 =	vadd.f32 v16, v18;
	v6 =	vadd.f32 v63, v6;
	v28 =	vmul.f32 v28, v39;
	v63 =	vld [tilespmem:s23+$0xAA60]  }
0x591: {  	v62 =	vadd.f32 v59, v14;
	v59 =	vmul.f32 v55, v46;
	v55 =	vld [tilespmem:s23+$0xA860];
	v1 =	vmul.f32 v1, v50  }
0x592: {  	v50 =	vmul.f32 v52, v50;
	v52 =	vld [tilespmem:s23+$0xF840]  }
0x593: {  	v16 =	vadd.f32 v28, v16;
	v28 =	vld [tilespmem:$0x1FC40];
	v1 =	vadd.f32 v1, v12  }
0x594: {  	v12 =	vadd.f32 v57, v33;
	v57 =	vmul.f32 v61, v11;
	v11 =	vmul.f32 v37, v11;
	v37 =	vld [tilespmem:s23+$0xA750]  }
0x595: {  	v61 =	vmul.f32 v36, v47;
	v36 =	vld [tilespmem:s23+$0xA7D0]  }
0x596: {  	v26 =	vmul.f32 v26, v47;
	v5 =	vadd.f32 v50, v5;
	v50 =	vmul.f32 v24, v2;
	v24 =	vld [tilespmem:s23+$0xF6D0]  }
0x597: {  	v33 =	vld [tilespmem:s23+$0xF950]  }
0x598: {  	v43 =	vmul.f32 v43, v2;
	v5 =	vadd.f32 v26, v5;
	v26 =	vld [tilespmem:s23+$0xAAD0]  }
0x599: {  	v58 =	vmul.f32 v56, v46;
	v19 =	vadd.f32 v57, v19;
	v57 =	vmul.f32 v34, v2;
	v34 =	vld [tilespmem:s23+$0xF750]  }
0x59a: {  	v47 =	vmul.f32 v60, v2;
	v2 =	vmul.f32 v20, v2;
	v20 =	vld [tilespmem:s23+$0xF850]  }
0x59b: {  	v14 =	vadd.f32 v50, v27;
	v27 =	vld [tilespmem:s23+$0xFA50]  }
0x59c: {  	v11 =	vadd.f32 v11, v13;
	v13 =	vadd.f32 v58, v62;
	v62 =	vmul.f32 v49, v46;
	v49 =	vld [tilespmem:s23+$0xA6E0]  }
0x59d: {  	v1 =	vadd.f32 v61, v1;
	v61 =	vmul.f32 v51, v46;
	v51 =	vld [tilespmem:s23+$0xA760]  }
0x59e: {  	v22 =	vmul.f32 v22, v46;
	v12 =	vadd.f32 v43, v12;
	v43 =	vld [tilespmem:s23+$0xF760]  }
0x59f: {  	v60 =	vmul.f32 v52, v46;
	v46 =	vmul.f32 v53, v46;
	v53 =	vld [tilespmem:s23+$0xA7E0]  }
0x5a0: {  	v52 =	vmul.f32 v31, v39;
	v31 =	vld [tilespmem:s23+$0xA770]  }
0x5a1: {  	v1 =	vadd.f32 v22, v1;
	v22 =	vld [tilespmem:s23+$0xF9D0]  }
0x5a2: {  	v7 =	vadd.f32 v47, v7;
	v19 =	vadd.f32 v57, v19;
	v57 =	vld [tilespmem:s23+$0xA8E0]  }
0x5a3: {  	v47 =	vmul.f32 v38, v39;
	v2 =	vadd.f32 v2, v11;
	v11 =	vadd.f32 v59, v15;
	v59 =	vld [tilespmem:s23+$0xA960]  }
0x5a4: {  	v10 =	vadd.f32 v61, v10;
	v61 =	vld [tilespmem:s23+$0xA9E0]  }
0x5a5: {  	v4 =	vadd.f32 v47, v4;
	v47 =	vld [tilespmem:s23+$0xF7E0]  }
0x5a6: {  	v23 =	vmul.f32 v23, v45;
	v50 =	vmul.f32 v36, v39;
	v36 =	vld [tilespmem:s23+$0xAAE0]  }
0x5a7: {  	v14 =	vadd.f32 v52, v14;
	v52 =	vmul.f32 v55, v41;
	v55 =	vld [tilespmem:s23+$0xF960]  }
0x5a8: {  	v29 =	vmul.f32 v29, v39;
	v56 =	vmul.f32 v30, v39;
	v11 =	vadd.f32 v23, v11;
	v23 =	vld [tilespmem:s23+$0xA670]  }
0x5a9: {  	v37 =	vmul.f32 v37, v39;
	v58 =	vmul.f32 v26, v39;
	v39 =	vld [tilespmem:s23+$0xF6E0]  }
0x5aa: {  	v5 =	vadd.f32 v46, v5;
	v46 =	vmul.f32 v49, v41;
	v49 =	vmul.f32 v51, v41;
	v51 =	vld [tilespmem:s23+$0xF860]  }
0x5ab: {  	v12 =	vadd.f32 v37, v12;
	v37 =	vmul.f32 v33, v45;
	v33 =	vld [tilespmem:$0x1FBB0]  }
0x5ac: {  	v14 =	vadd.f32 v52, v14;
	v52 =	vld [tilespmem:s23+$0xA9F0]  }
0x5ad: {  	v3 =	vadd.f32 v54, v3;
	v7 =	vadd.f32 v50, v7;
	v50 =	vmul.f32 v53, v41;
	v53 =	vld [tilespmem:s23+$0xF8E0]  }
0x5ae: {  	v8 =	vadd.f32 v62, v8;
	v62 =	vmul.f32 v34, v45;
	v54 =	vmul.f32 v57, v41;
	v57 =	vld [tilespmem:s23+$0xF9E0]  }
0x5af: {  	v15 =	vadd.f32 v56, v19;
	v56 =	vmul.f32 v59, v41;
	v59 =	vld [tilespmem:s23+$0xFA60]  }
0x5b0: {  	v1 =	vadd.f32 v62, v1;
	v62 =	vld [tilespmem:s23+$0xA6F0]  }
0x5b1: {  	v17 =	vadd.f32 v29, v17;
	v34 =	vmul.f32 v25, v45;
	v4 =	vadd.f32 v46, v4;
	v46 =	vld [tilespmem:s23+$0xA8F0]  }
0x5b2: {  	v9 =	vadd.f32 v60, v9;
	v29 =	vmul.f32 v20, v45;
	v8 =	vadd.f32 v37, v8;
	v37 =	vld [tilespmem:$0x1FB80]  }
0x5b3: {  	v60 =	vmul.f32 v24, v45;
	v10 =	vadd.f32 v34, v10;
	v34 =	vld [tilespmem:$0x1FB90]  }
0x5b4: {  	v9 =	vadd.f32 v29, v9;
	v42 =	vmul.f32 v22, v45;
	v45 =	vmul.f32 v27, v45;
	v29 =	vld [tilespmem:$0x1FC30]  }
0x5b5: {  	v2 =	vadd.f32 v58, v2;
	v24 =	vmul.f32 v61, v41;
	v58 =	vmul.f32 v63, v41;
	v27 =	vld [tilespmem:$0x1FD30]  }
0x5b6: {  	v25 =	vmul.f32 v36, v41;
	v41 =	vmul.f32 v55, v44;
	v55 =	vld [tilespmem:s23+$0xAAF0]  }
0x5b7: {  	v13 =	vadd.f32 v60, v13;
	v36 =	vld [tilespmem:$0x1FD00];
	v60 =	vmul.f32 v39, v44;
	v39 =	vmul.f32 v53, v44  }
0x5b8: {  	v12 =	vadd.f32 v49, v12;
	v6 =	vadd.f32 v42, v6;
	v42 =	vld [tilespmem:s23+$0xA7F0]  }
0x5b9: {  	vm15 =	vmmov vm1;
	v7 =	vadd.f32 v50, v7;
	v10 =	vadd.f32 v39, v10;
	v39 =	vld [tilespmem:$0x1FB60]  }
0x5ba: {  	v61 =	vmul.f32 v43, v44;
	v5 =	vadd.f32 v45, v5;
	v3 =	vadd.f32 v54, v3;
	v45 =	vld [tilespmem:s23+$0xA870]  }
0x5bb: {  	v63 =	vmul.f32 v47, v44;
	v17 =	vadd.f32 v56, v17;
	v15 =	vadd.f32 v24, v15;
	v54 =	vld [tilespmem:s23+$0xAA70]  }
0x5bc: {  	v16 =	vadd.f32 v58, v16;
	v1 =	vadd.f32 v61, v1;
	v58 =	vld [tilespmem:s23+$0xF770];
	v30 =	vmul.f32 v51, v44  }
0x5bd: {  	v11 =	vadd.f32 v63, v11;
	v2 =	vadd.f32 v25, v2;
	v25 =	vmul.f32 v31, v23;
	v31 =	vld [tilespmem:$0x1FC00]  }
0x5be: {  	v13 =	vadd.f32 v60, v13;
	v9 =	vadd.f32 v30, v9;
	v30 =	vld [tilespmem:$0x1FC10];
	v47 =	vmax.f32 v39, v37  }
0x5bf: {  	v51 =	vld [tilespmem:s23+$0xA970];
	v49 =	vmul.f32 v59, v44;
	v20 =	vmul.f32 v62, v23;
	v50 =	vmax.f32 v47, v34  }
0x5c0: {  	v63 =	vld [tilespmem:s23+$0xF870];
	v12 =	vadd.f32 v25, v12;
	v19 =	vmul.f32 v46, v23;
	v18 =	vmax.f32 v50, v33  }
0x5c1: {  	v4 =	vadd.f32 v20, v4;
	v56 =	vmul.f32 v45, v23;
	v45 =	vld [tilespmem:$0x1FC80];
	v18 =	vmax.f32 v18, v32  }
0x5c2: {  	v60 =	vmul.f32 v52, v23;
	v26 =	vadd.f32 v49, v5;
	v49 =	vld [tilespmem:$0x1FC90];
	v18 =	vmax.f32 v18, v31  }
0x5c3: {  	v52 =	vld [tilespmem:$0x1FCB0];
	v53 =	vmul.f32 v42, v23;
	v46 =	vmul.f32 v54, v23;
	(xrf2) =	vadd.scan.msk.f32 $0xffff, v4;
	v18 =	vmax.f32 v18, v30  }
0x5c4: {  	v20 =	vmul.f32 v55, v23;
	v22 =	vmul.f32 v51, v23;
	v23 =	vld [tilespmem:$0x1FCC0];
	v18 =	vmax.f32 v18, v29  }
0x5c5: {  	v43 =	vmul.f32 v57, v44;
	v62 =	vld [tilespmem:s23+$0xF7F0];
	v5 =	vadd.f32 v53, v7;
	(xrf2) =	vadd.scan.msk.f32 $0xffff, v12;
	v61 =	vmax.f32 v18, v28  }
0x5c6: {  	v8 =	vadd.f32 v41, v8;
	v57 =	vld [tilespmem:s23+$0xF6F0];
	v59 =	vadd.f32 v56, v14;
	v14 =	vmax.f32 v61, v45  }
0x5c7: {  	v25 =	vld [tilespmem:$0x1FD40];
	v6 =	vadd.f32 v43, v6;
	v3 =	vadd.f32 v19, v3;
	(xrf2) =	vadd.scan.msk.f32 $0xffff, v5;
	v14 =	vmax.f32 v14, v49  }
0x5c8: {  	v51 =	vld [tilespmem:s23+$0xF970];
	v7 =	vadd.f32 v60, v15;
	v17 =	vadd.f32 v22, v17;
	(xrf2) =	vadd.scan.msk.f32 $0xffff, v59;
	v14 =	vmax.f32 v14, v52  }
0x5c9: {  	v24 =	vld [tilespmem:$0x1FB00];
	v16 =	vadd.f32 v46, v16;
	v2 =	vadd.f32 v20, v2;
	(xrf2) =	vadd.scan.msk.f32 $0xffff, v3;
	v14 =	vmax.f32 v14, v23  }
0x5ca: {  	v55 =	vld [tilespmem:s23+$0xFA70];
	v53 =	vmul.f32 v58, v40;
	v54 =	vmul.f32 v62, v40;
	(xrf2) =	vadd.scan.msk.f32 $0xffff, v17;
	v14 =	vmax.f32 v14, v36  }
0x5cb: {  	v56 =	vmul.f32 v63, v40;
	v50 =	vmul.f32 v57, v40;
	v3 =	vld [tilespmem:s23+$0xF9F0];
	(xrf2) =	vadd.scan.msk.f32 $0xffff, v7;
	v14 =	vmax.f32 v14, v35  }
0x5cc: {  	v1 =	vadd.f32 v53, v1;
	v47 =	vld [tilespmem:s23+$0xF8F0];
	v4 =	vadd.f32 v54, v11;
	(xrf2) =	vadd.scan.msk.f32 $0xffff, v16;
	v14 =	vmax.f32 v14, v27  }
0x5cd: {  	v20 =	vld [tilespmem:$0x1F310];
	v5 =	vmul.f32 v51, v40;
	v13 =	vadd.f32 v50, v13;
	(xrf2) =	vadd.scan.msk.f32 $0xffff, v2;
	v2, _, _ =	vpop (xrf2);
	v58 =	vmax.f32 v14, v25  }
0x5ce: {  	v7 =	vadd.f32 v56, v9;
	v2 =	vbroadcast v2, $0xF;
	v14 =	vmax.f32 v58, v24  }
0x5cf: {  	v22 =	vld [tilespmem:$0x1F320];
	v60 =	vmul.f32 v55, v40;
	v8 =	vadd.f32 v5, v8;
	(xrf2) =	vadd.scan.msk.f32 $0xffff, v13;
	v61, _, _ =	vpop (xrf2);
	v59 =	vsub.f32 v39, v14  }
0x5d0: {  	v42 =	vld [tilespmem:$0x1F330];
	v3 =	vmul.f32 v3, v40;
	(xrf2) =	vadd.scan.msk.f32 $0xffff, v1;
	v1 =	vbroadcast v61, $0xF;
	v62 =	vsub.f32 v45, v14  }
0x5d1: {  	v16 =	vadd.f32 v60, v26;
	v57 =	vmul.f32 v47, v40;
	v63 =	vmul.f32 $1.442695020e+00, v59  }
0x5d2: {  	v15 =	vadd.f32 v3, v6;
	v5 =	vsel vm15, v2, v20;
	v2, _, _ =	vpop (xrf2);
	v3 =	vmul.f32 $1.442695020e+00, v62  }
0x5d3: {  	v9 =	vadd.f32 v57, v10;
	v2 =	vbroadcast v2, $0xF;
	(erf) = vpow2.f32 v63  }
0x5d4: {  	v11 =	vsel vm15, v1, v22;
	(xrf2) =	vadd.scan.msk.f32 $0xffff, v4;
	v1, _, _ =	vpop (xrf2);
	(erf) = vpow2.f32 v3;
	v3 =	vsub.f32 v37, v14  }
0x5d5: {  	v1 =	vbroadcast v1, $0xF;
	v6 =	vsel vm15, v2, v42;
	v41 =	vsub.f32 v49, v14  }
0x5d6: {  	v26, _, _ =	vpop (xrf2);
	v47 =	vsub.f32 v34, v14;
	v50 =	vsub.f32 v52, v14;
	v43 =	vmul.f32 $1.442695020e+00, v3;
	v3 =	vld [tilespmem:$0x1F340]  }
0x5d7: {  	(xrf2) =	vadd.scan.msk.f32 $0xffff, v7;
	v39, _, _ =	vpop (xrf2);
	v40 =	vbroadcast v26, $0xF;
	v53 =	vsub.f32 v33, v14;
	v33 =	vsub.f32 v23, v14  }
0x5d8: {  	v56 =	vld [tilespmem:$0x1F390];
	v38 =	vsub.f32 v32, v14;
	v2, _, _ =	vpop (xrf2);
	v7 =	vbroadcast v39, $0xF;
	v12 =	vmul.f32 $1.442695020e+00, v41  }
0x5d9: {  	v42 =	vsub.f32 v36, v14;
	v44, _, _ =	vpop (xrf2);
	v52 =	vmul.f32 $1.442695020e+00, v47;
	v17 =	vmul.f32 $1.442695020e+00, v50  }
0x5da: {  	v58 =	vmul.f32 $1.442695020e+00, v53;
	v59 =	vld [tilespmem:$0x1F3A0];
	v41 =	vmul.f32 $1.442695020e+00, v33;
	v47 =	vsub.f32 v35, v14;
	v45, _, _ =	vpop (xrf2)  }
0x5db: {  	v10 =	vbroadcast v45, $0xF;
	v49, _, _ =	vpop (xrf2);
	v4 =	vsel vm15, v1, v3;
	v1 =	vbroadcast v2, $0xF;
	v2 =	vld [tilespmem:$0x1F350]  }
0x5dc: {  	(xrf2) =	vadd.scan.msk.f32 $0xffff, v9;
	v45 =	vsub.f32 v31, v14;
	v20 =	vmul.f32 $1.442695020e+00, v47;
	v13 =	vbroadcast v49, $0xF;
	v51, _, _ =	vpop (xrf2)  }
0x5dd: {  	v63 =	vld [tilespmem:$0x1F3C0];
	v49 =	vsub.f32 v30, v14;
	v55 =	vbroadcast v51, $0xF;
	v10 =	vsel vm15, v10, v56  }
0x5de: {  	v46 =	vld [tilespmem:$0x1F370];
	v57, _, _ =	vpop (xrf2);
	v51 =	vsub.f32 v27, v14;
	v56 =	vsub.f32 v29, v14;
	(erf) = vpow2.f32 v43  }
0x5df: {  	(xrf2) =	vadd.scan.msk.f32 $0xffff, v8;
	v13 =	vsel vm15, v13, v59;
	v18 =	vbroadcast v57, $0xF;
	(erf) = vpow2.f32 v12  }
0x5e0: {  	(xrf2) =	vadd.scan.msk.f32 $0xffff, v15;
	v53 =	vmul.f32 $1.442695020e+00, v49;
	(erf) = vpow2.f32 v52;
	v3 =	vsel vm15, v40, v2;
	v2 =	vld [tilespmem:$0x1F360]  }
0x5e1: {  	v57 =	vsub.f32 v25, v14;
	v60, _, _ =	vpop (xrf2);
	(xrf2) =	vadd.scan.msk.f32 $0xffff, v16;
	v16 =	vmul.f32 $1.442695020e+00, v56;
	(erf) = vpow2.f32 v17  }
0x5e2: {  	v18 =	vsel vm15, v18, v63;
	v17 =	vbroadcast v60, $0xF;
	(erf) = vpow2.f32 v58  }
0x5e3: {  	v60 =	vsub.f32 v28, v14;
	v14 =	vsub.f32 v24, v14;
	v62 =	vpop (erf);
	v1 =	vsel vm15, v1, v46  }
0x5e4: {  	v54 =	vld [tilespmem:$0x1F380];
	v19 =	vadd.f32 $0.0e+00, v62;
	(erf) = vpow2.f32 v41;
	v46 =	vmul.f32 $1.442695020e+00, v42  }
0x5e5: {  	v61 =	vld [tilespmem:$0x1F3B0];
	v26 =	vpop (erf);
	v2 =	vsel vm15, v7, v2;
	v7 =	vbroadcast v44, $0xF;
	v44 =	vmul.f32 $1.442695020e+00, v38  }
0x5e6: {  	v9 =	vsel vm15, v17, v48;
	v48 =	vmul.f32 $1.442695020e+00, v45;
	v59, _, _ =	vpop (xrf2);
	v17 =	vmul.f32 $1.442695020e+00, v57  }
0x5e7: {  	v58 =	vmax.f32 v5, v11;
	v22 =	vmul.f32 $1.442695020e+00, v60;
	v37 =	vpop (erf);
	(erf) = vpow2.f32 v44  }
0x5e8: {  	v34 =	vadd.f32 $0.0e+00, v26;
	v39 =	vadd.f32 v19, v37;
	v40 =	vpop (erf);
	(erf) = vpow2.f32 v46  }
0x5e9: {  	v19 =	vmax.f32 v58, v6;
	v50 =	vpop (erf);
	v12 =	vsel vm15, v7, v54;
	(erf) = vpow2.f32 v48  }
0x5ea: {  	v52 =	vpop (erf);
	v7 =	vsel vm15, v55, v61;
	v55 =	vmul.f32 $1.442695020e+00, v51;
	(erf) = vpow2.f32 v20  }
0x5eb: {  	v14 =	vmul.f32 $1.442695020e+00, v14;
	v19 =	vmax.f32 v19, v4;
	v54 =	vpop (erf);
	(erf) = vpow2.f32 v53  }
0x5ec: {  	v37 =	vld [tilespmem:$0x1F400];
	v43 =	vadd.f32 v34, v40;
	v19 =	vmax.f32 v19, v3;
	v61, _, _ =	vpop (xrf2);
	(erf) = vpow2.f32 v55  }
0x5ed: {  	v8 =	vadd.f32 v39, v50;
	v19 =	vmax.f32 v19, v2;
	v62, _, _ =	vpop (xrf2);
	(erf) = vpow2.f32 v16  }
0x5ee: {  	v26 =	vld [tilespmem:$0x1F3D0];
	v15 =	vadd.f32 v43, v52;
	v19 =	vmax.f32 v19, v1;
	v24 =	vpop (erf);
	(erf) = vpow2.f32 v17  }
0x5ef: {  	v8 =	vadd.f32 v8, v54;
	v19 =	vmax.f32 v19, v12;
	v63, _, _ =	vpop (xrf2);
	(erf) = vpow2.f32 v22  }
0x5f0: {  	v31 =	vld [tilespmem:$0x1F3E0];
	v15 =	vadd.f32 v15, v24;
	v19 =	vmax.f32 v19, v10;
	(erf) = vpow2.f32 v14;
	v25 =	vpop (erf)  }
0x5f1: {  	v34 =	vld [tilespmem:$0x1F3F0];
	v23 =	vbroadcast v37, $0xF;
	v20 =	vbroadcast v59, $0xF;
	v19 =	vmax.f32 v19, v13;
	v28 =	vpop (erf)  }
0x5f2: {  	v38 =	vld [tilespmem:$0x1F410];
	v19 =	vmax.f32 v19, v7;
	v8 =	vadd.f32 v8, v25;
	v29 =	vadd.f32 v15, v28;
	v30 =	vpop (erf)  }
0x5f3: {  	v27 =	vbroadcast v61, $0xF;
	v20 =	vsel vm15, v20, v26;
	v19 =	vmax.f32 v19, v18;
	v32 =	vpop (erf)  }
0x5f4: {  	v19 =	vmax.f32 v19, v9;
	v8 =	vadd.f32 v8, v30;
	v14 =	vadd.f32 v29, v32;
	v33 =	vpop (erf)  }
0x5f5: {  	v16 =	vbroadcast v62, $0xF;
	v17 =	vbroadcast v63, $0xF;
	v19 =	vmax.f32 v19, v20;
	v35 =	vpop (erf)  }
0x5f6: {  	v22 =	vsel vm15, v27, v31;
	v8 =	vadd.f32 v8, v33;
	v14 =	vadd.f32 v14, v35;
	v36 =	vpop (erf)  }
0x5f7: {  	v16 =	vsel vm15, v16, v34;
	v17 =	vsel vm15, v17, v38;
	v19 =	vmax.f32 v19, v22;
	v39 =	vpop (erf)  }
0x5f8: {  	v19 =	vmax.f32 v19, v16;
	v8 =	vadd.f32 v8, v36;
	v14 =	vadd.f32 v14, v39;
	v40 =	vpop (erf)  }
0x5f9: {  	v21 =	vsel vm1, v23, v21;
	v19 =	vmax.f32 v19, v17;
	v41 =	vpop (erf)  }
0x5fa: {  	v42 =	vmax.f32 v19, v21;
	v8 =	vadd.f32 v8, v40;
	v14 =	vadd.f32 v14, v41  }
0x5fb: {  	v5 =	vsub.f32 v5, v42  }
0x5fc: {  	v13 =	vsub.f32 v13, v42;
	v14 =	vadd.f32 v14, v8  }
0x5fd: {  	v11 =	vsub.f32 v11, v42;
	v5 =	vmul.f32 $1.442695020e+00, v5  }
0x5fe: {  	v7 =	vsub.f32 v7, v42;
	v13 =	vmul.f32 $1.442695020e+00, v13;
	(erf) = vrcp.f32 v14  }
0x5ff: {  	v6 =	vsub.f32 v6, v42;
	v43 =	vmul.f32 $1.442695020e+00, v11;
	(erf) = vpow2.f32 v5  }
0x600: {  	v48 =	vsub.f32 v18, v42;
	v7 =	vmul.f32 $1.442695020e+00, v7;
	(erf) = vpow2.f32 v13  }
0x601: {  	v4 =	vsub.f32 v4, v42;
	v6 =	vmul.f32 $1.442695020e+00, v6;
	(erf) = vpow2.f32 v43  }
0x602: {  	v9 =	vsub.f32 v9, v42;
	v50 =	vmul.f32 $1.442695020e+00, v48;
	(erf) = vpow2.f32 v7  }
0x603: {  	v3 =	vsub.f32 v3, v42;
	v4 =	vmul.f32 $1.442695020e+00, v4;
	(erf) = vpow2.f32 v6  }
0x604: {  	v52 =	vsub.f32 v20, v42;
	v51 =	vmul.f32 $1.442695020e+00, v9;
	(erf) = vpow2.f32 v50  }
0x605: {  	v2 =	vsub.f32 v2, v42;
	v3 =	vmul.f32 $1.442695020e+00, v3;
	(erf) = vpow2.f32 v4  }
0x606: {  	v54 =	vsub.f32 v22, v42;
	v53 =	vmul.f32 $1.442695020e+00, v52;
	(erf) = vpow2.f32 v51  }
0x607: {  	v1 =	vsub.f32 v1, v42;
	v2 =	vmul.f32 $1.442695020e+00, v2;
	(erf) = vpow2.f32 v3  }
0x608: {  	v55 =	vsub.f32 v16, v42;
	v44 =	vpop (erf);
	v3 =	vmul.f32 $1.442695020e+00, v54;
	(erf) = vpow2.f32 v53  }
0x609: {  	v1 =	vmul.f32 $1.442695020e+00, v1;
	v45 =	vpop (erf);
	(erf) = vpow2.f32 v2;
	v2 =	vsub.f32 v12, v42  }
0x60a: {  	v56 =	vsub.f32 v17, v42;
	v46 =	vpop (erf);
	(erf) = vpow2.f32 v3;
	v3 =	vmul.f32 $1.442695020e+00, v55  }
0x60b: {  	v47 =	vpop (erf);
	(erf) = vpow2.f32 v1;
	v1 =	vmul.f32 $1.442695020e+00, v2;
	v2 =	vsub.f32 v10, v42  }
0x60c: {  	v7 =	vadd.f32 $0.0e+00, v45;
	v11 =	vadd.f32 $0.0e+00, v46  }
0x60d: {  	v49 =	vpop (erf);
	(erf) = vpow2.f32 v3;
	v3 =	vsub.f32 v21, v42;
	v2 =	vmul.f32 $1.442695020e+00, v2  }
0x60e: {  	v4 =	vmul.f32 $1.442695020e+00, v56;
	v7 =	vadd.f32 v7, v47;
	v11 =	vadd.f32 v11, v49;
	v57 =	vpop (erf)  }
0x60f: {  	(erf) = vpow2.f32 v1;
	v3 =	vmul.f32 $1.442695020e+00, v3;
	v1 =	vpop (erf)  }
0x610: {  	v6 =	vadd.f32 v7, v57;
	(erf) = vpow2.f32 v4;
	v1 =	vadd.f32 v11, v1;
	v58 =	vpop (erf)  }
0x611: {  	(erf) = vpow2.f32 v2;
	v2 =	vpop (erf)  }
0x612: {  	v4 =	vadd.f32 v6, v58;
	(erf) = vpow2.f32 v3;
	v1 =	vadd.f32 v1, v2;
	v2 =	vpop (erf)  }
0x613: {  	v3 =	vpop (erf)  }
0x614: {  	v2 =	vadd.f32 v4, v2;
	v59 =	vpop (erf);
	v1 =	vadd.f32 v1, v3  }
0x615: {  	v3 =	vpop (erf)  }
0x616: {  	v2 =	vadd.f32 v2, v59;
	v60 =	vpop (erf);
	v1 =	vadd.f32 v1, v3  }
0x617: {  	v3 =	vpop (erf)  }
0x618: {  	v2 =	vadd.f32 v2, v60;
	v61 =	vpop (erf);
	v1 =	vadd.f32 v1, v3  }
0x619: {  	v3 =	vpop (erf)  }
0x61a: {  	v2 =	vadd.f32 v2, v61;
	v62 =	vpop (erf);
	v1 =	vadd.f32 v1, v3  }
0x61b: {  	v3 =	vpop (erf)  }
0x61c: {  	v2 =	vadd.f32 v2, v62;
	v1 =	vadd.f32 v1, v3;
	_ =	sdelay $0x1  }
0x61d: {  	v1 =	vadd.f32 v1, v2;
	_ =	sdelay $0x1  }
0x61e: {  	(erf) = vrcp.f32 v1;
	_ =	sdelay $0x4  }
0x61f: {  	v63 =	vld [tilespmem:$0x1FF40];
	_ =	sdelay $0x1  }
0x620: {  	s15 =	sadd.s32 $0x1, s15  }
0x621: {  	p1 =	sne.s32 s15, $0x40;
	v1 =	vmul.f32 v44, v8  }
.Ltmp2:
0x622: {  	v3 =	vpop (erf);
	(pc) =	sbr.rel @p1 .LBB2_2-.Ltmp2, $2  }
0x623: {  	v1 =	vadd.f32 v1, v63;
	v2 =	vmul.f32 v3, v2;
	_ =	sdelay $0x1  }
0x624: {  	v1 =	vadd.f32 v2, v1;
	_ =	sdelay $0x1  }
0x625: {  	_ =	swait.ge [sflag:s16], $0x2800  }
0x626: {  	[sflag:s16] =	ssyncset.done $0x0  }
0x627: {  	[sflag:s16] =	ssyncadd.s32 $0xFFFFD800  }
0x628: {  	_ =	swait.ge [sflag:s16], $0x2800  }
0x629: {  	[sflag:s16] =	ssyncset.done $0x0  }
0x62a: {  	[sflag:s16] =	ssyncadd.s32 $0xFFFFD800  }
0x62b: {  	_ =	swait.ge [sflag:s16], $0x2800  }
0x62c: {  	[sflag:s16] =	ssyncset.done $0x0  }
0x62d: {  	[sflag:s16] =	ssyncadd.s32 $0xFFFFD800  }
0x62e: {  	_ =	swait.ge [sflag:s16], $0x2800  }
0x62f: {  	[sflag:s16] =	ssyncset.done $0x0  }
0x630: {  	[sflag:s16] =	ssyncadd.s32 $0xFFFFD800  }
0x631: {  	_ =	swait.ge [sflag:s14], $0x50  }
0x632: {  	[sflag:s14] =	ssyncset.done $0x0  }
0x633: {  	[sflag:s14] =	ssyncadd.s32 $0xFFFFFFB0  }
0x634: {  	_ =	swait.ge [sflag:s14], $0x50  }
0x635: {  	[sflag:s14] =	ssyncset.done $0x0  }
0x636: {  	[sflag:s14] =	ssyncadd.s32 $0xFFFFFFB0  }
0x637: {  	_ =	swait.ge [sflag:s14], $0x50  }
0x638: {  	[sflag:s14] =	ssyncset.done $0x0  }
0x639: {  	[sflag:s14] =	ssyncadd.s32 $0xFFFFFFB0  }
0x63a: {  	_ =	swait.ge [sflag:s14], $0x50  }
0x63b: {  	[sflag:s14] =	ssyncset.done $0x0  }
0x63c: {  	[sflag:s14] =	ssyncadd.s32 $0xFFFFFFB0  }
0x63d: {  	_ =	swait.ge [sflag:s18], $0xA0  }
0x63e: {  	[sflag:s18] =	ssyncset.done $0x0  }
0x63f: {  	[sflag:s18] =	ssyncadd.s32 $0xFFFFFF60  }
0x640: {  	_ =	swait.ge [sflag:s18], $0xA0  }
0x641: {  	[sflag:s18] =	ssyncset.done $0x0  }
0x642: {  	[sflag:s18] =	ssyncadd.s32 $0xFFFFFF60  }
0x643: {  	s23 =	simm.s32 $0x0;
	s15 =	simm.s32 $0x14600;
	s0 =	rddreg [dreg:$0xb];
	[tilespmem:$0x14600] =	vst v1  }
0x644: {  	[hbm4b:s0+s23] =	stream.linear.scatter [tilespmem:s15], [sflag:$0x7], $0x80, $0x38;
	[tilespmem:$0x15EF0] =	vst v63  }
0x645: {  	s15 =	simm.s32 $0x7  }
0x646: {  	_ =	swait.ge [sflag:s15], $0x80  }
0x647: {  	s30 =	rddreg [dreg:$0xe]  }
0x648: {  	s31 =	rddreg [dreg:$0xc];
	s30 =	sadd.s32 $0x1, s30  }
0x649: {  	p1 =	sne.s32 s30, s31  }
.Ltmp3:
0x64a: {  	_ = 	snop;
	(pc) =	sbr.rel @p1 .LBB2_1-.Ltmp3, $3  }
0x64b: {  	_ =	sdelay $0x1  }
0x64c: {  	[sflag:s15] =	ssyncset.done $0x0  }
0x64d: {  	[sflag:s15] =	ssyncadd.s32 $0xFFFFFF80  }
0x64e: {  	_ =	sfence.sel $0x180000  }
0x64f: {  	[bflag:$0x0] =	sbarrier.arrive $0xFFFF  }
0x650: {  	_ =	strace $0x90000047  }
0x651: {  	[bflag:$0x2] =	sbarrier.arrive $0xFFFF  }
0x652: {  	s0 =	rddreg [dreg:$0x4]  }
0x653: {  	s0 =	sadd.s32 @!p0 $0x100000, s0  }
0x654: {  	[sflag:s0] =	ssyncadd.tile.s32 @!p0 $0x1;
	_ =	shalt  }
.Lfunc_end2:
_tile_overlayer_lowered:
.L_overlay_start_2:
0x655: {  	(tag) =	ssettag $0x2  }
0x656: {  	s0 =	rddreg [dreg:$0x0];
	s2 =	stileid.u32  }
0x657: {  	s1 =	rddreg [dreg:$0x1];
	p0 =	sne.s32 s2, $0x0  }
0x658: {  	s3 =	rddreg [dreg:$0x2];
	[bflag:$0x3] =	sbarrier.arrive $0xFFFF;
	s2 =	simm.s32 @!p0 $0x1C07  }
0x659: {  	[timem:s3], [sflag:s2] =	dma.local @!p0 [hbm:s0], s1  }
0x65a: {  	s0 =	simm.s32 @!p0 $0x7  }
0x65b: {  	_ =	swait.ge @!p0 [sflag:s0], s1  }
0x65c: {  	s1 =	ssub.s32 @!p0 $0x0, s1;
	[sflag:s0] =	ssyncset.done @!p0 $0x0  }
0x65d: {  	[sflag:s0] =	ssyncadd.s32 @!p0 s1  }
0x65e: {  	[bflag:$0x3] =	sbarrier.arrive $0xFFFF  }
0x65f: {  	_ =	shalt  }

</sc_bundles>
